<compile_context>
chip_gen: v7x
topology: tpu7x:2x2x1
jax: 0.10.2.dev20260603
libtpu: 0.0.44.dev20260713+nightly
codegen_flags: <defaults>
</compile_context>

<pallas_src>
import jax
import jax.numpy as jnp
from jax import lax
from jax.experimental import pallas as pl
from jax.experimental.pallas import tpu as pltpu
from jax.experimental.pallas import tpu_sc as plsc

B, S, M, H, V = 1024, 50, 20, 64, 100000
N = B * S
NC, NS = 2, 16
NW = NC * NS
TOK_W = N // NW
T = 40
CHUNKS = TOK_W // T
RPC = T * M
SPLITS = ((0, RPC),)
NGRP = RPC // 16


def _sc_kernel(x_hbm, idx_hbm, w_hbm, b_hbm, out_hbm,
               bg0, bg1, idx0, idx1, rows0, rows1, x0, x1, out0, out1, acc_t,
               sg0, sg1, si0, si1, sx0, sx1, so0, so1):
    c_id = lax.axis_index("c")
    s_id = lax.axis_index("s")
    wid = s_id * NC + c_id
    tok_base = wid * TOK_W
    lane = lax.iota(jnp.int32, 16)

    bias_g = (bg0, bg1)
    idx_v = (idx0, idx1)
    rows_v = (rows0, rows1)
    x_v = (x0, x1)
    out_v = (out0, out1)
    sg = (sg0, sg1)
    si = (si0, si1)
    sx = (sx0, sx1)
    so = (so0, so1)

    def idx_copy(bi, tok):
        return pltpu.make_async_copy(
            idx_hbm.at[pl.ds(tok * M, RPC)], idx_v[bi], si[bi])

    def x_copy(bi, tok):
        return pltpu.make_async_copy(
            x_hbm.at[pl.ds(tok * H, T * H)], x_v[bi], sx[bi])

    def out_copy(bi, tok):
        return pltpu.make_async_copy(
            out_v[bi], out_hbm.at[pl.ds(tok * M, RPC)], so[bi])

    def g_copies(bi):
        return [
            pltpu.make_async_copy(
                w_hbm.at[idx_v[bi].at[pl.ds(o, l)]],
                rows_v[bi].at[pl.ds(o, l)], sg[bi])
            for (o, l) in SPLITS
        ] + [
            pltpu.make_async_copy(
                b_hbm.at[idx_v[bi]], bias_g[bi], sg[bi])
        ]

    pltpu.sync_copy(idx_hbm.at[pl.ds(tok_base * M, RPC)], idx_v[0])
    for cp in g_copies(0):
        cp.start()
    idx_copy(1, tok_base + T).start()
    x_copy(0, tok_base).start()
    x_copy(1, tok_base + T).start()

    lane16 = lane * 16

    def compute_chunk(bi):
        rows = rows_v[bi]
        xv = x_v[bi]

        @plsc.parallel_loop(0, T, 1, unroll=8)
        def tok_body(t):
            xa = xv[pl.ds(t * H, 32)]
            xb = xv[pl.ds(t * H + 32, 32)]
            for m in range(M):
                r = t * M + m
                p = (xa * rows[r, pl.ds(0, 32)]
                     + xb * rows[r, pl.ds(32, 32)])
                lo, hi = plsc.unpack(p, format=plsc.PackFormat.INTERLEAVED)
                acc_t[pl.ds(r * 16, 16)] = lo + hi

        @plsc.parallel_loop(0, NGRP, 1, unroll=2)
        def grp_body(g):
            vbase = lane16 + g * 256
            vals = [plsc.load_gather(acc_t, [vbase + l]) for l in range(16)]
            while len(vals) > 1:
                vals = [vals[i] + vals[i + 1] for i in range(0, len(vals), 2)]
            r0 = g * 16
            biasvals = bias_g[bi][pl.ds(r0, 16)]
            out_v[bi][pl.ds(r0, 16)] = jnp.maximum(vals[0] + biasvals, 0.0)

    def pair_body(pp, carry):
        for b in (0, 1):
            nb = 1 - b
            c = 2 * pp + b
            tok_c = tok_base + c * T

            def fire_next():
                idx_copy(nb, tok_c + T).wait()
                for cp in g_copies(nb):
                    cp.start()
            if b == 0:
                fire_next()
            else:
                pl.when(pp < CHUNKS // 2 - 1)(fire_next)

            for cp in g_copies(b):
                cp.wait()

            pl.when(pp < CHUNKS // 2 - 1)(
                lambda: idx_copy(b, tok_c + 2 * T).start())

            pl.when(pp > 0)(lambda: out_copy(b, tok_c - 2 * T).wait())

            x_copy(b, tok_c).wait()

            compute_chunk(b)
            out_copy(b, tok_c).start()

            pl.when(pp < CHUNKS // 2 - 1)(
                lambda: x_copy(b, tok_c + 2 * T).start())
        return carry

    lax.fori_loop(0, CHUNKS // 2, pair_body, 0)

    out_copy(0, tok_base + (CHUNKS - 2) * T).wait()
    out_copy(1, tok_base + (CHUNKS - 1) * T).wait()


@jax.jit
def _run(x2d, idx1d, weight, bias):
    f = pl.kernel(
        _sc_kernel,
        out_type=jax.ShapeDtypeStruct((N * M,), jnp.float32),
        mesh=plsc.VectorSubcoreMesh(core_axis_name="c", subcore_axis_name="s"),
        compiler_params=pltpu.CompilerParams(
            needs_layout_passes=False, use_tc_tiling_on_sc=False),
        scratch_types=[
            pltpu.VMEM((RPC,), jnp.float32),
            pltpu.VMEM((RPC,), jnp.float32),
            pltpu.VMEM((RPC,), jnp.int32),
            pltpu.VMEM((RPC,), jnp.int32),
            pltpu.VMEM((RPC, H), jnp.bfloat16),
            pltpu.VMEM((RPC, H), jnp.bfloat16),
            pltpu.VMEM((T * H,), jnp.bfloat16),
            pltpu.VMEM((T * H,), jnp.bfloat16),
            pltpu.VMEM((RPC,), jnp.float32),
            pltpu.VMEM((RPC,), jnp.float32),
            pltpu.VMEM((16 * RPC,), jnp.float32),
        ] + [pltpu.SemaphoreType.DMA] * 8,
    )
    return f(x2d, idx1d, weight, bias)


def kernel(input_value, mask_tensor, weight, bias):
    x2d = input_value.reshape(N * H).astype(jnp.bfloat16)
    idx1d = jnp.asarray(mask_tensor, jnp.int32).reshape(N * M)
    w_bf = weight.astype(jnp.bfloat16)
    out = _run(x2d, idx1d, w_bf, bias)
    return out.reshape(B, S, M)

# --- scband reference (transcript-rebuilt; emitter-appended) ---
"""Pipeline reference for scband-dynamic-feed-forward-23459111371128 (READ-ONLY COPY).

The authoritative reference and input builder live on the scoring server;
editing this copy changes nothing except your own understanding.
"""

import jax, jax.numpy as jnp
import numpy as np

B, S, M = 1024, 50, 20
H = 64
V = 100000

def setup_inputs(seed: int = 0) -> dict:
    key = jax.random.key(seed)
    k1, k2, k3, k4 = jax.random.split(key, 4)
    input_value = jax.random.normal(k1, (B, S, H), dtype=jnp.float32)
    mask_tensor = jax.random.randint(k2, (B, S, M), 0, V, dtype=jnp.int64)
    weight = jax.random.normal(k3, (V, H), dtype=jnp.float32) * 0.02  # nn.Embedding table
    bias = jax.random.uniform(k4, (V,), dtype=jnp.float32)            # torch.rand(output_size)
    return {"input_value": input_value, "mask_tensor": mask_tensor, "weight": weight, "bias": bias}

def reference(input_value, mask_tensor, weight, bias):
    # part_weight = self.weight(mask_tensor): gather rows -> [B, S, M, H]
    part_weight = jnp.take(weight, mask_tensor, axis=0)
    # part_bias = index_select(bias, mask) -> [B, S, M]
    part_bias = jnp.take(bias, mask_tensor, axis=0)
    # bmm of [B*S, 1, H] x [B*S, H, M] -> [B, S, M]
    out = jnp.einsum('bsh,bsmh->bsm', input_value, part_weight) + part_bias
    return jax.nn.relu(out)

if __name__ == "__main__":
    import jax
    _d = setup_inputs()
    print(jax.jit(kernel)(*tuple(_d.values())))

</pallas_src>

<mosaic_0001>
#map = affine_map<(d0, d1) -> (0)>
#map1 = affine_map<(d0, d1) -> (0, 0)>
module attributes {stable_mosaic.version = 14 : i64} {
  func.func @_sc_kernel(%arg0: i32, %arg1: i32, %arg2: memref<3276800xbf16, #tpu.memory_space<hbm>>, %arg3: memref<1024000xi32, #tpu.memory_space<hbm>>, %arg4: memref<100000x64xbf16, #tpu.memory_space<hbm>>, %arg5: memref<100000xf32, #tpu.memory_space<hbm>>, %arg6: memref<1024000xf32, #tpu.memory_space<hbm>>, %arg7: memref<800xf32, #tpu.memory_space<vmem>>, %arg8: memref<800xf32, #tpu.memory_space<vmem>>, %arg9: memref<800xi32, #tpu.memory_space<vmem>>, %arg10: memref<800xi32, #tpu.memory_space<vmem>>, %arg11: memref<800x64xbf16, #tpu.memory_space<vmem>>, %arg12: memref<800x64xbf16, #tpu.memory_space<vmem>>, %arg13: memref<2560xbf16, #tpu.memory_space<vmem>>, %arg14: memref<2560xbf16, #tpu.memory_space<vmem>>, %arg15: memref<800xf32, #tpu.memory_space<vmem>>, %arg16: memref<800xf32, #tpu.memory_space<vmem>>, %arg17: memref<12800xf32, #tpu.memory_space<vmem>>, %arg18: memref<!tpu.dma_semaphore, #tpu.memory_space<semaphore_mem>>, %arg19: memref<!tpu.dma_semaphore, #tpu.memory_space<semaphore_mem>>, %arg20: memref<!tpu.dma_semaphore, #tpu.memory_space<semaphore_mem>>, %arg21: memref<!tpu.dma_semaphore, #tpu.memory_space<semaphore_mem>>, %arg22: memref<!tpu.dma_semaphore, #tpu.memory_space<semaphore_mem>>, %arg23: memref<!tpu.dma_semaphore, #tpu.memory_space<semaphore_mem>>, %arg24: memref<!tpu.dma_semaphore, #tpu.memory_space<semaphore_mem>>, %arg25: memref<!tpu.dma_semaphore, #tpu.memory_space<semaphore_mem>>) attributes {dimension_semantics = [#tpu.dimension_semantics<core_parallel>, #tpu.dimension_semantics<subcore_parallel>], iteration_bounds = array<i64: 2, 16>, scalar_prefetch = 0 : i64, scratch_operands = 19 : i64, tpu.core_type = #tpu.core_type<sc_vector_subcore>, window_params = [{transform_indices = #map}, {transform_indices = #map}, {transform_indices = #map1}, {transform_indices = #map}, {transform_indices = #map}]} {
    %mul3A = arith.constant 2 : i32
    %mul3A_0 = arith.muli %arg1, %mul3A : i32
    %add3A = arith.addi %mul3A_0, %arg0 : i32
    %mul3A_1 = arith.constant 1600 : i32
    %mul3A_2 = arith.muli %add3A, %mul3A_1 : i32
    %iota3A = tpu.iota {dimensions = array<i32: 0>} : vector<16xi32>
    %mul3A_3 = arith.constant 20 : i32
    %mul3A_4 = arith.muli %mul3A_2, %mul3A_3 : i32
    "tpu.region"() ({
      %run_scoped3A = tpu.sem_alloc : memref<!tpu.dma_semaphore, #tpu.memory_space<semaphore_mem>>
      %dma_start3A_49 = tpu.memref_slice %arg3[%mul3A_4] : memref<1024000xi32, #tpu.memory_space<hbm>> -> memref<800xi32, #tpu.memory_space<hbm>>
      %dma_start3A_50 = tpu.memref_slice %arg3[%mul3A_4] : memref<1024000xi32, #tpu.memory_space<hbm>> -> memref<800xi32, #tpu.memory_space<hbm>>
      tpu.enqueue_dma source(%dma_start3A_50 : memref<800xi32, #tpu.memory_space<hbm>>) target(%arg9 : memref<800xi32, #tpu.memory_space<vmem>>) target_semaphore(%run_scoped3A : memref<!tpu.dma_semaphore, #tpu.memory_space<semaphore_mem>>)
      %dma_wait3A_51 = tpu.memref_slice %arg3[%mul3A_4] : memref<1024000xi32, #tpu.memory_space<hbm>> -> memref<800xi32, #tpu.memory_space<hbm>>
      %dma_wait3A_52 = tpu.memref_slice %arg3[%mul3A_4] : memref<1024000xi32, #tpu.memory_space<hbm>> -> memref<800xi32, #tpu.memory_space<hbm>>
      tpu.wait_dma2 semaphore(%run_scoped3A : memref<!tpu.dma_semaphore, #tpu.memory_space<semaphore_mem>>) src(%dma_wait3A_52 : memref<800xi32, #tpu.memory_space<hbm>>) dst(%arg9 : memref<800xi32, #tpu.memory_space<vmem>>)
      tpu.yield
    }) : () -> ()
    %dma_start3A = arith.constant 0 : i32
    %dma_start3A_5 = arith.constant 0 : i32
    %dma_start3A_6 = tpu.memref_slice %arg11[%dma_start3A, %dma_start3A_5] : memref<800x64xbf16, #tpu.memory_space<vmem>> -> memref<800x64xbf16, #tpu.memory_space<vmem>>
    %dma_start3A_7 = arith.constant 0 : i32
    %dma_start3A_8 = tpu.memref_slice %arg9[%dma_start3A_7] : memref<800xi32, #tpu.memory_space<vmem>> -> memref<800xi32, #tpu.memory_space<vmem>>
    %dma_start3A_9 = arith.constant 0 : i32
    %dma_start3A_10 = arith.constant 0 : i32
    %dma_start3A_11 = tpu.memref_slice %arg4[%dma_start3A_9, %dma_start3A_10] : memref<100000x64xbf16, #tpu.memory_space<hbm>> -> memref<100000x64xbf16, #tpu.memory_space<hbm>>
    tpu.enqueue_indirect_dma source(%dma_start3A_11 : memref<100000x64xbf16, #tpu.memory_space<hbm>>) target(%dma_start3A_6 : memref<800x64xbf16, #tpu.memory_space<vmem>>) offsets(%dma_start3A_8 : memref<800xi32, #tpu.memory_space<vmem>>) semaphore(%arg18 : memref<!tpu.dma_semaphore, #tpu.memory_space<semaphore_mem>>)
    %dma_start3A_12 = arith.constant 0 : i32
    %dma_start3A_13 = tpu.memref_slice %arg5[%dma_start3A_12] : memref<100000xf32, #tpu.memory_space<hbm>> -> memref<100000xf32, #tpu.memory_space<hbm>>
    tpu.enqueue_indirect_dma source(%dma_start3A_13 : memref<100000xf32, #tpu.memory_space<hbm>>) target(%arg7 : memref<800xf32, #tpu.memory_space<vmem>>) offsets(%arg9 : memref<800xi32, #tpu.memory_space<vmem>>) semaphore(%arg18 : memref<!tpu.dma_semaphore, #tpu.memory_space<semaphore_mem>>)
    %add3A_14 = arith.constant 40 : i32
    %add3A_15 = arith.addi %mul3A_2, %add3A_14 : i32
    %mul3A_16 = arith.constant 20 : i32
    %mul3A_17 = arith.muli %add3A_15, %mul3A_16 : i32
    %dma_start3A_18 = tpu.memref_slice %arg3[%mul3A_17] : memref<1024000xi32, #tpu.memory_space<hbm>> -> memref<800xi32, #tpu.memory_space<hbm>>
    %dma_start3A_19 = tpu.memref_slice %arg3[%mul3A_17] : memref<1024000xi32, #tpu.memory_space<hbm>> -> memref<800xi32, #tpu.memory_space<hbm>>
    tpu.enqueue_dma source(%dma_start3A_19 : memref<800xi32, #tpu.memory_space<hbm>>) target(%arg10 : memref<800xi32, #tpu.memory_space<vmem>>) target_semaphore(%arg21 : memref<!tpu.dma_semaphore, #tpu.memory_space<semaphore_mem>>)
    %mul3A_20 = arith.constant 64 : i32
    %mul3A_21 = arith.muli %mul3A_2, %mul3A_20 : i32
    %dma_start3A_22 = tpu.memref_slice %arg2[%mul3A_21] : memref<3276800xbf16, #tpu.memory_space<hbm>> -> memref<2560xbf16, #tpu.memory_space<hbm>>
    %dma_start3A_23 = tpu.memref_slice %arg2[%mul3A_21] : memref<3276800xbf16, #tpu.memory_space<hbm>> -> memref<2560xbf16, #tpu.memory_space<hbm>>
    tpu.enqueue_dma source(%dma_start3A_23 : memref<2560xbf16, #tpu.memory_space<hbm>>) target(%arg13 : memref<2560xbf16, #tpu.memory_space<vmem>>) target_semaphore(%arg22 : memref<!tpu.dma_semaphore, #tpu.memory_space<semaphore_mem>>)
    %add3A_24 = arith.constant 40 : i32
    %add3A_25 = arith.addi %mul3A_2, %add3A_24 : i32
    %mul3A_26 = arith.constant 64 : i32
    %mul3A_27 = arith.muli %add3A_25, %mul3A_26 : i32
    %dma_start3A_28 = tpu.memref_slice %arg2[%mul3A_27] : memref<3276800xbf16, #tpu.memory_space<hbm>> -> memref<2560xbf16, #tpu.memory_space<hbm>>
    %dma_start3A_29 = tpu.memref_slice %arg2[%mul3A_27] : memref<3276800xbf16, #tpu.memory_space<hbm>> -> memref<2560xbf16, #tpu.memory_space<hbm>>
    tpu.enqueue_dma source(%dma_start3A_29 : memref<2560xbf16, #tpu.memory_space<hbm>>) target(%arg14 : memref<2560xbf16, #tpu.memory_space<vmem>>) target_semaphore(%arg23 : memref<!tpu.dma_semaphore, #tpu.memory_space<semaphore_mem>>)
    %mul3A_30 = arith.constant 16 : i32
    %mul3A_31 = vector.broadcast %mul3A_30 : i32 to vector<16xi32>
    %mul3A_32 = arith.muli %iota3A, %mul3A_31 : vector<16xi32>
    %scan3A = arith.constant 0 : i32
    %scan3A_33 = arith.constant 0 : i32
    %scan3A_34 = arith.constant 20 : i32
    %scan3A_35 = arith.addi %scan3A_33, %scan3A_34 : i32
    %scan3A_36 = arith.constant 1 : i32
    scf.for %scan3A_49 = %scan3A_33 to %scan3A_35 step %scan3A_36  : i32 {
      %mul3A_50 = arith.constant 2 : i32
      %mul3A_51 = arith.muli %mul3A_50, %scan3A_49 : i32
      %add3A_52 = arith.constant 0 : i32
      %add3A_53 = arith.addi %mul3A_51, %add3A_52 : i32
      %mul3A_54 = arith.constant 40 : i32
      %mul3A_55 = arith.muli %add3A_53, %mul3A_54 : i32
      %add3A_56 = arith.addi %mul3A_2, %mul3A_55 : i32
      %add3A_57 = arith.constant 40 : i32
      %add3A_58 = arith.addi %add3A_56, %add3A_57 : i32
      %mul3A_59 = arith.constant 20 : i32
      %mul3A_60 = arith.muli %add3A_58, %mul3A_59 : i32
      %dma_wait3A_61 = tpu.memref_slice %arg3[%mul3A_60] : memref<1024000xi32, #tpu.memory_space<hbm>> -> memref<800xi32, #tpu.memory_space<hbm>>
      %dma_wait3A_62 = tpu.memref_slice %arg3[%mul3A_60] : memref<1024000xi32, #tpu.memory_space<hbm>> -> memref<800xi32, #tpu.memory_space<hbm>>
      tpu.wait_dma2 semaphore(%arg21 : memref<!tpu.dma_semaphore, #tpu.memory_space<semaphore_mem>>) src(%dma_wait3A_62 : memref<800xi32, #tpu.memory_space<hbm>>) dst(%arg10 : memref<800xi32, #tpu.memory_space<vmem>>)
      %dma_start3A_63 = arith.constant 0 : i32
      %dma_start3A_64 = arith.constant 0 : i32
      %dma_start3A_65 = tpu.memref_slice %arg12[%dma_start3A_63, %dma_start3A_64] : memref<800x64xbf16, #tpu.memory_space<vmem>> -> memref<800x64xbf16, #tpu.memory_space<vmem>>
      %dma_start3A_66 = arith.constant 0 : i32
      %dma_start3A_67 = tpu.memref_slice %arg10[%dma_start3A_66] : memref<800xi32, #tpu.memory_space<vmem>> -> memref<800xi32, #tpu.memory_space<vmem>>
      %dma_start3A_68 = arith.constant 0 : i32
      %dma_start3A_69 = arith.constant 0 : i32
      %dma_start3A_70 = tpu.memref_slice %arg4[%dma_start3A_68, %dma_start3A_69] : memref<100000x64xbf16, #tpu.memory_space<hbm>> -> memref<100000x64xbf16, #tpu.memory_space<hbm>>
      tpu.enqueue_indirect_dma source(%dma_start3A_70 : memref<100000x64xbf16, #tpu.memory_space<hbm>>) target(%dma_start3A_65 : memref<800x64xbf16, #tpu.memory_space<vmem>>) offsets(%dma_start3A_67 : memref<800xi32, #tpu.memory_space<vmem>>) semaphore(%arg19 : memref<!tpu.dma_semaphore, #tpu.memory_space<semaphore_mem>>)
      %dma_start3A_71 = arith.constant 0 : i32
      %dma_start3A_72 = tpu.memref_slice %arg5[%dma_start3A_71] : memref<100000xf32, #tpu.memory_space<hbm>> -> memref<100000xf32, #tpu.memory_space<hbm>>
      tpu.enqueue_indirect_dma source(%dma_start3A_72 : memref<100000xf32, #tpu.memory_space<hbm>>) target(%arg8 : memref<800xf32, #tpu.memory_space<vmem>>) offsets(%arg10 : memref<800xi32, #tpu.memory_space<vmem>>) semaphore(%arg19 : memref<!tpu.dma_semaphore, #tpu.memory_space<semaphore_mem>>)
      %dma_wait3A_73 = arith.constant 0 : i32
      %dma_wait3A_74 = arith.constant 0 : i32
      %dma_wait3A_75 = tpu.memref_slice %arg11[%dma_wait3A_73, %dma_wait3A_74] : memref<800x64xbf16, #tpu.memory_space<vmem>> -> memref<800x64xbf16, #tpu.memory_space<vmem>>
      %dma_wait3A_76 = arith.constant 0 : i32
      %dma_wait3A_77 = tpu.memref_slice %arg9[%dma_wait3A_76] : memref<800xi32, #tpu.memory_space<vmem>> -> memref<800xi32, #tpu.memory_space<vmem>>
      %dma_wait3A_78 = arith.constant 0 : i32
      %dma_wait3A_79 = arith.constant 0 : i32
      %dma_wait3A_80 = tpu.memref_slice %arg4[%dma_wait3A_78, %dma_wait3A_79] : memref<100000x64xbf16, #tpu.memory_space<hbm>> -> memref<100000x64xbf16, #tpu.memory_space<hbm>>
      tpu.wait_indirect_dma semaphore(%arg18 : memref<!tpu.dma_semaphore, #tpu.memory_space<semaphore_mem>>) src(%dma_wait3A_80 : memref<100000x64xbf16, #tpu.memory_space<hbm>>) dst(%dma_wait3A_75 : memref<800x64xbf16, #tpu.memory_space<vmem>>)
      %dma_wait3A_81 = arith.constant 0 : i32
      %dma_wait3A_82 = tpu.memref_slice %arg5[%dma_wait3A_81] : memref<100000xf32, #tpu.memory_space<hbm>> -> memref<100000xf32, #tpu.memory_space<hbm>>
      tpu.wait_indirect_dma semaphore(%arg18 : memref<!tpu.dma_semaphore, #tpu.memory_space<semaphore_mem>>) src(%dma_wait3A_82 : memref<100000xf32, #tpu.memory_space<hbm>>) dst(%arg7 : memref<800xf32, #tpu.memory_space<vmem>>)
      %lt3A = arith.constant 19 : i32
      %lt3A_83 = arith.cmpi slt, %scan3A_49, %lt3A : i32
      %convert_element_type3A = arith.extui %lt3A_83 : i1 to i32
      %cond3A = arith.constant 0 : i32
      %cond3A_84 = arith.cmpi ne, %convert_element_type3A, %cond3A : i32
      scf.if %cond3A_84 {
        %add3A_158 = arith.constant 80 : i32
        %add3A_159 = arith.addi %add3A_56, %add3A_158 : i32
        %mul3A_160 = arith.constant 20 : i32
        %mul3A_161 = arith.muli %add3A_159, %mul3A_160 : i32
        %dma_start3A_162 = tpu.memref_slice %arg3[%mul3A_161] : memref<1024000xi32, #tpu.memory_space<hbm>> -> memref<800xi32, #tpu.memory_space<hbm>>
        %dma_start3A_163 = tpu.memref_slice %arg3[%mul3A_161] : memref<1024000xi32, #tpu.memory_space<hbm>> -> memref<800xi32, #tpu.memory_space<hbm>>
        tpu.enqueue_dma source(%dma_start3A_163 : memref<800xi32, #tpu.memory_space<hbm>>) target(%arg9 : memref<800xi32, #tpu.memory_space<vmem>>) target_semaphore(%arg20 : memref<!tpu.dma_semaphore, #tpu.memory_space<semaphore_mem>>)
      } else {
      }
      %gt3A = arith.constant 0 : i32
      %gt3A_85 = arith.cmpi sgt, %scan3A_49, %gt3A : i32
      %convert_element_type3A_86 = arith.extui %gt3A_85 : i1 to i32
      %cond3A_87 = arith.constant 0 : i32
      %cond3A_88 = arith.cmpi ne, %convert_element_type3A_86, %cond3A_87 : i32
      scf.if %cond3A_88 {
        %sub3A = arith.constant 80 : i32
        %sub3A_158 = arith.subi %add3A_56, %sub3A : i32
        %mul3A_159 = arith.constant 20 : i32
        %mul3A_160 = arith.muli %sub3A_158, %mul3A_159 : i32
        %dma_wait3A_161 = tpu.memref_slice %arg6[%mul3A_160] : memref<1024000xf32, #tpu.memory_space<hbm>> -> memref<800xf32, #tpu.memory_space<hbm>>
        %dma_wait3A_162 = tpu.memref_slice %arg6[%mul3A_160] : memref<1024000xf32, #tpu.memory_space<hbm>> -> memref<800xf32, #tpu.memory_space<hbm>>
        tpu.wait_dma2 semaphore(%arg24 : memref<!tpu.dma_semaphore, #tpu.memory_space<semaphore_mem>>) src(%arg15 : memref<800xf32, #tpu.memory_space<vmem>>) dst(%dma_wait3A_162 : memref<800xf32, #tpu.memory_space<hbm>>)
      } else {
      }
      %mul3A_89 = arith.constant 64 : i32
      %mul3A_90 = arith.muli %add3A_56, %mul3A_89 : i32
      %dma_wait3A_91 = tpu.memref_slice %arg2[%mul3A_90] : memref<3276800xbf16, #tpu.memory_space<hbm>> -> memref<2560xbf16, #tpu.memory_space<hbm>>
      %dma_wait3A_92 = tpu.memref_slice %arg2[%mul3A_90] : memref<3276800xbf16, #tpu.memory_space<hbm>> -> memref<2560xbf16, #tpu.memory_space<hbm>>
      tpu.wait_dma2 semaphore(%arg22 : memref<!tpu.dma_semaphore, #tpu.memory_space<semaphore_mem>>) src(%dma_wait3A_92 : memref<2560xbf16, #tpu.memory_space<hbm>>) dst(%arg13 : memref<2560xbf16, #tpu.memory_space<vmem>>)
      %parallel_loop3A = arith.constant 0 : i32
      %parallel_loop3A_93 = arith.constant 40 : i32
      %parallel_loop3A_94 = arith.constant 1 : i32
      scf.for %parallel_loop3A_158 = %parallel_loop3A to %parallel_loop3A_93 step %parallel_loop3A_94  : i32 {
        %parallel_loop3A_159 = arith.constant 64 : i32
        %parallel_loop3A_160 = arith.muli %parallel_loop3A_158, %parallel_loop3A_159 : i32
        %parallel_loop3A_161 = arith.index_cast %parallel_loop3A_160 : i32 to index
        %parallel_loop3A_162 = tpu.vector_load %arg13[%parallel_loop3A_161] {strides = array<i32>} : memref<2560xbf16, #tpu.memory_space<vmem>>, vector<32xbf16>,
        %parallel_loop3A_163 = arith.constant 64 : i32
        %parallel_loop3A_164 = arith.muli %parallel_loop3A_158, %parallel_loop3A_163 : i32
        %parallel_loop3A_165 = arith.constant 32 : i32
        %parallel_loop3A_166 = arith.addi %parallel_loop3A_164, %parallel_loop3A_165 : i32
        %parallel_loop3A_167 = arith.index_cast %parallel_loop3A_166 : i32 to index
        %parallel_loop3A_168 = tpu.vector_load %arg13[%parallel_loop3A_167] {strides = array<i32>} : memref<2560xbf16, #tpu.memory_space<vmem>>, vector<32xbf16>,
        %parallel_loop3A_169 = arith.constant 20 : i32
        %parallel_loop3A_170 = arith.muli %parallel_loop3A_158, %parallel_loop3A_169 : i32
        %parallel_loop3A_171 = arith.constant 0 : i32
        %parallel_loop3A_172 = arith.addi %parallel_loop3A_170, %parallel_loop3A_171 : i32
        %parallel_loop3A_173 = arith.index_cast %parallel_loop3A_172 : i32 to index
        %parallel_loop3A_174 = arith.constant 0 : index
        %parallel_loop3A_175 = tpu.vector_load %arg11[%parallel_loop3A_173, %parallel_loop3A_174] {strides = array<i32>} : memref<800x64xbf16, #tpu.memory_space<vmem>>, vector<32xbf16>,
        %parallel_loop3A_176 = arith.mulf %parallel_loop3A_162, %parallel_loop3A_175 : vector<32xbf16>
        %parallel_loop3A_177 = arith.index_cast %parallel_loop3A_172 : i32 to index
        %parallel_loop3A_178 = arith.constant 32 : index
        %parallel_loop3A_179 = tpu.vector_load %arg11[%parallel_loop3A_177, %parallel_loop3A_178] {strides = array<i32>} : memref<800x64xbf16, #tpu.memory_space<vmem>>, vector<32xbf16>,
        %parallel_loop3A_180 = arith.mulf %parallel_loop3A_168, %parallel_loop3A_179 : vector<32xbf16>
        %parallel_loop3A_181 = arith.addf %parallel_loop3A_176, %parallel_loop3A_180 : vector<32xbf16>
        %parallel_loop3A_182 = tpu.unpack_subelements %parallel_loop3A_181, 0 {pack_format = #tpu.pack_format<interleaved>} : vector<32xbf16> -> vector<16xf32>
        %parallel_loop3A_183 = tpu.unpack_subelements %parallel_loop3A_181, 1 {pack_format = #tpu.pack_format<interleaved>} : vector<32xbf16> -> vector<16xf32>
        %parallel_loop3A_184 = arith.addf %parallel_loop3A_182, %parallel_loop3A_183 : vector<16xf32>
        %parallel_loop3A_185 = arith.constant 16 : i32
        %parallel_loop3A_186 = arith.muli %parallel_loop3A_172, %parallel_loop3A_185 : i32
        %parallel_loop3A_187 = arith.index_cast %parallel_loop3A_186 : i32 to index
        %parallel_loop3A_188 = tpu.vector_load %arg17[%parallel_loop3A_187] {strides = array<i32>} : memref<12800xf32, #tpu.memory_space<vmem>>, vector<16xf32>,
        tpu.vector_store %arg17[%parallel_loop3A_187], %parallel_loop3A_184 {strides = array<i32>} : memref<12800xf32, #tpu.memory_space<vmem>>, vector<16xf32>,
        %parallel_loop3A_189 = arith.constant 20 : i32
        %parallel_loop3A_190 = arith.muli %parallel_loop3A_158, %parallel_loop3A_189 : i32
        %parallel_loop3A_191 = arith.constant 1 : i32
        %parallel_loop3A_192 = arith.addi %parallel_loop3A_190, %parallel_loop3A_191 : i32
        %parallel_loop3A_193 = arith.index_cast %parallel_loop3A_192 : i32 to index
        %parallel_loop3A_194 = arith.constant 0 : index
        %parallel_loop3A_195 = tpu.vector_load %arg11[%parallel_loop3A_193, %parallel_loop3A_194] {strides = array<i32>} : memref<800x64xbf16, #tpu.memory_space<vmem>>, vector<32xbf16>,
        %parallel_loop3A_196 = arith.mulf %parallel_loop3A_162, %parallel_loop3A_195 : vector<32xbf16>
        %parallel_loop3A_197 = arith.index_cast %parallel_loop3A_192 : i32 to index
        %parallel_loop3A_198 = arith.constant 32 : index
        %parallel_loop3A_199 = tpu.vector_load %arg11[%parallel_loop3A_197, %parallel_loop3A_198] {strides = array<i32>} : memref<800x64xbf16, #tpu.memory_space<vmem>>, vector<32xbf16>,
        %parallel_loop3A_200 = arith.mulf %parallel_loop3A_168, %parallel_loop3A_199 : vector<32xbf16>
        %parallel_loop3A_201 = arith.addf %parallel_loop3A_196, %parallel_loop3A_200 : vector<32xbf16>
        %parallel_loop3A_202 = tpu.unpack_subelements %parallel_loop3A_201, 0 {pack_format = #tpu.pack_format<interleaved>} : vector<32xbf16> -> vector<16xf32>
        %parallel_loop3A_203 = tpu.unpack_subelements %parallel_loop3A_201, 1 {pack_format = #tpu.pack_format<interleaved>} : vector<32xbf16> -> vector<16xf32>
        %parallel_loop3A_204 = arith.addf %parallel_loop3A_202, %parallel_loop3A_203 : vector<16xf32>
        %parallel_loop3A_205 = arith.constant 16 : i32
        %parallel_loop3A_206 = arith.muli %parallel_loop3A_192, %parallel_loop3A_205 : i32
        %parallel_loop3A_207 = arith.index_cast %parallel_loop3A_206 : i32 to index
        %parallel_loop3A_208 = tpu.vector_load %arg17[%parallel_loop3A_207] {strides = array<i32>} : memref<12800xf32, #tpu.memory_space<vmem>>, vector<16xf32>,
        tpu.vector_store %arg17[%parallel_loop3A_207], %parallel_loop3A_204 {strides = array<i32>} : memref<12800xf32, #tpu.memory_space<vmem>>, vector<16xf32>,
        %parallel_loop3A_209 = arith.constant 20 : i32
        %parallel_loop3A_210 = arith.muli %parallel_loop3A_158, %parallel_loop3A_209 : i32
        %parallel_loop3A_211 = arith.constant 2 : i32
        %parallel_loop3A_212 = arith.addi %parallel_loop3A_210, %parallel_loop3A_211 : i32
        %parallel_loop3A_213 = arith.index_cast %parallel_loop3A_212 : i32 to index
        %parallel_loop3A_214 = arith.constant 0 : index
        %parallel_loop3A_215 = tpu.vector_load %arg11[%parallel_loop3A_213, %parallel_loop3A_214] {strides = array<i32>} : memref<800x64xbf16, #tpu.memory_space<vmem>>, vector<32xbf16>,
        %parallel_loop3A_216 = arith.mulf %parallel_loop3A_162, %parallel_loop3A_215 : vector<32xbf16>
        %parallel_loop3A_217 = arith.index_cast %parallel_loop3A_212 : i32 to index
        %parallel_loop3A_218 = arith.constant 32 : index
        %parallel_loop3A_219 = tpu.vector_load %arg11[%parallel_loop3A_217, %parallel_loop3A_218] {strides = array<i32>} : memref<800x64xbf16, #tpu.memory_space<vmem>>, vector<32xbf16>,
        %parallel_loop3A_220 = arith.mulf %parallel_loop3A_168, %parallel_loop3A_219 : vector<32xbf16>
        %parallel_loop3A_221 = arith.addf %parallel_loop3A_216, %parallel_loop3A_220 : vector<32xbf16>
        %parallel_loop3A_222 = tpu.unpack_subelements %parallel_loop3A_221, 0 {pack_format = #tpu.pack_format<interleaved>} : vector<32xbf16> -> vector<16xf32>
        %parallel_loop3A_223 = tpu.unpack_subelements %parallel_loop3A_221, 1 {pack_format = #tpu.pack_format<interleaved>} : vector<32xbf16> -> vector<16xf32>
        %parallel_loop3A_224 = arith.addf %parallel_loop3A_222, %parallel_loop3A_223 : vector<16xf32>
        %parallel_loop3A_225 = arith.constant 16 : i32
        %parallel_loop3A_226 = arith.muli %parallel_loop3A_212, %parallel_loop3A_225 : i32
        %parallel_loop3A_227 = arith.index_cast %parallel_loop3A_226 : i32 to index
        %parallel_loop3A_228 = tpu.vector_load %arg17[%parallel_loop3A_227] {strides = array<i32>} : memref<12800xf32, #tpu.memory_space<vmem>>, vector<16xf32>,
        tpu.vector_store %arg17[%parallel_loop3A_227], %parallel_loop3A_224 {strides = array<i32>} : memref<12800xf32, #tpu.memory_space<vmem>>, vector<16xf32>,
        %parallel_loop3A_229 = arith.constant 20 : i32
        %parallel_loop3A_230 = arith.muli %parallel_loop3A_158, %parallel_loop3A_229 : i32
        %parallel_loop3A_231 = arith.constant 3 : i32
        %parallel_loop3A_232 = arith.addi %parallel_loop3A_230, %parallel_loop3A_231 : i32
        %parallel_loop3A_233 = arith.index_cast %parallel_loop3A_232 : i32 to index
        %parallel_loop3A_234 = arith.constant 0 : index
        %parallel_loop3A_235 = tpu.vector_load %arg11[%parallel_loop3A_233, %parallel_loop3A_234] {strides = array<i32>} : memref<800x64xbf16, #tpu.memory_space<vmem>>, vector<32xbf16>,
        %parallel_loop3A_236 = arith.mulf %parallel_loop3A_162, %parallel_loop3A_235 : vector<32xbf16>
        %parallel_loop3A_237 = arith.index_cast %parallel_loop3A_232 : i32 to index
        %parallel_loop3A_238 = arith.constant 32 : index
        %parallel_loop3A_239 = tpu.vector_load %arg11[%parallel_loop3A_237, %parallel_loop3A_238] {strides = array<i32>} : memref<800x64xbf16, #tpu.memory_space<vmem>>, vector<32xbf16>,
        %parallel_loop3A_240 = arith.mulf %parallel_loop3A_168, %parallel_loop3A_239 : vector<32xbf16>
        %parallel_loop3A_241 = arith.addf %parallel_loop3A_236, %parallel_loop3A_240 : vector<32xbf16>
        %parallel_loop3A_242 = tpu.unpack_subelements %parallel_loop3A_241, 0 {pack_format = #tpu.pack_format<interleaved>} : vector<32xbf16> -> vector<16xf32>
        %parallel_loop3A_243 = tpu.unpack_subelements %parallel_loop3A_241, 1 {pack_format = #tpu.pack_format<interleaved>} : vector<32xbf16> -> vector<16xf32>
        %parallel_loop3A_244 = arith.addf %parallel_loop3A_242, %parallel_loop3A_243 : vector<16xf32>
        %parallel_loop3A_245 = arith.constant 16 : i32
        %parallel_loop3A_246 = arith.muli %parallel_loop3A_232, %parallel_loop3A_245 : i32
        %parallel_loop3A_247 = arith.index_cast %parallel_loop3A_246 : i32 to index
        %parallel_loop3A_248 = tpu.vector_load %arg17[%parallel_loop3A_247] {strides = array<i32>} : memref<12800xf32, #tpu.memory_space<vmem>>, vector<16xf32>,
        tpu.vector_store %arg17[%parallel_loop3A_247], %parallel_loop3A_244 {strides = array<i32>} : memref<12800xf32, #tpu.memory_space<vmem>>, vector<16xf32>,
        %parallel_loop3A_249 = arith.constant 20 : i32
        %parallel_loop3A_250 = arith.muli %parallel_loop3A_158, %parallel_loop3A_249 : i32
        %parallel_loop3A_251 = arith.constant 4 : i32
        %parallel_loop3A_252 = arith.addi %parallel_loop3A_250, %parallel_loop3A_251 : i32
        %parallel_loop3A_253 = arith.index_cast %parallel_loop3A_252 : i32 to index
        %parallel_loop3A_254 = arith.constant 0 : index
        %parallel_loop3A_255 = tpu.vector_load %arg11[%parallel_loop3A_253, %parallel_loop3A_254] {strides = array<i32>} : memref<800x64xbf16, #tpu.memory_space<vmem>>, vector<32xbf16>,
        %parallel_loop3A_256 = arith.mulf %parallel_loop3A_162, %parallel_loop3A_255 : vector<32xbf16>
        %parallel_loop3A_257 = arith.index_cast %parallel_loop3A_252 : i32 to index
        %parallel_loop3A_258 = arith.constant 32 : index
        %parallel_loop3A_259 = tpu.vector_load %arg11[%parallel_loop3A_257, %parallel_loop3A_258] {strides = array<i32>} : memref<800x64xbf16, #tpu.memory_space<vmem>>, vector<32xbf16>,
        %parallel_loop3A_260 = arith.mulf %parallel_loop3A_168, %parallel_loop3A_259 : vector<32xbf16>
        %parallel_loop3A_261 = arith.addf %parallel_loop3A_256, %parallel_loop3A_260 : vector<32xbf16>
        %parallel_loop3A_262 = tpu.unpack_subelements %parallel_loop3A_261, 0 {pack_format = #tpu.pack_format<interleaved>} : vector<32xbf16> -> vector<16xf32>
        %parallel_loop3A_263 = tpu.unpack_subelements %parallel_loop3A_261, 1 {pack_format = #tpu.pack_format<interleaved>} : vector<32xbf16> -> vector<16xf32>
        %parallel_loop3A_264 = arith.addf %parallel_loop3A_262, %parallel_loop3A_263 : vector<16xf32>
        %parallel_loop3A_265 = arith.constant 16 : i32
        %parallel_loop3A_266 = arith.muli %parallel_loop3A_252, %parallel_loop3A_265 : i32
        %parallel_loop3A_267 = arith.index_cast %parallel_loop3A_266 : i32 to index
        %parallel_loop3A_268 = tpu.vector_load %arg17[%parallel_loop3A_267] {strides = array<i32>} : memref<12800xf32, #tpu.memory_space<vmem>>, vector<16xf32>,
        tpu.vector_store %arg17[%parallel_loop3A_267], %parallel_loop3A_264 {strides = array<i32>} : memref<12800xf32, #tpu.memory_space<vmem>>, vector<16xf32>,
        %parallel_loop3A_269 = arith.constant 20 : i32
        %parallel_loop3A_270 = arith.muli %parallel_loop3A_158, %parallel_loop3A_269 : i32
        %parallel_loop3A_271 = arith.constant 5 : i32
        %parallel_loop3A_272 = arith.addi %parallel_loop3A_270, %parallel_loop3A_271 : i32
        %parallel_loop3A_273 = arith.index_cast %parallel_loop3A_272 : i32 to index
        %parallel_loop3A_274 = arith.constant 0 : index
        %parallel_loop3A_275 = tpu.vector_load %arg11[%parallel_loop3A_273, %parallel_loop3A_274] {strides = array<i32>} : memref<800x64xbf16, #tpu.memory_space<vmem>>, vector<32xbf16>,
        %parallel_loop3A_276 = arith.mulf %parallel_loop3A_162, %parallel_loop3A_275 : vector<32xbf16>
        %parallel_loop3A_277 = arith.index_cast %parallel_loop3A_272 : i32 to index
        %parallel_loop3A_278 = arith.constant 32 : index
        %parallel_loop3A_279 = tpu.vector_load %arg11[%parallel_loop3A_277, %parallel_loop3A_278] {strides = array<i32>} : memref<800x64xbf16, #tpu.memory_space<vmem>>, vector<32xbf16>,
        %parallel_loop3A_280 = arith.mulf %parallel_loop3A_168, %parallel_loop3A_279 : vector<32xbf16>
        %parallel_loop3A_281 = arith.addf %parallel_loop3A_276, %parallel_loop3A_280 : vector<32xbf16>
        %parallel_loop3A_282 = tpu.unpack_subelements %parallel_loop3A_281, 0 {pack_format = #tpu.pack_format<interleaved>} : vector<32xbf16> -> vector<16xf32>
        %parallel_loop3A_283 = tpu.unpack_subelements %parallel_loop3A_281, 1 {pack_format = #tpu.pack_format<interleaved>} : vector<32xbf16> -> vector<16xf32>
        %parallel_loop3A_284 = arith.addf %parallel_loop3A_282, %parallel_loop3A_283 : vector<16xf32>
        %parallel_loop3A_285 = arith.constant 16 : i32
        %parallel_loop3A_286 = arith.muli %parallel_loop3A_272, %parallel_loop3A_285 : i32
        %parallel_loop3A_287 = arith.index_cast %parallel_loop3A_286 : i32 to index
        %parallel_loop3A_288 = tpu.vector_load %arg17[%parallel_loop3A_287] {strides = array<i32>} : memref<12800xf32, #tpu.memory_space<vmem>>, vector<16xf32>,
        tpu.vector_store %arg17[%parallel_loop3A_287], %parallel_loop3A_284 {strides = array<i32>} : memref<12800xf32, #tpu.memory_space<vmem>>, vector<16xf32>,
        %parallel_loop3A_289 = arith.constant 20 : i32
        %parallel_loop3A_290 = arith.muli %parallel_loop3A_158, %parallel_loop3A_289 : i32
        %parallel_loop3A_291 = arith.constant 6 : i32
        %parallel_loop3A_292 = arith.addi %parallel_loop3A_290, %parallel_loop3A_291 : i32
        %parallel_loop3A_293 = arith.index_cast %parallel_loop3A_292 : i32 to index
        %parallel_loop3A_294 = arith.constant 0 : index
        %parallel_loop3A_295 = tpu.vector_load %arg11[%parallel_loop3A_293, %parallel_loop3A_294] {strides = array<i32>} : memref<800x64xbf16, #tpu.memory_space<vmem>>, vector<32xbf16>,
        %parallel_loop3A_296 = arith.mulf %parallel_loop3A_162, %parallel_loop3A_295 : vector<32xbf16>
        %parallel_loop3A_297 = arith.index_cast %parallel_loop3A_292 : i32 to index
        %parallel_loop3A_298 = arith.constant 32 : index
        %parallel_loop3A_299 = tpu.vector_load %arg11[%parallel_loop3A_297, %parallel_loop3A_298] {strides = array<i32>} : memref<800x64xbf16, #tpu.memory_space<vmem>>, vector<32xbf16>,
        %parallel_loop3A_300 = arith.mulf %parallel_loop3A_168, %parallel_loop3A_299 : vector<32xbf16>
        %parallel_loop3A_301 = arith.addf %parallel_loop3A_296, %parallel_loop3A_300 : vector<32xbf16>
        %parallel_loop3A_302 = tpu.unpack_subelements %parallel_loop3A_301, 0 {pack_format = #tpu.pack_format<interleaved>} : vector<32xbf16> -> vector<16xf32>
        %parallel_loop3A_303 = tpu.unpack_subelements %parallel_loop3A_301, 1 {pack_format = #tpu.pack_format<interleaved>} : vector<32xbf16> -> vector<16xf32>
        %parallel_loop3A_304 = arith.addf %parallel_loop3A_302, %parallel_loop3A_303 : vector<16xf32>
        %parallel_loop3A_305 = arith.constant 16 : i32
        %parallel_loop3A_306 = arith.muli %parallel_loop3A_292, %parallel_loop3A_305 : i32
        %parallel_loop3A_307 = arith.index_cast %parallel_loop3A_306 : i32 to index
        %parallel_loop3A_308 = tpu.vector_load %arg17[%parallel_loop3A_307] {strides = array<i32>} : memref<12800xf32, #tpu.memory_space<vmem>>, vector<16xf32>,
        tpu.vector_store %arg17[%parallel_loop3A_307], %parallel_loop3A_304 {strides = array<i32>} : memref<12800xf32, #tpu.memory_space<vmem>>, vector<16xf32>,
        %parallel_loop3A_309 = arith.constant 20 : i32
        %parallel_loop3A_310 = arith.muli %parallel_loop3A_158, %parallel_loop3A_309 : i32
        %parallel_loop3A_311 = arith.constant 7 : i32
        %parallel_loop3A_312 = arith.addi %parallel_loop3A_310, %parallel_loop3A_311 : i32
        %parallel_loop3A_313 = arith.index_cast %parallel_loop3A_312 : i32 to index
        %parallel_loop3A_314 = arith.constant 0 : index
        %parallel_loop3A_315 = tpu.vector_load %arg11[%parallel_loop3A_313, %parallel_loop3A_314] {strides = array<i32>} : memref<800x64xbf16, #tpu.memory_space<vmem>>, vector<32xbf16>,
        %parallel_loop3A_316 = arith.mulf %parallel_loop3A_162, %parallel_loop3A_315 : vector<32xbf16>
        %parallel_loop3A_317 = arith.index_cast %parallel_loop3A_312 : i32 to index
        %parallel_loop3A_318 = arith.constant 32 : index
        %parallel_loop3A_319 = tpu.vector_load %arg11[%parallel_loop3A_317, %parallel_loop3A_318] {strides = array<i32>} : memref<800x64xbf16, #tpu.memory_space<vmem>>, vector<32xbf16>,
        %parallel_loop3A_320 = arith.mulf %parallel_loop3A_168, %parallel_loop3A_319 : vector<32xbf16>
        %parallel_loop3A_321 = arith.addf %parallel_loop3A_316, %parallel_loop3A_320 : vector<32xbf16>
        %parallel_loop3A_322 = tpu.unpack_subelements %parallel_loop3A_321, 0 {pack_format = #tpu.pack_format<interleaved>} : vector<32xbf16> -> vector<16xf32>
        %parallel_loop3A_323 = tpu.unpack_subelements %parallel_loop3A_321, 1 {pack_format = #tpu.pack_format<interleaved>} : vector<32xbf16> -> vector<16xf32>
        %parallel_loop3A_324 = arith.addf %parallel_loop3A_322, %parallel_loop3A_323 : vector<16xf32>
        %parallel_loop3A_325 = arith.constant 16 : i32
        %parallel_loop3A_326 = arith.muli %parallel_loop3A_312, %parallel_loop3A_325 : i32
        %parallel_loop3A_327 = arith.index_cast %parallel_loop3A_326 : i32 to index
        %parallel_loop3A_328 = tpu.vector_load %arg17[%parallel_loop3A_327] {strides = array<i32>} : memref<12800xf32, #tpu.memory_space<vmem>>, vector<16xf32>,
        tpu.vector_store %arg17[%parallel_loop3A_327], %parallel_loop3A_324 {strides = array<i32>} : memref<12800xf32, #tpu.memory_space<vmem>>, vector<16xf32>,
        %parallel_loop3A_329 = arith.constant 20 : i32
        %parallel_loop3A_330 = arith.muli %parallel_loop3A_158, %parallel_loop3A_329 : i32
        %parallel_loop3A_331 = arith.constant 8 : i32
        %parallel_loop3A_332 = arith.addi %parallel_loop3A_330, %parallel_loop3A_331 : i32
        %parallel_loop3A_333 = arith.index_cast %parallel_loop3A_332 : i32 to index
        %parallel_loop3A_334 = arith.constant 0 : index
        %parallel_loop3A_335 = tpu.vector_load %arg11[%parallel_loop3A_333, %parallel_loop3A_334] {strides = array<i32>} : memref<800x64xbf16, #tpu.memory_space<vmem>>, vector<32xbf16>,
        %parallel_loop3A_336 = arith.mulf %parallel_loop3A_162, %parallel_loop3A_335 : vector<32xbf16>
        %parallel_loop3A_337 = arith.index_cast %parallel_loop3A_332 : i32 to index
        %parallel_loop3A_338 = arith.constant 32 : index
        %parallel_loop3A_339 = tpu.vector_load %arg11[%parallel_loop3A_337, %parallel_loop3A_338] {strides = array<i32>} : memref<800x64xbf16, #tpu.memory_space<vmem>>, vector<32xbf16>,
        %parallel_loop3A_340 = arith.mulf %parallel_loop3A_168, %parallel_loop3A_339 : vector<32xbf16>
        %parallel_loop3A_341 = arith.addf %parallel_loop3A_336, %parallel_loop3A_340 : vector<32xbf16>
        %parallel_loop3A_342 = tpu.unpack_subelements %parallel_loop3A_341, 0 {pack_format = #tpu.pack_format<interleaved>} : vector<32xbf16> -> vector<16xf32>
        %parallel_loop3A_343 = tpu.unpack_subelements %parallel_loop3A_341, 1 {pack_format = #tpu.pack_format<interleaved>} : vector<32xbf16> -> vector<16xf32>
        %parallel_loop3A_344 = arith.addf %parallel_loop3A_342, %parallel_loop3A_343 : vector<16xf32>
        %parallel_loop3A_345 = arith.constant 16 : i32
        %parallel_loop3A_346 = arith.muli %parallel_loop3A_332, %parallel_loop3A_345 : i32
        %parallel_loop3A_347 = arith.index_cast %parallel_loop3A_346 : i32 to index
        %parallel_loop3A_348 = tpu.vector_load %arg17[%parallel_loop3A_347] {strides = array<i32>} : memref<12800xf32, #tpu.memory_space<vmem>>, vector<16xf32>,
        tpu.vector_store %arg17[%parallel_loop3A_347], %parallel_loop3A_344 {strides = array<i32>} : memref<12800xf32, #tpu.memory_space<vmem>>, vector<16xf32>,
        %parallel_loop3A_349 = arith.constant 20 : i32
        %parallel_loop3A_350 = arith.muli %parallel_loop3A_158, %parallel_loop3A_349 : i32
        %parallel_loop3A_351 = arith.constant 9 : i32
        %parallel_loop3A_352 = arith.addi %parallel_loop3A_350, %parallel_loop3A_351 : i32
        %parallel_loop3A_353 = arith.index_cast %parallel_loop3A_352 : i32 to index
        %parallel_loop3A_354 = arith.constant 0 : index
        %parallel_loop3A_355 = tpu.vector_load %arg11[%parallel_loop3A_353, %parallel_loop3A_354] {strides = array<i32>} : memref<800x64xbf16, #tpu.memory_space<vmem>>, vector<32xbf16>,
        %parallel_loop3A_356 = arith.mulf %parallel_loop3A_162, %parallel_loop3A_355 : vector<32xbf16>
        %parallel_loop3A_357 = arith.index_cast %parallel_loop3A_352 : i32 to index
        %parallel_loop3A_358 = arith.constant 32 : index
        %parallel_loop3A_359 = tpu.vector_load %arg11[%parallel_loop3A_357, %parallel_loop3A_358] {strides = array<i32>} : memref<800x64xbf16, #tpu.memory_space<vmem>>, vector<32xbf16>,
        %parallel_loop3A_360 = arith.mulf %parallel_loop3A_168, %parallel_loop3A_359 : vector<32xbf16>
        %parallel_loop3A_361 = arith.addf %parallel_loop3A_356, %parallel_loop3A_360 : vector<32xbf16>
        %parallel_loop3A_362 = tpu.unpack_subelements %parallel_loop3A_361, 0 {pack_format = #tpu.pack_format<interleaved>} : vector<32xbf16> -> vector<16xf32>
        %parallel_loop3A_363 = tpu.unpack_subelements %parallel_loop3A_361, 1 {pack_format = #tpu.pack_format<interleaved>} : vector<32xbf16> -> vector<16xf32>
        %parallel_loop3A_364 = arith.addf %parallel_loop3A_362, %parallel_loop3A_363 : vector<16xf32>
        %parallel_loop3A_365 = arith.constant 16 : i32
        %parallel_loop3A_366 = arith.muli %parallel_loop3A_352, %parallel_loop3A_365 : i32
        %parallel_loop3A_367 = arith.index_cast %parallel_loop3A_366 : i32 to index
        %parallel_loop3A_368 = tpu.vector_load %arg17[%parallel_loop3A_367] {strides = array<i32>} : memref<12800xf32, #tpu.memory_space<vmem>>, vector<16xf32>,
        tpu.vector_store %arg17[%parallel_loop3A_367], %parallel_loop3A_364 {strides = array<i32>} : memref<12800xf32, #tpu.memory_space<vmem>>, vector<16xf32>,
        %parallel_loop3A_369 = arith.constant 20 : i32
        %parallel_loop3A_370 = arith.muli %parallel_loop3A_158, %parallel_loop3A_369 : i32
        %parallel_loop3A_371 = arith.constant 10 : i32
        %parallel_loop3A_372 = arith.addi %parallel_loop3A_370, %parallel_loop3A_371 : i32
        %parallel_loop3A_373 = arith.index_cast %parallel_loop3A_372 : i32 to index
        %parallel_loop3A_374 = arith.constant 0 : index
        %parallel_loop3A_375 = tpu.vector_load %arg11[%parallel_loop3A_373, %parallel_loop3A_374] {strides = array<i32>} : memref<800x64xbf16, #tpu.memory_space<vmem>>, vector<32xbf16>,
        %parallel_loop3A_376 = arith.mulf %parallel_loop3A_162, %parallel_loop3A_375 : vector<32xbf16>
        %parallel_loop3A_377 = arith.index_cast %parallel_loop3A_372 : i32 to index
        %parallel_loop3A_378 = arith.constant 32 : index
        %parallel_loop3A_379 = tpu.vector_load %arg11[%parallel_loop3A_377, %parallel_loop3A_378] {strides = array<i32>} : memref<800x64xbf16, #tpu.memory_space<vmem>>, vector<32xbf16>,
        %parallel_loop3A_380 = arith.mulf %parallel_loop3A_168, %parallel_loop3A_379 : vector<32xbf16>
        %parallel_loop3A_381 = arith.addf %parallel_loop3A_376, %parallel_loop3A_380 : vector<32xbf16>
        %parallel_loop3A_382 = tpu.unpack_subelements %parallel_loop3A_381, 0 {pack_format = #tpu.pack_format<interleaved>} : vector<32xbf16> -> vector<16xf32>
        %parallel_loop3A_383 = tpu.unpack_subelements %parallel_loop3A_381, 1 {pack_format = #tpu.pack_format<interleaved>} : vector<32xbf16> -> vector<16xf32>
        %parallel_loop3A_384 = arith.addf %parallel_loop3A_382, %parallel_loop3A_383 : vector<16xf32>
        %parallel_loop3A_385 = arith.constant 16 : i32
        %parallel_loop3A_386 = arith.muli %parallel_loop3A_372, %parallel_loop3A_385 : i32
        %parallel_loop3A_387 = arith.index_cast %parallel_loop3A_386 : i32 to index
        %parallel_loop3A_388 = tpu.vector_load %arg17[%parallel_loop3A_387] {strides = array<i32>} : memref<12800xf32, #tpu.memory_space<vmem>>, vector<16xf32>,
        tpu.vector_store %arg17[%parallel_loop3A_387], %parallel_loop3A_384 {strides = array<i32>} : memref<12800xf32, #tpu.memory_space<vmem>>, vector<16xf32>,
        %parallel_loop3A_389 = arith.constant 20 : i32
        %parallel_loop3A_390 = arith.muli %parallel_loop3A_158, %parallel_loop3A_389 : i32
        %parallel_loop3A_391 = arith.constant 11 : i32
        %parallel_loop3A_392 = arith.addi %parallel_loop3A_390, %parallel_loop3A_391 : i32
        %parallel_loop3A_393 = arith.index_cast %parallel_loop3A_392 : i32 to index
        %parallel_loop3A_394 = arith.constant 0 : index
        %parallel_loop3A_395 = tpu.vector_load %arg11[%parallel_loop3A_393, %parallel_loop3A_394] {strides = array<i32>} : memref<800x64xbf16, #tpu.memory_space<vmem>>, vector<32xbf16>,
        %parallel_loop3A_396 = arith.mulf %parallel_loop3A_162, %parallel_loop3A_395 : vector<32xbf16>
        %parallel_loop3A_397 = arith.index_cast %parallel_loop3A_392 : i32 to index
        %parallel_loop3A_398 = arith.constant 32 : index
        %parallel_loop3A_399 = tpu.vector_load %arg11[%parallel_loop3A_397, %parallel_loop3A_398] {strides = array<i32>} : memref<800x64xbf16, #tpu.memory_space<vmem>>, vector<32xbf16>,
        %parallel_loop3A_400 = arith.mulf %parallel_loop3A_168, %parallel_loop3A_399 : vector<32xbf16>
        %parallel_loop3A_401 = arith.addf %parallel_loop3A_396, %parallel_loop3A_400 : vector<32xbf16>
        %parallel_loop3A_402 = tpu.unpack_subelements %parallel_loop3A_401, 0 {pack_format = #tpu.pack_format<interleaved>} : vector<32xbf16> -> vector<16xf32>
        %parallel_loop3A_403 = tpu.unpack_subelements %parallel_loop3A_401, 1 {pack_format = #tpu.pack_format<interleaved>} : vector<32xbf16> -> vector<16xf32>
        %parallel_loop3A_404 = arith.addf %parallel_loop3A_402, %parallel_loop3A_403 : vector<16xf32>
        %parallel_loop3A_405 = arith.constant 16 : i32
        %parallel_loop3A_406 = arith.muli %parallel_loop3A_392, %parallel_loop3A_405 : i32
        %parallel_loop3A_407 = arith.index_cast %parallel_loop3A_406 : i32 to index
        %parallel_loop3A_408 = tpu.vector_load %arg17[%parallel_loop3A_407] {strides = array<i32>} : memref<12800xf32, #tpu.memory_space<vmem>>, vector<16xf32>,
        tpu.vector_store %arg17[%parallel_loop3A_407], %parallel_loop3A_404 {strides = array<i32>} : memref<12800xf32, #tpu.memory_space<vmem>>, vector<16xf32>,
        %parallel_loop3A_409 = arith.constant 20 : i32
        %parallel_loop3A_410 = arith.muli %parallel_loop3A_158, %parallel_loop3A_409 : i32
        %parallel_loop3A_411 = arith.constant 12 : i32
        %parallel_loop3A_412 = arith.addi %parallel_loop3A_410, %parallel_loop3A_411 : i32
        %parallel_loop3A_413 = arith.index_cast %parallel_loop3A_412 : i32 to index
        %parallel_loop3A_414 = arith.constant 0 : index
        %parallel_loop3A_415 = tpu.vector_load %arg11[%parallel_loop3A_413, %parallel_loop3A_414] {strides = array<i32>} : memref<800x64xbf16, #tpu.memory_space<vmem>>, vector<32xbf16>,
        %parallel_loop3A_416 = arith.mulf %parallel_loop3A_162, %parallel_loop3A_415 : vector<32xbf16>
        %parallel_loop3A_417 = arith.index_cast %parallel_loop3A_412 : i32 to index
        %parallel_loop3A_418 = arith.constant 32 : index
        %parallel_loop3A_419 = tpu.vector_load %arg11[%parallel_loop3A_417, %parallel_loop3A_418] {strides = array<i32>} : memref<800x64xbf16, #tpu.memory_space<vmem>>, vector<32xbf16>,
        %parallel_loop3A_420 = arith.mulf %parallel_loop3A_168, %parallel_loop3A_419 : vector<32xbf16>
        %parallel_loop3A_421 = arith.addf %parallel_loop3A_416, %parallel_loop3A_420 : vector<32xbf16>
        %parallel_loop3A_422 = tpu.unpack_subelements %parallel_loop3A_421, 0 {pack_format = #tpu.pack_format<interleaved>} : vector<32xbf16> -> vector<16xf32>
        %parallel_loop3A_423 = tpu.unpack_subelements %parallel_loop3A_421, 1 {pack_format = #tpu.pack_format<interleaved>} : vector<32xbf16> -> vector<16xf32>
        %parallel_loop3A_424 = arith.addf %parallel_loop3A_422, %parallel_loop3A_423 : vector<16xf32>
        %parallel_loop3A_425 = arith.constant 16 : i32
        %parallel_loop3A_426 = arith.muli %parallel_loop3A_412, %parallel_loop3A_425 : i32
        %parallel_loop3A_427 = arith.index_cast %parallel_loop3A_426 : i32 to index
        %parallel_loop3A_428 = tpu.vector_load %arg17[%parallel_loop3A_427] {strides = array<i32>} : memref<12800xf32, #tpu.memory_space<vmem>>, vector<16xf32>,
        tpu.vector_store %arg17[%parallel_loop3A_427], %parallel_loop3A_424 {strides = array<i32>} : memref<12800xf32, #tpu.memory_space<vmem>>, vector<16xf32>,
        %parallel_loop3A_429 = arith.constant 20 : i32
        %parallel_loop3A_430 = arith.muli %parallel_loop3A_158, %parallel_loop3A_429 : i32
        %parallel_loop3A_431 = arith.constant 13 : i32
        %parallel_loop3A_432 = arith.addi %parallel_loop3A_430, %parallel_loop3A_431 : i32
        %parallel_loop3A_433 = arith.index_cast %parallel_loop3A_432 : i32 to index
        %parallel_loop3A_434 = arith.constant 0 : index
        %parallel_loop3A_435 = tpu.vector_load %arg11[%parallel_loop3A_433, %parallel_loop3A_434] {strides = array<i32>} : memref<800x64xbf16, #tpu.memory_space<vmem>>, vector<32xbf16>,
        %parallel_loop3A_436 = arith.mulf %parallel_loop3A_162, %parallel_loop3A_435 : vector<32xbf16>
        %parallel_loop3A_437 = arith.index_cast %parallel_loop3A_432 : i32 to index
        %parallel_loop3A_438 = arith.constant 32 : index
        %parallel_loop3A_439 = tpu.vector_load %arg11[%parallel_loop3A_437, %parallel_loop3A_438] {strides = array<i32>} : memref<800x64xbf16, #tpu.memory_space<vmem>>, vector<32xbf16>,
        %parallel_loop3A_440 = arith.mulf %parallel_loop3A_168, %parallel_loop3A_439 : vector<32xbf16>
        %parallel_loop3A_441 = arith.addf %parallel_loop3A_436, %parallel_loop3A_440 : vector<32xbf16>
        %parallel_loop3A_442 = tpu.unpack_subelements %parallel_loop3A_441, 0 {pack_format = #tpu.pack_format<interleaved>} : vector<32xbf16> -> vector<16xf32>
        %parallel_loop3A_443 = tpu.unpack_subelements %parallel_loop3A_441, 1 {pack_format = #tpu.pack_format<interleaved>} : vector<32xbf16> -> vector<16xf32>
        %parallel_loop3A_444 = arith.addf %parallel_loop3A_442, %parallel_loop3A_443 : vector<16xf32>
        %parallel_loop3A_445 = arith.constant 16 : i32
        %parallel_loop3A_446 = arith.muli %parallel_loop3A_432, %parallel_loop3A_445 : i32
        %parallel_loop3A_447 = arith.index_cast %parallel_loop3A_446 : i32 to index
        %parallel_loop3A_448 = tpu.vector_load %arg17[%parallel_loop3A_447] {strides = array<i32>} : memref<12800xf32, #tpu.memory_space<vmem>>, vector<16xf32>,
        tpu.vector_store %arg17[%parallel_loop3A_447], %parallel_loop3A_444 {strides = array<i32>} : memref<12800xf32, #tpu.memory_space<vmem>>, vector<16xf32>,
        %parallel_loop3A_449 = arith.constant 20 : i32
        %parallel_loop3A_450 = arith.muli %parallel_loop3A_158, %parallel_loop3A_449 : i32
        %parallel_loop3A_451 = arith.constant 14 : i32
        %parallel_loop3A_452 = arith.addi %parallel_loop3A_450, %parallel_loop3A_451 : i32
        %parallel_loop3A_453 = arith.index_cast %parallel_loop3A_452 : i32 to index
        %parallel_loop3A_454 = arith.constant 0 : index
        %parallel_loop3A_455 = tpu.vector_load %arg11[%parallel_loop3A_453, %parallel_loop3A_454] {strides = array<i32>} : memref<800x64xbf16, #tpu.memory_space<vmem>>, vector<32xbf16>,
        %parallel_loop3A_456 = arith.mulf %parallel_loop3A_162, %parallel_loop3A_455 : vector<32xbf16>
        %parallel_loop3A_457 = arith.index_cast %parallel_loop3A_452 : i32 to index
        %parallel_loop3A_458 = arith.constant 32 : index
        %parallel_loop3A_459 = tpu.vector_load %arg11[%parallel_loop3A_457, %parallel_loop3A_458] {strides = array<i32>} : memref<800x64xbf16, #tpu.memory_space<vmem>>, vector<32xbf16>,
        %parallel_loop3A_460 = arith.mulf %parallel_loop3A_168, %parallel_loop3A_459 : vector<32xbf16>
        %parallel_loop3A_461 = arith.addf %parallel_loop3A_456, %parallel_loop3A_460 : vector<32xbf16>
        %parallel_loop3A_462 = tpu.unpack_subelements %parallel_loop3A_461, 0 {pack_format = #tpu.pack_format<interleaved>} : vector<32xbf16> -> vector<16xf32>
        %parallel_loop3A_463 = tpu.unpack_subelements %parallel_loop3A_461, 1 {pack_format = #tpu.pack_format<interleaved>} : vector<32xbf16> -> vector<16xf32>
        %parallel_loop3A_464 = arith.addf %parallel_loop3A_462, %parallel_loop3A_463 : vector<16xf32>
        %parallel_loop3A_465 = arith.constant 16 : i32
        %parallel_loop3A_466 = arith.muli %parallel_loop3A_452, %parallel_loop3A_465 : i32
        %parallel_loop3A_467 = arith.index_cast %parallel_loop3A_466 : i32 to index
        %parallel_loop3A_468 = tpu.vector_load %arg17[%parallel_loop3A_467] {strides = array<i32>} : memref<12800xf32, #tpu.memory_space<vmem>>, vector<16xf32>,
        tpu.vector_store %arg17[%parallel_loop3A_467], %parallel_loop3A_464 {strides = array<i32>} : memref<12800xf32, #tpu.memory_space<vmem>>, vector<16xf32>,
        %parallel_loop3A_469 = arith.constant 20 : i32
        %parallel_loop3A_470 = arith.muli %parallel_loop3A_158, %parallel_loop3A_469 : i32
        %parallel_loop3A_471 = arith.constant 15 : i32
        %parallel_loop3A_472 = arith.addi %parallel_loop3A_470, %parallel_loop3A_471 : i32
        %parallel_loop3A_473 = arith.index_cast %parallel_loop3A_472 : i32 to index
        %parallel_loop3A_474 = arith.constant 0 : index
        %parallel_loop3A_475 = tpu.vector_load %arg11[%parallel_loop3A_473, %parallel_loop3A_474] {strides = array<i32>} : memref<800x64xbf16, #tpu.memory_space<vmem>>, vector<32xbf16>,
        %parallel_loop3A_476 = arith.mulf %parallel_loop3A_162, %parallel_loop3A_475 : vector<32xbf16>
        %parallel_loop3A_477 = arith.index_cast %parallel_loop3A_472 : i32 to index
        %parallel_loop3A_478 = arith.constant 32 : index
        %parallel_loop3A_479 = tpu.vector_load %arg11[%parallel_loop3A_477, %parallel_loop3A_478] {strides = array<i32>} : memref<800x64xbf16, #tpu.memory_space<vmem>>, vector<32xbf16>,
        %parallel_loop3A_480 = arith.mulf %parallel_loop3A_168, %parallel_loop3A_479 : vector<32xbf16>
        %parallel_loop3A_481 = arith.addf %parallel_loop3A_476, %parallel_loop3A_480 : vector<32xbf16>
        %parallel_loop3A_482 = tpu.unpack_subelements %parallel_loop3A_481, 0 {pack_format = #tpu.pack_format<interleaved>} : vector<32xbf16> -> vector<16xf32>
        %parallel_loop3A_483 = tpu.unpack_subelements %parallel_loop3A_481, 1 {pack_format = #tpu.pack_format<interleaved>} : vector<32xbf16> -> vector<16xf32>
        %parallel_loop3A_484 = arith.addf %parallel_loop3A_482, %parallel_loop3A_483 : vector<16xf32>
        %parallel_loop3A_485 = arith.constant 16 : i32
        %parallel_loop3A_486 = arith.muli %parallel_loop3A_472, %parallel_loop3A_485 : i32
        %parallel_loop3A_487 = arith.index_cast %parallel_loop3A_486 : i32 to index
        %parallel_loop3A_488 = tpu.vector_load %arg17[%parallel_loop3A_487] {strides = array<i32>} : memref<12800xf32, #tpu.memory_space<vmem>>, vector<16xf32>,
        tpu.vector_store %arg17[%parallel_loop3A_487], %parallel_loop3A_484 {strides = array<i32>} : memref<12800xf32, #tpu.memory_space<vmem>>, vector<16xf32>,
        %parallel_loop3A_489 = arith.constant 20 : i32
        %parallel_loop3A_490 = arith.muli %parallel_loop3A_158, %parallel_loop3A_489 : i32
        %parallel_loop3A_491 = arith.constant 16 : i32
        %parallel_loop3A_492 = arith.addi %parallel_loop3A_490, %parallel_loop3A_491 : i32
        %parallel_loop3A_493 = arith.index_cast %parallel_loop3A_492 : i32 to index
        %parallel_loop3A_494 = arith.constant 0 : index
        %parallel_loop3A_495 = tpu.vector_load %arg11[%parallel_loop3A_493, %parallel_loop3A_494] {strides = array<i32>} : memref<800x64xbf16, #tpu.memory_space<vmem>>, vector<32xbf16>,
        %parallel_loop3A_496 = arith.mulf %parallel_loop3A_162, %parallel_loop3A_495 : vector<32xbf16>
        %parallel_loop3A_497 = arith.index_cast %parallel_loop3A_492 : i32 to index
        %parallel_loop3A_498 = arith.constant 32 : index
        %parallel_loop3A_499 = tpu.vector_load %arg11[%parallel_loop3A_497, %parallel_loop3A_498] {strides = array<i32>} : memref<800x64xbf16, #tpu.memory_space<vmem>>, vector<32xbf16>,
        %parallel_loop3A_500 = arith.mulf %parallel_loop3A_168, %parallel_loop3A_499 : vector<32xbf16>
        %parallel_loop3A_501 = arith.addf %parallel_loop3A_496, %parallel_loop3A_500 : vector<32xbf16>
        %parallel_loop3A_502 = tpu.unpack_subelements %parallel_loop3A_501, 0 {pack_format = #tpu.pack_format<interleaved>} : vector<32xbf16> -> vector<16xf32>
        %parallel_loop3A_503 = tpu.unpack_subelements %parallel_loop3A_501, 1 {pack_format = #tpu.pack_format<interleaved>} : vector<32xbf16> -> vector<16xf32>
        %parallel_loop3A_504 = arith.addf %parallel_loop3A_502, %parallel_loop3A_503 : vector<16xf32>
        %parallel_loop3A_505 = arith.constant 16 : i32
        %parallel_loop3A_506 = arith.muli %parallel_loop3A_492, %parallel_loop3A_505 : i32
        %parallel_loop3A_507 = arith.index_cast %parallel_loop3A_506 : i32 to index
        %parallel_loop3A_508 = tpu.vector_load %arg17[%parallel_loop3A_507] {strides = array<i32>} : memref<12800xf32, #tpu.memory_space<vmem>>, vector<16xf32>,
        tpu.vector_store %arg17[%parallel_loop3A_507], %parallel_loop3A_504 {strides = array<i32>} : memref<12800xf32, #tpu.memory_space<vmem>>, vector<16xf32>,
        %parallel_loop3A_509 = arith.constant 20 : i32
        %parallel_loop3A_510 = arith.muli %parallel_loop3A_158, %parallel_loop3A_509 : i32
        %parallel_loop3A_511 = arith.constant 17 : i32
        %parallel_loop3A_512 = arith.addi %parallel_loop3A_510, %parallel_loop3A_511 : i32
        %parallel_loop3A_513 = arith.index_cast %parallel_loop3A_512 : i32 to index
        %parallel_loop3A_514 = arith.constant 0 : index
        %parallel_loop3A_515 = tpu.vector_load %arg11[%parallel_loop3A_513, %parallel_loop3A_514] {strides = array<i32>} : memref<800x64xbf16, #tpu.memory_space<vmem>>, vector<32xbf16>,
        %parallel_loop3A_516 = arith.mulf %parallel_loop3A_162, %parallel_loop3A_515 : vector<32xbf16>
        %parallel_loop3A_517 = arith.index_cast %parallel_loop3A_512 : i32 to index
        %parallel_loop3A_518 = arith.constant 32 : index
        %parallel_loop3A_519 = tpu.vector_load %arg11[%parallel_loop3A_517, %parallel_loop3A_518] {strides = array<i32>} : memref<800x64xbf16, #tpu.memory_space<vmem>>, vector<32xbf16>,
        %parallel_loop3A_520 = arith.mulf %parallel_loop3A_168, %parallel_loop3A_519 : vector<32xbf16>
        %parallel_loop3A_521 = arith.addf %parallel_loop3A_516, %parallel_loop3A_520 : vector<32xbf16>
        %parallel_loop3A_522 = tpu.unpack_subelements %parallel_loop3A_521, 0 {pack_format = #tpu.pack_format<interleaved>} : vector<32xbf16> -> vector<16xf32>
        %parallel_loop3A_523 = tpu.unpack_subelements %parallel_loop3A_521, 1 {pack_format = #tpu.pack_format<interleaved>} : vector<32xbf16> -> vector<16xf32>
        %parallel_loop3A_524 = arith.addf %parallel_loop3A_522, %parallel_loop3A_523 : vector<16xf32>
        %parallel_loop3A_525 = arith.constant 16 : i32
        %parallel_loop3A_526 = arith.muli %parallel_loop3A_512, %parallel_loop3A_525 : i32
        %parallel_loop3A_527 = arith.index_cast %parallel_loop3A_526 : i32 to index
        %parallel_loop3A_528 = tpu.vector_load %arg17[%parallel_loop3A_527] {strides = array<i32>} : memref<12800xf32, #tpu.memory_space<vmem>>, vector<16xf32>,
        tpu.vector_store %arg17[%parallel_loop3A_527], %parallel_loop3A_524 {strides = array<i32>} : memref<12800xf32, #tpu.memory_space<vmem>>, vector<16xf32>,
        %parallel_loop3A_529 = arith.constant 20 : i32
        %parallel_loop3A_530 = arith.muli %parallel_loop3A_158, %parallel_loop3A_529 : i32
        %parallel_loop3A_531 = arith.constant 18 : i32
        %parallel_loop3A_532 = arith.addi %parallel_loop3A_530, %parallel_loop3A_531 : i32
        %parallel_loop3A_533 = arith.index_cast %parallel_loop3A_532 : i32 to index
        %parallel_loop3A_534 = arith.constant 0 : index
        %parallel_loop3A_535 = tpu.vector_load %arg11[%parallel_loop3A_533, %parallel_loop3A_534] {strides = array<i32>} : memref<800x64xbf16, #tpu.memory_space<vmem>>, vector<32xbf16>,
        %parallel_loop3A_536 = arith.mulf %parallel_loop3A_162, %parallel_loop3A_535 : vector<32xbf16>
        %parallel_loop3A_537 = arith.index_cast %parallel_loop3A_532 : i32 to index
        %parallel_loop3A_538 = arith.constant 32 : index
        %parallel_loop3A_539 = tpu.vector_load %arg11[%parallel_loop3A_537, %parallel_loop3A_538] {strides = array<i32>} : memref<800x64xbf16, #tpu.memory_space<vmem>>, vector<32xbf16>,
        %parallel_loop3A_540 = arith.mulf %parallel_loop3A_168, %parallel_loop3A_539 : vector<32xbf16>
        %parallel_loop3A_541 = arith.addf %parallel_loop3A_536, %parallel_loop3A_540 : vector<32xbf16>
        %parallel_loop3A_542 = tpu.unpack_subelements %parallel_loop3A_541, 0 {pack_format = #tpu.pack_format<interleaved>} : vector<32xbf16> -> vector<16xf32>
        %parallel_loop3A_543 = tpu.unpack_subelements %parallel_loop3A_541, 1 {pack_format = #tpu.pack_format<interleaved>} : vector<32xbf16> -> vector<16xf32>
        %parallel_loop3A_544 = arith.addf %parallel_loop3A_542, %parallel_loop3A_543 : vector<16xf32>
        %parallel_loop3A_545 = arith.constant 16 : i32
        %parallel_loop3A_546 = arith.muli %parallel_loop3A_532, %parallel_loop3A_545 : i32
        %parallel_loop3A_547 = arith.index_cast %parallel_loop3A_546 : i32 to index
        %parallel_loop3A_548 = tpu.vector_load %arg17[%parallel_loop3A_547] {strides = array<i32>} : memref<12800xf32, #tpu.memory_space<vmem>>, vector<16xf32>,
        tpu.vector_store %arg17[%parallel_loop3A_547], %parallel_loop3A_544 {strides = array<i32>} : memref<12800xf32, #tpu.memory_space<vmem>>, vector<16xf32>,
        %parallel_loop3A_549 = arith.constant 20 : i32
        %parallel_loop3A_550 = arith.muli %parallel_loop3A_158, %parallel_loop3A_549 : i32
        %parallel_loop3A_551 = arith.constant 19 : i32
        %parallel_loop3A_552 = arith.addi %parallel_loop3A_550, %parallel_loop3A_551 : i32
        %parallel_loop3A_553 = arith.index_cast %parallel_loop3A_552 : i32 to index
        %parallel_loop3A_554 = arith.constant 0 : index
        %parallel_loop3A_555 = tpu.vector_load %arg11[%parallel_loop3A_553, %parallel_loop3A_554] {strides = array<i32>} : memref<800x64xbf16, #tpu.memory_space<vmem>>, vector<32xbf16>,
        %parallel_loop3A_556 = arith.mulf %parallel_loop3A_162, %parallel_loop3A_555 : vector<32xbf16>
        %parallel_loop3A_557 = arith.index_cast %parallel_loop3A_552 : i32 to index
        %parallel_loop3A_558 = arith.constant 32 : index
        %parallel_loop3A_559 = tpu.vector_load %arg11[%parallel_loop3A_557, %parallel_loop3A_558] {strides = array<i32>} : memref<800x64xbf16, #tpu.memory_space<vmem>>, vector<32xbf16>,
        %parallel_loop3A_560 = arith.mulf %parallel_loop3A_168, %parallel_loop3A_559 : vector<32xbf16>
        %parallel_loop3A_561 = arith.addf %parallel_loop3A_556, %parallel_loop3A_560 : vector<32xbf16>
        %parallel_loop3A_562 = tpu.unpack_subelements %parallel_loop3A_561, 0 {pack_format = #tpu.pack_format<interleaved>} : vector<32xbf16> -> vector<16xf32>
        %parallel_loop3A_563 = tpu.unpack_subelements %parallel_loop3A_561, 1 {pack_format = #tpu.pack_format<interleaved>} : vector<32xbf16> -> vector<16xf32>
        %parallel_loop3A_564 = arith.addf %parallel_loop3A_562, %parallel_loop3A_563 : vector<16xf32>
        %parallel_loop3A_565 = arith.constant 16 : i32
        %parallel_loop3A_566 = arith.muli %parallel_loop3A_552, %parallel_loop3A_565 : i32
        %parallel_loop3A_567 = arith.index_cast %parallel_loop3A_566 : i32 to index
        %parallel_loop3A_568 = tpu.vector_load %arg17[%parallel_loop3A_567] {strides = array<i32>} : memref<12800xf32, #tpu.memory_space<vmem>>, vector<16xf32>,
        tpu.vector_store %arg17[%parallel_loop3A_567], %parallel_loop3A_564 {strides = array<i32>} : memref<12800xf32, #tpu.memory_space<vmem>>, vector<16xf32>,
      } {sc.loop_unroll_factor = 8 : i64, sc.parallel_access}
      %parallel_loop3A_95 = arith.constant 0 : i32
      %parallel_loop3A_96 = arith.constant 50 : i32
      %parallel_loop3A_97 = arith.constant 1 : i32
      scf.for %parallel_loop3A_158 = %parallel_loop3A_95 to %parallel_loop3A_96 step %parallel_loop3A_97  : i32 {
        %parallel_loop3A_159 = arith.constant 256 : i32
        %parallel_loop3A_160 = arith.muli %parallel_loop3A_158, %parallel_loop3A_159 : i32
        %parallel_loop3A_161 = vector.broadcast %parallel_loop3A_160 : i32 to vector<16xi32>
        %parallel_loop3A_162 = arith.addi %mul3A_32, %parallel_loop3A_161 : vector<16xi32>
        %parallel_loop3A_163 = arith.constant 0 : i32
        %parallel_loop3A_164 = vector.broadcast %parallel_loop3A_163 : i32 to vector<16xi32>
        %parallel_loop3A_165 = arith.addi %parallel_loop3A_162, %parallel_loop3A_164 : vector<16xi32>
        %parallel_loop3A_166 = tpu.vector_load_idx %arg17[%parallel_loop3A_165] : memref<12800xf32, #tpu.memory_space<vmem>>[vector<16xi32>], vector<16xf32>,
        %parallel_loop3A_167 = arith.constant 1 : i32
        %parallel_loop3A_168 = vector.broadcast %parallel_loop3A_167 : i32 to vector<16xi32>
        %parallel_loop3A_169 = arith.addi %parallel_loop3A_162, %parallel_loop3A_168 : vector<16xi32>
        %parallel_loop3A_170 = tpu.vector_load_idx %arg17[%parallel_loop3A_169] : memref<12800xf32, #tpu.memory_space<vmem>>[vector<16xi32>], vector<16xf32>,
        %parallel_loop3A_171 = arith.constant 2 : i32
        %parallel_loop3A_172 = vector.broadcast %parallel_loop3A_171 : i32 to vector<16xi32>
        %parallel_loop3A_173 = arith.addi %parallel_loop3A_162, %parallel_loop3A_172 : vector<16xi32>
        %parallel_loop3A_174 = tpu.vector_load_idx %arg17[%parallel_loop3A_173] : memref<12800xf32, #tpu.memory_space<vmem>>[vector<16xi32>], vector<16xf32>,
        %parallel_loop3A_175 = arith.constant 3 : i32
        %parallel_loop3A_176 = vector.broadcast %parallel_loop3A_175 : i32 to vector<16xi32>
        %parallel_loop3A_177 = arith.addi %parallel_loop3A_162, %parallel_loop3A_176 : vector<16xi32>
        %parallel_loop3A_178 = tpu.vector_load_idx %arg17[%parallel_loop3A_177] : memref<12800xf32, #tpu.memory_space<vmem>>[vector<16xi32>], vector<16xf32>,
        %parallel_loop3A_179 = arith.constant 4 : i32
        %parallel_loop3A_180 = vector.broadcast %parallel_loop3A_179 : i32 to vector<16xi32>
        %parallel_loop3A_181 = arith.addi %parallel_loop3A_162, %parallel_loop3A_180 : vector<16xi32>
        %parallel_loop3A_182 = tpu.vector_load_idx %arg17[%parallel_loop3A_181] : memref<12800xf32, #tpu.memory_space<vmem>>[vector<16xi32>], vector<16xf32>,
        %parallel_loop3A_183 = arith.constant 5 : i32
        %parallel_loop3A_184 = vector.broadcast %parallel_loop3A_183 : i32 to vector<16xi32>
        %parallel_loop3A_185 = arith.addi %parallel_loop3A_162, %parallel_loop3A_184 : vector<16xi32>
        %parallel_loop3A_186 = tpu.vector_load_idx %arg17[%parallel_loop3A_185] : memref<12800xf32, #tpu.memory_space<vmem>>[vector<16xi32>], vector<16xf32>,
        %parallel_loop3A_187 = arith.constant 6 : i32
        %parallel_loop3A_188 = vector.broadcast %parallel_loop3A_187 : i32 to vector<16xi32>
        %parallel_loop3A_189 = arith.addi %parallel_loop3A_162, %parallel_loop3A_188 : vector<16xi32>
        %parallel_loop3A_190 = tpu.vector_load_idx %arg17[%parallel_loop3A_189] : memref<12800xf32, #tpu.memory_space<vmem>>[vector<16xi32>], vector<16xf32>,
        %parallel_loop3A_191 = arith.constant 7 : i32
        %parallel_loop3A_192 = vector.broadcast %parallel_loop3A_191 : i32 to vector<16xi32>
        %parallel_loop3A_193 = arith.addi %parallel_loop3A_162, %parallel_loop3A_192 : vector<16xi32>
        %parallel_loop3A_194 = tpu.vector_load_idx %arg17[%parallel_loop3A_193] : memref<12800xf32, #tpu.memory_space<vmem>>[vector<16xi32>], vector<16xf32>,
        %parallel_loop3A_195 = arith.constant 8 : i32
        %parallel_loop3A_196 = vector.broadcast %parallel_loop3A_195 : i32 to vector<16xi32>
        %parallel_loop3A_197 = arith.addi %parallel_loop3A_162, %parallel_loop3A_196 : vector<16xi32>
        %parallel_loop3A_198 = tpu.vector_load_idx %arg17[%parallel_loop3A_197] : memref<12800xf32, #tpu.memory_space<vmem>>[vector<16xi32>], vector<16xf32>,
        %parallel_loop3A_199 = arith.constant 9 : i32
        %parallel_loop3A_200 = vector.broadcast %parallel_loop3A_199 : i32 to vector<16xi32>
        %parallel_loop3A_201 = arith.addi %parallel_loop3A_162, %parallel_loop3A_200 : vector<16xi32>
        %parallel_loop3A_202 = tpu.vector_load_idx %arg17[%parallel_loop3A_201] : memref<12800xf32, #tpu.memory_space<vmem>>[vector<16xi32>], vector<16xf32>,
        %parallel_loop3A_203 = arith.constant 10 : i32
        %parallel_loop3A_204 = vector.broadcast %parallel_loop3A_203 : i32 to vector<16xi32>
        %parallel_loop3A_205 = arith.addi %parallel_loop3A_162, %parallel_loop3A_204 : vector<16xi32>
        %parallel_loop3A_206 = tpu.vector_load_idx %arg17[%parallel_loop3A_205] : memref<12800xf32, #tpu.memory_space<vmem>>[vector<16xi32>], vector<16xf32>,
        %parallel_loop3A_207 = arith.constant 11 : i32
        %parallel_loop3A_208 = vector.broadcast %parallel_loop3A_207 : i32 to vector<16xi32>
        %parallel_loop3A_209 = arith.addi %parallel_loop3A_162, %parallel_loop3A_208 : vector<16xi32>
        %parallel_loop3A_210 = tpu.vector_load_idx %arg17[%parallel_loop3A_209] : memref<12800xf32, #tpu.memory_space<vmem>>[vector<16xi32>], vector<16xf32>,
        %parallel_loop3A_211 = arith.constant 12 : i32
        %parallel_loop3A_212 = vector.broadcast %parallel_loop3A_211 : i32 to vector<16xi32>
        %parallel_loop3A_213 = arith.addi %parallel_loop3A_162, %parallel_loop3A_212 : vector<16xi32>
        %parallel_loop3A_214 = tpu.vector_load_idx %arg17[%parallel_loop3A_213] : memref<12800xf32, #tpu.memory_space<vmem>>[vector<16xi32>], vector<16xf32>,
        %parallel_loop3A_215 = arith.constant 13 : i32
        %parallel_loop3A_216 = vector.broadcast %parallel_loop3A_215 : i32 to vector<16xi32>
        %parallel_loop3A_217 = arith.addi %parallel_loop3A_162, %parallel_loop3A_216 : vector<16xi32>
        %parallel_loop3A_218 = tpu.vector_load_idx %arg17[%parallel_loop3A_217] : memref<12800xf32, #tpu.memory_space<vmem>>[vector<16xi32>], vector<16xf32>,
        %parallel_loop3A_219 = arith.constant 14 : i32
        %parallel_loop3A_220 = vector.broadcast %parallel_loop3A_219 : i32 to vector<16xi32>
        %parallel_loop3A_221 = arith.addi %parallel_loop3A_162, %parallel_loop3A_220 : vector<16xi32>
        %parallel_loop3A_222 = tpu.vector_load_idx %arg17[%parallel_loop3A_221] : memref<12800xf32, #tpu.memory_space<vmem>>[vector<16xi32>], vector<16xf32>,
        %parallel_loop3A_223 = arith.constant 15 : i32
        %parallel_loop3A_224 = vector.broadcast %parallel_loop3A_223 : i32 to vector<16xi32>
        %parallel_loop3A_225 = arith.addi %parallel_loop3A_162, %parallel_loop3A_224 : vector<16xi32>
        %parallel_loop3A_226 = tpu.vector_load_idx %arg17[%parallel_loop3A_225] : memref<12800xf32, #tpu.memory_space<vmem>>[vector<16xi32>], vector<16xf32>,
        %parallel_loop3A_227 = arith.addf %parallel_loop3A_166, %parallel_loop3A_170 : vector<16xf32>
        %parallel_loop3A_228 = arith.addf %parallel_loop3A_174, %parallel_loop3A_178 : vector<16xf32>
        %parallel_loop3A_229 = arith.addf %parallel_loop3A_182, %parallel_loop3A_186 : vector<16xf32>
        %parallel_loop3A_230 = arith.addf %parallel_loop3A_190, %parallel_loop3A_194 : vector<16xf32>
        %parallel_loop3A_231 = arith.addf %parallel_loop3A_198, %parallel_loop3A_202 : vector<16xf32>
        %parallel_loop3A_232 = arith.addf %parallel_loop3A_206, %parallel_loop3A_210 : vector<16xf32>
        %parallel_loop3A_233 = arith.addf %parallel_loop3A_214, %parallel_loop3A_218 : vector<16xf32>
        %parallel_loop3A_234 = arith.addf %parallel_loop3A_222, %parallel_loop3A_226 : vector<16xf32>
        %parallel_loop3A_235 = arith.addf %parallel_loop3A_227, %parallel_loop3A_228 : vector<16xf32>
        %parallel_loop3A_236 = arith.addf %parallel_loop3A_229, %parallel_loop3A_230 : vector<16xf32>
        %parallel_loop3A_237 = arith.addf %parallel_loop3A_231, %parallel_loop3A_232 : vector<16xf32>
        %parallel_loop3A_238 = arith.addf %parallel_loop3A_233, %parallel_loop3A_234 : vector<16xf32>
        %parallel_loop3A_239 = arith.addf %parallel_loop3A_235, %parallel_loop3A_236 : vector<16xf32>
        %parallel_loop3A_240 = arith.addf %parallel_loop3A_237, %parallel_loop3A_238 : vector<16xf32>
        %parallel_loop3A_241 = arith.addf %parallel_loop3A_239, %parallel_loop3A_240 : vector<16xf32>
        %parallel_loop3A_242 = arith.constant 16 : i32
        %parallel_loop3A_243 = arith.muli %parallel_loop3A_158, %parallel_loop3A_242 : i32
        %parallel_loop3A_244 = arith.index_cast %parallel_loop3A_243 : i32 to index
        %parallel_loop3A_245 = tpu.vector_load %arg7[%parallel_loop3A_244] {strides = array<i32>} : memref<800xf32, #tpu.memory_space<vmem>>, vector<16xf32>,
        %parallel_loop3A_246 = arith.addf %parallel_loop3A_241, %parallel_loop3A_245 : vector<16xf32>
        %parallel_loop3A_247 = arith.constant 0.000000e+00 : f32
        %parallel_loop3A_248 = vector.broadcast %parallel_loop3A_247 : f32 to vector<16xf32>
        %parallel_loop3A_249 = arith.maximumf %parallel_loop3A_246, %parallel_loop3A_248 : vector<16xf32>
        %parallel_loop3A_250 = arith.index_cast %parallel_loop3A_243 : i32 to index
        %parallel_loop3A_251 = tpu.vector_load %arg15[%parallel_loop3A_250] {strides = array<i32>} : memref<800xf32, #tpu.memory_space<vmem>>, vector<16xf32>,
        tpu.vector_store %arg15[%parallel_loop3A_250], %parallel_loop3A_249 {strides = array<i32>} : memref<800xf32, #tpu.memory_space<vmem>>, vector<16xf32>,
      } {sc.loop_unroll_factor = 2 : i64, sc.parallel_access}
      %mul3A_98 = arith.constant 20 : i32
      %mul3A_99 = arith.muli %add3A_56, %mul3A_98 : i32
      %dma_start3A_100 = tpu.memref_slice %arg6[%mul3A_99] : memref<1024000xf32, #tpu.memory_space<hbm>> -> memref<800xf32, #tpu.memory_space<hbm>>
      %dma_start3A_101 = tpu.memref_slice %arg6[%mul3A_99] : memref<1024000xf32, #tpu.memory_space<hbm>> -> memref<800xf32, #tpu.memory_space<hbm>>
      tpu.enqueue_dma source(%arg15 : memref<800xf32, #tpu.memory_space<vmem>>) target(%dma_start3A_101 : memref<800xf32, #tpu.memory_space<hbm>>) target_semaphore(%arg24 : memref<!tpu.dma_semaphore, #tpu.memory_space<semaphore_mem>>)
      %lt3A_102 = arith.constant 19 : i32
      %lt3A_103 = arith.cmpi slt, %scan3A_49, %lt3A_102 : i32
      %convert_element_type3A_104 = arith.extui %lt3A_103 : i1 to i32
      %cond3A_105 = arith.constant 0 : i32
      %cond3A_106 = arith.cmpi ne, %convert_element_type3A_104, %cond3A_105 : i32
      scf.if %cond3A_106 {
        %add3A_158 = arith.constant 80 : i32
        %add3A_159 = arith.addi %add3A_56, %add3A_158 : i32
        %mul3A_160 = arith.constant 64 : i32
        %mul3A_161 = arith.muli %add3A_159, %mul3A_160 : i32
        %dma_start3A_162 = tpu.memref_slice %arg2[%mul3A_161] : memref<3276800xbf16, #tpu.memory_space<hbm>> -> memref<2560xbf16, #tpu.memory_space<hbm>>
        %dma_start3A_163 = tpu.memref_slice %arg2[%mul3A_161] : memref<3276800xbf16, #tpu.memory_space<hbm>> -> memref<2560xbf16, #tpu.memory_space<hbm>>
        tpu.enqueue_dma source(%dma_start3A_163 : memref<2560xbf16, #tpu.memory_space<hbm>>) target(%arg13 : memref<2560xbf16, #tpu.memory_space<vmem>>) target_semaphore(%arg22 : memref<!tpu.dma_semaphore, #tpu.memory_space<semaphore_mem>>)
      } else {
      }
      %mul3A_107 = arith.constant 2 : i32
      %mul3A_108 = arith.muli %mul3A_107, %scan3A_49 : i32
      %add3A_109 = arith.constant 1 : i32
      %add3A_110 = arith.addi %mul3A_108, %add3A_109 : i32
      %mul3A_111 = arith.constant 40 : i32
      %mul3A_112 = arith.muli %add3A_110, %mul3A_111 : i32
      %add3A_113 = arith.addi %mul3A_2, %mul3A_112 : i32
      %lt3A_114 = arith.constant 19 : i32
      %lt3A_115 = arith.cmpi slt, %scan3A_49, %lt3A_114 : i32
      %convert_element_type3A_116 = arith.extui %lt3A_115 : i1 to i32
      %cond3A_117 = arith.constant 0 : i32
      %cond3A_118 = arith.cmpi ne, %convert_element_type3A_116, %cond3A_117 : i32
      scf.if %cond3A_118 {
        %add3A_158 = arith.constant 40 : i32
        %add3A_159 = arith.addi %add3A_113, %add3A_158 : i32
        %mul3A_160 = arith.constant 20 : i32
        %mul3A_161 = arith.muli %add3A_159, %mul3A_160 : i32
        %dma_wait3A_162 = tpu.memref_slice %arg3[%mul3A_161] : memref<1024000xi32, #tpu.memory_space<hbm>> -> memref<800xi32, #tpu.memory_space<hbm>>
        %dma_wait3A_163 = tpu.memref_slice %arg3[%mul3A_161] : memref<1024000xi32, #tpu.memory_space<hbm>> -> memref<800xi32, #tpu.memory_space<hbm>>
        tpu.wait_dma2 semaphore(%arg20 : memref<!tpu.dma_semaphore, #tpu.memory_space<semaphore_mem>>) src(%dma_wait3A_163 : memref<800xi32, #tpu.memory_space<hbm>>) dst(%arg9 : memref<800xi32, #tpu.memory_space<vmem>>)
        %dma_start3A_164 = arith.constant 0 : i32
        %dma_start3A_165 = arith.constant 0 : i32
        %dma_start3A_166 = tpu.memref_slice %arg11[%dma_start3A_164, %dma_start3A_165] : memref<800x64xbf16, #tpu.memory_space<vmem>> -> memref<800x64xbf16, #tpu.memory_space<vmem>>
        %dma_start3A_167 = arith.constant 0 : i32
        %dma_start3A_168 = tpu.memref_slice %arg9[%dma_start3A_167] : memref<800xi32, #tpu.memory_space<vmem>> -> memref<800xi32, #tpu.memory_space<vmem>>
        %dma_start3A_169 = arith.constant 0 : i32
        %dma_start3A_170 = arith.constant 0 : i32
        %dma_start3A_171 = tpu.memref_slice %arg4[%dma_start3A_169, %dma_start3A_170] : memref<100000x64xbf16, #tpu.memory_space<hbm>> -> memref<100000x64xbf16, #tpu.memory_space<hbm>>
        tpu.enqueue_indirect_dma source(%dma_start3A_171 : memref<100000x64xbf16, #tpu.memory_space<hbm>>) target(%dma_start3A_166 : memref<800x64xbf16, #tpu.memory_space<vmem>>) offsets(%dma_start3A_168 : memref<800xi32, #tpu.memory_space<vmem>>) semaphore(%arg18 : memref<!tpu.dma_semaphore, #tpu.memory_space<semaphore_mem>>)
        %dma_start3A_172 = arith.constant 0 : i32
        %dma_start3A_173 = tpu.memref_slice %arg5[%dma_start3A_172] : memref<100000xf32, #tpu.memory_space<hbm>> -> memref<100000xf32, #tpu.memory_space<hbm>>
        tpu.enqueue_indirect_dma source(%dma_start3A_173 : memref<100000xf32, #tpu.memory_space<hbm>>) target(%arg7 : memref<800xf32, #tpu.memory_space<vmem>>) offsets(%arg9 : memref<800xi32, #tpu.memory_space<vmem>>) semaphore(%arg18 : memref<!tpu.dma_semaphore, #tpu.memory_space<semaphore_mem>>)
      } else {
      }
      %dma_wait3A_119 = arith.constant 0 : i32
      %dma_wait3A_120 = arith.constant 0 : i32
      %dma_wait3A_121 = tpu.memref_slice %arg12[%dma_wait3A_119, %dma_wait3A_120] : memref<800x64xbf16, #tpu.memory_space<vmem>> -> memref<800x64xbf16, #tpu.memory_space<vmem>>
      %dma_wait3A_122 = arith.constant 0 : i32
      %dma_wait3A_123 = tpu.memref_slice %arg10[%dma_wait3A_122] : memref<800xi32, #tpu.memory_space<vmem>> -> memref<800xi32, #tpu.memory_space<vmem>>
      %dma_wait3A_124 = arith.constant 0 : i32
      %dma_wait3A_125 = arith.constant 0 : i32
      %dma_wait3A_126 = tpu.memref_slice %arg4[%dma_wait3A_124, %dma_wait3A_125] : memref<100000x64xbf16, #tpu.memory_space<hbm>> -> memref<100000x64xbf16, #tpu.memory_space<hbm>>
      tpu.wait_indirect_dma semaphore(%arg19 : memref<!tpu.dma_semaphore, #tpu.memory_space<semaphore_mem>>) src(%dma_wait3A_126 : memref<100000x64xbf16, #tpu.memory_space<hbm>>) dst(%dma_wait3A_121 : memref<800x64xbf16, #tpu.memory_space<vmem>>)
      %dma_wait3A_127 = arith.constant 0 : i32
      %dma_wait3A_128 = tpu.memref_slice %arg5[%dma_wait3A_127] : memref<100000xf32, #tpu.memory_space<hbm>> -> memref<100000xf32, #tpu.memory_space<hbm>>
      tpu.wait_indirect_dma semaphore(%arg19 : memref<!tpu.dma_semaphore, #tpu.memory_space<semaphore_mem>>) src(%dma_wait3A_128 : memref<100000xf32, #tpu.memory_space<hbm>>) dst(%arg8 : memref<800xf32, #tpu.memory_space<vmem>>)
      %lt3A_129 = arith.constant 19 : i32
      %lt3A_130 = arith.cmpi slt, %scan3A_49, %lt3A_129 : i32
      %convert_element_type3A_131 = arith.extui %lt3A_130 : i1 to i32
      %cond3A_132 = arith.constant 0 : i32
      %cond3A_133 = arith.cmpi ne, %convert_element_type3A_131, %cond3A_132 : i32
      scf.if %cond3A_133 {
        %add3A_158 = arith.constant 80 : i32
        %add3A_159 = arith.addi %add3A_113, %add3A_158 : i32
        %mul3A_160 = arith.constant 20 : i32
        %mul3A_161 = arith.muli %add3A_159, %mul3A_160 : i32
        %dma_start3A_162 = tpu.memref_slice %arg3[%mul3A_161] : memref<1024000xi32, #tpu.memory_space<hbm>> -> memref<800xi32, #tpu.memory_space<hbm>>
        %dma_start3A_163 = tpu.memref_slice %arg3[%mul3A_161] : memref<1024000xi32, #tpu.memory_space<hbm>> -> memref<800xi32, #tpu.memory_space<hbm>>
        tpu.enqueue_dma source(%dma_start3A_163 : memref<800xi32, #tpu.memory_space<hbm>>) target(%arg10 : memref<800xi32, #tpu.memory_space<vmem>>) target_semaphore(%arg21 : memref<!tpu.dma_semaphore, #tpu.memory_space<semaphore_mem>>)
      } else {
      }
      %gt3A_134 = arith.constant 0 : i32
      %gt3A_135 = arith.cmpi sgt, %scan3A_49, %gt3A_134 : i32
      %convert_element_type3A_136 = arith.extui %gt3A_135 : i1 to i32
      %cond3A_137 = arith.constant 0 : i32
      %cond3A_138 = arith.cmpi ne, %convert_element_type3A_136, %cond3A_137 : i32
      scf.if %cond3A_138 {
        %sub3A = arith.constant 80 : i32
        %sub3A_158 = arith.subi %add3A_113, %sub3A : i32
        %mul3A_159 = arith.constant 20 : i32
        %mul3A_160 = arith.muli %sub3A_158, %mul3A_159 : i32
        %dma_wait3A_161 = tpu.memref_slice %arg6[%mul3A_160] : memref<1024000xf32, #tpu.memory_space<hbm>> -> memref<800xf32, #tpu.memory_space<hbm>>
        %dma_wait3A_162 = tpu.memref_slice %arg6[%mul3A_160] : memref<1024000xf32, #tpu.memory_space<hbm>> -> memref<800xf32, #tpu.memory_space<hbm>>
        tpu.wait_dma2 semaphore(%arg25 : memref<!tpu.dma_semaphore, #tpu.memory_space<semaphore_mem>>) src(%arg16 : memref<800xf32, #tpu.memory_space<vmem>>) dst(%dma_wait3A_162 : memref<800xf32, #tpu.memory_space<hbm>>)
      } else {
      }
      %mul3A_139 = arith.constant 64 : i32
      %mul3A_140 = arith.muli %add3A_113, %mul3A_139 : i32
      %dma_wait3A_141 = tpu.memref_slice %arg2[%mul3A_140] : memref<3276800xbf16, #tpu.memory_space<hbm>> -> memref<2560xbf16, #tpu.memory_space<hbm>>
      %dma_wait3A_142 = tpu.memref_slice %arg2[%mul3A_140] : memref<3276800xbf16, #tpu.memory_space<hbm>> -> memref<2560xbf16, #tpu.memory_space<hbm>>
      tpu.wait_dma2 semaphore(%arg23 : memref<!tpu.dma_semaphore, #tpu.memory_space<semaphore_mem>>) src(%dma_wait3A_142 : memref<2560xbf16, #tpu.memory_space<hbm>>) dst(%arg14 : memref<2560xbf16, #tpu.memory_space<vmem>>)
      %parallel_loop3A_143 = arith.constant 0 : i32
      %parallel_loop3A_144 = arith.constant 40 : i32
      %parallel_loop3A_145 = arith.constant 1 : i32
      scf.for %parallel_loop3A_158 = %parallel_loop3A_143 to %parallel_loop3A_144 step %parallel_loop3A_145  : i32 {
        %parallel_loop3A_159 = arith.constant 64 : i32
        %parallel_loop3A_160 = arith.muli %parallel_loop3A_158, %parallel_loop3A_159 : i32
        %parallel_loop3A_161 = arith.index_cast %parallel_loop3A_160 : i32 to index
        %parallel_loop3A_162 = tpu.vector_load %arg14[%parallel_loop3A_161] {strides = array<i32>} : memref<2560xbf16, #tpu.memory_space<vmem>>, vector<32xbf16>,
        %parallel_loop3A_163 = arith.constant 64 : i32
        %parallel_loop3A_164 = arith.muli %parallel_loop3A_158, %parallel_loop3A_163 : i32
        %parallel_loop3A_165 = arith.constant 32 : i32
        %parallel_loop3A_166 = arith.addi %parallel_loop3A_164, %parallel_loop3A_165 : i32
        %parallel_loop3A_167 = arith.index_cast %parallel_loop3A_166 : i32 to index
        %parallel_loop3A_168 = tpu.vector_load %arg14[%parallel_loop3A_167] {strides = array<i32>} : memref<2560xbf16, #tpu.memory_space<vmem>>, vector<32xbf16>,
        %parallel_loop3A_169 = arith.constant 20 : i32
        %parallel_loop3A_170 = arith.muli %parallel_loop3A_158, %parallel_loop3A_169 : i32
        %parallel_loop3A_171 = arith.constant 0 : i32
        %parallel_loop3A_172 = arith.addi %parallel_loop3A_170, %parallel_loop3A_171 : i32
        %parallel_loop3A_173 = arith.index_cast %parallel_loop3A_172 : i32 to index
        %parallel_loop3A_174 = arith.constant 0 : index
        %parallel_loop3A_175 = tpu.vector_load %arg12[%parallel_loop3A_173, %parallel_loop3A_174] {strides = array<i32>} : memref<800x64xbf16, #tpu.memory_space<vmem>>, vector<32xbf16>,
        %parallel_loop3A_176 = arith.mulf %parallel_loop3A_162, %parallel_loop3A_175 : vector<32xbf16>
        %parallel_loop3A_177 = arith.index_cast %parallel_loop3A_172 : i32 to index
        %parallel_loop3A_178 = arith.constant 32 : index
        %parallel_loop3A_179 = tpu.vector_load %arg12[%parallel_loop3A_177, %parallel_loop3A_178] {strides = array<i32>} : memref<800x64xbf16, #tpu.memory_space<vmem>>, vector<32xbf16>,
        %parallel_loop3A_180 = arith.mulf %parallel_loop3A_168, %parallel_loop3A_179 : vector<32xbf16>
        %parallel_loop3A_181 = arith.addf %parallel_loop3A_176, %parallel_loop3A_180 : vector<32xbf16>
        %parallel_loop3A_182 = tpu.unpack_subelements %parallel_loop3A_181, 0 {pack_format = #tpu.pack_format<interleaved>} : vector<32xbf16> -> vector<16xf32>
        %parallel_loop3A_183 = tpu.unpack_subelements %parallel_loop3A_181, 1 {pack_format = #tpu.pack_format<interleaved>} : vector<32xbf16> -> vector<16xf32>
        %parallel_loop3A_184 = arith.addf %parallel_loop3A_182, %parallel_loop3A_183 : vector<16xf32>
        %parallel_loop3A_185 = arith.constant 16 : i32
        %parallel_loop3A_186 = arith.muli %parallel_loop3A_172, %parallel_loop3A_185 : i32
        %parallel_loop3A_187 = arith.index_cast %parallel_loop3A_186 : i32 to index
        %parallel_loop3A_188 = tpu.vector_load %arg17[%parallel_loop3A_187] {strides = array<i32>} : memref<12800xf32, #tpu.memory_space<vmem>>, vector<16xf32>,
        tpu.vector_store %arg17[%parallel_loop3A_187], %parallel_loop3A_184 {strides = array<i32>} : memref<12800xf32, #tpu.memory_space<vmem>>, vector<16xf32>,
        %parallel_loop3A_189 = arith.constant 20 : i32
        %parallel_loop3A_190 = arith.muli %parallel_loop3A_158, %parallel_loop3A_189 : i32
        %parallel_loop3A_191 = arith.constant 1 : i32
        %parallel_loop3A_192 = arith.addi %parallel_loop3A_190, %parallel_loop3A_191 : i32
        %parallel_loop3A_193 = arith.index_cast %parallel_loop3A_192 : i32 to index
        %parallel_loop3A_194 = arith.constant 0 : index
        %parallel_loop3A_195 = tpu.vector_load %arg12[%parallel_loop3A_193, %parallel_loop3A_194] {strides = array<i32>} : memref<800x64xbf16, #tpu.memory_space<vmem>>, vector<32xbf16>,
        %parallel_loop3A_196 = arith.mulf %parallel_loop3A_162, %parallel_loop3A_195 : vector<32xbf16>
        %parallel_loop3A_197 = arith.index_cast %parallel_loop3A_192 : i32 to index
        %parallel_loop3A_198 = arith.constant 32 : index
        %parallel_loop3A_199 = tpu.vector_load %arg12[%parallel_loop3A_197, %parallel_loop3A_198] {strides = array<i32>} : memref<800x64xbf16, #tpu.memory_space<vmem>>, vector<32xbf16>,
        %parallel_loop3A_200 = arith.mulf %parallel_loop3A_168, %parallel_loop3A_199 : vector<32xbf16>
        %parallel_loop3A_201 = arith.addf %parallel_loop3A_196, %parallel_loop3A_200 : vector<32xbf16>
        %parallel_loop3A_202 = tpu.unpack_subelements %parallel_loop3A_201, 0 {pack_format = #tpu.pack_format<interleaved>} : vector<32xbf16> -> vector<16xf32>
        %parallel_loop3A_203 = tpu.unpack_subelements %parallel_loop3A_201, 1 {pack_format = #tpu.pack_format<interleaved>} : vector<32xbf16> -> vector<16xf32>
        %parallel_loop3A_204 = arith.addf %parallel_loop3A_202, %parallel_loop3A_203 : vector<16xf32>
        %parallel_loop3A_205 = arith.constant 16 : i32
        %parallel_loop3A_206 = arith.muli %parallel_loop3A_192, %parallel_loop3A_205 : i32
        %parallel_loop3A_207 = arith.index_cast %parallel_loop3A_206 : i32 to index
        %parallel_loop3A_208 = tpu.vector_load %arg17[%parallel_loop3A_207] {strides = array<i32>} : memref<12800xf32, #tpu.memory_space<vmem>>, vector<16xf32>,
        tpu.vector_store %arg17[%parallel_loop3A_207], %parallel_loop3A_204 {strides = array<i32>} : memref<12800xf32, #tpu.memory_space<vmem>>, vector<16xf32>,
        %parallel_loop3A_209 = arith.constant 20 : i32
        %parallel_loop3A_210 = arith.muli %parallel_loop3A_158, %parallel_loop3A_209 : i32
        %parallel_loop3A_211 = arith.constant 2 : i32
        %parallel_loop3A_212 = arith.addi %parallel_loop3A_210, %parallel_loop3A_211 : i32
        %parallel_loop3A_213 = arith.index_cast %parallel_loop3A_212 : i32 to index
        %parallel_loop3A_214 = arith.constant 0 : index
        %parallel_loop3A_215 = tpu.vector_load %arg12[%parallel_loop3A_213, %parallel_loop3A_214] {strides = array<i32>} : memref<800x64xbf16, #tpu.memory_space<vmem>>, vector<32xbf16>,
        %parallel_loop3A_216 = arith.mulf %parallel_loop3A_162, %parallel_loop3A_215 : vector<32xbf16>
        %parallel_loop3A_217 = arith.index_cast %parallel_loop3A_212 : i32 to index
        %parallel_loop3A_218 = arith.constant 32 : index
        %parallel_loop3A_219 = tpu.vector_load %arg12[%parallel_loop3A_217, %parallel_loop3A_218] {strides = array<i32>} : memref<800x64xbf16, #tpu.memory_space<vmem>>, vector<32xbf16>,
        %parallel_loop3A_220 = arith.mulf %parallel_loop3A_168, %parallel_loop3A_219 : vector<32xbf16>
        %parallel_loop3A_221 = arith.addf %parallel_loop3A_216, %parallel_loop3A_220 : vector<32xbf16>
        %parallel_loop3A_222 = tpu.unpack_subelements %parallel_loop3A_221, 0 {pack_format = #tpu.pack_format<interleaved>} : vector<32xbf16> -> vector<16xf32>
        %parallel_loop3A_223 = tpu.unpack_subelements %parallel_loop3A_221, 1 {pack_format = #tpu.pack_format<interleaved>} : vector<32xbf16> -> vector<16xf32>
        %parallel_loop3A_224 = arith.addf %parallel_loop3A_222, %parallel_loop3A_223 : vector<16xf32>
        %parallel_loop3A_225 = arith.constant 16 : i32
        %parallel_loop3A_226 = arith.muli %parallel_loop3A_212, %parallel_loop3A_225 : i32
        %parallel_loop3A_227 = arith.index_cast %parallel_loop3A_226 : i32 to index
        %parallel_loop3A_228 = tpu.vector_load %arg17[%parallel_loop3A_227] {strides = array<i32>} : memref<12800xf32, #tpu.memory_space<vmem>>, vector<16xf32>,
        tpu.vector_store %arg17[%parallel_loop3A_227], %parallel_loop3A_224 {strides = array<i32>} : memref<12800xf32, #tpu.memory_space<vmem>>, vector<16xf32>,
        %parallel_loop3A_229 = arith.constant 20 : i32
        %parallel_loop3A_230 = arith.muli %parallel_loop3A_158, %parallel_loop3A_229 : i32
        %parallel_loop3A_231 = arith.constant 3 : i32
        %parallel_loop3A_232 = arith.addi %parallel_loop3A_230, %parallel_loop3A_231 : i32
        %parallel_loop3A_233 = arith.index_cast %parallel_loop3A_232 : i32 to index
        %parallel_loop3A_234 = arith.constant 0 : index
        %parallel_loop3A_235 = tpu.vector_load %arg12[%parallel_loop3A_233, %parallel_loop3A_234] {strides = array<i32>} : memref<800x64xbf16, #tpu.memory_space<vmem>>, vector<32xbf16>,
        %parallel_loop3A_236 = arith.mulf %parallel_loop3A_162, %parallel_loop3A_235 : vector<32xbf16>
        %parallel_loop3A_237 = arith.index_cast %parallel_loop3A_232 : i32 to index
        %parallel_loop3A_238 = arith.constant 32 : index
        %parallel_loop3A_239 = tpu.vector_load %arg12[%parallel_loop3A_237, %parallel_loop3A_238] {strides = array<i32>} : memref<800x64xbf16, #tpu.memory_space<vmem>>, vector<32xbf16>,
        %parallel_loop3A_240 = arith.mulf %parallel_loop3A_168, %parallel_loop3A_239 : vector<32xbf16>
        %parallel_loop3A_241 = arith.addf %parallel_loop3A_236, %parallel_loop3A_240 : vector<32xbf16>
        %parallel_loop3A_242 = tpu.unpack_subelements %parallel_loop3A_241, 0 {pack_format = #tpu.pack_format<interleaved>} : vector<32xbf16> -> vector<16xf32>
        %parallel_loop3A_243 = tpu.unpack_subelements %parallel_loop3A_241, 1 {pack_format = #tpu.pack_format<interleaved>} : vector<32xbf16> -> vector<16xf32>
        %parallel_loop3A_244 = arith.addf %parallel_loop3A_242, %parallel_loop3A_243 : vector<16xf32>
        %parallel_loop3A_245 = arith.constant 16 : i32
        %parallel_loop3A_246 = arith.muli %parallel_loop3A_232, %parallel_loop3A_245 : i32
        %parallel_loop3A_247 = arith.index_cast %parallel_loop3A_246 : i32 to index
        %parallel_loop3A_248 = tpu.vector_load %arg17[%parallel_loop3A_247] {strides = array<i32>} : memref<12800xf32, #tpu.memory_space<vmem>>, vector<16xf32>,
        tpu.vector_store %arg17[%parallel_loop3A_247], %parallel_loop3A_244 {strides = array<i32>} : memref<12800xf32, #tpu.memory_space<vmem>>, vector<16xf32>,
        %parallel_loop3A_249 = arith.constant 20 : i32
        %parallel_loop3A_250 = arith.muli %parallel_loop3A_158, %parallel_loop3A_249 : i32
        %parallel_loop3A_251 = arith.constant 4 : i32
        %parallel_loop3A_252 = arith.addi %parallel_loop3A_250, %parallel_loop3A_251 : i32
        %parallel_loop3A_253 = arith.index_cast %parallel_loop3A_252 : i32 to index
        %parallel_loop3A_254 = arith.constant 0 : index
        %parallel_loop3A_255 = tpu.vector_load %arg12[%parallel_loop3A_253, %parallel_loop3A_254] {strides = array<i32>} : memref<800x64xbf16, #tpu.memory_space<vmem>>, vector<32xbf16>,
        %parallel_loop3A_256 = arith.mulf %parallel_loop3A_162, %parallel_loop3A_255 : vector<32xbf16>
        %parallel_loop3A_257 = arith.index_cast %parallel_loop3A_252 : i32 to index
        %parallel_loop3A_258 = arith.constant 32 : index
        %parallel_loop3A_259 = tpu.vector_load %arg12[%parallel_loop3A_257, %parallel_loop3A_258] {strides = array<i32>} : memref<800x64xbf16, #tpu.memory_space<vmem>>, vector<32xbf16>,
        %parallel_loop3A_260 = arith.mulf %parallel_loop3A_168, %parallel_loop3A_259 : vector<32xbf16>
        %parallel_loop3A_261 = arith.addf %parallel_loop3A_256, %parallel_loop3A_260 : vector<32xbf16>
        %parallel_loop3A_262 = tpu.unpack_subelements %parallel_loop3A_261, 0 {pack_format = #tpu.pack_format<interleaved>} : vector<32xbf16> -> vector<16xf32>
        %parallel_loop3A_263 = tpu.unpack_subelements %parallel_loop3A_261, 1 {pack_format = #tpu.pack_format<interleaved>} : vector<32xbf16> -> vector<16xf32>
        %parallel_loop3A_264 = arith.addf %parallel_loop3A_262, %parallel_loop3A_263 : vector<16xf32>
        %parallel_loop3A_265 = arith.constant 16 : i32
        %parallel_loop3A_266 = arith.muli %parallel_loop3A_252, %parallel_loop3A_265 : i32
        %parallel_loop3A_267 = arith.index_cast %parallel_loop3A_266 : i32 to index
        %parallel_loop3A_268 = tpu.vector_load %arg17[%parallel_loop3A_267] {strides = array<i32>} : memref<12800xf32, #tpu.memory_space<vmem>>, vector<16xf32>,
        tpu.vector_store %arg17[%parallel_loop3A_267], %parallel_loop3A_264 {strides = array<i32>} : memref<12800xf32, #tpu.memory_space<vmem>>, vector<16xf32>,
        %parallel_loop3A_269 = arith.constant 20 : i32
        %parallel_loop3A_270 = arith.muli %parallel_loop3A_158, %parallel_loop3A_269 : i32
        %parallel_loop3A_271 = arith.constant 5 : i32
        %parallel_loop3A_272 = arith.addi %parallel_loop3A_270, %parallel_loop3A_271 : i32
        %parallel_loop3A_273 = arith.index_cast %parallel_loop3A_272 : i32 to index
        %parallel_loop3A_274 = arith.constant 0 : index
        %parallel_loop3A_275 = tpu.vector_load %arg12[%parallel_loop3A_273, %parallel_loop3A_274] {strides = array<i32>} : memref<800x64xbf16, #tpu.memory_space<vmem>>, vector<32xbf16>,
        %parallel_loop3A_276 = arith.mulf %parallel_loop3A_162, %parallel_loop3A_275 : vector<32xbf16>
        %parallel_loop3A_277 = arith.index_cast %parallel_loop3A_272 : i32 to index
        %parallel_loop3A_278 = arith.constant 32 : index
        %parallel_loop3A_279 = tpu.vector_load %arg12[%parallel_loop3A_277, %parallel_loop3A_278] {strides = array<i32>} : memref<800x64xbf16, #tpu.memory_space<vmem>>, vector<32xbf16>,
        %parallel_loop3A_280 = arith.mulf %parallel_loop3A_168, %parallel_loop3A_279 : vector<32xbf16>
        %parallel_loop3A_281 = arith.addf %parallel_loop3A_276, %parallel_loop3A_280 : vector<32xbf16>
        %parallel_loop3A_282 = tpu.unpack_subelements %parallel_loop3A_281, 0 {pack_format = #tpu.pack_format<interleaved>} : vector<32xbf16> -> vector<16xf32>
        %parallel_loop3A_283 = tpu.unpack_subelements %parallel_loop3A_281, 1 {pack_format = #tpu.pack_format<interleaved>} : vector<32xbf16> -> vector<16xf32>
        %parallel_loop3A_284 = arith.addf %parallel_loop3A_282, %parallel_loop3A_283 : vector<16xf32>
        %parallel_loop3A_285 = arith.constant 16 : i32
        %parallel_loop3A_286 = arith.muli %parallel_loop3A_272, %parallel_loop3A_285 : i32
        %parallel_loop3A_287 = arith.index_cast %parallel_loop3A_286 : i32 to index
        %parallel_loop3A_288 = tpu.vector_load %arg17[%parallel_loop3A_287] {strides = array<i32>} : memref<12800xf32, #tpu.memory_space<vmem>>, vector<16xf32>,
        tpu.vector_store %arg17[%parallel_loop3A_287], %parallel_loop3A_284 {strides = array<i32>} : memref<12800xf32, #tpu.memory_space<vmem>>, vector<16xf32>,
        %parallel_loop3A_289 = arith.constant 20 : i32
        %parallel_loop3A_290 = arith.muli %parallel_loop3A_158, %parallel_loop3A_289 : i32
        %parallel_loop3A_291 = arith.constant 6 : i32
        %parallel_loop3A_292 = arith.addi %parallel_loop3A_290, %parallel_loop3A_291 : i32
        %parallel_loop3A_293 = arith.index_cast %parallel_loop3A_292 : i32 to index
        %parallel_loop3A_294 = arith.constant 0 : index
        %parallel_loop3A_295 = tpu.vector_load %arg12[%parallel_loop3A_293, %parallel_loop3A_294] {strides = array<i32>} : memref<800x64xbf16, #tpu.memory_space<vmem>>, vector<32xbf16>,
        %parallel_loop3A_296 = arith.mulf %parallel_loop3A_162, %parallel_loop3A_295 : vector<32xbf16>
        %parallel_loop3A_297 = arith.index_cast %parallel_loop3A_292 : i32 to index
        %parallel_loop3A_298 = arith.constant 32 : index
        %parallel_loop3A_299 = tpu.vector_load %arg12[%parallel_loop3A_297, %parallel_loop3A_298] {strides = array<i32>} : memref<800x64xbf16, #tpu.memory_space<vmem>>, vector<32xbf16>,
        %parallel_loop3A_300 = arith.mulf %parallel_loop3A_168, %parallel_loop3A_299 : vector<32xbf16>
        %parallel_loop3A_301 = arith.addf %parallel_loop3A_296, %parallel_loop3A_300 : vector<32xbf16>
        %parallel_loop3A_302 = tpu.unpack_subelements %parallel_loop3A_301, 0 {pack_format = #tpu.pack_format<interleaved>} : vector<32xbf16> -> vector<16xf32>
        %parallel_loop3A_303 = tpu.unpack_subelements %parallel_loop3A_301, 1 {pack_format = #tpu.pack_format<interleaved>} : vector<32xbf16> -> vector<16xf32>
        %parallel_loop3A_304 = arith.addf %parallel_loop3A_302, %parallel_loop3A_303 : vector<16xf32>
        %parallel_loop3A_305 = arith.constant 16 : i32
        %parallel_loop3A_306 = arith.muli %parallel_loop3A_292, %parallel_loop3A_305 : i32
        %parallel_loop3A_307 = arith.index_cast %parallel_loop3A_306 : i32 to index
        %parallel_loop3A_308 = tpu.vector_load %arg17[%parallel_loop3A_307] {strides = array<i32>} : memref<12800xf32, #tpu.memory_space<vmem>>, vector<16xf32>,
        tpu.vector_store %arg17[%parallel_loop3A_307], %parallel_loop3A_304 {strides = array<i32>} : memref<12800xf32, #tpu.memory_space<vmem>>, vector<16xf32>,
        %parallel_loop3A_309 = arith.constant 20 : i32
        %parallel_loop3A_310 = arith.muli %parallel_loop3A_158, %parallel_loop3A_309 : i32
        %parallel_loop3A_311 = arith.constant 7 : i32
        %parallel_loop3A_312 = arith.addi %parallel_loop3A_310, %parallel_loop3A_311 : i32
        %parallel_loop3A_313 = arith.index_cast %parallel_loop3A_312 : i32 to index
        %parallel_loop3A_314 = arith.constant 0 : index
        %parallel_loop3A_315 = tpu.vector_load %arg12[%parallel_loop3A_313, %parallel_loop3A_314] {strides = array<i32>} : memref<800x64xbf16, #tpu.memory_space<vmem>>, vector<32xbf16>,
        %parallel_loop3A_316 = arith.mulf %parallel_loop3A_162, %parallel_loop3A_315 : vector<32xbf16>
        %parallel_loop3A_317 = arith.index_cast %parallel_loop3A_312 : i32 to index
        %parallel_loop3A_318 = arith.constant 32 : index
        %parallel_loop3A_319 = tpu.vector_load %arg12[%parallel_loop3A_317, %parallel_loop3A_318] {strides = array<i32>} : memref<800x64xbf16, #tpu.memory_space<vmem>>, vector<32xbf16>,
        %parallel_loop3A_320 = arith.mulf %parallel_loop3A_168, %parallel_loop3A_319 : vector<32xbf16>
        %parallel_loop3A_321 = arith.addf %parallel_loop3A_316, %parallel_loop3A_320 : vector<32xbf16>
        %parallel_loop3A_322 = tpu.unpack_subelements %parallel_loop3A_321, 0 {pack_format = #tpu.pack_format<interleaved>} : vector<32xbf16> -> vector<16xf32>
        %parallel_loop3A_323 = tpu.unpack_subelements %parallel_loop3A_321, 1 {pack_format = #tpu.pack_format<interleaved>} : vector<32xbf16> -> vector<16xf32>
        %parallel_loop3A_324 = arith.addf %parallel_loop3A_322, %parallel_loop3A_323 : vector<16xf32>
        %parallel_loop3A_325 = arith.constant 16 : i32
        %parallel_loop3A_326 = arith.muli %parallel_loop3A_312, %parallel_loop3A_325 : i32
        %parallel_loop3A_327 = arith.index_cast %parallel_loop3A_326 : i32 to index
        %parallel_loop3A_328 = tpu.vector_load %arg17[%parallel_loop3A_327] {strides = array<i32>} : memref<12800xf32, #tpu.memory_space<vmem>>, vector<16xf32>,
        tpu.vector_store %arg17[%parallel_loop3A_327], %parallel_loop3A_324 {strides = array<i32>} : memref<12800xf32, #tpu.memory_space<vmem>>, vector<16xf32>,
        %parallel_loop3A_329 = arith.constant 20 : i32
        %parallel_loop3A_330 = arith.muli %parallel_loop3A_158, %parallel_loop3A_329 : i32
        %parallel_loop3A_331 = arith.constant 8 : i32
        %parallel_loop3A_332 = arith.addi %parallel_loop3A_330, %parallel_loop3A_331 : i32
        %parallel_loop3A_333 = arith.index_cast %parallel_loop3A_332 : i32 to index
        %parallel_loop3A_334 = arith.constant 0 : index
        %parallel_loop3A_335 = tpu.vector_load %arg12[%parallel_loop3A_333, %parallel_loop3A_334] {strides = array<i32>} : memref<800x64xbf16, #tpu.memory_space<vmem>>, vector<32xbf16>,
        %parallel_loop3A_336 = arith.mulf %parallel_loop3A_162, %parallel_loop3A_335 : vector<32xbf16>
        %parallel_loop3A_337 = arith.index_cast %parallel_loop3A_332 : i32 to index
        %parallel_loop3A_338 = arith.constant 32 : index
        %parallel_loop3A_339 = tpu.vector_load %arg12[%parallel_loop3A_337, %parallel_loop3A_338] {strides = array<i32>} : memref<800x64xbf16, #tpu.memory_space<vmem>>, vector<32xbf16>,
        %parallel_loop3A_340 = arith.mulf %parallel_loop3A_168, %parallel_loop3A_339 : vector<32xbf16>
        %parallel_loop3A_341 = arith.addf %parallel_loop3A_336, %parallel_loop3A_340 : vector<32xbf16>
        %parallel_loop3A_342 = tpu.unpack_subelements %parallel_loop3A_341, 0 {pack_format = #tpu.pack_format<interleaved>} : vector<32xbf16> -> vector<16xf32>
        %parallel_loop3A_343 = tpu.unpack_subelements %parallel_loop3A_341, 1 {pack_format = #tpu.pack_format<interleaved>} : vector<32xbf16> -> vector<16xf32>
        %parallel_loop3A_344 = arith.addf %parallel_loop3A_342, %parallel_loop3A_343 : vector<16xf32>
        %parallel_loop3A_345 = arith.constant 16 : i32
        %parallel_loop3A_346 = arith.muli %parallel_loop3A_332, %parallel_loop3A_345 : i32
        %parallel_loop3A_347 = arith.index_cast %parallel_loop3A_346 : i32 to index
        %parallel_loop3A_348 = tpu.vector_load %arg17[%parallel_loop3A_347] {strides = array<i32>} : memref<12800xf32, #tpu.memory_space<vmem>>, vector<16xf32>,
        tpu.vector_store %arg17[%parallel_loop3A_347], %parallel_loop3A_344 {strides = array<i32>} : memref<12800xf32, #tpu.memory_space<vmem>>, vector<16xf32>,
        %parallel_loop3A_349 = arith.constant 20 : i32
        %parallel_loop3A_350 = arith.muli %parallel_loop3A_158, %parallel_loop3A_349 : i32
        %parallel_loop3A_351 = arith.constant 9 : i32
        %parallel_loop3A_352 = arith.addi %parallel_loop3A_350, %parallel_loop3A_351 : i32
        %parallel_loop3A_353 = arith.index_cast %parallel_loop3A_352 : i32 to index
        %parallel_loop3A_354 = arith.constant 0 : index
        %parallel_loop3A_355 = tpu.vector_load %arg12[%parallel_loop3A_353, %parallel_loop3A_354] {strides = array<i32>} : memref<800x64xbf16, #tpu.memory_space<vmem>>, vector<32xbf16>,
        %parallel_loop3A_356 = arith.mulf %parallel_loop3A_162, %parallel_loop3A_355 : vector<32xbf16>
        %parallel_loop3A_357 = arith.index_cast %parallel_loop3A_352 : i32 to index
        %parallel_loop3A_358 = arith.constant 32 : index
        %parallel_loop3A_359 = tpu.vector_load %arg12[%parallel_loop3A_357, %parallel_loop3A_358] {strides = array<i32>} : memref<800x64xbf16, #tpu.memory_space<vmem>>, vector<32xbf16>,
        %parallel_loop3A_360 = arith.mulf %parallel_loop3A_168, %parallel_loop3A_359 : vector<32xbf16>
        %parallel_loop3A_361 = arith.addf %parallel_loop3A_356, %parallel_loop3A_360 : vector<32xbf16>
        %parallel_loop3A_362 = tpu.unpack_subelements %parallel_loop3A_361, 0 {pack_format = #tpu.pack_format<interleaved>} : vector<32xbf16> -> vector<16xf32>
        %parallel_loop3A_363 = tpu.unpack_subelements %parallel_loop3A_361, 1 {pack_format = #tpu.pack_format<interleaved>} : vector<32xbf16> -> vector<16xf32>
        %parallel_loop3A_364 = arith.addf %parallel_loop3A_362, %parallel_loop3A_363 : vector<16xf32>
        %parallel_loop3A_365 = arith.constant 16 : i32
        %parallel_loop3A_366 = arith.muli %parallel_loop3A_352, %parallel_loop3A_365 : i32
        %parallel_loop3A_367 = arith.index_cast %parallel_loop3A_366 : i32 to index
        %parallel_loop3A_368 = tpu.vector_load %arg17[%parallel_loop3A_367] {strides = array<i32>} : memref<12800xf32, #tpu.memory_space<vmem>>, vector<16xf32>,
        tpu.vector_store %arg17[%parallel_loop3A_367], %parallel_loop3A_364 {strides = array<i32>} : memref<12800xf32, #tpu.memory_space<vmem>>, vector<16xf32>,
        %parallel_loop3A_369 = arith.constant 20 : i32
        %parallel_loop3A_370 = arith.muli %parallel_loop3A_158, %parallel_loop3A_369 : i32
        %parallel_loop3A_371 = arith.constant 10 : i32
        %parallel_loop3A_372 = arith.addi %parallel_loop3A_370, %parallel_loop3A_371 : i32
        %parallel_loop3A_373 = arith.index_cast %parallel_loop3A_372 : i32 to index
        %parallel_loop3A_374 = arith.constant 0 : index
        %parallel_loop3A_375 = tpu.vector_load %arg12[%parallel_loop3A_373, %parallel_loop3A_374] {strides = array<i32>} : memref<800x64xbf16, #tpu.memory_space<vmem>>, vector<32xbf16>,
        %parallel_loop3A_376 = arith.mulf %parallel_loop3A_162, %parallel_loop3A_375 : vector<32xbf16>
        %parallel_loop3A_377 = arith.index_cast %parallel_loop3A_372 : i32 to index
        %parallel_loop3A_378 = arith.constant 32 : index
        %parallel_loop3A_379 = tpu.vector_load %arg12[%parallel_loop3A_377, %parallel_loop3A_378] {strides = array<i32>} : memref<800x64xbf16, #tpu.memory_space<vmem>>, vector<32xbf16>,
        %parallel_loop3A_380 = arith.mulf %parallel_loop3A_168, %parallel_loop3A_379 : vector<32xbf16>
        %parallel_loop3A_381 = arith.addf %parallel_loop3A_376, %parallel_loop3A_380 : vector<32xbf16>
        %parallel_loop3A_382 = tpu.unpack_subelements %parallel_loop3A_381, 0 {pack_format = #tpu.pack_format<interleaved>} : vector<32xbf16> -> vector<16xf32>
        %parallel_loop3A_383 = tpu.unpack_subelements %parallel_loop3A_381, 1 {pack_format = #tpu.pack_format<interleaved>} : vector<32xbf16> -> vector<16xf32>
        %parallel_loop3A_384 = arith.addf %parallel_loop3A_382, %parallel_loop3A_383 : vector<16xf32>
        %parallel_loop3A_385 = arith.constant 16 : i32
        %parallel_loop3A_386 = arith.muli %parallel_loop3A_372, %parallel_loop3A_385 : i32
        %parallel_loop3A_387 = arith.index_cast %parallel_loop3A_386 : i32 to index
        %parallel_loop3A_388 = tpu.vector_load %arg17[%parallel_loop3A_387] {strides = array<i32>} : memref<12800xf32, #tpu.memory_space<vmem>>, vector<16xf32>,
        tpu.vector_store %arg17[%parallel_loop3A_387], %parallel_loop3A_384 {strides = array<i32>} : memref<12800xf32, #tpu.memory_space<vmem>>, vector<16xf32>,
        %parallel_loop3A_389 = arith.constant 20 : i32
        %parallel_loop3A_390 = arith.muli %parallel_loop3A_158, %parallel_loop3A_389 : i32
        %parallel_loop3A_391 = arith.constant 11 : i32
        %parallel_loop3A_392 = arith.addi %parallel_loop3A_390, %parallel_loop3A_391 : i32
        %parallel_loop3A_393 = arith.index_cast %parallel_loop3A_392 : i32 to index
        %parallel_loop3A_394 = arith.constant 0 : index
        %parallel_loop3A_395 = tpu.vector_load %arg12[%parallel_loop3A_393, %parallel_loop3A_394] {strides = array<i32>} : memref<800x64xbf16, #tpu.memory_space<vmem>>, vector<32xbf16>,
        %parallel_loop3A_396 = arith.mulf %parallel_loop3A_162, %parallel_loop3A_395 : vector<32xbf16>
        %parallel_loop3A_397 = arith.index_cast %parallel_loop3A_392 : i32 to index
        %parallel_loop3A_398 = arith.constant 32 : index
        %parallel_loop3A_399 = tpu.vector_load %arg12[%parallel_loop3A_397, %parallel_loop3A_398] {strides = array<i32>} : memref<800x64xbf16, #tpu.memory_space<vmem>>, vector<32xbf16>,
        %parallel_loop3A_400 = arith.mulf %parallel_loop3A_168, %parallel_loop3A_399 : vector<32xbf16>
        %parallel_loop3A_401 = arith.addf %parallel_loop3A_396, %parallel_loop3A_400 : vector<32xbf16>
        %parallel_loop3A_402 = tpu.unpack_subelements %parallel_loop3A_401, 0 {pack_format = #tpu.pack_format<interleaved>} : vector<32xbf16> -> vector<16xf32>
        %parallel_loop3A_403 = tpu.unpack_subelements %parallel_loop3A_401, 1 {pack_format = #tpu.pack_format<interleaved>} : vector<32xbf16> -> vector<16xf32>
        %parallel_loop3A_404 = arith.addf %parallel_loop3A_402, %parallel_loop3A_403 : vector<16xf32>
        %parallel_loop3A_405 = arith.constant 16 : i32
        %parallel_loop3A_406 = arith.muli %parallel_loop3A_392, %parallel_loop3A_405 : i32
        %parallel_loop3A_407 = arith.index_cast %parallel_loop3A_406 : i32 to index
        %parallel_loop3A_408 = tpu.vector_load %arg17[%parallel_loop3A_407] {strides = array<i32>} : memref<12800xf32, #tpu.memory_space<vmem>>, vector<16xf32>,
        tpu.vector_store %arg17[%parallel_loop3A_407], %parallel_loop3A_404 {strides = array<i32>} : memref<12800xf32, #tpu.memory_space<vmem>>, vector<16xf32>,
        %parallel_loop3A_409 = arith.constant 20 : i32
        %parallel_loop3A_410 = arith.muli %parallel_loop3A_158, %parallel_loop3A_409 : i32
        %parallel_loop3A_411 = arith.constant 12 : i32
        %parallel_loop3A_412 = arith.addi %parallel_loop3A_410, %parallel_loop3A_411 : i32
        %parallel_loop3A_413 = arith.index_cast %parallel_loop3A_412 : i32 to index
        %parallel_loop3A_414 = arith.constant 0 : index
        %parallel_loop3A_415 = tpu.vector_load %arg12[%parallel_loop3A_413, %parallel_loop3A_414] {strides = array<i32>} : memref<800x64xbf16, #tpu.memory_space<vmem>>, vector<32xbf16>,
        %parallel_loop3A_416 = arith.mulf %parallel_loop3A_162, %parallel_loop3A_415 : vector<32xbf16>
        %parallel_loop3A_417 = arith.index_cast %parallel_loop3A_412 : i32 to index
        %parallel_loop3A_418 = arith.constant 32 : index
        %parallel_loop3A_419 = tpu.vector_load %arg12[%parallel_loop3A_417, %parallel_loop3A_418] {strides = array<i32>} : memref<800x64xbf16, #tpu.memory_space<vmem>>, vector<32xbf16>,
        %parallel_loop3A_420 = arith.mulf %parallel_loop3A_168, %parallel_loop3A_419 : vector<32xbf16>
        %parallel_loop3A_421 = arith.addf %parallel_loop3A_416, %parallel_loop3A_420 : vector<32xbf16>
        %parallel_loop3A_422 = tpu.unpack_subelements %parallel_loop3A_421, 0 {pack_format = #tpu.pack_format<interleaved>} : vector<32xbf16> -> vector<16xf32>
        %parallel_loop3A_423 = tpu.unpack_subelements %parallel_loop3A_421, 1 {pack_format = #tpu.pack_format<interleaved>} : vector<32xbf16> -> vector<16xf32>
        %parallel_loop3A_424 = arith.addf %parallel_loop3A_422, %parallel_loop3A_423 : vector<16xf32>
        %parallel_loop3A_425 = arith.constant 16 : i32
        %parallel_loop3A_426 = arith.muli %parallel_loop3A_412, %parallel_loop3A_425 : i32
        %parallel_loop3A_427 = arith.index_cast %parallel_loop3A_426 : i32 to index
        %parallel_loop3A_428 = tpu.vector_load %arg17[%parallel_loop3A_427] {strides = array<i32>} : memref<12800xf32, #tpu.memory_space<vmem>>, vector<16xf32>,
        tpu.vector_store %arg17[%parallel_loop3A_427], %parallel_loop3A_424 {strides = array<i32>} : memref<12800xf32, #tpu.memory_space<vmem>>, vector<16xf32>,
        %parallel_loop3A_429 = arith.constant 20 : i32
        %parallel_loop3A_430 = arith.muli %parallel_loop3A_158, %parallel_loop3A_429 : i32
        %parallel_loop3A_431 = arith.constant 13 : i32
        %parallel_loop3A_432 = arith.addi %parallel_loop3A_430, %parallel_loop3A_431 : i32
        %parallel_loop3A_433 = arith.index_cast %parallel_loop3A_432 : i32 to index
        %parallel_loop3A_434 = arith.constant 0 : index
        %parallel_loop3A_435 = tpu.vector_load %arg12[%parallel_loop3A_433, %parallel_loop3A_434] {strides = array<i32>} : memref<800x64xbf16, #tpu.memory_space<vmem>>, vector<32xbf16>,
        %parallel_loop3A_436 = arith.mulf %parallel_loop3A_162, %parallel_loop3A_435 : vector<32xbf16>
        %parallel_loop3A_437 = arith.index_cast %parallel_loop3A_432 : i32 to index
        %parallel_loop3A_438 = arith.constant 32 : index
        %parallel_loop3A_439 = tpu.vector_load %arg12[%parallel_loop3A_437, %parallel_loop3A_438] {strides = array<i32>} : memref<800x64xbf16, #tpu.memory_space<vmem>>, vector<32xbf16>,
        %parallel_loop3A_440 = arith.mulf %parallel_loop3A_168, %parallel_loop3A_439 : vector<32xbf16>
        %parallel_loop3A_441 = arith.addf %parallel_loop3A_436, %parallel_loop3A_440 : vector<32xbf16>
        %parallel_loop3A_442 = tpu.unpack_subelements %parallel_loop3A_441, 0 {pack_format = #tpu.pack_format<interleaved>} : vector<32xbf16> -> vector<16xf32>
        %parallel_loop3A_443 = tpu.unpack_subelements %parallel_loop3A_441, 1 {pack_format = #tpu.pack_format<interleaved>} : vector<32xbf16> -> vector<16xf32>
        %parallel_loop3A_444 = arith.addf %parallel_loop3A_442, %parallel_loop3A_443 : vector<16xf32>
        %parallel_loop3A_445 = arith.constant 16 : i32
        %parallel_loop3A_446 = arith.muli %parallel_loop3A_432, %parallel_loop3A_445 : i32
        %parallel_loop3A_447 = arith.index_cast %parallel_loop3A_446 : i32 to index
        %parallel_loop3A_448 = tpu.vector_load %arg17[%parallel_loop3A_447] {strides = array<i32>} : memref<12800xf32, #tpu.memory_space<vmem>>, vector<16xf32>,
        tpu.vector_store %arg17[%parallel_loop3A_447], %parallel_loop3A_444 {strides = array<i32>} : memref<12800xf32, #tpu.memory_space<vmem>>, vector<16xf32>,
        %parallel_loop3A_449 = arith.constant 20 : i32
        %parallel_loop3A_450 = arith.muli %parallel_loop3A_158, %parallel_loop3A_449 : i32
        %parallel_loop3A_451 = arith.constant 14 : i32
        %parallel_loop3A_452 = arith.addi %parallel_loop3A_450, %parallel_loop3A_451 : i32
        %parallel_loop3A_453 = arith.index_cast %parallel_loop3A_452 : i32 to index
        %parallel_loop3A_454 = arith.constant 0 : index
        %parallel_loop3A_455 = tpu.vector_load %arg12[%parallel_loop3A_453, %parallel_loop3A_454] {strides = array<i32>} : memref<800x64xbf16, #tpu.memory_space<vmem>>, vector<32xbf16>,
        %parallel_loop3A_456 = arith.mulf %parallel_loop3A_162, %parallel_loop3A_455 : vector<32xbf16>
        %parallel_loop3A_457 = arith.index_cast %parallel_loop3A_452 : i32 to index
        %parallel_loop3A_458 = arith.constant 32 : index
        %parallel_loop3A_459 = tpu.vector_load %arg12[%parallel_loop3A_457, %parallel_loop3A_458] {strides = array<i32>} : memref<800x64xbf16, #tpu.memory_space<vmem>>, vector<32xbf16>,
        %parallel_loop3A_460 = arith.mulf %parallel_loop3A_168, %parallel_loop3A_459 : vector<32xbf16>
        %parallel_loop3A_461 = arith.addf %parallel_loop3A_456, %parallel_loop3A_460 : vector<32xbf16>
        %parallel_loop3A_462 = tpu.unpack_subelements %parallel_loop3A_461, 0 {pack_format = #tpu.pack_format<interleaved>} : vector<32xbf16> -> vector<16xf32>
        %parallel_loop3A_463 = tpu.unpack_subelements %parallel_loop3A_461, 1 {pack_format = #tpu.pack_format<interleaved>} : vector<32xbf16> -> vector<16xf32>
        %parallel_loop3A_464 = arith.addf %parallel_loop3A_462, %parallel_loop3A_463 : vector<16xf32>
        %parallel_loop3A_465 = arith.constant 16 : i32
        %parallel_loop3A_466 = arith.muli %parallel_loop3A_452, %parallel_loop3A_465 : i32
        %parallel_loop3A_467 = arith.index_cast %parallel_loop3A_466 : i32 to index
        %parallel_loop3A_468 = tpu.vector_load %arg17[%parallel_loop3A_467] {strides = array<i32>} : memref<12800xf32, #tpu.memory_space<vmem>>, vector<16xf32>,
        tpu.vector_store %arg17[%parallel_loop3A_467], %parallel_loop3A_464 {strides = array<i32>} : memref<12800xf32, #tpu.memory_space<vmem>>, vector<16xf32>,
        %parallel_loop3A_469 = arith.constant 20 : i32
        %parallel_loop3A_470 = arith.muli %parallel_loop3A_158, %parallel_loop3A_469 : i32
        %parallel_loop3A_471 = arith.constant 15 : i32
        %parallel_loop3A_472 = arith.addi %parallel_loop3A_470, %parallel_loop3A_471 : i32
        %parallel_loop3A_473 = arith.index_cast %parallel_loop3A_472 : i32 to index
        %parallel_loop3A_474 = arith.constant 0 : index
        %parallel_loop3A_475 = tpu.vector_load %arg12[%parallel_loop3A_473, %parallel_loop3A_474] {strides = array<i32>} : memref<800x64xbf16, #tpu.memory_space<vmem>>, vector<32xbf16>,
        %parallel_loop3A_476 = arith.mulf %parallel_loop3A_162, %parallel_loop3A_475 : vector<32xbf16>
        %parallel_loop3A_477 = arith.index_cast %parallel_loop3A_472 : i32 to index
        %parallel_loop3A_478 = arith.constant 32 : index
        %parallel_loop3A_479 = tpu.vector_load %arg12[%parallel_loop3A_477, %parallel_loop3A_478] {strides = array<i32>} : memref<800x64xbf16, #tpu.memory_space<vmem>>, vector<32xbf16>,
        %parallel_loop3A_480 = arith.mulf %parallel_loop3A_168, %parallel_loop3A_479 : vector<32xbf16>
        %parallel_loop3A_481 = arith.addf %parallel_loop3A_476, %parallel_loop3A_480 : vector<32xbf16>
        %parallel_loop3A_482 = tpu.unpack_subelements %parallel_loop3A_481, 0 {pack_format = #tpu.pack_format<interleaved>} : vector<32xbf16> -> vector<16xf32>
        %parallel_loop3A_483 = tpu.unpack_subelements %parallel_loop3A_481, 1 {pack_format = #tpu.pack_format<interleaved>} : vector<32xbf16> -> vector<16xf32>
        %parallel_loop3A_484 = arith.addf %parallel_loop3A_482, %parallel_loop3A_483 : vector<16xf32>
        %parallel_loop3A_485 = arith.constant 16 : i32
        %parallel_loop3A_486 = arith.muli %parallel_loop3A_472, %parallel_loop3A_485 : i32
        %parallel_loop3A_487 = arith.index_cast %parallel_loop3A_486 : i32 to index
        %parallel_loop3A_488 = tpu.vector_load %arg17[%parallel_loop3A_487] {strides = array<i32>} : memref<12800xf32, #tpu.memory_space<vmem>>, vector<16xf32>,
        tpu.vector_store %arg17[%parallel_loop3A_487], %parallel_loop3A_484 {strides = array<i32>} : memref<12800xf32, #tpu.memory_space<vmem>>, vector<16xf32>,
        %parallel_loop3A_489 = arith.constant 20 : i32
        %parallel_loop3A_490 = arith.muli %parallel_loop3A_158, %parallel_loop3A_489 : i32
        %parallel_loop3A_491 = arith.constant 16 : i32
        %parallel_loop3A_492 = arith.addi %parallel_loop3A_490, %parallel_loop3A_491 : i32
        %parallel_loop3A_493 = arith.index_cast %parallel_loop3A_492 : i32 to index
        %parallel_loop3A_494 = arith.constant 0 : index
        %parallel_loop3A_495 = tpu.vector_load %arg12[%parallel_loop3A_493, %parallel_loop3A_494] {strides = array<i32>} : memref<800x64xbf16, #tpu.memory_space<vmem>>, vector<32xbf16>,
        %parallel_loop3A_496 = arith.mulf %parallel_loop3A_162, %parallel_loop3A_495 : vector<32xbf16>
        %parallel_loop3A_497 = arith.index_cast %parallel_loop3A_492 : i32 to index
        %parallel_loop3A_498 = arith.constant 32 : index
        %parallel_loop3A_499 = tpu.vector_load %arg12[%parallel_loop3A_497, %parallel_loop3A_498] {strides = array<i32>} : memref<800x64xbf16, #tpu.memory_space<vmem>>, vector<32xbf16>,
        %parallel_loop3A_500 = arith.mulf %parallel_loop3A_168, %parallel_loop3A_499 : vector<32xbf16>
        %parallel_loop3A_501 = arith.addf %parallel_loop3A_496, %parallel_loop3A_500 : vector<32xbf16>
        %parallel_loop3A_502 = tpu.unpack_subelements %parallel_loop3A_501, 0 {pack_format = #tpu.pack_format<interleaved>} : vector<32xbf16> -> vector<16xf32>
        %parallel_loop3A_503 = tpu.unpack_subelements %parallel_loop3A_501, 1 {pack_format = #tpu.pack_format<interleaved>} : vector<32xbf16> -> vector<16xf32>
        %parallel_loop3A_504 = arith.addf %parallel_loop3A_502, %parallel_loop3A_503 : vector<16xf32>
        %parallel_loop3A_505 = arith.constant 16 : i32
        %parallel_loop3A_506 = arith.muli %parallel_loop3A_492, %parallel_loop3A_505 : i32
        %parallel_loop3A_507 = arith.index_cast %parallel_loop3A_506 : i32 to index
        %parallel_loop3A_508 = tpu.vector_load %arg17[%parallel_loop3A_507] {strides = array<i32>} : memref<12800xf32, #tpu.memory_space<vmem>>, vector<16xf32>,
        tpu.vector_store %arg17[%parallel_loop3A_507], %parallel_loop3A_504 {strides = array<i32>} : memref<12800xf32, #tpu.memory_space<vmem>>, vector<16xf32>,
        %parallel_loop3A_509 = arith.constant 20 : i32
        %parallel_loop3A_510 = arith.muli %parallel_loop3A_158, %parallel_loop3A_509 : i32
        %parallel_loop3A_511 = arith.constant 17 : i32
        %parallel_loop3A_512 = arith.addi %parallel_loop3A_510, %parallel_loop3A_511 : i32
        %parallel_loop3A_513 = arith.index_cast %parallel_loop3A_512 : i32 to index
        %parallel_loop3A_514 = arith.constant 0 : index
        %parallel_loop3A_515 = tpu.vector_load %arg12[%parallel_loop3A_513, %parallel_loop3A_514] {strides = array<i32>} : memref<800x64xbf16, #tpu.memory_space<vmem>>, vector<32xbf16>,
        %parallel_loop3A_516 = arith.mulf %parallel_loop3A_162, %parallel_loop3A_515 : vector<32xbf16>
        %parallel_loop3A_517 = arith.index_cast %parallel_loop3A_512 : i32 to index
        %parallel_loop3A_518 = arith.constant 32 : index
        %parallel_loop3A_519 = tpu.vector_load %arg12[%parallel_loop3A_517, %parallel_loop3A_518] {strides = array<i32>} : memref<800x64xbf16, #tpu.memory_space<vmem>>, vector<32xbf16>,
        %parallel_loop3A_520 = arith.mulf %parallel_loop3A_168, %parallel_loop3A_519 : vector<32xbf16>
        %parallel_loop3A_521 = arith.addf %parallel_loop3A_516, %parallel_loop3A_520 : vector<32xbf16>
        %parallel_loop3A_522 = tpu.unpack_subelements %parallel_loop3A_521, 0 {pack_format = #tpu.pack_format<interleaved>} : vector<32xbf16> -> vector<16xf32>
        %parallel_loop3A_523 = tpu.unpack_subelements %parallel_loop3A_521, 1 {pack_format = #tpu.pack_format<interleaved>} : vector<32xbf16> -> vector<16xf32>
        %parallel_loop3A_524 = arith.addf %parallel_loop3A_522, %parallel_loop3A_523 : vector<16xf32>
        %parallel_loop3A_525 = arith.constant 16 : i32
        %parallel_loop3A_526 = arith.muli %parallel_loop3A_512, %parallel_loop3A_525 : i32
        %parallel_loop3A_527 = arith.index_cast %parallel_loop3A_526 : i32 to index
        %parallel_loop3A_528 = tpu.vector_load %arg17[%parallel_loop3A_527] {strides = array<i32>} : memref<12800xf32, #tpu.memory_space<vmem>>, vector<16xf32>,
        tpu.vector_store %arg17[%parallel_loop3A_527], %parallel_loop3A_524 {strides = array<i32>} : memref<12800xf32, #tpu.memory_space<vmem>>, vector<16xf32>,
        %parallel_loop3A_529 = arith.constant 20 : i32
        %parallel_loop3A_530 = arith.muli %parallel_loop3A_158, %parallel_loop3A_529 : i32
        %parallel_loop3A_531 = arith.constant 18 : i32
        %parallel_loop3A_532 = arith.addi %parallel_loop3A_530, %parallel_loop3A_531 : i32
        %parallel_loop3A_533 = arith.index_cast %parallel_loop3A_532 : i32 to index
        %parallel_loop3A_534 = arith.constant 0 : index
        %parallel_loop3A_535 = tpu.vector_load %arg12[%parallel_loop3A_533, %parallel_loop3A_534] {strides = array<i32>} : memref<800x64xbf16, #tpu.memory_space<vmem>>, vector<32xbf16>,
        %parallel_loop3A_536 = arith.mulf %parallel_loop3A_162, %parallel_loop3A_535 : vector<32xbf16>
        %parallel_loop3A_537 = arith.index_cast %parallel_loop3A_532 : i32 to index
        %parallel_loop3A_538 = arith.constant 32 : index
        %parallel_loop3A_539 = tpu.vector_load %arg12[%parallel_loop3A_537, %parallel_loop3A_538] {strides = array<i32>} : memref<800x64xbf16, #tpu.memory_space<vmem>>, vector<32xbf16>,
        %parallel_loop3A_540 = arith.mulf %parallel_loop3A_168, %parallel_loop3A_539 : vector<32xbf16>
        %parallel_loop3A_541 = arith.addf %parallel_loop3A_536, %parallel_loop3A_540 : vector<32xbf16>
        %parallel_loop3A_542 = tpu.unpack_subelements %parallel_loop3A_541, 0 {pack_format = #tpu.pack_format<interleaved>} : vector<32xbf16> -> vector<16xf32>
        %parallel_loop3A_543 = tpu.unpack_subelements %parallel_loop3A_541, 1 {pack_format = #tpu.pack_format<interleaved>} : vector<32xbf16> -> vector<16xf32>
        %parallel_loop3A_544 = arith.addf %parallel_loop3A_542, %parallel_loop3A_543 : vector<16xf32>
        %parallel_loop3A_545 = arith.constant 16 : i32
        %parallel_loop3A_546 = arith.muli %parallel_loop3A_532, %parallel_loop3A_545 : i32
        %parallel_loop3A_547 = arith.index_cast %parallel_loop3A_546 : i32 to index
        %parallel_loop3A_548 = tpu.vector_load %arg17[%parallel_loop3A_547] {strides = array<i32>} : memref<12800xf32, #tpu.memory_space<vmem>>, vector<16xf32>,
        tpu.vector_store %arg17[%parallel_loop3A_547], %parallel_loop3A_544 {strides = array<i32>} : memref<12800xf32, #tpu.memory_space<vmem>>, vector<16xf32>,
        %parallel_loop3A_549 = arith.constant 20 : i32
        %parallel_loop3A_550 = arith.muli %parallel_loop3A_158, %parallel_loop3A_549 : i32
        %parallel_loop3A_551 = arith.constant 19 : i32
        %parallel_loop3A_552 = arith.addi %parallel_loop3A_550, %parallel_loop3A_551 : i32
        %parallel_loop3A_553 = arith.index_cast %parallel_loop3A_552 : i32 to index
        %parallel_loop3A_554 = arith.constant 0 : index
        %parallel_loop3A_555 = tpu.vector_load %arg12[%parallel_loop3A_553, %parallel_loop3A_554] {strides = array<i32>} : memref<800x64xbf16, #tpu.memory_space<vmem>>, vector<32xbf16>,
        %parallel_loop3A_556 = arith.mulf %parallel_loop3A_162, %parallel_loop3A_555 : vector<32xbf16>
        %parallel_loop3A_557 = arith.index_cast %parallel_loop3A_552 : i32 to index
        %parallel_loop3A_558 = arith.constant 32 : index
        %parallel_loop3A_559 = tpu.vector_load %arg12[%parallel_loop3A_557, %parallel_loop3A_558] {strides = array<i32>} : memref<800x64xbf16, #tpu.memory_space<vmem>>, vector<32xbf16>,
        %parallel_loop3A_560 = arith.mulf %parallel_loop3A_168, %parallel_loop3A_559 : vector<32xbf16>
        %parallel_loop3A_561 = arith.addf %parallel_loop3A_556, %parallel_loop3A_560 : vector<32xbf16>
        %parallel_loop3A_562 = tpu.unpack_subelements %parallel_loop3A_561, 0 {pack_format = #tpu.pack_format<interleaved>} : vector<32xbf16> -> vector<16xf32>
        %parallel_loop3A_563 = tpu.unpack_subelements %parallel_loop3A_561, 1 {pack_format = #tpu.pack_format<interleaved>} : vector<32xbf16> -> vector<16xf32>
        %parallel_loop3A_564 = arith.addf %parallel_loop3A_562, %parallel_loop3A_563 : vector<16xf32>
        %parallel_loop3A_565 = arith.constant 16 : i32
        %parallel_loop3A_566 = arith.muli %parallel_loop3A_552, %parallel_loop3A_565 : i32
        %parallel_loop3A_567 = arith.index_cast %parallel_loop3A_566 : i32 to index
        %parallel_loop3A_568 = tpu.vector_load %arg17[%parallel_loop3A_567] {strides = array<i32>} : memref<12800xf32, #tpu.memory_space<vmem>>, vector<16xf32>,
        tpu.vector_store %arg17[%parallel_loop3A_567], %parallel_loop3A_564 {strides = array<i32>} : memref<12800xf32, #tpu.memory_space<vmem>>, vector<16xf32>,
      } {sc.loop_unroll_factor = 8 : i64, sc.parallel_access}
      %parallel_loop3A_146 = arith.constant 0 : i32
      %parallel_loop3A_147 = arith.constant 50 : i32
      %parallel_loop3A_148 = arith.constant 1 : i32
      scf.for %parallel_loop3A_158 = %parallel_loop3A_146 to %parallel_loop3A_147 step %parallel_loop3A_148  : i32 {
        %parallel_loop3A_159 = arith.constant 256 : i32
        %parallel_loop3A_160 = arith.muli %parallel_loop3A_158, %parallel_loop3A_159 : i32
        %parallel_loop3A_161 = vector.broadcast %parallel_loop3A_160 : i32 to vector<16xi32>
        %parallel_loop3A_162 = arith.addi %mul3A_32, %parallel_loop3A_161 : vector<16xi32>
        %parallel_loop3A_163 = arith.constant 0 : i32
        %parallel_loop3A_164 = vector.broadcast %parallel_loop3A_163 : i32 to vector<16xi32>
        %parallel_loop3A_165 = arith.addi %parallel_loop3A_162, %parallel_loop3A_164 : vector<16xi32>
        %parallel_loop3A_166 = tpu.vector_load_idx %arg17[%parallel_loop3A_165] : memref<12800xf32, #tpu.memory_space<vmem>>[vector<16xi32>], vector<16xf32>,
        %parallel_loop3A_167 = arith.constant 1 : i32
        %parallel_loop3A_168 = vector.broadcast %parallel_loop3A_167 : i32 to vector<16xi32>
        %parallel_loop3A_169 = arith.addi %parallel_loop3A_162, %parallel_loop3A_168 : vector<16xi32>
        %parallel_loop3A_170 = tpu.vector_load_idx %arg17[%parallel_loop3A_169] : memref<12800xf32, #tpu.memory_space<vmem>>[vector<16xi32>], vector<16xf32>,
        %parallel_loop3A_171 = arith.constant 2 : i32
        %parallel_loop3A_172 = vector.broadcast %parallel_loop3A_171 : i32 to vector<16xi32>
        %parallel_loop3A_173 = arith.addi %parallel_loop3A_162, %parallel_loop3A_172 : vector<16xi32>
        %parallel_loop3A_174 = tpu.vector_load_idx %arg17[%parallel_loop3A_173] : memref<12800xf32, #tpu.memory_space<vmem>>[vector<16xi32>], vector<16xf32>,
        %parallel_loop3A_175 = arith.constant 3 : i32
        %parallel_loop3A_176 = vector.broadcast %parallel_loop3A_175 : i32 to vector<16xi32>
        %parallel_loop3A_177 = arith.addi %parallel_loop3A_162, %parallel_loop3A_176 : vector<16xi32>
        %parallel_loop3A_178 = tpu.vector_load_idx %arg17[%parallel_loop3A_177] : memref<12800xf32, #tpu.memory_space<vmem>>[vector<16xi32>], vector<16xf32>,
        %parallel_loop3A_179 = arith.constant 4 : i32
        %parallel_loop3A_180 = vector.broadcast %parallel_loop3A_179 : i32 to vector<16xi32>
        %parallel_loop3A_181 = arith.addi %parallel_loop3A_162, %parallel_loop3A_180 : vector<16xi32>
        %parallel_loop3A_182 = tpu.vector_load_idx %arg17[%parallel_loop3A_181] : memref<12800xf32, #tpu.memory_space<vmem>>[vector<16xi32>], vector<16xf32>,
        %parallel_loop3A_183 = arith.constant 5 : i32
        %parallel_loop3A_184 = vector.broadcast %parallel_loop3A_183 : i32 to vector<16xi32>
        %parallel_loop3A_185 = arith.addi %parallel_loop3A_162, %parallel_loop3A_184 : vector<16xi32>
        %parallel_loop3A_186 = tpu.vector_load_idx %arg17[%parallel_loop3A_185] : memref<12800xf32, #tpu.memory_space<vmem>>[vector<16xi32>], vector<16xf32>,
        %parallel_loop3A_187 = arith.constant 6 : i32
        %parallel_loop3A_188 = vector.broadcast %parallel_loop3A_187 : i32 to vector<16xi32>
        %parallel_loop3A_189 = arith.addi %parallel_loop3A_162, %parallel_loop3A_188 : vector<16xi32>
        %parallel_loop3A_190 = tpu.vector_load_idx %arg17[%parallel_loop3A_189] : memref<12800xf32, #tpu.memory_space<vmem>>[vector<16xi32>], vector<16xf32>,
        %parallel_loop3A_191 = arith.constant 7 : i32
        %parallel_loop3A_192 = vector.broadcast %parallel_loop3A_191 : i32 to vector<16xi32>
        %parallel_loop3A_193 = arith.addi %parallel_loop3A_162, %parallel_loop3A_192 : vector<16xi32>
        %parallel_loop3A_194 = tpu.vector_load_idx %arg17[%parallel_loop3A_193] : memref<12800xf32, #tpu.memory_space<vmem>>[vector<16xi32>], vector<16xf32>,
        %parallel_loop3A_195 = arith.constant 8 : i32
        %parallel_loop3A_196 = vector.broadcast %parallel_loop3A_195 : i32 to vector<16xi32>
        %parallel_loop3A_197 = arith.addi %parallel_loop3A_162, %parallel_loop3A_196 : vector<16xi32>
        %parallel_loop3A_198 = tpu.vector_load_idx %arg17[%parallel_loop3A_197] : memref<12800xf32, #tpu.memory_space<vmem>>[vector<16xi32>], vector<16xf32>,
        %parallel_loop3A_199 = arith.constant 9 : i32
        %parallel_loop3A_200 = vector.broadcast %parallel_loop3A_199 : i32 to vector<16xi32>
        %parallel_loop3A_201 = arith.addi %parallel_loop3A_162, %parallel_loop3A_200 : vector<16xi32>
        %parallel_loop3A_202 = tpu.vector_load_idx %arg17[%parallel_loop3A_201] : memref<12800xf32, #tpu.memory_space<vmem>>[vector<16xi32>], vector<16xf32>,
        %parallel_loop3A_203 = arith.constant 10 : i32
        %parallel_loop3A_204 = vector.broadcast %parallel_loop3A_203 : i32 to vector<16xi32>
        %parallel_loop3A_205 = arith.addi %parallel_loop3A_162, %parallel_loop3A_204 : vector<16xi32>
        %parallel_loop3A_206 = tpu.vector_load_idx %arg17[%parallel_loop3A_205] : memref<12800xf32, #tpu.memory_space<vmem>>[vector<16xi32>], vector<16xf32>,
        %parallel_loop3A_207 = arith.constant 11 : i32
        %parallel_loop3A_208 = vector.broadcast %parallel_loop3A_207 : i32 to vector<16xi32>
        %parallel_loop3A_209 = arith.addi %parallel_loop3A_162, %parallel_loop3A_208 : vector<16xi32>
        %parallel_loop3A_210 = tpu.vector_load_idx %arg17[%parallel_loop3A_209] : memref<12800xf32, #tpu.memory_space<vmem>>[vector<16xi32>], vector<16xf32>,
        %parallel_loop3A_211 = arith.constant 12 : i32
        %parallel_loop3A_212 = vector.broadcast %parallel_loop3A_211 : i32 to vector<16xi32>
        %parallel_loop3A_213 = arith.addi %parallel_loop3A_162, %parallel_loop3A_212 : vector<16xi32>
        %parallel_loop3A_214 = tpu.vector_load_idx %arg17[%parallel_loop3A_213] : memref<12800xf32, #tpu.memory_space<vmem>>[vector<16xi32>], vector<16xf32>,
        %parallel_loop3A_215 = arith.constant 13 : i32
        %parallel_loop3A_216 = vector.broadcast %parallel_loop3A_215 : i32 to vector<16xi32>
        %parallel_loop3A_217 = arith.addi %parallel_loop3A_162, %parallel_loop3A_216 : vector<16xi32>
        %parallel_loop3A_218 = tpu.vector_load_idx %arg17[%parallel_loop3A_217] : memref<12800xf32, #tpu.memory_space<vmem>>[vector<16xi32>], vector<16xf32>,
        %parallel_loop3A_219 = arith.constant 14 : i32
        %parallel_loop3A_220 = vector.broadcast %parallel_loop3A_219 : i32 to vector<16xi32>
        %parallel_loop3A_221 = arith.addi %parallel_loop3A_162, %parallel_loop3A_220 : vector<16xi32>
        %parallel_loop3A_222 = tpu.vector_load_idx %arg17[%parallel_loop3A_221] : memref<12800xf32, #tpu.memory_space<vmem>>[vector<16xi32>], vector<16xf32>,
        %parallel_loop3A_223 = arith.constant 15 : i32
        %parallel_loop3A_224 = vector.broadcast %parallel_loop3A_223 : i32 to vector<16xi32>
        %parallel_loop3A_225 = arith.addi %parallel_loop3A_162, %parallel_loop3A_224 : vector<16xi32>
        %parallel_loop3A_226 = tpu.vector_load_idx %arg17[%parallel_loop3A_225] : memref<12800xf32, #tpu.memory_space<vmem>>[vector<16xi32>], vector<16xf32>,
        %parallel_loop3A_227 = arith.addf %parallel_loop3A_166, %parallel_loop3A_170 : vector<16xf32>
        %parallel_loop3A_228 = arith.addf %parallel_loop3A_174, %parallel_loop3A_178 : vector<16xf32>
        %parallel_loop3A_229 = arith.addf %parallel_loop3A_182, %parallel_loop3A_186 : vector<16xf32>
        %parallel_loop3A_230 = arith.addf %parallel_loop3A_190, %parallel_loop3A_194 : vector<16xf32>
        %parallel_loop3A_231 = arith.addf %parallel_loop3A_198, %parallel_loop3A_202 : vector<16xf32>
        %parallel_loop3A_232 = arith.addf %parallel_loop3A_206, %parallel_loop3A_210 : vector<16xf32>
        %parallel_loop3A_233 = arith.addf %parallel_loop3A_214, %parallel_loop3A_218 : vector<16xf32>
        %parallel_loop3A_234 = arith.addf %parallel_loop3A_222, %parallel_loop3A_226 : vector<16xf32>
        %parallel_loop3A_235 = arith.addf %parallel_loop3A_227, %parallel_loop3A_228 : vector<16xf32>
        %parallel_loop3A_236 = arith.addf %parallel_loop3A_229, %parallel_loop3A_230 : vector<16xf32>
        %parallel_loop3A_237 = arith.addf %parallel_loop3A_231, %parallel_loop3A_232 : vector<16xf32>
        %parallel_loop3A_238 = arith.addf %parallel_loop3A_233, %parallel_loop3A_234 : vector<16xf32>
        %parallel_loop3A_239 = arith.addf %parallel_loop3A_235, %parallel_loop3A_236 : vector<16xf32>
        %parallel_loop3A_240 = arith.addf %parallel_loop3A_237, %parallel_loop3A_238 : vector<16xf32>
        %parallel_loop3A_241 = arith.addf %parallel_loop3A_239, %parallel_loop3A_240 : vector<16xf32>
        %parallel_loop3A_242 = arith.constant 16 : i32
        %parallel_loop3A_243 = arith.muli %parallel_loop3A_158, %parallel_loop3A_242 : i32
        %parallel_loop3A_244 = arith.index_cast %parallel_loop3A_243 : i32 to index
        %parallel_loop3A_245 = tpu.vector_load %arg8[%parallel_loop3A_244] {strides = array<i32>} : memref<800xf32, #tpu.memory_space<vmem>>, vector<16xf32>,
        %parallel_loop3A_246 = arith.addf %parallel_loop3A_241, %parallel_loop3A_245 : vector<16xf32>
        %parallel_loop3A_247 = arith.constant 0.000000e+00 : f32
        %parallel_loop3A_248 = vector.broadcast %parallel_loop3A_247 : f32 to vector<16xf32>
        %parallel_loop3A_249 = arith.maximumf %parallel_loop3A_246, %parallel_loop3A_248 : vector<16xf32>
        %parallel_loop3A_250 = arith.index_cast %parallel_loop3A_243 : i32 to index
        %parallel_loop3A_251 = tpu.vector_load %arg16[%parallel_loop3A_250] {strides = array<i32>} : memref<800xf32, #tpu.memory_space<vmem>>, vector<16xf32>,
        tpu.vector_store %arg16[%parallel_loop3A_250], %parallel_loop3A_249 {strides = array<i32>} : memref<800xf32, #tpu.memory_space<vmem>>, vector<16xf32>,
      } {sc.loop_unroll_factor = 2 : i64, sc.parallel_access}
      %mul3A_149 = arith.constant 20 : i32
      %mul3A_150 = arith.muli %add3A_113, %mul3A_149 : i32
      %dma_start3A_151 = tpu.memref_slice %arg6[%mul3A_150] : memref<1024000xf32, #tpu.memory_space<hbm>> -> memref<800xf32, #tpu.memory_space<hbm>>
      %dma_start3A_152 = tpu.memref_slice %arg6[%mul3A_150] : memref<1024000xf32, #tpu.memory_space<hbm>> -> memref<800xf32, #tpu.memory_space<hbm>>
      tpu.enqueue_dma source(%arg16 : memref<800xf32, #tpu.memory_space<vmem>>) target(%dma_start3A_152 : memref<800xf32, #tpu.memory_space<hbm>>) target_semaphore(%arg25 : memref<!tpu.dma_semaphore, #tpu.memory_space<semaphore_mem>>)
      %lt3A_153 = arith.constant 19 : i32
      %lt3A_154 = arith.cmpi slt, %scan3A_49, %lt3A_153 : i32
      %convert_element_type3A_155 = arith.extui %lt3A_154 : i1 to i32
      %cond3A_156 = arith.constant 0 : i32
      %cond3A_157 = arith.cmpi ne, %convert_element_type3A_155, %cond3A_156 : i32
      scf.if %cond3A_157 {
        %add3A_158 = arith.constant 80 : i32
        %add3A_159 = arith.addi %add3A_113, %add3A_158 : i32
        %mul3A_160 = arith.constant 64 : i32
        %mul3A_161 = arith.muli %add3A_159, %mul3A_160 : i32
        %dma_start3A_162 = tpu.memref_slice %arg2[%mul3A_161] : memref<3276800xbf16, #tpu.memory_space<hbm>> -> memref<2560xbf16, #tpu.memory_space<hbm>>
        %dma_start3A_163 = tpu.memref_slice %arg2[%mul3A_161] : memref<3276800xbf16, #tpu.memory_space<hbm>> -> memref<2560xbf16, #tpu.memory_space<hbm>>
        tpu.enqueue_dma source(%dma_start3A_163 : memref<2560xbf16, #tpu.memory_space<hbm>>) target(%arg14 : memref<2560xbf16, #tpu.memory_space<vmem>>) target_semaphore(%arg23 : memref<!tpu.dma_semaphore, #tpu.memory_space<semaphore_mem>>)
      } else {
      }
    }
    %scan3A_37 = arith.constant 20 : i32
    %add3A_38 = arith.constant 1520 : i32
    %add3A_39 = arith.addi %mul3A_2, %add3A_38 : i32
    %mul3A_40 = arith.constant 20 : i32
    %mul3A_41 = arith.muli %add3A_39, %mul3A_40 : i32
    %dma_wait3A = tpu.memref_slice %arg6[%mul3A_41] : memref<1024000xf32, #tpu.memory_space<hbm>> -> memref<800xf32, #tpu.memory_space<hbm>>
    %dma_wait3A_42 = tpu.memref_slice %arg6[%mul3A_41] : memref<1024000xf32, #tpu.memory_space<hbm>> -> memref<800xf32, #tpu.memory_space<hbm>>
    tpu.wait_dma2 semaphore(%arg24 : memref<!tpu.dma_semaphore, #tpu.memory_space<semaphore_mem>>) src(%arg15 : memref<800xf32, #tpu.memory_space<vmem>>) dst(%dma_wait3A_42 : memref<800xf32, #tpu.memory_space<hbm>>)
    %add3A_43 = arith.constant 1560 : i32
    %add3A_44 = arith.addi %mul3A_2, %add3A_43 : i32
    %mul3A_45 = arith.constant 20 : i32
    %mul3A_46 = arith.muli %add3A_44, %mul3A_45 : i32
    %dma_wait3A_47 = tpu.memref_slice %arg6[%mul3A_46] : memref<1024000xf32, #tpu.memory_space<hbm>> -> memref<800xf32, #tpu.memory_space<hbm>>
    %dma_wait3A_48 = tpu.memref_slice %arg6[%mul3A_46] : memref<1024000xf32, #tpu.memory_space<hbm>> -> memref<800xf32, #tpu.memory_space<hbm>>
    tpu.wait_dma2 semaphore(%arg25 : memref<!tpu.dma_semaphore, #tpu.memory_space<semaphore_mem>>) src(%arg16 : memref<800xf32, #tpu.memory_space<vmem>>) dst(%dma_wait3A_48 : memref<800xf32, #tpu.memory_space<hbm>>)
    return
  }
}

</mosaic_0001>

<sc_bundles>
// kernel: _run.3.cloned.1.call-start
scs
__scs_entry_jumppad:
0x0: {  	(pc) =	sbr.rel $0x88, $3  }
0x1: {  	(tag) =	ssettag $0x0;
	lr =	simm.s32 $0x1  }
0x2: {  	[smem:$0x3F9D] =	sst lr;
	_ =	strace $0xD0000000  }
0x3: {  	_ = 	snop  }
0x4: {  	_ = 	snop  }
0x5: {  	_ = 	snop  }
0x6: {  	_ = 	snop  }
0x7: {  	_ = 	snop  }
__scs_overlays_trampoline_lowered:
0x8: {  	[smem:$0x3FAC] =	sst s0  }
0x9: {  	[smem:$0x3FAD] =	sst s1  }
0xa: {  	[smem:$0x3FAE] =	sst s2  }
0xb: {  	[smem:$0x3FAF] =	sst s3  }
0xc: {  	[smem:$0x3FB0] =	sst s4  }
0xd: {  	[smem:$0x3FB1] =	sst s5  }
0xe: {  	[smem:$0x3FB2] =	sst s6  }
0xf: {  	[smem:$0x3FB3] =	sst s7  }
0x10: {  	[smem:$0x3FB4] =	sst s8  }
0x11: {  	[smem:$0x3FB5] =	sst s9;
	s0 =	simm.s32 @!p0 $0x0  }
0x12: {  	s1 =	sld [smem:$0x3F9B];
	s0 =	simm.s32 @p0 $0x1  }
0x13: {  	[smem:$0x3FB6] =	sst s0;
	s0 =	simm.s32 @!p1 $0x0  }
0x14: {  	s2 =	sld [smem:$0x3F9A];
	s0 =	simm.s32 @p1 $0x1  }
0x15: {  	[smem:$0x3FB7] =	sst s0;
	s0 =	simm.s32 @!p2 $0x0  }
0x16: {  	s3 =	sld [smem:$0x3FDB];
	s0 =	simm.s32 @p2 $0x1  }
0x17: {  	s4 =	simm.s32 $0x1BF5;
	[smem:$0x3FB9] =	sst s0  }
0x18: {  	s0 =	sld [smem:$0x3F9C];
	_ =	swait.ge [sflag:s4], $0x0  }
0x19: {  	s7 =	sld [smem:$0x3F9D]  }
0x1a: {  	s8 =	sadd.s32 $0xFFFFE003, lr  }
0x1b: {  	s9 =	sadd.s32 $0xFFFFFEF7, lr;
	s5 =	simm.s32 $0xFFFFFFFF;
	p2 =	slt.u32 s8, $0xFFFFF086  }
0x1c: {  	p1 =	slt.u32 s9, $0xF7A;
	s5 =	simm.s32 @!p2 $0x0  }
0x1d: {  	s5 =	simm.s32 @p1 $0x1;
	p0 =	seq.s32 s7, s2  }
0x1e: {  	s7 =	smul.u32 @!p0 $0xF7A, s2;
	p2 =	seq.s32 @!p0 s5, $0x0  }
0x1f: {  	s9 =	smul.u32 $0xF7A, s1;
	s8 =	simm.s32 @!p0 $0x1BF5;
	p2 =	por !p2, p0  }
0x20: {  	[sflag:s8] =	ssyncset.s32 @!p0 $0xFFFFF086;
	s6 =	sadd.s32 @!p0 s3, s7;
	s7 =	simm.s32 @!p0 $0x108  }
0x21: {  	s3 =	sadd.s32 s3, s9;
	s6 =	sadd.s32 @!p0 $0x88, s6;
	s7 =	simm.s32 @p2 $0x1082  }
0x22: {  	[simem:s7], [sflag:s8] =	dma.local @!p0 [hbm:s6], $0xF7A  }
0x23: {  	s9 =	sor.u32 $0xD0000000, s2;
	s6 =	simm.s32 $0x108;
	_ =	swait.ge @!p0 [sflag:s8], $0x0  }
0x24: {  	s3 =	sadd.s32 $0x88, s3;
	s6 =	simm.s32 @!p1 $0x1082;
	[sflag:s4] =	ssyncset.s32 $0xFFFFF086  }
0x25: {  	[simem:s6], [sflag:s4] =	dma.local [hbm:s3], $0xF7A  }
0x26: {  	[smem:$0x3F9D] =	sst s1;
	(tag) =	ssettag s2;
	_ =	strace s9  }
0x27: {  	s1 =	sld [smem:$0x3FAD]  }
0x28: {  	s2 =	sld [smem:$0x3FAE]  }
0x29: {  	s4 =	sld [smem:$0x3FB0]  }
0x2a: {  	p0 =	seq.s32 s5, $0x0;
	s5 =	sld [smem:$0x3FB1]  }
0x2b: {  	s6 =	sld [smem:$0x3FB2]  }
0x2c: {  	s7 =	sld [smem:$0x3FB3]  }
0x2d: {  	s3 =	simm.s32 $0x108;
	s8 =	sld [smem:$0x3FB4]  }
0x2e: {  	s3 =	simm.s32 @!p0 $0x1082;
	s9 =	sld [smem:$0x3FB5]  }
0x2f: {  	lr =	sadd.s32 s0, s3;
	s0 =	sld [smem:$0x3FAC]  }
0x30: {  	s3 =	sld [smem:$0x3FAF]  }
0x31: {  	[smem:$0x3FB8] =	sst s10  }
0x32: {  	s10 =	sld [smem:$0x3FB6];
	_ =	sdelay $0x3  }
0x33: {  	p0 =	seq.s32 s10, $0x1;
	s10 =	sld [smem:$0x3FB8];
	_ =	sdelay $0x3  }
0x34: {  	[smem:$0x3FB8] =	sst s10  }
0x35: {  	s10 =	sld [smem:$0x3FB7];
	_ =	sdelay $0x3  }
0x36: {  	p1 =	seq.s32 s10, $0x1;
	s10 =	sld [smem:$0x3FB8];
	_ =	sdelay $0x3  }
0x37: {  	[smem:$0x3FB8] =	sst s10  }
0x38: {  	s10 =	sld [smem:$0x3FB9]  }
0x39: {  	_ = 	snop;
	(pc) =	sbr.ind lr, $3  }
0x3a: {  	_ = 	snop  }
0x3b: {  	_ = 	snop  }
0x3c: {  	p2 =	seq.s32 s10, $0x1;
	s10 =	sld [smem:$0x3FB8]  }
0x3d: {  	_ =	shalt  }
0x3e: {  	_ =	shalt  }
0x3f: {  	_ =	shalt  }
0x40: {  	_ =	shalt  }
0x41: {  	_ =	shalt  }
0x42: {  	_ =	shalt  }
0x43: {  	_ =	shalt  }
0x44: {  	_ =	shalt  }
0x45: {  	_ =	shalt  }
0x46: {  	_ =	shalt  }
0x47: {  	_ =	shalt  }
0x48: {  	_ =	shalt  }
0x49: {  	_ =	shalt  }
0x4a: {  	_ =	shalt  }
0x4b: {  	_ =	shalt  }
0x4c: {  	_ =	shalt  }
0x4d: {  	_ =	shalt  }
0x4e: {  	_ =	shalt  }
0x4f: {  	_ =	shalt  }
0x50: {  	_ =	shalt  }
0x51: {  	_ =	shalt  }
0x52: {  	_ =	shalt  }
0x53: {  	_ =	shalt  }
0x54: {  	_ =	shalt  }
0x55: {  	_ =	shalt  }
0x56: {  	_ =	shalt  }
0x57: {  	_ =	shalt  }
0x58: {  	_ =	shalt  }
0x59: {  	_ =	shalt  }
0x5a: {  	_ =	shalt  }
0x5b: {  	_ =	shalt  }
0x5c: {  	_ =	shalt  }
0x5d: {  	_ =	shalt  }
0x5e: {  	_ =	shalt  }
0x5f: {  	_ =	shalt  }
0x60: {  	_ =	shalt  }
0x61: {  	_ =	shalt  }
0x62: {  	_ =	shalt  }
0x63: {  	_ =	shalt  }
0x64: {  	_ =	shalt  }
0x65: {  	_ =	shalt  }
0x66: {  	_ =	shalt  }
0x67: {  	_ =	shalt  }
0x68: {  	_ =	shalt  }
0x69: {  	_ =	shalt  }
0x6a: {  	_ =	shalt  }
0x6b: {  	_ =	shalt  }
0x6c: {  	_ =	shalt  }
0x6d: {  	_ =	shalt  }
0x6e: {  	_ =	shalt  }
0x6f: {  	_ =	shalt  }
0x70: {  	_ =	shalt  }
0x71: {  	_ =	shalt  }
0x72: {  	_ =	shalt  }
0x73: {  	_ =	shalt  }
0x74: {  	_ =	shalt  }
0x75: {  	_ =	shalt  }
0x76: {  	_ =	shalt  }
0x77: {  	_ =	shalt  }
0x78: {  	_ =	shalt  }
0x79: {  	_ =	shalt  }
0x7a: {  	_ =	shalt  }
0x7b: {  	_ =	shalt  }
0x7c: {  	_ =	shalt  }
0x7d: {  	_ =	shalt  }
0x7e: {  	_ =	shalt  }
0x7f: {  	_ =	shalt  }
0x80: {  	_ =	shalt  }
0x81: {  	_ =	shalt  }
0x82: {  	_ =	shalt  }
0x83: {  	_ =	shalt  }
0x84: {  	_ =	shalt  }
0x85: {  	_ =	shalt  }
0x86: {  	_ =	shalt  }
0x87: {  	_ =	shalt  }
.Lfunc_end0:
.L_simem_size_0:
called_computation_lowered:
.L_overlay_start_0:
0x88: {  	s2 =	sld [smem:$0x3FD9]  }
0x89: {  	s3 =	sld [smem:$0x3FFE];
	_ =	sdelay $0x1  }
0x8a: {  	s1 =	srdreg.scid  }
0x8b: {  	s0 =	sand.u32 $0x1, s1  }
0x8c: {  	s17 =	sshll.u32 s0, $0xA;
	s2 =	sadd.s32 s3, s2  }
0x8d: {  	s2 =	sadd.s32 s2, s17  }
0x8e: {  	[smem:$0x3FC4] =	sst s2  }
0x8f: {  	_ = 	snop  }
0x90: {  	s2 =	sld [smem:$0x3FC8]  }
0x91: {  	s18 =	sld [smem:$0x3FC6]  }
0x92: {  	s4 =	sld [smem:$0x3FD0];
	(tm) =	ssettm $0x1  }
0x93: {  	s5 =	sld [smem:$0x3FFB];
	_ =	sdelay $0x3  }
0x94: {  	_ =	strace s5  }
0x95: {  	s5 =	sld [smem:$0x3FFC];
	_ =	sdelay $0x3  }
0x96: {  	_ =	strace s5  }
0x97: {  	s5 =	sld [smem:$0x3FFD];
	_ =	sdelay $0x3  }
0x98: {  	_ =	strace s5  }
0x99: {  	_ =	strace $0x8FFFFFFF  }
0x9a: {  	s19 =	sld [smem:$0x3FDB];
	_ =	sdelay $0x1  }
0x9b: {  	s6 =	simm.s32 $_scs_section_size  }
0x9c: {  	s7 =	simm.s32 $_size__tile_overlayer_lowered;
	s8 =	simm.s32 $_tile_overlayer_lowered  }
0x9d: {  	s22 =	simm.s32 $0x1BFF;
	s21 =	sshll.u32 s8, $0x1;
	s5 =	sadd.s32 s6, s19  }
0x9e: {  	s9 =	simm.s32 $0x0;
	s20 =	sshll.u32 s7, $0x1;
	s7 =	sadd.s32 s21, s5  }
0x9f: {  	[timem:s9], [sflag:s22] =	dma.local [hbm:s7], s20  }
0xa0: {  	_ =	swait.ge [sflag:s22], s20  }
0xa1: {  	s6 =	ssub.s32 $0x0, s20;
	[sflag:s22] =	ssyncset.done $0x0  }
0xa2: {  	[sflag:s22] =	ssyncadd.s32 s6;
	_ =	sdelay $0x1  }
0xa3: {  	s23 =	simm.s32 $0x1B8B  }
0xa4: {  	_ =	swait.ge [sflag:s23], $0x1  }
0xa5: {  	[sflag:s23] =	ssyncset.done $0x0  }
0xa6: {  	s25 =	simm.s32 $0x1B8E;
	s24 =	sld [smem:$0x3FFE];
	[sflag:s23] =	ssyncadd.s32 $0xFFFFFFFF  }
0xa7: {  	s26 =	simm.s32 $execute0_lowered;
	[smem:$0x3FD2] =	sst s25  }
0xa8: {  	s7 =	sshll.u32 s26, $0x1;
	_ =	strace $0x80000046;
	[dreg:$0x1] =	wrdreg $0xFFFFFFFF  }
0xa9: {  	s28 =	simm.s32 $_size_execute0_lowered;
	s5 =	sadd.s32 s5, s7;
	[dreg:$0x0] =	wrdreg $0x0  }
0xaa: {  	s7 =	sshll.u32 s28, $0x1;
	[dreg:$0x2] =	wrdreg s5  }
0xab: {  	[dreg:$0x3] =	wrdreg s7  }
0xac: {  	[dreg:$0x4] =	wrdreg $0xC0  }
0xad: {  	_ =	task [dreg:s9], $0x5FFFF  }
0xae: {  	[dreg:$0x1] =	wrdreg $0xFFFFFFFF  }
0xaf: {  	[dreg:$0x0] =	wrdreg $0x60  }
0xb0: {  	[dreg:$0x2] =	wrdreg s24  }
0xb1: {  	[dreg:$0x3] =	wrdreg s2  }
0xb2: {  	[dreg:$0x4] =	wrdreg s18  }
0xb3: {  	[dreg:$0x5] =	wrdreg s4  }
0xb4: {  	[dreg:$0x6] =	wrdreg $0x9  }
0xb5: {  	_ =	task.clear_ibuf [dreg:s9], $0x7FFFF;
	_ =	strace $0x90000046  }
0xb6: {  	s29 =	simm.s32 $0x9;
	_ =	strace $0x80000048  }
0xb7: {  	_ =	swait.ge [sflag:s29], $0x1  }
0xb8: {  	[sflag:s29] =	ssyncadd.s32 $0xFFFFFFFF  }
0xb9: {  	_ =	strace $0x90000048  }
0xba: {  	_ =	sfence  }
0xbb: {  	s30 =	sld [smem:$0x0];
	_ =	sdelay $0x2  }
0xbc: {  	s31 =	sshll.u32 s1, $0xD;
	s1 =	sshrl.u32 s1, $0x2  }
0xbd: {  	s3 =	sand.u32 $0x4000, s31;
	s1 =	sadd.s32 s1, s30  }
0xbe: {  	s0 =	sor.u32 s3, s0;
	s1 =	sshll.u32 s1, $0x11  }
0xbf: {  	s0 =	sor.u32 s1, s0  }
0xc0: {  	s0 =	sadd.s32 $0x8F2B, s0  }
0xc1: {  	[sflag:s0] =	ssyncadd.remote.s32 $0x1  }
0xc2: {  	_ =	sfence.sel $0xFFFF  }
0xc3: {  	[dreg:$0x0] =	wrdreg $0xFFFFFFFF;
	(pc) =	sbr.abs _section_cstart, $3  }
0xc4: {  	[dreg:$0x1] =	wrdreg $0xFFFFFFFF  }
0xc5: {  	_ =	task.clear_ibuf [dreg:s9], $0x2FFFF;
	_ =	strace $0x9FFFFFFF  }
0xc6: {  	(tm) =	ssettm $0x7FFFFFFF  }
0xc7: {  	_ =	shalt  }
tec
execute0_lowered:
.L_overlay_start_1:
0x0: {  	(tag) =	ssettag $0x1  }
0x1: {  	s0 =	rddreg [dreg:$0x0]  }
0x2: {  	s31 =	rddreg [dreg:$0x1];
	s1 =	srdreg.scid  }
0x3: {  	s2 =	stileid.u32;
	s5 =	simm.s32 $0x0;
	s24 =	simm.s32 $0x1  }
0x4: {  	s29 =	simm.s32 $0x6;
	s1 =	sand.u32 $0x1, s1;
	s2 =	sshll.u32 s2, $0x1  }
0x5: {  	[smem:$0x7FF] =	sst s5;
	s25 =	sadd.s32 $0x62800, s0;
	s2 =	sor.u32 s1, s2  }
0x6: {  	s8 =	sadd.s32 $0xC00, s0;
	s1 =	ssub.s32 $0x2, s1;
	s4 =	smul.u32 $0x640, s2  }
0x7: {  	_ =	strace $0x80000047;
	s3 =	smul.u32 $0xFA0, s2;
	s9 =	sshrl.u32 s1, $0x1  }
0x8: {  	s2 =	smul.u32 $0x1900, s2;
	s1 =	ssub.s32 s1, s9;
	s7 =	sor.u32 $0x28, s4  }
0x9: {  	[dreg:$0x5] =	wrdreg s4;
	s3 =	sadd.s32 s31, s3;
	s6 =	smul.u32 $0x14, s7  }
.Ltmp0:
0xa: {  	s2 =	sadd.s32 s25, s2;
	[dreg:$0x6] =	wrdreg s3;
	(pc) =	sbr.rel .LBB2_1-.Ltmp0, $4  }
0xb: {  	s30 =	smax.u32 s1, $0x1;
	[dreg:$0x8] =	wrdreg s2;
	s28 =	sshll.u32 s7, $0x2  }
0xc: {  	v0 =	vlaneseq.u32;
	[dreg:$0xa] =	wrdreg s30;
	s2 =	sadd.s32 s25, s28;
	s26 =	sshrl.u32 s6, $0x3  }
0xd: {  	s13 =	sadd.s32 $0x62940, s0;
	v0 =	vmul.u32 $0x10, v0;
	[dreg:$0x9] =	wrdreg s2;
	s3 =	sadd.s32 s31, s26  }
0xe: {  	s2 =	simm.s32 $0x0;
	s26 =	simm.s32 $0xE4C0;
	[dreg:$0x7] =	wrdreg s3  }
.LBB2_15:
0xf: {  	s0 =	simm.s32 $0x7  }
0x10: {  	_ =	swait.ge [sflag:s0], $0x320  }
0x11: {  	[sflag:s0] =	ssyncset.done $0x0  }
0x12: {  	s1 =	simm.s32 $0x8;
	[sflag:s0] =	ssyncadd.s32 $0xFFFFFCE0  }
0x13: {  	_ =	swait.ge [sflag:s1], $0x320  }
0x14: {  	s2 =	rddreg [dreg:$0xb]  }
0x15: {  	s30 =	rddreg [dreg:$0xa];
	s2 =	sadd.s32 $0x1, s2  }
0x16: {  	p0 =	sne.s32 s2, s30  }
.Ltmp1:
0x17: {  	_ = 	snop;
	(pc) =	sbr.rel @!p0 .LBB2_16-.Ltmp1, $3  }
0x18: {  	_ =	sdelay $0x1  }
0x19: {  	[sflag:s1] =	ssyncset.done $0x0  }
0x1a: {  	[sflag:s1] =	ssyncadd.s32 $0xFFFFFCE0  }
.LBB2_1:
0x1b: {  	[dreg:$0xb] =	wrdreg s2  }
0x1c: {  	s0 =	rddreg [dreg:$0x6];
	s1 =	simm.s32 $0x640;
	s17 =	simm.s32 $0x9  }
0x1d: {  	[tilespmem:s1], [sflag:$0x9] =	stream.linear.gather [hbm4b:s0+s5], $0x320, $0x38;
	[tilespmem:$0x116C0] =	vst v63  }
0x1e: {  	_ =	swait.ge [sflag:s17], $0x320  }
0x1f: {  	[sflag:s17] =	ssyncset.done $0x0  }
0x20: {  	s18 =	simm.s32 $0x320;
	s19 =	simm.s32 $0xC80;
	[sflag:s17] =	ssyncadd.s32 $0xFFFFFCE0  }
0x21: {  	[tilespmem:s19], [sflag:$0x1] =	stream.indirect.gather [hbm4b:s8+s18], $0x20, s1, s18, $0xb8;
	[tilespmem:$0x116C0] =	vst v63  }
0x22: {  	s20 =	rddreg [dreg:$0x2]  }
0x23: {  	[tilespmem:s5], [sflag:$0x1] =	stream.indirect.gather [hbm4b:s20+s18], $0x1, s1, s18, $0xb8;
	[tilespmem:$0x116C0] =	vst v63  }
0x24: {  	s22 =	simm.s32 $0x960;
	s21 =	rddreg [dreg:$0x7]  }
0x25: {  	[tilespmem:s22], [sflag:$0x4] =	stream.linear.gather [hbm4b:s21+s5], $0x320, $0x38;
	[tilespmem:$0x116C0] =	vst v63  }
0x26: {  	s25 =	simm.s32 $0xD480;
	s23 =	rddreg [dreg:$0x8]  }
0x27: {  	[tilespmem:s25], [sflag:$0x5] =	stream.linear.gather [hbm4b:s23+s5], $0x500, $0x38;
	[tilespmem:$0x116C0] =	vst v63  }
0x28: {  	s30 =	simm.s32 $0xD980;
	s28 =	rddreg [dreg:$0x9];
	s18 =	simm.s32 $0x0  }
0x29: {  	[tilespmem:s30], [sflag:$0x6] =	stream.linear.gather [hbm4b:s28+s5], $0x500, $0x38;
	[tilespmem:$0x116C0] =	vst v63  }
.LBB2_2:
0x2a: {  	s0 =	simm.s32 $0x4  }
0x2b: {  	_ =	swait.ge [sflag:s0], $0x320  }
0x2c: {  	s1 =	simm.s32 $0x320;
	[sflag:s0] =	ssyncset.done $0x0  }
0x2d: {  	s2 =	simm.s32 $0x960;
	s25 =	simm.s32 $0x7080;
	[sflag:s0] =	ssyncadd.s32 $0xFFFFFCE0  }
0x2e: {  	[tilespmem:s25], [sflag:$0x2] =	stream.indirect.gather [hbm4b:s8+s1], $0x20, s2, s1, $0xb8;
	[tilespmem:$0x116C0] =	vst v63  }
0x2f: {  	s28 =	rddreg [dreg:$0x2]  }
0x30: {  	[tilespmem:s1], [sflag:$0x2] =	stream.indirect.gather [hbm4b:s28+s1], $0x1, s2, s1, $0xb8;
	[tilespmem:$0x116C0] =	vst v63  }
0x31: {  	s20 =	smul.u32 $0x50, s18;
	_ =	swait.ge [sflag:s24], $0x6400  }
0x32: {  	p0 =	seq.s32 s18, $0x13;
	s30 =	rddreg [dreg:$0x5]  }
0x33: {  	p1 =	seq.s32 @!p0 s18, $0x0;
	s9 =	sadd.s32 s30, s20  }
0x34: {  	p1 =	por p0, !p1;
	[sflag:s24] =	ssyncset.done $0x0;
	s0 =	smul.u32 @!p0 $0x14, s9  }
.Ltmp2:
0x35: {  	[sflag:s24] =	ssyncadd.s32 $0xFFFF9C00;
	(pc) =	sbr.rel @!p1 .LBB2_3-.Ltmp2, $4  }
0x36: {  	_ =	swait.ge [sflag:s24], $0x320;
	s0 =	sshrl.u32 @!p0 s0, $0x3  }
0x37: {  	s1 =	simm.s32 @!p0 $0x0;
	[sflag:s24] =	ssyncset.done $0x0;
	s0 =	sadd.s32 @!p0 s31, s0  }
0x38: {  	s2 =	simm.s32 @!p0 $0x640;
	[sflag:s24] =	ssyncadd.s32 $0xFFFFFCE0;
	s0 =	sadd.s32 @!p0 $0xC8, s0  }
0x39: {  	[tilespmem:s2], [sflag:$0x3] =	stream.linear.gather @!p0 [hbm4b:s0+s1], $0x320, $0x38;
	[tilespmem:$0x116C0] =	vst v63  }
.Ltmp3:
0x3a: {  	(pc) =	sbr.rel .LBB2_5-.Ltmp3, $4  }
0x3b: {  	s0 =	simm.s32 $0x7  }
0x3c: {  	_ =	swait.ge [sflag:s0], $0x320  }
0x3d: {  	[sflag:s0] =	ssyncset.done $0x0  }
0x3e: {  	p1 =	por $0x0, $0x0;
	[sflag:s0] =	ssyncadd.s32 $0xFFFFFCE0  }
.LBB2_3:
0x3f: {  	p1 =	por @!p0 $0x1, $0x1  }
.LBB2_5:
0x40: {  	s0 =	simm.s32 $0x5  }
0x41: {  	_ =	swait.ge [sflag:s0], $0x500  }
0x42: {  	[sflag:s0] =	ssyncset.done $0x0  }
0x43: {  	s10 =	simm.s32 $0x0;
	[sflag:s0] =	ssyncadd.s32 $0xFFFFFB00  }
.LBB2_6:
0x44: {  	s0 =	sshll.u32 s10, $0x5  }
0x45: {  	s12 =	smul.u32 $0x500, s10;
	s0 =	sand.u32 $0x3FFFFFE0, s0  }
0x46: {  	v2 =	vld [tilespmem:s0+$0xD480]  }
0x47: {  	v1 =	vld [tilespmem:s0+$0xD490];
	s17 =	sshra.s32 s12, $0x1  }
0x48: {  	v3 =	vld [tilespmem:s17+$0xC80]  }
0x49: {  	v4 =	vld [tilespmem:s17+$0xC90];
	_ =	sdelay $0x4  }
0x4a: {  	v3 =	vmul.bf16 v3, v2;
	v4 =	vmul.bf16 v4, v1;
	_ =	sdelay $0x1  }
0x4b: {  	v3 =	vadd.bf16 v4, v3;
	_ =	sdelay $0x1  }
0x4c: {  	v4 =	vunpack.i.u.bf16.f32 v3;
	v3 =	vunpack.i.l.bf16.f32 v3  }
0x4d: {  	v3 =	vadd.f32 v3, v4  }
0x4e: {  	s19 =	sshra.s32 s12, $0x2;
	s1 =	sor.u32 $0x40, s12  }
0x4f: {  	s21 =	sshra.s32 s1, $0x1;
	[tilespmem:s19+$0xE4C0] =	vst v3  }
0x50: {  	v3 =	vld [tilespmem:s21+$0xC80]  }
0x51: {  	v14 =	vld [tilespmem:s21+$0xC90];
	_ =	sdelay $0x4  }
0x52: {  	v3 =	vmul.bf16 v3, v2;
	v4 =	vmul.bf16 v14, v1;
	_ =	sdelay $0x1  }
0x53: {  	v3 =	vadd.bf16 v4, v3;
	_ =	sdelay $0x1  }
0x54: {  	v4 =	vunpack.i.u.bf16.f32 v3;
	v3 =	vunpack.i.l.bf16.f32 v3  }
0x55: {  	v3 =	vadd.f32 v3, v4  }
0x56: {  	s23 =	sor.u32 $0x80, s12;
	s22 =	sshra.s32 s1, $0x2  }
0x57: {  	s25 =	sshra.s32 s23, $0x1;
	[tilespmem:s22+$0xE4C0] =	vst v3  }
0x58: {  	v3 =	vld [tilespmem:s25+$0xC80]  }
0x59: {  	v15 =	vld [tilespmem:s25+$0xC90];
	_ =	sdelay $0x4  }
0x5a: {  	v3 =	vmul.bf16 v3, v2;
	v4 =	vmul.bf16 v15, v1;
	_ =	sdelay $0x1  }
0x5b: {  	s2 =	sor.u32 $0x1, s10;
	v3 =	vadd.bf16 v4, v3  }
0x5c: {  	s11 =	smul.u32 $0x500, s2  }
0x5d: {  	v4 =	vunpack.i.u.bf16.f32 v3;
	v3 =	vunpack.i.l.bf16.f32 v3  }
0x5e: {  	s4 =	sshra.s32 s11, $0x1;
	v3 =	vadd.f32 v3, v4  }
0x5f: {  	s30 =	sor.u32 $0xC0, s12;
	s28 =	sshra.s32 s23, $0x2;
	v7 =	vld [tilespmem:s4+$0xC80]  }
0x60: {  	s31 =	sshra.s32 s30, $0x1;
	v8 =	vld [tilespmem:s4+$0xC90];
	[tilespmem:s28+$0xE4C0] =	vst v3  }
0x61: {  	s3 =	sshll.u32 s2, $0x5;
	v5 =	vld [tilespmem:s31+$0xC80]  }
0x62: {  	s3 =	sand.u32 $0x3FFFFFE0, s3;
	v6 =	vld [tilespmem:s31+$0xC90]  }
0x63: {  	v4 =	vld [tilespmem:s3+$0xD490]  }
0x64: {  	v3 =	vld [tilespmem:s3+$0xD480];
	_ =	sdelay $0x2  }
0x65: {  	v5 =	vmul.bf16 v5, v2;
	v6 =	vmul.bf16 v6, v1;
	_ =	sdelay $0x1  }
0x66: {  	v17 =	vmul.bf16 v8, v4;
	v16 =	vmul.bf16 v7, v3;
	v5 =	vadd.bf16 v6, v5;
	_ =	sdelay $0x1  }
0x67: {  	v6 =	vadd.bf16 v17, v16;
	v18 =	vunpack.i.u.bf16.f32 v5;
	v5 =	vunpack.i.l.bf16.f32 v5  }
0x68: {  	v5 =	vadd.f32 v5, v18  }
0x69: {  	s14 =	sor.u32 $0x100, s12;
	s6 =	sshra.s32 s30, $0x2;
	v7 =	vunpack.i.u.bf16.f32 v6;
	v6 =	vunpack.i.l.bf16.f32 v6  }
0x6a: {  	s15 =	sshra.s32 s14, $0x1;
	v19 =	vadd.f32 v6, v7;
	[tilespmem:s6+$0xE4C0] =	vst v5  }
0x6b: {  	s2 =	sshra.s32 s11, $0x2;
	s16 =	sor.u32 $0x40, s11;
	v20 =	vld [tilespmem:s15+$0xC80]  }
0x6c: {  	s17 =	sshra.s32 s16, $0x1;
	[tilespmem:s2+$0xE4C0] =	vst v19;
	v21 =	vld [tilespmem:s15+$0xC90]  }
0x6d: {  	v5 =	vld [tilespmem:s17+$0xC80]  }
0x6e: {  	v22 =	vld [tilespmem:s17+$0xC90];
	_ =	sdelay $0x2  }
0x6f: {  	v6 =	vmul.bf16 v20, v2;
	v7 =	vmul.bf16 v21, v1;
	_ =	sdelay $0x1  }
0x70: {  	v5 =	vmul.bf16 v5, v3;
	v23 =	vmul.bf16 v22, v4;
	v6 =	vadd.bf16 v7, v6;
	_ =	sdelay $0x1  }
0x71: {  	v5 =	vadd.bf16 v23, v5;
	v24 =	vunpack.i.u.bf16.f32 v6;
	v6 =	vunpack.i.l.bf16.f32 v6  }
0x72: {  	v6 =	vadd.f32 v6, v24  }
0x73: {  	s19 =	sshra.s32 s14, $0x2;
	s21 =	sor.u32 $0x140, s12;
	v7 =	vunpack.i.u.bf16.f32 v5;
	v5 =	vunpack.i.l.bf16.f32 v5  }
0x74: {  	s22 =	sshra.s32 s21, $0x1;
	v5 =	vadd.f32 v5, v7;
	[tilespmem:s19+$0xE4C0] =	vst v6  }
0x75: {  	s23 =	sshra.s32 s16, $0x2;
	s25 =	sor.u32 $0x80, s11;
	v6 =	vld [tilespmem:s22+$0xC80]  }
0x76: {  	s28 =	sshra.s32 s25, $0x1;
	[tilespmem:s23+$0xE4C0] =	vst v5;
	v25 =	vld [tilespmem:s22+$0xC90]  }
0x77: {  	v5 =	vld [tilespmem:s28+$0xC80]  }
0x78: {  	v26 =	vld [tilespmem:s28+$0xC90];
	_ =	sdelay $0x2  }
0x79: {  	v6 =	vmul.bf16 v6, v2;
	v7 =	vmul.bf16 v25, v1;
	_ =	sdelay $0x1  }
0x7a: {  	v5 =	vmul.bf16 v5, v3;
	v27 =	vmul.bf16 v26, v4;
	v6 =	vadd.bf16 v7, v6;
	_ =	sdelay $0x1  }
0x7b: {  	v5 =	vadd.bf16 v27, v5;
	v28 =	vunpack.i.u.bf16.f32 v6;
	v6 =	vunpack.i.l.bf16.f32 v6  }
0x7c: {  	v6 =	vadd.f32 v6, v28  }
0x7d: {  	s30 =	sshra.s32 s21, $0x2;
	s31 =	sor.u32 $0x180, s12;
	v7 =	vunpack.i.u.bf16.f32 v5;
	v5 =	vunpack.i.l.bf16.f32 v5  }
0x7e: {  	s2 =	sshra.s32 s31, $0x1;
	v5 =	vadd.f32 v5, v7;
	[tilespmem:s30+$0xE4C0] =	vst v6  }
0x7f: {  	s4 =	sshra.s32 s25, $0x2;
	s6 =	sor.u32 $0xC0, s11;
	v6 =	vld [tilespmem:s2+$0xC80]  }
0x80: {  	s14 =	sshra.s32 s6, $0x1;
	[tilespmem:s4+$0xE4C0] =	vst v5;
	v29 =	vld [tilespmem:s2+$0xC90]  }
0x81: {  	v5 =	vld [tilespmem:s14+$0xC80]  }
0x82: {  	v30 =	vld [tilespmem:s14+$0xC90];
	_ =	sdelay $0x2  }
0x83: {  	v6 =	vmul.bf16 v6, v2;
	v7 =	vmul.bf16 v29, v1  }
0x84: {  	s23 =	sor.u32 $0x2, s10  }
0x85: {  	s14 =	smul.u32 $0x500, s23;
	v5 =	vmul.bf16 v5, v3;
	v31 =	vmul.bf16 v30, v4;
	v6 =	vadd.bf16 v7, v6;
	_ =	sdelay $0x1  }
0x86: {  	s28 =	sshra.s32 s14, $0x1;
	v5 =	vadd.bf16 v31, v5;
	v32 =	vunpack.i.u.bf16.f32 v6;
	v6 =	vunpack.i.l.bf16.f32 v6  }
0x87: {  	s4 =	sshll.u32 s23, $0x5;
	v11 =	vld [tilespmem:s28+$0xC80];
	v6 =	vadd.f32 v6, v32  }
0x88: {  	s16 =	sor.u32 $0x1C0, s12;
	s15 =	sshra.s32 s31, $0x2;
	s25 =	sand.u32 $0x3FFFFFE0, s4;
	v12 =	vld [tilespmem:s28+$0xC90];
	v7 =	vunpack.i.u.bf16.f32 v5;
	v5 =	vunpack.i.l.bf16.f32 v5  }
0x89: {  	s17 =	sshra.s32 s16, $0x1;
	v5 =	vadd.f32 v5, v7;
	[tilespmem:s15+$0xE4C0] =	vst v6;
	v6 =	vld [tilespmem:s25+$0xD480]  }
0x8a: {  	s21 =	sadd.s32 $0x100, s11;
	s19 =	sshra.s32 s6, $0x2;
	v33 =	vld [tilespmem:s17+$0xC80]  }
0x8b: {  	s22 =	sshra.s32 s21, $0x1;
	[tilespmem:s19+$0xE4C0] =	vst v5;
	v34 =	vld [tilespmem:s17+$0xC90]  }
0x8c: {  	v9 =	vld [tilespmem:s22+$0xC80]  }
0x8d: {  	v10 =	vld [tilespmem:s22+$0xC90]  }
0x8e: {  	v5 =	vld [tilespmem:s25+$0xD490];
	_ =	sdelay $0x1  }
0x8f: {  	v7 =	vmul.bf16 v33, v2;
	v8 =	vmul.bf16 v34, v1;
	_ =	sdelay $0x1  }
0x90: {  	v35 =	vmul.bf16 v9, v3;
	v36 =	vmul.bf16 v10, v4;
	v7 =	vadd.bf16 v8, v7  }
0x91: {  	v38 =	vmul.bf16 v11, v6;
	v39 =	vmul.bf16 v12, v5  }
0x92: {  	v8 =	vadd.bf16 v36, v35;
	v37 =	vunpack.i.u.bf16.f32 v7;
	v7 =	vunpack.i.l.bf16.f32 v7  }
0x93: {  	v7 =	vadd.f32 v7, v37  }
0x94: {  	s31 =	sor.u32 $0x200, s12;
	s30 =	sshra.s32 s16, $0x2;
	v42 =	vadd.bf16 v39, v38;
	v40 =	vunpack.i.u.bf16.f32 v8;
	v8 =	vunpack.i.l.bf16.f32 v8  }
0x95: {  	s6 =	sshra.s32 s31, $0x1;
	v41 =	vadd.f32 v8, v40;
	[tilespmem:s30+$0xE4C0] =	vst v7  }
0x96: {  	s16 =	sadd.s32 $0x140, s11;
	s15 =	sshra.s32 s21, $0x2;
	v45 =	vunpack.i.u.bf16.f32 v42;
	v8 =	vunpack.i.l.bf16.f32 v42;
	v43 =	vld [tilespmem:s6+$0xC80]  }
0x97: {  	s17 =	sshra.s32 s16, $0x1;
	[tilespmem:s15+$0xE4C0] =	vst v41;
	v7 =	vadd.f32 v8, v45;
	v44 =	vld [tilespmem:s6+$0xC90]  }
0x98: {  	s19 =	sshra.s32 s14, $0x2;
	s21 =	sor.u32 $0x40, s14;
	v46 =	vld [tilespmem:s17+$0xC80]  }
0x99: {  	s23 =	sor.u32 $0x3, s10;
	s22 =	sshra.s32 s21, $0x1;
	v47 =	vld [tilespmem:s17+$0xC90];
	[tilespmem:s19+$0xE4C0] =	vst v7  }
0x9a: {  	s6 =	sshll.u32 s23, $0x5;
	v48 =	vld [tilespmem:s22+$0xC80]  }
0x9b: {  	s15 =	smul.u32 $0x500, s23;
	s25 =	sand.u32 $0x3FFFFFE0, s6;
	v13 =	vld [tilespmem:s22+$0xC90]  }
0x9c: {  	v7 =	vld [tilespmem:s25+$0xD480];
	v9 =	vmul.bf16 v43, v2;
	v10 =	vmul.bf16 v44, v1  }
0x9d: {  	s28 =	sshra.s32 s15, $0x1;
	v8 =	vld [tilespmem:s25+$0xD490]  }
0x9e: {  	v14 =	vld [tilespmem:s28+$0xC80];
	v49 =	vmul.bf16 v46, v3;
	v50 =	vmul.bf16 v47, v4;
	v9 =	vadd.bf16 v10, v9  }
0x9f: {  	v51 =	vld [tilespmem:s28+$0xC90]  }
0xa0: {  	v10 =	vadd.bf16 v50, v49;
	v15 =	vunpack.i.u.bf16.f32 v9;
	v9 =	vunpack.i.l.bf16.f32 v9  }
0xa1: {  	v54 =	vmul.bf16 v48, v6;
	v9 =	vadd.f32 v9, v15  }
0xa2: {  	s30 =	sshra.s32 s31, $0x2;
	s31 =	sor.u32 $0x240, s12;
	v55 =	vmul.bf16 v13, v5;
	v52 =	vunpack.i.u.bf16.f32 v10;
	v10 =	vunpack.i.l.bf16.f32 v10  }
0xa3: {  	s4 =	sshra.s32 s31, $0x1;
	v53 =	vadd.f32 v10, v52;
	[tilespmem:s30+$0xE4C0] =	vst v9  }
0xa4: {  	s3 =	sshra.s32 s16, $0x2;
	s6 =	sadd.s32 $0x180, s11;
	v59 =	vmul.bf16 v14, v7;
	v11 =	vmul.bf16 v51, v8;
	v58 =	vadd.bf16 v55, v54;
	v56 =	vld [tilespmem:s4+$0xC80]  }
0xa5: {  	s16 =	sshra.s32 s6, $0x1;
	[tilespmem:s3+$0xE4C0] =	vst v53;
	v57 =	vld [tilespmem:s4+$0xC90]  }
0xa6: {  	v10 =	vadd.bf16 v11, v59;
	v16 =	vunpack.i.u.bf16.f32 v58;
	v9 =	vunpack.i.l.bf16.f32 v58;
	v60 =	vld [tilespmem:s16+$0xC80]  }
0xa7: {  	v61 =	vld [tilespmem:s16+$0xC90];
	v9 =	vadd.f32 v9, v16  }
0xa8: {  	s17 =	sshra.s32 s21, $0x2;
	s19 =	sor.u32 $0x80, s14;
	v11 =	vunpack.i.u.bf16.f32 v10;
	v10 =	vunpack.i.l.bf16.f32 v10  }
0xa9: {  	s22 =	sshra.s32 s19, $0x1;
	v62 =	vadd.f32 v10, v11;
	[tilespmem:s17+$0xE4C0] =	vst v9  }
0xaa: {  	s23 =	sshra.s32 s15, $0x2;
	s25 =	sor.u32 $0x40, s15;
	v19 =	vld [tilespmem:s22+$0xC80];
	v63 =	vmul.bf16 v56, v2;
	v18 =	vmul.bf16 v57, v1  }
0xab: {  	s21 =	sshra.s32 s25, $0x1;
	[tilespmem:s23+$0xE4C0] =	vst v62;
	v20 =	vld [tilespmem:s22+$0xC90]  }
0xac: {  	v22 =	vld [tilespmem:s21+$0xC80];
	v12 =	vmul.bf16 v60, v3;
	v14 =	vmul.bf16 v61, v4;
	v21 =	vadd.bf16 v18, v63  }
0xad: {  	v24 =	vld [tilespmem:s21+$0xC90]  }
0xae: {  	v23 =	vadd.bf16 v14, v12;
	v25 =	vunpack.i.u.bf16.f32 v21;
	v9 =	vunpack.i.l.bf16.f32 v21  }
0xaf: {  	v13 =	vmul.bf16 v19, v6;
	v9 =	vadd.f32 v9, v25  }
0xb0: {  	s23 =	sor.u32 $0x280, s12;
	s22 =	sshra.s32 s31, $0x2;
	v15 =	vmul.bf16 v20, v5;
	v26 =	vunpack.i.u.bf16.f32 v23;
	v11 =	vunpack.i.l.bf16.f32 v23  }
0xb1: {  	s28 =	sshra.s32 s23, $0x1;
	v11 =	vadd.f32 v11, v26;
	[tilespmem:s22+$0xE4C0] =	vst v9  }
0xb2: {  	s30 =	sshra.s32 s6, $0x2;
	s31 =	sadd.s32 $0x1C0, s11;
	v10 =	vmul.bf16 v22, v7;
	v12 =	vmul.bf16 v24, v8;
	v27 =	vadd.bf16 v15, v13;
	v28 =	vld [tilespmem:s28+$0xC80]  }
0xb3: {  	s3 =	sshra.s32 s31, $0x1;
	[tilespmem:s30+$0xE4C0] =	vst v11;
	v29 =	vld [tilespmem:s28+$0xC90]  }
0xb4: {  	v10 =	vadd.bf16 v12, v10;
	v30 =	vunpack.i.u.bf16.f32 v27;
	v9 =	vunpack.i.l.bf16.f32 v27;
	v31 =	vld [tilespmem:s3+$0xC80]  }
0xb5: {  	v9 =	vadd.f32 v9, v30;
	v32 =	vld [tilespmem:s3+$0xC90]  }
0xb6: {  	s16 =	sshra.s32 s19, $0x2;
	s17 =	sor.u32 $0xC0, s14;
	v33 =	vunpack.i.u.bf16.f32 v10;
	v10 =	vunpack.i.l.bf16.f32 v10  }
0xb7: {  	s19 =	sshra.s32 s17, $0x1;
	v34 =	vadd.f32 v10, v33;
	[tilespmem:s16+$0xE4C0] =	vst v9  }
0xb8: {  	s21 =	sshra.s32 s25, $0x2;
	s22 =	sor.u32 $0x80, s15;
	v35 =	vld [tilespmem:s19+$0xC80];
	v13 =	vmul.bf16 v28, v2;
	v14 =	vmul.bf16 v29, v1  }
0xb9: {  	s25 =	sshra.s32 s22, $0x1;
	[tilespmem:s21+$0xE4C0] =	vst v34;
	v36 =	vld [tilespmem:s19+$0xC90]  }
0xba: {  	v9 =	vld [tilespmem:s25+$0xC80];
	v12 =	vmul.bf16 v31, v3;
	v11 =	vmul.bf16 v32, v4;
	v13 =	vadd.bf16 v14, v13  }
0xbb: {  	v37 =	vld [tilespmem:s25+$0xC90]  }
0xbc: {  	v11 =	vadd.bf16 v11, v12;
	v38 =	vunpack.i.u.bf16.f32 v13;
	v39 =	vunpack.i.l.bf16.f32 v13  }
0xbd: {  	v12 =	vadd.f32 v39, v38  }
0xbe: {  	s28 =	sshra.s32 s23, $0x2;
	s23 =	sor.u32 $0x2C0, s12;
	v41 =	vunpack.i.u.bf16.f32 v11;
	v11 =	vunpack.i.l.bf16.f32 v11  }
0xbf: {  	s4 =	sshra.s32 s17, $0x2;
	s31 =	sshra.s32 s31, $0x2;
	s30 =	sshra.s32 s23, $0x1;
	v10 =	vmul.bf16 v35, v6;
	v40 =	vmul.bf16 v36, v5;
	v11 =	vadd.f32 v11, v41;
	[tilespmem:s28+$0xE4C0] =	vst v12  }
0xc0: {  	s17 =	sshra.s32 s22, $0x2;
	s21 =	sor.u32 $0x4, s10;
	v9 =	vmul.bf16 v9, v7;
	v42 =	vmul.bf16 v37, v8;
	s28 =	sor.u32 $0x200, s11;
	v17 =	vld [tilespmem:s30+$0xC80]  }
0xc1: {  	s22 =	sshll.u32 s21, $0x5;
	s21 =	smul.u32 $0x500, s21;
	v10 =	vadd.bf16 v40, v10;
	[tilespmem:s31+$0xE4C0] =	vst v11;
	v18 =	vld [tilespmem:s30+$0xC90];
	s1 =	sshra.s32 s28, $0x1  }
0xc2: {  	v9 =	vadd.bf16 v42, v9;
	v44 =	vld [tilespmem:s1+$0xC80]  }
0xc3: {  	v43 =	vunpack.i.u.bf16.f32 v10;
	v10 =	vunpack.i.l.bf16.f32 v10;
	s30 =	sshra.s32 s21, $0x1;
	v46 =	vld [tilespmem:s1+$0xC90]  }
0xc4: {  	v45 =	vunpack.i.u.bf16.f32 v9;
	v9 =	vunpack.i.l.bf16.f32 v9;
	v10 =	vadd.f32 v10, v43;
	v21 =	vld [tilespmem:s30+$0xC80]  }
0xc5: {  	s25 =	sand.u32 $0x3FFFFFE0, s22;
	v9 =	vadd.f32 v9, v45;
	v22 =	vld [tilespmem:s30+$0xC90]  }
0xc6: {  	s3 =	sor.u32 $0x100, s14;
	[tilespmem:s4+$0xE4C0] =	vst v10;
	v10 =	vld [tilespmem:s25+$0xD480]  }
0xc7: {  	s16 =	sshra.s32 s3, $0x1;
	[tilespmem:s17+$0xE4C0] =	vst v9;
	v9 =	vld [tilespmem:s25+$0xD490]  }
0xc8: {  	s31 =	sor.u32 $0x5, s10;
	s1 =	sor.u32 $0xC0, s15;
	v47 =	vld [tilespmem:s16+$0xC80]  }
0xc9: {  	s2 =	smul.u32 $0x500, s31;
	s19 =	sshra.s32 s1, $0x1;
	v48 =	vld [tilespmem:s16+$0xC90]  }
0xca: {  	v19 =	vld [tilespmem:s19+$0xC80]  }
0xcb: {  	s17 =	sshra.s32 s2, $0x1;
	v20 =	vld [tilespmem:s19+$0xC90]  }
0xcc: {  	s6 =	sshll.u32 s31, $0x5;
	v23 =	vld [tilespmem:s17+$0xC80]  }
0xcd: {  	s31 =	sor.u32 $0x7, s10;
	s16 =	sand.u32 $0x3FFFFFE0, s6;
	v25 =	vld [tilespmem:s17+$0xC90]  }
0xce: {  	s0 =	smul.u32 $0x500, s31;
	v11 =	vld [tilespmem:s16+$0xD480]  }
0xcf: {  	s19 =	sor.u32 $0x6, s10;
	v12 =	vld [tilespmem:s16+$0xD490]  }
0xd0: {  	s4 =	sshra.s32 s0, $0x1;
	s22 =	sshll.u32 s19, $0x5;
	v26 =	vmul.bf16 v44, v3;
	v15 =	vmul.bf16 v46, v4  }
0xd1: {  	s16 =	smul.u32 $0x500, s19;
	v29 =	vld [tilespmem:s4+$0xC80];
	s25 =	sand.u32 $0x3FFFFFE0, s22;
	v21 =	vmul.bf16 v21, v10;
	v22 =	vmul.bf16 v22, v9  }
0xd2: {  	v13 =	vld [tilespmem:s25+$0xD480];
	v24 =	vmul.bf16 v47, v6;
	v16 =	vmul.bf16 v48, v5  }
0xd3: {  	v14 =	vld [tilespmem:s25+$0xD490];
	s30 =	sshra.s32 s16, $0x1;
	v19 =	vmul.bf16 v19, v7;
	v20 =	vmul.bf16 v20, v8;
	v21 =	vadd.bf16 v22, v21  }
0xd4: {  	v49 =	vld [tilespmem:s30+$0xC80];
	v26 =	vadd.bf16 v15, v26;
	v52 =	vmul.bf16 v23, v11;
	v53 =	vmul.bf16 v25, v12  }
0xd5: {  	s17 =	sshll.u32 s31, $0x5;
	v28 =	vld [tilespmem:s30+$0xC90];
	v16 =	vadd.bf16 v16, v24;
	v51 =	vunpack.i.u.bf16.f32 v21;
	v21 =	vunpack.i.l.bf16.f32 v21  }
0xd6: {  	s6 =	sand.u32 $0x3FFFFFE0, s17;
	v54 =	vld [tilespmem:s4+$0xC90];
	v50 =	vunpack.i.u.bf16.f32 v26;
	v19 =	vadd.bf16 v20, v19;
	v20 =	vadd.f32 v21, v51  }
0xd7: {  	s4 =	sor.u32 $0x40, s21;
	s22 =	sshra.s32 s21, $0x2;
	v15 =	vld [tilespmem:s6+$0xD480];
	v26 =	vunpack.i.l.bf16.f32 v26;
	v27 =	vunpack.i.u.bf16.f32 v16;
	v16 =	vunpack.i.l.bf16.f32 v16  }
0xd8: {  	v17 =	vmul.bf16 v17, v2;
	s25 =	sshra.s32 s4, $0x1;
	v22 =	vadd.f32 v26, v50;
	v27 =	vadd.f32 v16, v27;
	v16 =	vld [tilespmem:s6+$0xD490];
	[tilespmem:s22+$0xE4C0] =	vst v20  }
0xd9: {  	s3 =	sshra.s32 s3, $0x2;
	s31 =	sor.u32 $0x140, s14;
	v57 =	vadd.bf16 v53, v52;
	v56 =	vunpack.i.u.bf16.f32 v19;
	v19 =	vunpack.i.l.bf16.f32 v19;
	v60 =	vld [tilespmem:s25+$0xC80]  }
0xda: {  	s19 =	sshra.s32 s31, $0x1;
	s30 =	sshra.s32 s28, $0x2;
	v58 =	vmul.bf16 v49, v13;
	v59 =	vmul.bf16 v28, v14;
	v19 =	vadd.f32 v19, v56;
	[tilespmem:s3+$0xE4C0] =	vst v27;
	v61 =	vld [tilespmem:s25+$0xC90]  }
0xdb: {  	s1 =	sshra.s32 s1, $0x2;
	v18 =	vmul.bf16 v18, v1;
	[tilespmem:s30+$0xE4C0] =	vst v22;
	s30 =	sadd.s32 $0x100, s15;
	v62 =	vunpack.i.u.bf16.f32 v57;
	v20 =	vunpack.i.l.bf16.f32 v57;
	v55 =	vld [tilespmem:s19+$0xC80]  }
0xdc: {  	v21 =	vadd.bf16 v59, v58;
	[tilespmem:s1+$0xE4C0] =	vst v19;
	s3 =	sshra.s32 s30, $0x1;
	v33 =	vadd.f32 v20, v62;
	v30 =	vld [tilespmem:s19+$0xC90]  }
0xdd: {  	s17 =	sshra.s32 s2, $0x2;
	v17 =	vadd.bf16 v18, v17;
	v34 =	vmul.bf16 v29, v15;
	s6 =	sor.u32 $0x40, s2;
	v35 =	vld [tilespmem:s3+$0xC80];
	v25 =	vmul.bf16 v54, v16  }
0xde: {  	s22 =	sshra.s32 s6, $0x1;
	v36 =	vunpack.i.u.bf16.f32 v21;
	v21 =	vunpack.i.l.bf16.f32 v21;
	v37 =	vld [tilespmem:s3+$0xC90];
	[tilespmem:s17+$0xE4C0] =	vst v33  }
0xdf: {  	s28 =	sor.u32 $0x240, s11;
	v45 =	vunpack.i.u.bf16.f32 v17;
	v38 =	vadd.f32 v21, v36;
	v41 =	vld [tilespmem:s22+$0xC80];
	v20 =	vadd.bf16 v25, v34  }
0xe0: {  	v17 =	vunpack.i.l.bf16.f32 v17;
	s25 =	sshra.s32 s16, $0x2;
	s19 =	sshra.s32 s28, $0x1;
	s17 =	sor.u32 $0x40, s16;
	v42 =	vld [tilespmem:s22+$0xC90];
	v40 =	vmul.bf16 v60, v10;
	v22 =	vmul.bf16 v61, v9  }
0xe1: {  	v63 =	vld [tilespmem:s19+$0xC80];
	s22 =	sshra.s32 s17, $0x1;
	[tilespmem:s25+$0xE4C0] =	vst v38;
	v26 =	vmul.bf16 v55, v6;
	v43 =	vunpack.i.u.bf16.f32 v20;
	v20 =	vunpack.i.l.bf16.f32 v20  }
0xe2: {  	v44 =	vld [tilespmem:s22+$0xC80];
	v39 =	vmul.bf16 v30, v5;
	v21 =	vadd.bf16 v22, v40;
	v19 =	vadd.f32 v20, v43  }
0xe3: {  	v17 =	vadd.f32 v17, v45;
	s3 =	sor.u32 $0x40, s0;
	s25 =	sshra.s32 s0, $0x2;
	v46 =	vld [tilespmem:s22+$0xC90];
	v55 =	vmul.bf16 v35, v7  }
0xe4: {  	v47 =	vld [tilespmem:s19+$0xC90];
	s22 =	sshra.s32 s3, $0x1;
	v18 =	vadd.bf16 v39, v26;
	v49 =	vunpack.i.u.bf16.f32 v21;
	v21 =	vunpack.i.l.bf16.f32 v21;
	[tilespmem:s25+$0xE4C0] =	vst v19  }
0xe5: {  	v51 =	vmul.bf16 v41, v11;
	v52 =	vmul.bf16 v42, v12;
	s25 =	sshra.s32 s23, $0x2;
	s23 =	sor.u32 $0x300, s12;
	v19 =	vadd.f32 v21, v49;
	v50 =	vld [tilespmem:s22+$0xC80]  }
0xe6: {  	v56 =	vmul.bf16 v37, v8;
	v48 =	vunpack.i.u.bf16.f32 v18;
	v18 =	vunpack.i.l.bf16.f32 v18;
	v53 =	vld [tilespmem:s22+$0xC90];
	[tilespmem:s25+$0xE4C0] =	vst v17;
	s19 =	sshra.s32 s23, $0x1;
	s22 =	sshra.s32 s4, $0x2;
	s4 =	sor.u32 $0x80, s21  }
0xe7: {  	v23 =	vmul.bf16 v63, v3;
	v57 =	vadd.bf16 v52, v51;
	v54 =	vadd.f32 v18, v48;
	v28 =	vld [tilespmem:s19+$0xC80];
	[tilespmem:s22+$0xE4C0] =	vst v19;
	s22 =	sshra.s32 s4, $0x1  }
0xe8: {  	s31 =	sshra.s32 s31, $0x2;
	s1 =	sor.u32 $0x180, s14;
	v58 =	vmul.bf16 v44, v13;
	v22 =	vmul.bf16 v46, v14;
	v59 =	vld [tilespmem:s22+$0xC80]  }
0xe9: {  	v18 =	vadd.bf16 v56, v55;
	s25 =	sshra.s32 s1, $0x1;
	v61 =	vunpack.i.u.bf16.f32 v57;
	v19 =	vunpack.i.l.bf16.f32 v57;
	[tilespmem:s31+$0xE4C0] =	vst v54;
	v60 =	vld [tilespmem:s22+$0xC90]  }
0xea: {  	v20 =	vmul.bf16 v47, v4;
	v21 =	vadd.bf16 v22, v58;
	v19 =	vadd.f32 v19, v61;
	v62 =	vld [tilespmem:s25+$0xC80]  }
0xeb: {  	v33 =	vld [tilespmem:s25+$0xC90];
	s25 =	sshra.s32 s6, $0x2;
	s6 =	sor.u32 $0x80, s2;
	v63 =	vmul.bf16 v50, v15;
	v25 =	vmul.bf16 v53, v16  }
0xec: {  	v36 =	vld [tilespmem:s19+$0xC90];
	v34 =	vunpack.i.u.bf16.f32 v18;
	v35 =	vunpack.i.u.bf16.f32 v21;
	v21 =	vunpack.i.l.bf16.f32 v21;
	[tilespmem:s25+$0xE4C0] =	vst v19;
	s31 =	sshra.s32 s6, $0x1  }
0xed: {  	v18 =	vunpack.i.l.bf16.f32 v18;
	v21 =	vadd.f32 v21, v35;
	v38 =	vld [tilespmem:s31+$0xC80];
	v25 =	vadd.bf16 v25, v63  }
0xee: {  	s17 =	sshra.s32 s17, $0x2;
	v20 =	vadd.bf16 v20, v23;
	s19 =	sor.u32 $0x80, s16;
	v18 =	vadd.f32 v18, v34;
	v39 =	vld [tilespmem:s31+$0xC90];
	v37 =	vmul.bf16 v59, v10  }
0xef: {  	s25 =	sshra.s32 s19, $0x1;
	[tilespmem:s17+$0xE4C0] =	vst v21;
	v17 =	vmul.bf16 v60, v9;
	v40 =	vunpack.i.u.bf16.f32 v25;
	v25 =	vunpack.i.l.bf16.f32 v25  }
0xf0: {  	s30 =	sshra.s32 s30, $0x2;
	s31 =	sadd.s32 $0x140, s15;
	v42 =	vld [tilespmem:s25+$0xC80];
	v22 =	vmul.bf16 v62, v6;
	v43 =	vmul.bf16 v33, v5;
	v21 =	vadd.f32 v25, v40  }
0xf1: {  	s3 =	sshra.s32 s3, $0x2;
	v41 =	vunpack.i.u.bf16.f32 v20;
	v20 =	vunpack.i.l.bf16.f32 v20;
	[tilespmem:s30+$0xE4C0] =	vst v18;
	s22 =	sshra.s32 s31, $0x1;
	s17 =	sor.u32 $0x80, s0;
	v44 =	vld [tilespmem:s25+$0xC90];
	v17 =	vadd.bf16 v17, v37  }
0xf2: {  	v20 =	vadd.f32 v20, v41;
	v45 =	vld [tilespmem:s22+$0xC80];
	v46 =	vadd.bf16 v43, v22;
	v49 =	vmul.bf16 v38, v11;
	[tilespmem:s3+$0xE4C0] =	vst v21;
	s3 =	sshra.s32 s17, $0x1  }
0xf3: {  	v50 =	vmul.bf16 v39, v12;
	v47 =	vunpack.i.u.bf16.f32 v17;
	v17 =	vunpack.i.l.bf16.f32 v17;
	v48 =	vld [tilespmem:s3+$0xC80]  }
0xf4: {  	s25 =	sshra.s32 s28, $0x2;
	s28 =	sor.u32 $0x280, s11;
	v17 =	vadd.f32 v17, v47;
	v51 =	vld [tilespmem:s3+$0xC90]  }
0xf5: {  	s4 =	sshra.s32 s4, $0x2;
	v53 =	vld [tilespmem:s22+$0xC90];
	[tilespmem:s25+$0xE4C0] =	vst v20;
	s25 =	sshra.s32 s28, $0x1;
	v52 =	vunpack.i.u.bf16.f32 v46;
	v55 =	vadd.bf16 v50, v49;
	s3 =	sor.u32 $0xC0, s21  }
0xf6: {  	v54 =	vld [tilespmem:s25+$0xC80];
	v21 =	vunpack.i.l.bf16.f32 v46;
	v56 =	vmul.bf16 v42, v13;
	v18 =	vmul.bf16 v44, v14;
	[tilespmem:s4+$0xE4C0] =	vst v17;
	s22 =	sshra.s32 s3, $0x1  }
0xf7: {  	v20 =	vadd.f32 v21, v52;
	v60 =	vunpack.i.u.bf16.f32 v55;
	v17 =	vunpack.i.l.bf16.f32 v55;
	v58 =	vld [tilespmem:s22+$0xC80]  }
0xf8: {  	s1 =	sshra.s32 s1, $0x2;
	s30 =	sor.u32 $0x1C0, s14;
	v57 =	vmul.bf16 v45, v7;
	v18 =	vadd.bf16 v18, v56;
	v59 =	vld [tilespmem:s22+$0xC90];
	v17 =	vadd.f32 v17, v60  }
0xf9: {  	s6 =	sshra.s32 s6, $0x2;
	v61 =	vld [tilespmem:s25+$0xC90];
	s4 =	sor.u32 $0xC0, s2;
	[tilespmem:s1+$0xE4C0] =	vst v20;
	s22 =	sshra.s32 s30, $0x1;
	v62 =	vmul.bf16 v48, v15;
	v63 =	vmul.bf16 v51, v16  }
0xfa: {  	v27 =	vmul.bf16 v53, v8;
	s25 =	sshra.s32 s4, $0x1;
	v33 =	vld [tilespmem:s22+$0xC80];
	v34 =	vunpack.i.u.bf16.f32 v18;
	v18 =	vunpack.i.l.bf16.f32 v18;
	[tilespmem:s6+$0xE4C0] =	vst v17  }
0xfb: {  	v19 =	vmul.bf16 v36, v1;
	v18 =	vadd.f32 v18, v34;
	v36 =	vld [tilespmem:s25+$0xC80];
	v20 =	vadd.bf16 v63, v62  }
0xfc: {  	s19 =	sshra.s32 s19, $0x2;
	v21 =	vadd.bf16 v27, v57;
	s6 =	sor.u32 $0xC0, s16;
	v37 =	vld [tilespmem:s25+$0xC90];
	v23 =	vmul.bf16 v58, v10  }
0xfd: {  	v35 =	vld [tilespmem:s22+$0xC90];
	s22 =	sshra.s32 s6, $0x1;
	[tilespmem:s19+$0xE4C0] =	vst v18;
	v24 =	vmul.bf16 v59, v9;
	v38 =	vunpack.i.u.bf16.f32 v20;
	v20 =	vunpack.i.l.bf16.f32 v20  }
0xfe: {  	v29 =	vmul.bf16 v54, v3;
	v22 =	vmul.bf16 v61, v4;
	v39 =	vld [tilespmem:s22+$0xC80];
	v18 =	vadd.f32 v20, v38  }
0xff: {  	s17 =	sshra.s32 s17, $0x2;
	s1 =	sor.u32 $0xC0, s0;
	v40 =	vunpack.i.u.bf16.f32 v21;
	v21 =	vunpack.i.l.bf16.f32 v21;
	v41 =	vld [tilespmem:s22+$0xC90];
	v23 =	vadd.bf16 v24, v23  }
0x100: {  	v22 =	vadd.bf16 v22, v29;
	v20 =	vadd.f32 v21, v40;
	v45 =	vmul.bf16 v36, v11;
	[tilespmem:s17+$0xE4C0] =	vst v18;
	s17 =	sshra.s32 s1, $0x1  }
0x101: {  	s25 =	sshra.s32 s31, $0x2;
	s31 =	sadd.s32 $0x180, s15;
	v46 =	vmul.bf16 v37, v12;
	v42 =	vunpack.i.u.bf16.f32 v23;
	v43 =	vunpack.i.l.bf16.f32 v23;
	v44 =	vld [tilespmem:s17+$0xC80]  }
0x102: {  	v48 =	vunpack.i.u.bf16.f32 v22;
	v22 =	vunpack.i.l.bf16.f32 v22;
	s22 =	sshra.s32 s31, $0x1;
	[tilespmem:s25+$0xE4C0] =	vst v20;
	v18 =	vadd.f32 v43, v42;
	v47 =	vld [tilespmem:s17+$0xC90]  }
0x103: {  	v26 =	vmul.bf16 v33, v6;
	v17 =	vmul.bf16 v35, v5;
	s25 =	sshra.s32 s3, $0x2;
	s3 =	sor.u32 $0x100, s21;
	v51 =	vadd.bf16 v46, v45;
	v49 =	vld [tilespmem:s22+$0xC80]  }
0x104: {  	v22 =	vadd.f32 v22, v48;
	v52 =	vmul.bf16 v39, v13;
	v53 =	vmul.bf16 v41, v14;
	v50 =	vld [tilespmem:s22+$0xC90];
	s22 =	sshra.s32 s3, $0x1;
	[tilespmem:s25+$0xE4C0] =	vst v18  }
0x105: {  	v17 =	vadd.bf16 v17, v26;
	s25 =	sshra.s32 s28, $0x2;
	s28 =	sor.u32 $0x2C0, s11;
	v57 =	vunpack.i.u.bf16.f32 v51;
	v18 =	vunpack.i.l.bf16.f32 v51;
	v55 =	vld [tilespmem:s22+$0xC80]  }
0x106: {  	v20 =	vadd.bf16 v53, v52;
	v56 =	vld [tilespmem:s22+$0xC90];
	[tilespmem:s25+$0xE4C0] =	vst v22;
	s19 =	sshra.s32 s28, $0x1;
	v18 =	vadd.f32 v18, v57  }
0x107: {  	v28 =	vmul.bf16 v28, v2;
	v54 =	vunpack.i.u.bf16.f32 v17;
	v17 =	vunpack.i.l.bf16.f32 v17;
	s22 =	sshra.s32 s4, $0x2;
	s4 =	sadd.s32 $0x100, s2;
	v60 =	vld [tilespmem:s19+$0xC80]  }
0x108: {  	v17 =	vadd.f32 v17, v54;
	v61 =	vunpack.i.u.bf16.f32 v20;
	v20 =	vunpack.i.l.bf16.f32 v20;
	v62 =	vld [tilespmem:s19+$0xC90];
	s25 =	sshra.s32 s4, $0x1;
	[tilespmem:s22+$0xE4C0] =	vst v18  }
0x109: {  	v63 =	vadd.f32 v20, v61;
	s22 =	sshra.s32 s30, $0x2;
	s30 =	sadd.s32 $0x200, s14;
	v58 =	vmul.bf16 v44, v15;
	v59 =	vmul.bf16 v47, v16;
	v34 =	vld [tilespmem:s25+$0xC80]  }
0x10a: {  	s6 =	sshra.s32 s6, $0x2;
	s19 =	sor.u32 $0x100, s16;
	v26 =	vmul.bf16 v49, v7;
	v32 =	vmul.bf16 v50, v8;
	v36 =	vld [tilespmem:s25+$0xC90];
	[tilespmem:s22+$0xE4C0] =	vst v17;
	s25 =	sshra.s32 s30, $0x1  }
0x10b: {  	[tilespmem:s6+$0xE4C0] =	vst v63;
	s6 =	sshra.s32 s19, $0x1;
	v42 =	vld [tilespmem:s25+$0xC80];
	v31 =	vadd.bf16 v59, v58;
	v33 =	vmul.bf16 v55, v10;
	v35 =	vmul.bf16 v56, v9  }
0x10c: {  	v19 =	vadd.bf16 v19, v28;
	v21 =	vadd.bf16 v32, v26;
	v38 =	vld [tilespmem:s6+$0xC80]  }
0x10d: {  	v40 =	vld [tilespmem:s6+$0xC90];
	v37 =	vunpack.i.u.bf16.f32 v31;
	v20 =	vunpack.i.l.bf16.f32 v31;
	v39 =	vadd.bf16 v35, v33  }
0x10e: {  	v41 =	vunpack.i.u.bf16.f32 v19;
	v50 =	vld [tilespmem:s25+$0xC90];
	v43 =	vunpack.i.u.bf16.f32 v21;
	v18 =	vadd.f32 v20, v37  }
0x10f: {  	s1 =	sshra.s32 s1, $0x2;
	s17 =	sadd.s32 $0x100, s0;
	v44 =	vunpack.i.l.bf16.f32 v21;
	v45 =	vunpack.i.u.bf16.f32 v39;
	v17 =	vunpack.i.l.bf16.f32 v39  }
0x110: {  	s6 =	sshra.s32 s17, $0x1;
	v47 =	vmul.bf16 v34, v11;
	v48 =	vmul.bf16 v36, v12;
	[tilespmem:s1+$0xE4C0] =	vst v18;
	v17 =	vadd.f32 v17, v45  }
0x111: {  	v19 =	vunpack.i.l.bf16.f32 v19;
	s22 =	sshra.s32 s3, $0x2;
	s3 =	sor.u32 $0x140, s21;
	v23 =	vmul.bf16 v60, v3;
	v18 =	vadd.f32 v44, v43;
	v46 =	vld [tilespmem:s6+$0xC80]  }
0x112: {  	v51 =	vadd.bf16 v48, v47;
	v52 =	vmul.bf16 v38, v13;
	v20 =	vmul.bf16 v40, v14;
	v49 =	vld [tilespmem:s6+$0xC90];
	s6 =	sshra.s32 s3, $0x1;
	[tilespmem:s22+$0xE4C0] =	vst v17  }
0x113: {  	v19 =	vadd.f32 v19, v41;
	s25 =	sshra.s32 s31, $0x2;
	v54 =	vmul.bf16 v42, v6;
	v60 =	vmul.bf16 v50, v5;
	s1 =	sadd.s32 $0x1C0, s15;
	v55 =	vld [tilespmem:s6+$0xC80]  }
0x114: {  	s31 =	sshra.s32 s1, $0x1;
	[tilespmem:s25+$0xE4C0] =	vst v18;
	v57 =	vunpack.i.u.bf16.f32 v51;
	v17 =	vunpack.i.l.bf16.f32 v51;
	v20 =	vadd.bf16 v20, v52;
	v56 =	vld [tilespmem:s6+$0xC90]  }
0x115: {  	v53 =	vmul.bf16 v62, v4;
	s25 =	sshra.s32 s23, $0x2;
	s23 =	sor.u32 $0x340, s12;
	v58 =	vld [tilespmem:s31+$0xC80];
	v17 =	vadd.f32 v17, v57  }
0x116: {  	s4 =	sshra.s32 s4, $0x2;
	[tilespmem:s25+$0xE4C0] =	vst v19;
	s25 =	sshra.s32 s23, $0x1;
	v61 =	vld [tilespmem:s31+$0xC90];
	s6 =	sadd.s32 $0x140, s2;
	v19 =	vadd.bf16 v60, v54;
	v62 =	vunpack.i.u.bf16.f32 v20;
	v20 =	vunpack.i.l.bf16.f32 v20  }
0x117: {  	v63 =	vld [tilespmem:s25+$0xC80];
	s31 =	sshra.s32 s6, $0x1;
	[tilespmem:s4+$0xE4C0] =	vst v17;
	v33 =	vadd.f32 v20, v62;
	v59 =	vmul.bf16 v46, v15;
	v27 =	vmul.bf16 v49, v16  }
0x118: {  	s19 =	sshra.s32 s19, $0x2;
	v22 =	vadd.bf16 v53, v23;
	s4 =	sor.u32 $0x140, s16;
	v36 =	vld [tilespmem:s31+$0xC80]  }
0x119: {  	v39 =	vunpack.i.u.bf16.f32 v19;
	v19 =	vunpack.i.l.bf16.f32 v19;
	v37 =	vld [tilespmem:s31+$0xC90];
	s22 =	sshra.s32 s4, $0x1;
	[tilespmem:s19+$0xE4C0] =	vst v33;
	v34 =	vadd.bf16 v27, v59  }
0x11a: {  	v19 =	vadd.f32 v19, v39;
	v35 =	vmul.bf16 v55, v10;
	v18 =	vmul.bf16 v56, v9;
	v40 =	vld [tilespmem:s22+$0xC80]  }
0x11b: {  	v41 =	vmul.bf16 v58, v7;
	v43 =	vld [tilespmem:s22+$0xC90];
	v38 =	vunpack.i.u.bf16.f32 v34;
	v20 =	vunpack.i.l.bf16.f32 v34  }
0x11c: {  	v44 =	vld [tilespmem:s25+$0xC90];
	s25 =	sshra.s32 s30, $0x2;
	s31 =	sadd.s32 $0x240, s14;
	v42 =	vmul.bf16 v61, v8;
	v18 =	vadd.bf16 v18, v35;
	v17 =	vadd.f32 v20, v38  }
0x11d: {  	s17 =	sshra.s32 s17, $0x2;
	v45 =	vunpack.i.u.bf16.f32 v22;
	v22 =	vunpack.i.l.bf16.f32 v22;
	s19 =	sadd.s32 $0x140, s0;
	s30 =	sshra.s32 s31, $0x1;
	[tilespmem:s25+$0xE4C0] =	vst v19  }
0x11e: {  	v52 =	vld [tilespmem:s30+$0xC80];
	v46 =	vadd.bf16 v42, v41;
	v47 =	vunpack.i.u.bf16.f32 v18;
	v18 =	vunpack.i.l.bf16.f32 v18;
	[tilespmem:s17+$0xE4C0] =	vst v17;
	s17 =	sshra.s32 s19, $0x1  }
0x11f: {  	v49 =	vmul.bf16 v36, v11;
	v50 =	vmul.bf16 v37, v12;
	v18 =	vadd.f32 v18, v47;
	v48 =	vld [tilespmem:s17+$0xC80]  }
0x120: {  	v22 =	vadd.f32 v22, v45;
	s25 =	sshra.s32 s3, $0x2;
	s3 =	sor.u32 $0x180, s21;
	v56 =	vmul.bf16 v40, v13;
	v57 =	vmul.bf16 v43, v14;
	v51 =	vld [tilespmem:s17+$0xC90]  }
0x121: {  	v54 =	vld [tilespmem:s30+$0xC90];
	v53 =	vunpack.i.u.bf16.f32 v46;
	v17 =	vunpack.i.l.bf16.f32 v46;
	v55 =	vadd.bf16 v50, v49;
	s17 =	sshra.s32 s3, $0x1;
	[tilespmem:s25+$0xE4C0] =	vst v18  }
0x122: {  	s30 =	sshra.s32 s28, $0x2;
	s28 =	sadd.s32 $0x300, s11;
	v17 =	vadd.f32 v17, v53;
	v19 =	vadd.bf16 v57, v56;
	v59 =	vld [tilespmem:s17+$0xC80]  }
0x123: {  	s1 =	sshra.s32 s1, $0x2;
	v58 =	vmul.bf16 v63, v2;
	[tilespmem:s30+$0xE4C0] =	vst v22;
	s30 =	sadd.s32 $0x200, s15;
	s25 =	sshra.s32 s28, $0x1;
	v61 =	vunpack.i.u.bf16.f32 v55;
	v18 =	vunpack.i.l.bf16.f32 v55;
	v60 =	vld [tilespmem:s17+$0xC90]  }
0x124: {  	v35 =	vmul.bf16 v44, v1;
	s22 =	sshra.s32 s30, $0x1;
	v62 =	vld [tilespmem:s25+$0xC80];
	[tilespmem:s1+$0xE4C0] =	vst v17;
	v63 =	vadd.f32 v18, v61;
	v37 =	vunpack.i.u.bf16.f32 v19  }
0x125: {  	s6 =	sshra.s32 s6, $0x2;
	s17 =	sadd.s32 $0x180, s2;
	v36 =	vld [tilespmem:s22+$0xC80];
	v19 =	vunpack.i.l.bf16.f32 v19;
	v33 =	vmul.bf16 v48, v15;
	v34 =	vmul.bf16 v51, v16  }
0x126: {  	v25 =	vmul.bf16 v52, v6;
	v41 =	vmul.bf16 v54, v5;
	v38 =	vld [tilespmem:s22+$0xC90];
	[tilespmem:s6+$0xE4C0] =	vst v63;
	s6 =	sshra.s32 s17, $0x1;
	v39 =	vadd.f32 v19, v37  }
0x127: {  	s4 =	sshra.s32 s4, $0x2;
	s22 =	sor.u32 $0x180, s16;
	v43 =	vld [tilespmem:s6+$0xC80];
	v18 =	vadd.bf16 v34, v33  }
0x128: {  	v40 =	vadd.bf16 v35, v58;
	v21 =	vadd.bf16 v41, v25;
	v44 =	vld [tilespmem:s6+$0xC90];
	s6 =	sshra.s32 s22, $0x1;
	[tilespmem:s4+$0xE4C0] =	vst v39;
	v42 =	vmul.bf16 v59, v10  }
0x129: {  	v22 =	vmul.bf16 v60, v9;
	v46 =	vld [tilespmem:s6+$0xC80];
	v45 =	vunpack.i.u.bf16.f32 v18;
	v18 =	vunpack.i.l.bf16.f32 v18  }
0x12a: {  	v47 =	vunpack.i.u.bf16.f32 v40;
	v48 =	vld [tilespmem:s6+$0xC90];
	v17 =	vadd.f32 v18, v45  }
0x12b: {  	s19 =	sshra.s32 s19, $0x2;
	v49 =	vld [tilespmem:s25+$0xC90];
	v19 =	vunpack.i.l.bf16.f32 v40;
	v50 =	vunpack.i.u.bf16.f32 v21;
	s6 =	sadd.s32 $0x180, s0;
	v22 =	vadd.bf16 v22, v42  }
0x12c: {  	v51 =	vunpack.i.l.bf16.f32 v21;
	s4 =	sshra.s32 s6, $0x1;
	v18 =	vadd.f32 v19, v47;
	v54 =	vmul.bf16 v43, v11;
	[tilespmem:s19+$0xE4C0] =	vst v17  }
0x12d: {  	v55 =	vmul.bf16 v44, v12;
	v52 =	vunpack.i.u.bf16.f32 v22;
	v22 =	vunpack.i.l.bf16.f32 v22;
	s19 =	sshra.s32 s23, $0x2;
	s23 =	sor.u32 $0x380, s12;
	v53 =	vld [tilespmem:s4+$0xC80]  }
0x12e: {  	v20 =	vmul.bf16 v62, v3;
	v57 =	vmul.bf16 v36, v7;
	v21 =	vadd.f32 v22, v52;
	v56 =	vld [tilespmem:s4+$0xC90];
	[tilespmem:s19+$0xE4C0] =	vst v18;
	s19 =	sshra.s32 s23, $0x1  }
0x12f: {  	s25 =	sshra.s32 s3, $0x2;
	s3 =	sor.u32 $0x1C0, s21;
	v60 =	vadd.bf16 v55, v54;
	v61 =	vmul.bf16 v46, v13;
	v23 =	vmul.bf16 v48, v14;
	v59 =	vld [tilespmem:s19+$0xC80]  }
0x130: {  	v58 =	vmul.bf16 v38, v8;
	v19 =	vmul.bf16 v49, v4;
	v17 =	vadd.f32 v51, v50;
	s4 =	sshra.s32 s3, $0x1;
	[tilespmem:s25+$0xE4C0] =	vst v21;
	v39 =	vld [tilespmem:s19+$0xC90]  }
0x131: {  	s31 =	sshra.s32 s31, $0x2;
	s1 =	sadd.s32 $0x280, s14;
	v33 =	vunpack.i.u.bf16.f32 v60;
	v21 =	vunpack.i.l.bf16.f32 v60;
	v22 =	vadd.bf16 v23, v61;
	v62 =	vld [tilespmem:s4+$0xC80]  }
0x132: {  	v19 =	vadd.bf16 v19, v20;
	[tilespmem:s31+$0xE4C0] =	vst v17;
	s31 =	sshra.s32 s1, $0x1;
	v63 =	vld [tilespmem:s4+$0xC90];
	v21 =	vadd.f32 v21, v33  }
0x133: {  	s17 =	sshra.s32 s17, $0x2;
	v18 =	vadd.bf16 v58, v57;
	v34 =	vld [tilespmem:s31+$0xC80];
	s4 =	sadd.s32 $0x1C0, s2;
	v38 =	vunpack.i.u.bf16.f32 v22;
	v22 =	vunpack.i.l.bf16.f32 v22  }
0x134: {  	v36 =	vld [tilespmem:s31+$0xC90];
	s31 =	sshra.s32 s4, $0x1;
	[tilespmem:s17+$0xE4C0] =	vst v21;
	v22 =	vadd.f32 v22, v38;
	v35 =	vmul.bf16 v53, v15;
	v26 =	vmul.bf16 v56, v16  }
0x135: {  	s22 =	sshra.s32 s22, $0x2;
	s19 =	sor.u32 $0x1C0, s16;
	v44 =	vunpack.i.u.bf16.f32 v19;
	v41 =	vld [tilespmem:s31+$0xC80]  }
0x136: {  	v37 =	vunpack.i.u.bf16.f32 v18;
	v18 =	vunpack.i.l.bf16.f32 v18;
	s25 =	sshra.s32 s19, $0x1;
	v42 =	vld [tilespmem:s31+$0xC90];
	[tilespmem:s22+$0xE4C0] =	vst v22;
	v25 =	vadd.bf16 v26, v35  }
0x137: {  	v19 =	vunpack.i.l.bf16.f32 v19;
	v18 =	vadd.f32 v18, v37;
	v40 =	vmul.bf16 v62, v10;
	v45 =	vld [tilespmem:s25+$0xC80]  }
0x138: {  	s30 =	sshra.s32 s30, $0x2;
	s31 =	sadd.s32 $0x240, s15;
	v17 =	vmul.bf16 v63, v9;
	v47 =	vld [tilespmem:s25+$0xC90];
	v43 =	vunpack.i.u.bf16.f32 v25;
	v25 =	vunpack.i.l.bf16.f32 v25  }
0x139: {  	[tilespmem:s30+$0xE4C0] =	vst v18;
	s22 =	sshra.s32 s31, $0x1;
	v23 =	vmul.bf16 v34, v6;
	v46 =	vmul.bf16 v36, v5;
	v22 =	vadd.f32 v25, v43  }
0x13a: {  	s6 =	sshra.s32 s6, $0x2;
	v19 =	vadd.f32 v19, v44;
	s17 =	sadd.s32 $0x1C0, s0;
	v48 =	vld [tilespmem:s22+$0xC80];
	v17 =	vadd.bf16 v17, v40  }
0x13b: {  	v55 =	vmul.bf16 v59, v2;
	s25 =	sshra.s32 s17, $0x1;
	v57 =	vld [tilespmem:s22+$0xC90];
	v49 =	vadd.bf16 v46, v23;
	v52 =	vmul.bf16 v41, v11;
	[tilespmem:s6+$0xE4C0] =	vst v22  }
0x13c: {  	s30 =	sshra.s32 s28, $0x2;
	s28 =	sadd.s32 $0x340, s11;
	v53 =	vmul.bf16 v42, v12;
	v50 =	vunpack.i.u.bf16.f32 v17;
	v17 =	vunpack.i.l.bf16.f32 v17;
	v51 =	vld [tilespmem:s25+$0xC80]  }
0x13d: {  	[tilespmem:s30+$0xE4C0] =	vst v19;
	v17 =	vadd.f32 v17, v50;
	s6 =	sshra.s32 s28, $0x1;
	v60 =	vmul.bf16 v45, v13;
	v18 =	vmul.bf16 v47, v14;
	v54 =	vld [tilespmem:s25+$0xC90]  }
0x13e: {  	s30 =	sshra.s32 s3, $0x2;
	s3 =	sor.u32 $0x200, s21;
	v56 =	vunpack.i.u.bf16.f32 v49;
	v22 =	vunpack.i.l.bf16.f32 v49;
	v59 =	vadd.bf16 v53, v52;
	v58 =	vld [tilespmem:s6+$0xC80]  }
0x13f: {  	s25 =	sshra.s32 s3, $0x1;
	v19 =	vadd.f32 v22, v56;
	v33 =	vld [tilespmem:s6+$0xC90];
	[tilespmem:s30+$0xE4C0] =	vst v17;
	v18 =	vadd.bf16 v18, v60  }
0x140: {  	s1 =	sshra.s32 s1, $0x2;
	s30 =	sadd.s32 $0x2C0, s14;
	v63 =	vunpack.i.u.bf16.f32 v59;
	v17 =	vunpack.i.l.bf16.f32 v59;
	v61 =	vld [tilespmem:s25+$0xC80]  }
0x141: {  	v62 =	vld [tilespmem:s25+$0xC90];
	[tilespmem:s1+$0xE4C0] =	vst v19;
	s25 =	sshra.s32 s30, $0x1;
	v17 =	vadd.f32 v17, v63;
	v37 =	vunpack.i.u.bf16.f32 v18  }
0x142: {  	s22 =	sshra.s32 s4, $0x2;
	s4 =	sor.u32 $0x200, s2;
	v36 =	vld [tilespmem:s25+$0xC80];
	v18 =	vunpack.i.l.bf16.f32 v18;
	v34 =	vmul.bf16 v51, v15;
	v35 =	vmul.bf16 v54, v16  }
0x143: {  	v20 =	vmul.bf16 v48, v7;
	v28 =	vmul.bf16 v57, v8;
	v38 =	vld [tilespmem:s25+$0xC90];
	s25 =	sshra.s32 s4, $0x1;
	[tilespmem:s22+$0xE4C0] =	vst v17;
	v18 =	vadd.f32 v18, v37  }
0x144: {  	s19 =	sshra.s32 s19, $0x2;
	v21 =	vmul.bf16 v39, v1;
	s6 =	sadd.s32 $0x200, s16;
	v39 =	vld [tilespmem:s25+$0xC80];
	v19 =	vadd.bf16 v35, v34  }
0x145: {  	v20 =	vadd.bf16 v28, v20;
	s22 =	sshra.s32 s6, $0x1;
	v40 =	vld [tilespmem:s25+$0xC90];
	[tilespmem:s19+$0xE4C0] =	vst v18;
	v22 =	vmul.bf16 v61, v10  }
0x146: {  	v24 =	vmul.bf16 v62, v9;
	v43 =	vld [tilespmem:s22+$0xC80];
	v41 =	vunpack.i.u.bf16.f32 v19;
	v19 =	vunpack.i.l.bf16.f32 v19  }
0x147: {  	v45 =	vld [tilespmem:s22+$0xC90];
	v18 =	vadd.f32 v19, v41  }
0x148: {  	s17 =	sshra.s32 s17, $0x2;
	s1 =	sadd.s32 $0x200, s0;
	v44 =	vunpack.i.u.bf16.f32 v20;
	v20 =	vunpack.i.l.bf16.f32 v20;
	v22 =	vadd.bf16 v24, v22  }
0x149: {  	v21 =	vadd.bf16 v21, v55;
	v19 =	vadd.f32 v20, v44;
	v49 =	vmul.bf16 v39, v11;
	[tilespmem:s17+$0xE4C0] =	vst v18;
	s17 =	sshra.s32 s1, $0x1  }
0x14a: {  	s25 =	sshra.s32 s31, $0x2;
	s31 =	sadd.s32 $0x280, s15;
	v50 =	vmul.bf16 v40, v12;
	v46 =	vunpack.i.u.bf16.f32 v22;
	v47 =	vunpack.i.l.bf16.f32 v22;
	v48 =	vld [tilespmem:s17+$0xC80]  }
0x14b: {  	v42 =	vunpack.i.u.bf16.f32 v21;
	v21 =	vunpack.i.l.bf16.f32 v21;
	s22 =	sshra.s32 s31, $0x1;
	[tilespmem:s25+$0xE4C0] =	vst v19;
	v18 =	vadd.f32 v47, v46;
	v51 =	vld [tilespmem:s17+$0xC90]  }
0x14c: {  	s25 =	sshra.s32 s3, $0x2;
	s3 =	sor.u32 $0x240, s21;
	v55 =	vadd.bf16 v50, v49;
	v56 =	vmul.bf16 v43, v13;
	v57 =	vmul.bf16 v45, v14;
	v53 =	vld [tilespmem:s22+$0xC80]  }
0x14d: {  	v21 =	vadd.f32 v21, v42;
	v26 =	vmul.bf16 v36, v6;
	v17 =	vmul.bf16 v38, v5;
	v54 =	vld [tilespmem:s22+$0xC90];
	s22 =	sshra.s32 s3, $0x1;
	[tilespmem:s25+$0xE4C0] =	vst v18  }
0x14e: {  	s25 =	sshra.s32 s23, $0x2;
	s23 =	sor.u32 $0x3C0, s12;
	v61 =	vunpack.i.u.bf16.f32 v55;
	v18 =	vunpack.i.l.bf16.f32 v55;
	v19 =	vadd.bf16 v57, v56;
	v59 =	vld [tilespmem:s22+$0xC80]  }
0x14f: {  	v23 =	vmul.bf16 v33, v4;
	v60 =	vld [tilespmem:s22+$0xC90];
	[tilespmem:s25+$0xE4C0] =	vst v21;
	s22 =	sshra.s32 s23, $0x1;
	v18 =	vadd.f32 v18, v61  }
0x150: {  	v17 =	vadd.bf16 v17, v26;
	s25 =	sshra.s32 s4, $0x2;
	s4 =	sor.u32 $0x240, s2;
	v22 =	vld [tilespmem:s22+$0xC80];
	v33 =	vunpack.i.u.bf16.f32 v19;
	v19 =	vunpack.i.l.bf16.f32 v19  }
0x151: {  	v30 =	vld [tilespmem:s22+$0xC90];
	s22 =	sshra.s32 s4, $0x1;
	[tilespmem:s25+$0xE4C0] =	vst v18;
	v34 =	vadd.f32 v19, v33;
	v62 =	vmul.bf16 v48, v15;
	v63 =	vmul.bf16 v51, v16  }
0x152: {  	v52 =	vmul.bf16 v58, v3;
	s25 =	sshra.s32 s6, $0x2;
	s6 =	sadd.s32 $0x240, s16;
	v38 =	vld [tilespmem:s22+$0xC80]  }
0x153: {  	v58 =	vunpack.i.u.bf16.f32 v17;
	v17 =	vunpack.i.l.bf16.f32 v17;
	v40 =	vld [tilespmem:s22+$0xC90];
	s22 =	sshra.s32 s6, $0x1;
	[tilespmem:s25+$0xE4C0] =	vst v34;
	v35 =	vadd.bf16 v63, v62  }
0x154: {  	v23 =	vadd.bf16 v23, v52;
	v17 =	vadd.f32 v17, v58;
	v37 =	vmul.bf16 v59, v10;
	v42 =	vld [tilespmem:s22+$0xC80]  }
0x155: {  	v39 =	vmul.bf16 v60, v9;
	v45 =	vld [tilespmem:s22+$0xC90];
	v41 =	vunpack.i.u.bf16.f32 v35;
	v19 =	vunpack.i.l.bf16.f32 v35  }
0x156: {  	v26 =	vmul.bf16 v53, v7;
	v36 =	vmul.bf16 v54, v8;
	s25 =	sshra.s32 s30, $0x2;
	s30 =	sadd.s32 $0x300, s14;
	v18 =	vadd.f32 v19, v41  }
0x157: {  	v43 =	vunpack.i.u.bf16.f32 v23;
	v23 =	vunpack.i.l.bf16.f32 v23;
	s1 =	sshra.s32 s1, $0x2;
	[tilespmem:s25+$0xE4C0] =	vst v17;
	s19 =	sshra.s32 s30, $0x1;
	s22 =	sadd.s32 $0x240, s0;
	v44 =	vadd.bf16 v39, v37  }
0x158: {  	v20 =	vadd.bf16 v36, v26;
	v46 =	vld [tilespmem:s19+$0xC80];
	s17 =	sshra.s32 s22, $0x1;
	v19 =	vadd.f32 v23, v43;
	v51 =	vmul.bf16 v38, v11;
	[tilespmem:s1+$0xE4C0] =	vst v18  }
0x159: {  	v52 =	vmul.bf16 v40, v12;
	v49 =	vunpack.i.u.bf16.f32 v44;
	v17 =	vunpack.i.l.bf16.f32 v44;
	v50 =	vld [tilespmem:s17+$0xC80]  }
0x15a: {  	s25 =	sshra.s32 s28, $0x2;
	s28 =	sadd.s32 $0x380, s11;
	v17 =	vadd.f32 v17, v49;
	v57 =	vmul.bf16 v42, v13;
	v21 =	vmul.bf16 v45, v14;
	v53 =	vld [tilespmem:s17+$0xC90]  }
0x15b: {  	v54 =	vld [tilespmem:s19+$0xC90];
	s19 =	sshra.s32 s3, $0x2;
	v47 =	vunpack.i.u.bf16.f32 v20;
	v48 =	vunpack.i.l.bf16.f32 v20;
	[tilespmem:s25+$0xE4C0] =	vst v19;
	s25 =	sshra.s32 s28, $0x1;
	v56 =	vadd.bf16 v52, v51;
	s17 =	sor.u32 $0x280, s21  }
0x15c: {  	v18 =	vadd.f32 v48, v47;
	v55 =	vld [tilespmem:s25+$0xC80];
	[tilespmem:s19+$0xE4C0] =	vst v17;
	s3 =	sshra.s32 s17, $0x1;
	v20 =	vadd.bf16 v21, v57  }
0x15d: {  	s31 =	sshra.s32 s31, $0x2;
	s1 =	sadd.s32 $0x2C0, s15;
	v60 =	vunpack.i.u.bf16.f32 v56;
	v17 =	vunpack.i.l.bf16.f32 v56;
	v58 =	vld [tilespmem:s3+$0xC80]  }
0x15e: {  	[tilespmem:s31+$0xE4C0] =	vst v18;
	s31 =	sshra.s32 s1, $0x1;
	v59 =	vld [tilespmem:s3+$0xC90];
	v17 =	vadd.f32 v17, v60;
	v33 =	vunpack.i.u.bf16.f32 v20  }
0x15f: {  	s19 =	sshra.s32 s4, $0x2;
	s4 =	sor.u32 $0x280, s2;
	v61 =	vld [tilespmem:s31+$0xC80];
	v20 =	vunpack.i.l.bf16.f32 v20;
	v62 =	vmul.bf16 v50, v15;
	v27 =	vmul.bf16 v53, v16  }
0x160: {  	v23 =	vmul.bf16 v46, v6;
	v19 =	vmul.bf16 v54, v5;
	v63 =	vld [tilespmem:s31+$0xC90];
	s31 =	sshra.s32 s4, $0x1;
	[tilespmem:s19+$0xE4C0] =	vst v17;
	v20 =	vadd.f32 v20, v33  }
0x161: {  	s6 =	sshra.s32 s6, $0x2;
	s19 =	sadd.s32 $0x280, s16;
	v37 =	vld [tilespmem:s31+$0xC80];
	v26 =	vadd.bf16 v27, v62  }
0x162: {  	v22 =	vmul.bf16 v22, v2;
	v19 =	vadd.bf16 v19, v23;
	v38 =	vld [tilespmem:s31+$0xC90];
	[tilespmem:s6+$0xE4C0] =	vst v20;
	s6 =	sshra.s32 s19, $0x1;
	v36 =	vmul.bf16 v58, v10  }
0x163: {  	v18 =	vmul.bf16 v59, v9;
	v41 =	vld [tilespmem:s6+$0xC80];
	v39 =	vunpack.i.u.bf16.f32 v26;
	v26 =	vunpack.i.l.bf16.f32 v26  }
0x164: {  	v40 =	vunpack.i.u.bf16.f32 v19;
	v19 =	vunpack.i.l.bf16.f32 v19;
	v42 =	vld [tilespmem:s6+$0xC90];
	v20 =	vadd.f32 v26, v39  }
0x165: {  	v34 =	vld [tilespmem:s25+$0xC90];
	s25 =	sshra.s32 s22, $0x2;
	s3 =	sadd.s32 $0x280, s0;
	v21 =	vmul.bf16 v61, v7;
	v28 =	vmul.bf16 v63, v8;
	v18 =	vadd.bf16 v18, v36  }
0x166: {  	v35 =	vmul.bf16 v30, v1;
	v25 =	vmul.bf16 v55, v3;
	v19 =	vadd.f32 v19, v40;
	s6 =	sshra.s32 s3, $0x1;
	[tilespmem:s25+$0xE4C0] =	vst v20  }
0x167: {  	s30 =	sshra.s32 s30, $0x2;
	s31 =	sadd.s32 $0x340, s14;
	v43 =	vadd.bf16 v28, v21;
	v44 =	vunpack.i.u.bf16.f32 v18;
	v18 =	vunpack.i.l.bf16.f32 v18;
	v45 =	vld [tilespmem:s6+$0xC80]  }
0x168: {  	[tilespmem:s30+$0xE4C0] =	vst v19;
	v46 =	vmul.bf16 v37, v11;
	v47 =	vmul.bf16 v38, v12;
	s25 =	sshra.s32 s31, $0x1;
	v18 =	vadd.f32 v18, v44;
	v48 =	vld [tilespmem:s6+$0xC90]  }
0x169: {  	s30 =	sshra.s32 s17, $0x2;
	s17 =	sor.u32 $0x2C0, s21;
	v53 =	vmul.bf16 v41, v13;
	v54 =	vmul.bf16 v42, v14;
	v49 =	vld [tilespmem:s25+$0xC80]  }
0x16a: {  	s22 =	sshra.s32 s17, $0x1;
	v50 =	vunpack.i.u.bf16.f32 v43;
	v20 =	vunpack.i.l.bf16.f32 v43;
	v52 =	vadd.bf16 v47, v46;
	v51 =	vld [tilespmem:s25+$0xC90];
	[tilespmem:s30+$0xE4C0] =	vst v18  }
0x16b: {  	v17 =	vmul.bf16 v34, v4;
	v20 =	vadd.f32 v20, v50;
	v19 =	vadd.bf16 v54, v53;
	v56 =	vld [tilespmem:s22+$0xC80]  }
0x16c: {  	v22 =	vadd.bf16 v35, v22;
	s1 =	sshra.s32 s1, $0x2;
	s30 =	sadd.s32 $0x300, s15;
	v58 =	vunpack.i.u.bf16.f32 v52;
	v18 =	vunpack.i.l.bf16.f32 v52;
	v57 =	vld [tilespmem:s22+$0xC90]  }
0x16d: {  	v17 =	vadd.bf16 v17, v25;
	[tilespmem:s1+$0xE4C0] =	vst v20;
	s25 =	sshra.s32 s30, $0x1;
	v18 =	vadd.f32 v18, v58;
	v62 =	vunpack.i.u.bf16.f32 v19  }
0x16e: {  	s4 =	sshra.s32 s4, $0x2;
	s6 =	sor.u32 $0x2C0, s2;
	v61 =	vld [tilespmem:s25+$0xC80];
	v19 =	vunpack.i.l.bf16.f32 v19;
	v59 =	vmul.bf16 v45, v15;
	v60 =	vmul.bf16 v48, v16  }
0x16f: {  	v55 =	vunpack.i.u.bf16.f32 v17;
	v17 =	vunpack.i.l.bf16.f32 v17;
	v63 =	vld [tilespmem:s25+$0xC90];
	[tilespmem:s4+$0xE4C0] =	vst v18;
	s4 =	sshra.s32 s6, $0x1;
	v31 =	vadd.f32 v19, v62  }
0x170: {  	s22 =	sshra.s32 s19, $0x2;
	s19 =	sadd.s32 $0x2C0, s16;
	v25 =	vmul.bf16 v49, v6;
	v33 =	vmul.bf16 v51, v5;
	v35 =	vld [tilespmem:s4+$0xC80];
	v32 =	vadd.bf16 v60, v59  }
0x171: {  	v17 =	vadd.f32 v17, v55;
	s25 =	sshra.s32 s19, $0x1;
	v37 =	vld [tilespmem:s4+$0xC90];
	[tilespmem:s22+$0xE4C0] =	vst v31;
	v34 =	vmul.bf16 v56, v10;
	v36 =	vmul.bf16 v57, v9  }
0x172: {  	v20 =	vadd.bf16 v33, v25;
	v39 =	vld [tilespmem:s25+$0xC80];
	v38 =	vunpack.i.u.bf16.f32 v32;
	v19 =	vunpack.i.l.bf16.f32 v32  }
0x173: {  	s22 =	sshra.s32 s28, $0x2;
	s28 =	sadd.s32 $0x3C0, s11;
	v41 =	vld [tilespmem:s25+$0xC90];
	v40 =	vadd.bf16 v36, v34;
	v18 =	vadd.f32 v19, v38  }
0x174: {  	s4 =	sadd.s32 $0x2C0, s0;
	[tilespmem:s22+$0xE4C0] =	vst v17;
	s22 =	sshra.s32 s28, $0x1;
	s25 =	sshra.s32 s3, $0x2;
	v44 =	vunpack.i.u.bf16.f32 v20  }
0x175: {  	s3 =	sshra.s32 s4, $0x1;
	v43 =	vld [tilespmem:s22+$0xC80];
	v45 =	vunpack.i.l.bf16.f32 v20;
	v46 =	vunpack.i.u.bf16.f32 v40;
	v17 =	vunpack.i.l.bf16.f32 v40;
	[tilespmem:s25+$0xE4C0] =	vst v18  }
0x176: {  	v48 =	vmul.bf16 v35, v11;
	v49 =	vmul.bf16 v37, v12;
	v17 =	vadd.f32 v17, v46;
	v47 =	vld [tilespmem:s3+$0xC80]  }
0x177: {  	s17 =	sshra.s32 s17, $0x2;
	v42 =	vunpack.i.u.bf16.f32 v22;
	v22 =	vunpack.i.l.bf16.f32 v22;
	v18 =	vadd.f32 v45, v44;
	v50 =	vld [tilespmem:s3+$0xC90];
	s3 =	sor.u32 $0x300, s21  }
0x178: {  	v52 =	vld [tilespmem:s22+$0xC90];
	v53 =	vadd.bf16 v49, v48;
	v54 =	vmul.bf16 v39, v13;
	v19 =	vmul.bf16 v41, v14;
	[tilespmem:s17+$0xE4C0] =	vst v17;
	s17 =	sshra.s32 s3, $0x1  }
0x179: {  	v21 =	vadd.f32 v22, v42;
	s1 =	sadd.s32 $0x380, s14;
	v24 =	vmul.bf16 v61, v7;
	v51 =	vmul.bf16 v63, v8;
	s25 =	sshra.s32 s31, $0x2;
	v57 =	vld [tilespmem:s17+$0xC80]  }
0x17a: {  	s31 =	sshra.s32 s1, $0x1;
	[tilespmem:s25+$0xE4C0] =	vst v18;
	v59 =	vunpack.i.u.bf16.f32 v53;
	v17 =	vunpack.i.l.bf16.f32 v53;
	v19 =	vadd.bf16 v19, v54;
	v58 =	vld [tilespmem:s17+$0xC90]  }
0x17b: {  	s25 =	sshra.s32 s23, $0x2;
	s23 =	sor.u32 $0x400, s12;
	v60 =	vld [tilespmem:s31+$0xC80];
	v17 =	vadd.f32 v17, v59  }
0x17c: {  	v56 =	vadd.bf16 v51, v24;
	[tilespmem:s25+$0xE4C0] =	vst v21;
	s17 =	sshra.s32 s23, $0x1;
	v63 =	vld [tilespmem:s31+$0xC90];
	s31 =	sshra.s32 s6, $0x2;
	s6 =	sadd.s32 $0x300, s2;
	v34 =	vunpack.i.u.bf16.f32 v19;
	v19 =	vunpack.i.l.bf16.f32 v19  }
0x17d: {  	v30 =	vld [tilespmem:s17+$0xC80];
	s25 =	sshra.s32 s6, $0x1;
	[tilespmem:s31+$0xE4C0] =	vst v17;
	v35 =	vadd.f32 v19, v34;
	v61 =	vmul.bf16 v47, v15;
	v62 =	vmul.bf16 v50, v16  }
0x17e: {  	v33 =	vunpack.i.u.bf16.f32 v56;
	v23 =	vunpack.i.l.bf16.f32 v56;
	s31 =	sshra.s32 s19, $0x2;
	s19 =	sadd.s32 $0x300, s16;
	v38 =	vld [tilespmem:s25+$0xC80]  }
0x17f: {  	v55 =	vmul.bf16 v43, v3;
	v37 =	vmul.bf16 v52, v4;
	v39 =	vld [tilespmem:s25+$0xC90];
	s22 =	sshra.s32 s19, $0x1;
	[tilespmem:s31+$0xE4C0] =	vst v35;
	v36 =	vadd.bf16 v62, v61  }
0x180: {  	v23 =	vadd.f32 v23, v33;
	v24 =	vmul.bf16 v57, v10;
	v18 =	vmul.bf16 v58, v9;
	v41 =	vld [tilespmem:s22+$0xC80]  }
0x181: {  	s30 =	sshra.s32 s30, $0x2;
	v22 =	vadd.bf16 v37, v55;
	s31 =	sadd.s32 $0x340, s15;
	v44 =	vld [tilespmem:s22+$0xC90];
	v40 =	vunpack.i.u.bf16.f32 v36;
	v19 =	vunpack.i.l.bf16.f32 v36  }
0x182: {  	[tilespmem:s30+$0xE4C0] =	vst v23;
	v55 =	vld [tilespmem:s17+$0xC90];
	s25 =	sshra.s32 s31, $0x1;
	v18 =	vadd.bf16 v18, v24;
	v17 =	vadd.f32 v19, v40  }
0x183: {  	s4 =	sshra.s32 s4, $0x2;
	v45 =	vunpack.i.u.bf16.f32 v22;
	v22 =	vunpack.i.l.bf16.f32 v22;
	s22 =	sadd.s32 $0x300, s0;
	v46 =	vld [tilespmem:s25+$0xC80];
	v50 =	vmul.bf16 v38, v11  }
0x184: {  	s30 =	sshra.s32 s22, $0x1;
	v54 =	vld [tilespmem:s25+$0xC90];
	v51 =	vmul.bf16 v39, v12;
	v48 =	vunpack.i.u.bf16.f32 v18;
	v18 =	vunpack.i.l.bf16.f32 v18;
	[tilespmem:s4+$0xE4C0] =	vst v17  }
0x185: {  	v42 =	vmul.bf16 v60, v6;
	v43 =	vmul.bf16 v63, v5;
	v18 =	vadd.f32 v18, v48;
	v49 =	vld [tilespmem:s30+$0xC80]  }
0x186: {  	s25 =	sshra.s32 s3, $0x2;
	s3 =	sor.u32 $0x340, s21;
	v56 =	vadd.bf16 v51, v50;
	v57 =	vmul.bf16 v41, v13;
	v21 =	vmul.bf16 v44, v14;
	v52 =	vld [tilespmem:s30+$0xC90]  }
0x187: {  	v22 =	vadd.f32 v22, v45;
	v47 =	vadd.bf16 v43, v42;
	v42 =	vmul.bf16 v30, v2;
	s4 =	sshra.s32 s3, $0x1;
	[tilespmem:s25+$0xE4C0] =	vst v18  }
0x188: {  	s30 =	sshra.s32 s28, $0x2;
	s28 =	sadd.s32 $0x400, s11;
	v61 =	vunpack.i.u.bf16.f32 v56;
	v18 =	vunpack.i.l.bf16.f32 v56;
	v19 =	vadd.bf16 v21, v57;
	v59 =	vld [tilespmem:s4+$0xC80]  }
0x189: {  	v43 =	vmul.bf16 v55, v1;
	v53 =	vunpack.i.u.bf16.f32 v47;
	[tilespmem:s30+$0xE4C0] =	vst v22;
	s25 =	sshra.s32 s28, $0x1;
	v60 =	vld [tilespmem:s4+$0xC90];
	v18 =	vadd.f32 v18, v61  }
0x18a: {  	s6 =	sshra.s32 s6, $0x2;
	s17 =	sadd.s32 $0x340, s2;
	v17 =	vunpack.i.l.bf16.f32 v47;
	v62 =	vld [tilespmem:s25+$0xC80];
	v34 =	vunpack.i.u.bf16.f32 v19;
	v19 =	vunpack.i.l.bf16.f32 v19  }
0x18b: {  	v32 =	vld [tilespmem:s25+$0xC90];
	s25 =	sshra.s32 s17, $0x1;
	[tilespmem:s6+$0xE4C0] =	vst v18;
	v36 =	vadd.f32 v19, v34;
	v20 =	vmul.bf16 v49, v15;
	v63 =	vmul.bf16 v52, v16  }
0x18c: {  	s19 =	sshra.s32 s19, $0x2;
	v17 =	vadd.f32 v17, v53;
	v58 =	vmul.bf16 v46, v7;
	v33 =	vmul.bf16 v54, v8;
	s4 =	sadd.s32 $0x340, s16;
	v39 =	vld [tilespmem:s25+$0xC80]  }
0x18d: {  	s1 =	sshra.s32 s1, $0x2;
	v40 =	vld [tilespmem:s25+$0xC90];
	[tilespmem:s19+$0xE4C0] =	vst v36;
	s19 =	sshra.s32 s4, $0x1;
	v37 =	vadd.bf16 v63, v20  }
0x18e: {  	v25 =	vadd.bf16 v43, v42;
	[tilespmem:s1+$0xE4C0] =	vst v17;
	v17 =	vadd.bf16 v33, v58;
	v38 =	vmul.bf16 v59, v10;
	v44 =	vld [tilespmem:s19+$0xC80]  }
0x18f: {  	s30 =	sadd.s32 $0x3C0, s14;
	v22 =	vmul.bf16 v60, v9;
	v46 =	vld [tilespmem:s19+$0xC90];
	v41 =	vunpack.i.u.bf16.f32 v37;
	v19 =	vunpack.i.l.bf16.f32 v37  }
0x190: {  	v55 =	vunpack.i.u.bf16.f32 v25;
	v25 =	vunpack.i.l.bf16.f32 v25;
	s1 =	sshra.s32 s30, $0x1;
	v18 =	vadd.f32 v19, v41  }
0x191: {  	s22 =	sshra.s32 s22, $0x2;
	v35 =	vld [tilespmem:s1+$0xC80];
	v45 =	vunpack.i.u.bf16.f32 v17;
	v17 =	vunpack.i.l.bf16.f32 v17;
	s6 =	sadd.s32 $0x340, s0;
	v20 =	vadd.bf16 v22, v38  }
0x192: {  	v61 =	vadd.f32 v25, v55;
	v47 =	vld [tilespmem:s1+$0xC90];
	v17 =	vadd.f32 v17, v45;
	s1 =	sshra.s32 s6, $0x1;
	[tilespmem:s22+$0xE4C0] =	vst v18  }
0x193: {  	s25 =	sshra.s32 s31, $0x2;
	s31 =	sadd.s32 $0x380, s15;
	v52 =	vmul.bf16 v39, v11;
	v53 =	vmul.bf16 v40, v12;
	v49 =	vunpack.i.u.bf16.f32 v20;
	v50 =	vld [tilespmem:s1+$0xC80]  }
0x194: {  	[tilespmem:s25+$0xE4C0] =	vst v17;
	v20 =	vunpack.i.l.bf16.f32 v20;
	s22 =	sshra.s32 s31, $0x1;
	v59 =	vmul.bf16 v44, v13;
	v60 =	vmul.bf16 v46, v14;
	v54 =	vld [tilespmem:s1+$0xC90]  }
0x195: {  	v21 =	vmul.bf16 v62, v3;
	v51 =	vadd.f32 v20, v49;
	v58 =	vadd.bf16 v53, v52;
	v56 =	vld [tilespmem:s22+$0xC80]  }
0x196: {  	s3 =	sshra.s32 s3, $0x2;
	v48 =	vmul.bf16 v32, v4;
	v63 =	vmul.bf16 v35, v6;
	s1 =	sor.u32 $0x380, s21;
	v57 =	vld [tilespmem:s22+$0xC90];
	v19 =	vadd.bf16 v60, v59  }
0x197: {  	v36 =	vmul.bf16 v47, v5;
	[tilespmem:s3+$0xE4C0] =	vst v51;
	s25 =	sshra.s32 s1, $0x1;
	v34 =	vunpack.i.u.bf16.f32 v58;
	v17 =	vunpack.i.l.bf16.f32 v58  }
0x198: {  	s19 =	sshra.s32 s23, $0x2;
	s23 =	sor.u32 $0x440, s12;
	v18 =	vadd.bf16 v48, v21;
	v32 =	vld [tilespmem:s25+$0xC80];
	v17 =	vadd.f32 v17, v34;
	v37 =	vunpack.i.u.bf16.f32 v19  }
0x199: {  	s17 =	sshra.s32 s17, $0x2;
	[tilespmem:s19+$0xE4C0] =	vst v61;
	s19 =	sshra.s32 s23, $0x1;
	s3 =	sadd.s32 $0x380, s2;
	v33 =	vld [tilespmem:s25+$0xC90];
	v19 =	vunpack.i.l.bf16.f32 v19;
	v35 =	vmul.bf16 v50, v15;
	v23 =	vmul.bf16 v54, v16  }
0x19a: {  	v62 =	vunpack.i.u.bf16.f32 v18;
	v18 =	vunpack.i.l.bf16.f32 v18;
	v51 =	vld [tilespmem:s19+$0xC90];
	s22 =	sshra.s32 s3, $0x1;
	[tilespmem:s17+$0xE4C0] =	vst v17;
	v39 =	vadd.f32 v19, v37  }
0x19b: {  	s25 =	sshra.s32 s4, $0x2;
	s4 =	sadd.s32 $0x380, s16;
	v21 =	vmul.bf16 v56, v7;
	v42 =	vmul.bf16 v57, v8;
	v44 =	vld [tilespmem:s22+$0xC80];
	v40 =	vadd.bf16 v23, v35  }
0x19c: {  	v41 =	vadd.bf16 v36, v63;
	v18 =	vadd.f32 v18, v62;
	v46 =	vld [tilespmem:s22+$0xC90];
	s22 =	sshra.s32 s4, $0x1;
	[tilespmem:s25+$0xE4C0] =	vst v39  }
0x19d: {  	v21 =	vadd.bf16 v42, v21;
	v48 =	vld [tilespmem:s22+$0xC80];
	v47 =	vunpack.i.u.bf16.f32 v40;
	v19 =	vunpack.i.l.bf16.f32 v40  }
0x19e: {  	v43 =	vmul.bf16 v32, v10;
	v45 =	vmul.bf16 v33, v9;
	v50 =	vld [tilespmem:s22+$0xC90];
	s22 =	sshra.s32 s28, $0x2;
	s28 =	sadd.s32 $0x440, s11;
	v17 =	vadd.f32 v19, v47  }
0x19f: {  	v38 =	vld [tilespmem:s19+$0xC80];
	s25 =	sshra.s32 s6, $0x2;
	s6 =	sadd.s32 $0x380, s0;
	[tilespmem:s22+$0xE4C0] =	vst v18;
	s22 =	sshra.s32 s28, $0x1;
	v53 =	vunpack.i.u.bf16.f32 v21;
	v21 =	vunpack.i.l.bf16.f32 v21  }
0x1a0: {  	v52 =	vunpack.i.u.bf16.f32 v41;
	s17 =	sshra.s32 s6, $0x1;
	v49 =	vadd.bf16 v45, v43;
	v62 =	vld [tilespmem:s22+$0xC80];
	v55 =	vadd.f32 v21, v53;
	[tilespmem:s25+$0xE4C0] =	vst v17  }
0x1a1: {  	v54 =	vunpack.i.l.bf16.f32 v41;
	v59 =	vmul.bf16 v44, v11;
	v60 =	vmul.bf16 v46, v12;
	s25 =	sshra.s32 s31, $0x2;
	s31 =	sadd.s32 $0x3C0, s15;
	v57 =	vld [tilespmem:s17+$0xC80]  }
0x1a2: {  	v56 =	vunpack.i.u.bf16.f32 v49;
	v58 =	vunpack.i.l.bf16.f32 v49;
	v17 =	vadd.f32 v54, v52;
	v61 =	vld [tilespmem:s17+$0xC90];
	[tilespmem:s25+$0xE4C0] =	vst v55;
	s17 =	sshra.s32 s31, $0x1  }
0x1a3: {  	v24 =	vmul.bf16 v51, v1;
	v18 =	vadd.f32 v58, v56;
	v19 =	vadd.bf16 v60, v59;
	s25 =	sshra.s32 s30, $0x2;
	s30 =	sor.u32 $0x400, s14;
	v20 =	vld [tilespmem:s17+$0xC80]  }
0x1a4: {  	s1 =	sshra.s32 s1, $0x2;
	s19 =	sor.u32 $0x3C0, s21;
	v63 =	vmul.bf16 v48, v13;
	v31 =	vmul.bf16 v50, v14;
	[tilespmem:s25+$0xE4C0] =	vst v17;
	s25 =	sshra.s32 s30, $0x1;
	v33 =	vld [tilespmem:s17+$0xC90]  }
0x1a5: {  	v32 =	vmul.bf16 v38, v2;
	[tilespmem:s1+$0xE4C0] =	vst v18;
	s17 =	sshra.s32 s19, $0x1;
	v35 =	vunpack.i.u.bf16.f32 v19;
	v19 =	vunpack.i.l.bf16.f32 v19;
	v34 =	vld [tilespmem:s25+$0xC80]  }
0x1a6: {  	v21 =	vadd.bf16 v31, v63;
	v36 =	vld [tilespmem:s17+$0xC80];
	v18 =	vadd.f32 v19, v35  }
0x1a7: {  	s3 =	sshra.s32 s3, $0x2;
	v43 =	vadd.bf16 v24, v32;
	v39 =	vld [tilespmem:s17+$0xC90];
	s17 =	sadd.s32 $0x3C0, s2;
	v37 =	vmul.bf16 v57, v15;
	v38 =	vmul.bf16 v61, v16  }
0x1a8: {  	v41 =	vld [tilespmem:s25+$0xC90];
	v40 =	vunpack.i.u.bf16.f32 v21;
	v21 =	vunpack.i.l.bf16.f32 v21;
	[tilespmem:s3+$0xE4C0] =	vst v18;
	s3 =	sshra.s32 s17, $0x1  }
0x1a9: {  	v47 =	vunpack.i.u.bf16.f32 v43;
	v42 =	vadd.f32 v21, v40;
	v44 =	vld [tilespmem:s3+$0xC80];
	v19 =	vadd.bf16 v38, v37  }
0x1aa: {  	s25 =	sshra.s32 s4, $0x2;
	s4 =	sadd.s32 $0x3C0, s16;
	v21 =	vunpack.i.l.bf16.f32 v43;
	v45 =	vld [tilespmem:s3+$0xC90];
	v20 =	vmul.bf16 v20, v7;
	v17 =	vmul.bf16 v33, v8  }
0x1ab: {  	v53 =	vld [tilespmem:s22+$0xC90];
	s3 =	sshra.s32 s4, $0x1;
	[tilespmem:s25+$0xE4C0] =	vst v42;
	v49 =	vmul.bf16 v36, v10;
	v46 =	vunpack.i.u.bf16.f32 v19;
	v19 =	vunpack.i.l.bf16.f32 v19  }
0x1ac: {  	v48 =	vld [tilespmem:s3+$0xC80];
	v50 =	vmul.bf16 v39, v9;
	v17 =	vadd.bf16 v17, v20;
	v18 =	vadd.f32 v19, v46  }
0x1ad: {  	v21 =	vadd.f32 v21, v47;
	s25 =	sshra.s32 s6, $0x2;
	v51 =	vld [tilespmem:s3+$0xC90];
	s3 =	sadd.s32 $0x3C0, s0  }
0x1ae: {  	s6 =	sshra.s32 s3, $0x1;
	v54 =	vunpack.i.u.bf16.f32 v17;
	v17 =	vunpack.i.l.bf16.f32 v17;
	v19 =	vadd.bf16 v50, v49;
	[tilespmem:s25+$0xE4C0] =	vst v18  }
0x1af: {  	s22 =	sshra.s32 s23, $0x2;
	s23 =	sor.u32 $0x480, s12;
	v56 =	vmul.bf16 v44, v11;
	v57 =	vmul.bf16 v45, v12;
	v17 =	vadd.f32 v17, v54;
	v55 =	vld [tilespmem:s6+$0xC80]  }
0x1b0: {  	v52 =	vmul.bf16 v62, v3;
	s1 =	sadd.s32 $0x400, s15;
	v32 =	vmul.bf16 v53, v4;
	[tilespmem:s22+$0xE4C0] =	vst v21;
	s25 =	sshra.s32 s31, $0x2;
	v58 =	vld [tilespmem:s6+$0xC90];
	s6 =	sshra.s32 s23, $0x1  }
0x1b1: {  	v60 =	vunpack.i.u.bf16.f32 v19;
	v19 =	vunpack.i.l.bf16.f32 v19;
	s31 =	sshra.s32 s1, $0x1;
	v62 =	vadd.bf16 v57, v56;
	[tilespmem:s25+$0xE4C0] =	vst v17;
	v61 =	vld [tilespmem:s6+$0xC80]  }
0x1b2: {  	v63 =	vmul.bf16 v48, v13;
	v22 =	vmul.bf16 v51, v14;
	v19 =	vadd.f32 v19, v60;
	v33 =	vld [tilespmem:s31+$0xC80]  }
0x1b3: {  	s19 =	sshra.s32 s19, $0x2;
	v25 =	vmul.bf16 v34, v6;
	v34 =	vld [tilespmem:s31+$0xC90];
	s31 =	sadd.s32 $0x400, s21;
	v35 =	vunpack.i.u.bf16.f32 v62;
	v17 =	vunpack.i.l.bf16.f32 v62  }
0x1b4: {  	v59 =	vmul.bf16 v41, v5;
	v18 =	vadd.bf16 v22, v63;
	v36 =	vld [tilespmem:s6+$0xC90];
	[tilespmem:s19+$0xE4C0] =	vst v19;
	s25 =	sshra.s32 s31, $0x1;
	v17 =	vadd.f32 v17, v35  }
0x1b5: {  	s17 =	sshra.s32 s17, $0x2;
	v43 =	vadd.bf16 v32, v52;
	s6 =	sor.u32 $0x400, s2;
	v40 =	vld [tilespmem:s25+$0xC80];
	v37 =	vmul.bf16 v55, v15;
	v38 =	vmul.bf16 v58, v16  }
0x1b6: {  	v21 =	vadd.bf16 v59, v25;
	s22 =	sshra.s32 s6, $0x1;
	v41 =	vunpack.i.u.bf16.f32 v18;
	v18 =	vunpack.i.l.bf16.f32 v18;
	v42 =	vld [tilespmem:s25+$0xC90];
	[tilespmem:s17+$0xE4C0] =	vst v17  }
0x1b7: {  	v18 =	vadd.f32 v18, v41;
	v45 =	vld [tilespmem:s22+$0xC80];
	v19 =	vadd.bf16 v38, v37  }
0x1b8: {  	s4 =	sshra.s32 s4, $0x2;
	v52 =	vunpack.i.u.bf16.f32 v43;
	v39 =	vunpack.i.u.bf16.f32 v21;
	v21 =	vunpack.i.l.bf16.f32 v21;
	s19 =	sadd.s32 $0x400, s16;
	v47 =	vld [tilespmem:s22+$0xC90]  }
0x1b9: {  	v21 =	vadd.f32 v21, v39;
	s25 =	sshra.s32 s19, $0x1;
	[tilespmem:s4+$0xE4C0] =	vst v18;
	v48 =	vunpack.i.u.bf16.f32 v19;
	v19 =	vunpack.i.l.bf16.f32 v19  }
0x1ba: {  	s22 =	sshra.s32 s30, $0x2;
	s30 =	sor.u32 $0x440, s14;
	v44 =	vmul.bf16 v33, v7;
	v46 =	vmul.bf16 v34, v8;
	v50 =	vld [tilespmem:s25+$0xC80];
	v18 =	vadd.f32 v19, v48  }
0x1bb: {  	v20 =	vunpack.i.l.bf16.f32 v43;
	[tilespmem:s22+$0xE4C0] =	vst v21;
	s17 =	sshra.s32 s30, $0x1;
	v54 =	vld [tilespmem:s25+$0xC90];
	s25 =	sshra.s32 s3, $0x2;
	s3 =	sor.u32 $0x400, s0;
	v28 =	vmul.bf16 v40, v10;
	v17 =	vmul.bf16 v42, v9  }
0x1bc: {  	v56 =	vadd.f32 v20, v52;
	v55 =	vld [tilespmem:s17+$0xC80];
	v53 =	vadd.bf16 v46, v44;
	s22 =	sshra.s32 s3, $0x1;
	[tilespmem:s25+$0xE4C0] =	vst v18  }
0x1bd: {  	v17 =	vadd.bf16 v17, v28;
	v24 =	vmul.bf16 v45, v11;
	v26 =	vmul.bf16 v47, v12;
	v58 =	vld [tilespmem:s22+$0xC80]  }
0x1be: {  	v49 =	vmul.bf16 v61, v2;
	v57 =	vunpack.i.u.bf16.f32 v53;
	v21 =	vunpack.i.l.bf16.f32 v53;
	v59 =	vld [tilespmem:s22+$0xC90]  }
0x1bf: {  	v60 =	vld [tilespmem:s17+$0xC90];
	v20 =	vadd.f32 v21, v57;
	s25 =	sshra.s32 s28, $0x2;
	s28 =	sadd.s32 $0x480, s11;
	v61 =	vunpack.i.u.bf16.f32 v17;
	v62 =	vadd.bf16 v26, v24  }
0x1c0: {  	v17 =	vunpack.i.l.bf16.f32 v17;
	v33 =	vmul.bf16 v50, v13;
	v23 =	vmul.bf16 v54, v14;
	[tilespmem:s25+$0xE4C0] =	vst v56;
	s17 =	sshra.s32 s28, $0x1;
	s22 =	sshra.s32 s1, $0x2;
	s1 =	sadd.s32 $0x440, s15  }
0x1c1: {  	v51 =	vmul.bf16 v36, v1;
	v17 =	vadd.f32 v17, v61;
	v63 =	vld [tilespmem:s17+$0xC80];
	[tilespmem:s22+$0xE4C0] =	vst v20;
	s25 =	sshra.s32 s1, $0x1  }
0x1c2: {  	s31 =	sshra.s32 s31, $0x2;
	s4 =	sadd.s32 $0x440, s21;
	v35 =	vunpack.i.u.bf16.f32 v62;
	v21 =	vunpack.i.l.bf16.f32 v62;
	v20 =	vadd.bf16 v23, v33;
	v34 =	vld [tilespmem:s25+$0xC80]  }
0x1c3: {  	v36 =	vld [tilespmem:s25+$0xC90];
	[tilespmem:s31+$0xE4C0] =	vst v17;
	s25 =	sshra.s32 s4, $0x1;
	v40 =	vadd.f32 v21, v35;
	v22 =	vmul.bf16 v58, v15;
	v37 =	vmul.bf16 v59, v16  }
0x1c4: {  	v19 =	vadd.bf16 v51, v49;
	v25 =	vmul.bf16 v55, v6;
	v39 =	vmul.bf16 v60, v5;
	s31 =	sshra.s32 s6, $0x2;
	s6 =	sor.u32 $0x440, s2;
	v41 =	vld [tilespmem:s25+$0xC80]  }
0x1c5: {  	v42 =	vunpack.i.u.bf16.f32 v20;
	v20 =	vunpack.i.l.bf16.f32 v20;
	v44 =	vld [tilespmem:s25+$0xC90];
	s25 =	sshra.s32 s6, $0x1;
	[tilespmem:s31+$0xE4C0] =	vst v40;
	v22 =	vadd.bf16 v37, v22  }
0x1c6: {  	v46 =	vadd.bf16 v39, v25;
	v45 =	vadd.f32 v20, v42;
	v47 =	vld [tilespmem:s25+$0xC80]  }
0x1c7: {  	s19 =	sshra.s32 s19, $0x2;
	v43 =	vunpack.i.u.bf16.f32 v19;
	s31 =	sadd.s32 $0x440, s16;
	v49 =	vld [tilespmem:s25+$0xC90];
	v48 =	vunpack.i.u.bf16.f32 v22;
	v22 =	vunpack.i.l.bf16.f32 v22  }
0x1c8: {  	v19 =	vunpack.i.l.bf16.f32 v19;
	v38 =	vld [tilespmem:s17+$0xC90];
	v51 =	vunpack.i.u.bf16.f32 v46;
	s22 =	sshra.s32 s31, $0x1;
	[tilespmem:s19+$0xE4C0] =	vst v45;
	v50 =	vadd.f32 v22, v48  }
0x1c9: {  	v20 =	vunpack.i.l.bf16.f32 v46;
	s25 =	sshra.s32 s3, $0x2;
	s3 =	sor.u32 $0x440, s0;
	v26 =	vmul.bf16 v34, v7;
	v27 =	vmul.bf16 v36, v8;
	v52 =	vld [tilespmem:s22+$0xC80]  }
0x1ca: {  	v20 =	vadd.f32 v20, v51;
	v54 =	vld [tilespmem:s22+$0xC90];
	s22 =	sshra.s32 s3, $0x1;
	v18 =	vmul.bf16 v41, v10;
	v56 =	vmul.bf16 v44, v9;
	[tilespmem:s25+$0xE4C0] =	vst v50  }
0x1cb: {  	v55 =	vadd.f32 v19, v43;
	v24 =	vmul.bf16 v63, v3;
	v53 =	vadd.bf16 v27, v26;
	s25 =	sshra.s32 s30, $0x2;
	s30 =	sor.u32 $0x480, s14;
	v57 =	vld [tilespmem:s22+$0xC80]  }
0x1cc: {  	v18 =	vadd.bf16 v56, v18;
	v62 =	vmul.bf16 v47, v11;
	v63 =	vmul.bf16 v49, v12;
	[tilespmem:s25+$0xE4C0] =	vst v20;
	v59 =	vld [tilespmem:s22+$0xC90];
	s22 =	sshra.s32 s30, $0x1  }
0x1cd: {  	s12 =	sor.u32 $0x4C0, s12;
	v58 =	vmul.bf16 v38, v4;
	v60 =	vunpack.i.u.bf16.f32 v53;
	v22 =	vunpack.i.l.bf16.f32 v53;
	s25 =	sshra.s32 s23, $0x2;
	v61 =	vld [tilespmem:s22+$0xC80]  }
0x1ce: {  	s17 =	sshra.s32 s12, $0x1;
	v22 =	vadd.f32 v22, v60;
	v34 =	vunpack.i.u.bf16.f32 v18;
	v19 =	vadd.bf16 v63, v62;
	v32 =	vld [tilespmem:s22+$0xC90];
	[tilespmem:s25+$0xE4C0] =	vst v55  }
0x1cf: {  	v18 =	vunpack.i.l.bf16.f32 v18;
	v36 =	vmul.bf16 v52, v13;
	v37 =	vmul.bf16 v54, v14;
	s22 =	sshra.s32 s1, $0x2;
	s1 =	sadd.s32 $0x480, s15;
	v35 =	vld [tilespmem:s17+$0xC80]  }
0x1d0: {  	v33 =	vadd.bf16 v58, v24;
	v18 =	vadd.f32 v18, v34;
	[tilespmem:s22+$0xE4C0] =	vst v22;
	s23 =	sshra.s32 s1, $0x1;
	v42 =	vld [tilespmem:s17+$0xC90]  }
0x1d1: {  	v39 =	vunpack.i.u.bf16.f32 v19;
	v19 =	vunpack.i.l.bf16.f32 v19;
	s25 =	sshra.s32 s4, $0x2;
	s4 =	sadd.s32 $0x480, s21;
	v22 =	vadd.bf16 v37, v36;
	v38 =	vld [tilespmem:s23+$0xC80]  }
0x1d2: {  	[tilespmem:s25+$0xE4C0] =	vst v18;
	s19 =	sshra.s32 s4, $0x1;
	v44 =	vadd.f32 v19, v39;
	v40 =	vld [tilespmem:s23+$0xC90];
	v23 =	vmul.bf16 v57, v15;
	v41 =	vmul.bf16 v59, v16  }
0x1d3: {  	v47 =	vunpack.i.u.bf16.f32 v33;
	s22 =	sshra.s32 s6, $0x2;
	s6 =	sor.u32 $0x480, s2;
	v45 =	vld [tilespmem:s19+$0xC80];
	v46 =	vunpack.i.u.bf16.f32 v22;
	v22 =	vunpack.i.l.bf16.f32 v22  }
0x1d4: {  	v17 =	vunpack.i.l.bf16.f32 v33;
	v48 =	vld [tilespmem:s19+$0xC90];
	s23 =	sshra.s32 s6, $0x1;
	[tilespmem:s22+$0xE4C0] =	vst v44;
	v49 =	vadd.f32 v22, v46;
	v23 =	vadd.bf16 v41, v23  }
0x1d5: {  	v17 =	vadd.f32 v17, v47;
	s25 =	sshra.s32 s31, $0x2;
	s31 =	sadd.s32 $0x480, s16;
	v51 =	vld [tilespmem:s23+$0xC80];
	v43 =	vmul.bf16 v61, v6;
	v29 =	vmul.bf16 v32, v5  }
0x1d6: {  	s19 =	sshra.s32 s31, $0x1;
	v53 =	vld [tilespmem:s23+$0xC90];
	[tilespmem:s25+$0xE4C0] =	vst v49;
	v2 =	vmul.bf16 v35, v2;
	v52 =	vunpack.i.u.bf16.f32 v23;
	v23 =	vunpack.i.l.bf16.f32 v23  }
0x1d7: {  	s11 =	sadd.s32 $0x4C0, s11;
	s25 =	sshra.s32 s28, $0x2;
	v1 =	vmul.bf16 v42, v1;
	v50 =	vadd.bf16 v29, v43;
	v55 =	vld [tilespmem:s19+$0xC80];
	v54 =	vadd.f32 v23, v52  }
0x1d8: {  	s3 =	sshra.s32 s3, $0x2;
	s23 =	sor.u32 $0x480, s0;
	s28 =	sshra.s32 s11, $0x1;
	v25 =	vmul.bf16 v38, v7;
	v26 =	vmul.bf16 v40, v8;
	v56 =	vld [tilespmem:s19+$0xC90];
	[tilespmem:s25+$0xE4C0] =	vst v17  }
0x1d9: {  	s22 =	sshra.s32 s23, $0x1;
	v19 =	vmul.bf16 v45, v10;
	v62 =	vmul.bf16 v48, v9;
	v63 =	vld [tilespmem:s28+$0xC80];
	v57 =	vunpack.i.u.bf16.f32 v50;
	[tilespmem:s3+$0xE4C0] =	vst v54  }
0x1da: {  	v20 =	vunpack.i.l.bf16.f32 v50;
	v25 =	vadd.bf16 v26, v25;
	v22 =	vmul.bf16 v51, v11;
	v59 =	vld [tilespmem:s22+$0xC80]  }
0x1db: {  	v29 =	vmul.bf16 v53, v12;
	v19 =	vadd.bf16 v62, v19;
	v58 =	vadd.f32 v20, v57;
	v60 =	vld [tilespmem:s22+$0xC90]  }
0x1dc: {  	s14 =	sor.u32 $0x4C0, s14;
	s17 =	sshra.s32 s30, $0x2;
	v33 =	vld [tilespmem:s28+$0xC90];
	v1 =	vadd.bf16 v1, v2;
	v61 =	vunpack.i.u.bf16.f32 v25;
	v25 =	vunpack.i.l.bf16.f32 v25  }
0x1dd: {  	s19 =	sshra.s32 s14, $0x1;
	v34 =	vadd.bf16 v29, v22;
	v37 =	vunpack.i.u.bf16.f32 v19;
	v21 =	vadd.f32 v25, v61;
	[tilespmem:s17+$0xE4C0] =	vst v58  }
0x1de: {  	v19 =	vunpack.i.l.bf16.f32 v19;
	v35 =	vmul.bf16 v55, v13;
	v36 =	vmul.bf16 v56, v14;
	s22 =	sshra.s32 s1, $0x2;
	s1 =	sadd.s32 $0x4C0, s15;
	v2 =	vld [tilespmem:s19+$0xC80]  }
0x1df: {  	v19 =	vadd.f32 v19, v37;
	v38 =	vld [tilespmem:s19+$0xC90];
	s15 =	sshra.s32 s1, $0x1;
	v39 =	vunpack.i.u.bf16.f32 v34;
	v18 =	vunpack.i.l.bf16.f32 v34;
	[tilespmem:s22+$0xE4C0] =	vst v21  }
0x1e0: {  	s4 =	sshra.s32 s4, $0x2;
	s3 =	sadd.s32 $0x4C0, s21;
	v22 =	vadd.bf16 v36, v35;
	v40 =	vld [tilespmem:s15+$0xC80];
	v20 =	vmul.bf16 v59, v15;
	v17 =	vmul.bf16 v60, v16  }
0x1e1: {  	s25 =	sshra.s32 s3, $0x1;
	v3 =	vmul.bf16 v63, v3;
	v4 =	vmul.bf16 v33, v4;
	[tilespmem:s4+$0xE4C0] =	vst v19;
	v18 =	vadd.f32 v18, v39;
	v41 =	vld [tilespmem:s15+$0xC90]  }
0x1e2: {  	s2 =	sor.u32 $0x4C0, s2;
	s6 =	sshra.s32 s6, $0x2;
	v42 =	vld [tilespmem:s25+$0xC80];
	v43 =	vunpack.i.u.bf16.f32 v22;
	v22 =	vunpack.i.l.bf16.f32 v22;
	v17 =	vadd.bf16 v17, v20  }
0x1e3: {  	s28 =	sshra.s32 s2, $0x1;
	v47 =	vunpack.i.u.bf16.f32 v1;
	v1 =	vunpack.i.l.bf16.f32 v1;
	v44 =	vld [tilespmem:s25+$0xC90];
	[tilespmem:s6+$0xE4C0] =	vst v18;
	v45 =	vadd.f32 v22, v43  }
0x1e4: {  	s30 =	sshra.s32 s31, $0x2;
	s31 =	sadd.s32 $0x4C0, s16;
	v3 =	vadd.bf16 v4, v3;
	v18 =	vld [tilespmem:s28+$0xC80];
	v46 =	vunpack.i.u.bf16.f32 v17;
	v17 =	vunpack.i.l.bf16.f32 v17  }
0x1e5: {  	s16 =	sshra.s32 s31, $0x1;
	v48 =	vld [tilespmem:s28+$0xC90];
	v2 =	vmul.bf16 v2, v6;
	v5 =	vmul.bf16 v38, v5;
	[tilespmem:s30+$0xE4C0] =	vst v45;
	v17 =	vadd.f32 v17, v46  }
0x1e6: {  	s0 =	sor.u32 $0x4C0, s0;
	v1 =	vadd.f32 v1, v47;
	s17 =	sshra.s32 s23, $0x2;
	v52 =	vunpack.i.u.bf16.f32 v3;
	v51 =	vld [tilespmem:s16+$0xC80]  }
0x1e7: {  	s19 =	sshra.s32 s0, $0x1;
	v49 =	vmul.bf16 v40, v7;
	v50 =	vmul.bf16 v41, v8;
	v2 =	vadd.bf16 v5, v2;
	v53 =	vld [tilespmem:s16+$0xC90];
	[tilespmem:s17+$0xE4C0] =	vst v17  }
0x1e8: {  	v3 =	vunpack.i.l.bf16.f32 v3;
	v10 =	vmul.bf16 v42, v10;
	v4 =	vmul.bf16 v44, v9;
	v54 =	vld [tilespmem:s19+$0xC80]  }
0x1e9: {  	v6 =	vadd.bf16 v50, v49;
	v56 =	vunpack.i.u.bf16.f32 v2;
	v2 =	vunpack.i.l.bf16.f32 v2;
	v55 =	vld [tilespmem:s19+$0xC90]  }
0x1ea: {  	v57 =	vmul.bf16 v18, v11;
	v58 =	vmul.bf16 v48, v12;
	v4 =	vadd.bf16 v4, v10  }
0x1eb: {  	v3 =	vadd.f32 v3, v52;
	v2 =	vadd.f32 v2, v56;
	v59 =	vunpack.i.u.bf16.f32 v6  }
0x1ec: {  	v6 =	vunpack.i.l.bf16.f32 v6;
	v9 =	vadd.bf16 v58, v57;
	v10 =	vunpack.i.u.bf16.f32 v4  }
0x1ed: {  	s21 =	sshra.s32 s12, $0x2;
	v4 =	vunpack.i.l.bf16.f32 v4;
	v8 =	vmul.bf16 v51, v13;
	v5 =	vmul.bf16 v53, v14  }
0x1ee: {  	[tilespmem:s21+$0xE4C0] =	vst v1;
	s22 =	sshra.s32 s11, $0x2;
	v6 =	vadd.f32 v6, v59;
	v7 =	vmul.bf16 v54, v15;
	v1 =	vmul.bf16 v55, v16  }
0x1ef: {  	s23 =	sshra.s32 s14, $0x2;
	[tilespmem:s22+$0xE4C0] =	vst v3;
	v3 =	vadd.f32 v4, v10;
	v60 =	vadd.bf16 v5, v8  }
0x1f0: {  	p2 =	slt.u32 s10, $0x20;
	s1 =	sshra.s32 s1, $0x2;
	[tilespmem:s23+$0xE4C0] =	vst v2;
	v2 =	vunpack.i.u.bf16.f32 v9;
	v61 =	vunpack.i.l.bf16.f32 v9;
	v1 =	vadd.bf16 v1, v7  }
.Ltmp4:
0x1f1: {  	s25 =	sshra.s32 s3, $0x2;
	[tilespmem:s1+$0xE4C0] =	vst v6;
	v2 =	vadd.f32 v61, v2;
	v62 =	vunpack.i.u.bf16.f32 v60;
	v4 =	vunpack.i.l.bf16.f32 v60;
	(pc) =	sbr.rel @p2 .LBB2_6-.Ltmp4, $4  }
0x1f2: {  	s28 =	sshra.s32 s2, $0x2;
	[tilespmem:s25+$0xE4C0] =	vst v3;
	v3 =	vadd.f32 v4, v62;
	v63 =	vunpack.i.u.bf16.f32 v1;
	v1 =	vunpack.i.l.bf16.f32 v1  }
0x1f3: {  	s0 =	sshra.s32 s0, $0x2;
	s30 =	sshra.s32 s31, $0x2;
	[tilespmem:s28+$0xE4C0] =	vst v2;
	v1 =	vadd.f32 v1, v63  }
0x1f4: {  	s11 =	simm.s32 $0x10;
	s2 =	simm.s32 $0xFFFFFFFE;
	s31 =	sadd.s32 $0x8, s10;
	[tilespmem:s30+$0xE4C0] =	vst v3  }
0x1f5: {  	s10 =	smov.u32 s31;
	s1 =	simm.s32 $0x100;
	[tilespmem:s0+$0xE4C0] =	vst v1;
	s0 =	simm.s32 $0xDE90  }
0x1f6: {  	v1 =	vor.u32 $0x1, v0;
	v7 =	vor.u32 s1, v0  }
0x1f7: {  	v2 =	vor.u32 $0x2, v0;
	v8 =	vor.u32 s1, v1  }
0x1f8: {  	v3 =	vor.u32 $0x3, v0;
	v9 =	vor.u32 s1, v2  }
0x1f9: {  	v4 =	vor.u32 $0x4, v0;
	v45 =	vld [tilespmem:s11+$0x0];
	v10 =	vor.u32 s1, v3  }
0x1fa: {  	v5 =	vor.u32 $0x5, v0;
	v54 =	vld [tilespmem:s11+$0xFFFFFFF0];
	v11 =	vor.u32 s1, v4  }
0x1fb: {  	v6 =	vor.u32 $0x6, v0;
	v12 =	vor.u32 s1, v5;
	v16 =	vld.idx.msk [tilespmem:v7+s26+$0x0], $0xffff  }
0x1fc: {  	s3 =	sadd.s32 $0xFFFFFF00, s1;
	v13 =	vor.u32 s1, v6;
	v17 =	vld.idx.msk [tilespmem:v8+s26+$0x0], $0xffff  }
0x1fd: {  	v32 =	vor.u32 s3, v0;
	v18 =	vld.idx.msk [tilespmem:v9+s26+$0x0], $0xffff  }
0x1fe: {  	v33 =	vor.u32 s3, v1;
	v19 =	vld.idx.msk [tilespmem:v10+s26+$0x0], $0xffff  }
0x1ff: {  	v34 =	vor.u32 s3, v2;
	v20 =	vld.idx.msk [tilespmem:v11+s26+$0x0], $0xffff  }
0x200: {  	v35 =	vor.u32 s3, v3;
	v22 =	vld.idx.msk [tilespmem:v12+s26+$0x0], $0xffff  }
0x201: {  	v36 =	vor.u32 s3, v4;
	v24 =	vld.idx.msk [tilespmem:v13+s26+$0x0], $0xffff  }
0x202: {  	v37 =	vor.u32 s3, v5;
	v32 =	vld.idx.msk [tilespmem:v32+s26+$0x0], $0xffff  }
0x203: {  	s12 =	sadd.s32 $0x200, s1;
	v38 =	vor.u32 s3, v6;
	v33 =	vld.idx.msk [tilespmem:v33+s26+$0x0], $0xffff  }
0x204: {  	v49 =	vor.u32 s12, v0;
	v34 =	vld.idx.msk [tilespmem:v34+s26+$0x0], $0xffff  }
0x205: {  	v50 =	vor.u32 s12, v1;
	v7 =	vor.u32 $0x7, v0;
	v35 =	vld.idx.msk [tilespmem:v35+s26+$0x0], $0xffff  }
0x206: {  	v14 =	vor.u32 s1, v7;
	v36 =	vld.idx.msk [tilespmem:v36+s26+$0x0], $0xffff  }
0x207: {  	v39 =	vor.u32 s3, v7;
	v37 =	vld.idx.msk [tilespmem:v37+s26+$0x0], $0xffff  }
0x208: {  	v51 =	vor.u32 s12, v2;
	v8 =	vor.u32 $0x8, v0;
	v38 =	vld.idx.msk [tilespmem:v38+s26+$0x0], $0xffff  }
0x209: {  	v9 =	vor.u32 $0x9, v0;
	v49 =	vld.idx.msk [tilespmem:v49+s26+$0x0], $0xffff;
	v15 =	vor.u32 s1, v8  }
0x20a: {  	v10 =	vor.u32 $0xA, v0;
	v50 =	vld.idx.msk [tilespmem:v50+s26+$0x0], $0xffff;
	v21 =	vor.u32 s1, v9  }
0x20b: {  	v11 =	vor.u32 $0xB, v0;
	v23 =	vor.u32 s1, v10;
	v26 =	vld.idx.msk [tilespmem:v14+s26+$0x0], $0xffff  }
0x20c: {  	v12 =	vor.u32 $0xC, v0;
	v13 =	vor.u32 $0xD, v0;
	v25 =	vor.u32 s1, v11;
	v39 =	vld.idx.msk [tilespmem:v39+s26+$0x0], $0xffff  }
0x20d: {  	v27 =	vor.u32 s1, v12;
	v16 =	vadd.f32 v17, v16;
	v17 =	vadd.f32 v19, v18;
	v18 =	vld.idx.msk [tilespmem:v51+s26+$0x0], $0xffff  }
0x20e: {  	v29 =	vor.u32 s1, v13;
	v28 =	vld.idx.msk [tilespmem:v15+s26+$0x0], $0xffff  }
0x20f: {  	v40 =	vor.u32 s3, v8;
	v21 =	vld.idx.msk [tilespmem:v21+s26+$0x0], $0xffff  }
0x210: {  	v41 =	vor.u32 s3, v9;
	v23 =	vld.idx.msk [tilespmem:v23+s26+$0x0], $0xffff  }
0x211: {  	v42 =	vor.u32 s3, v10;
	v25 =	vld.idx.msk [tilespmem:v25+s26+$0x0], $0xffff  }
0x212: {  	v43 =	vor.u32 s3, v11;
	v27 =	vld.idx.msk [tilespmem:v27+s26+$0x0], $0xffff  }
0x213: {  	v44 =	vor.u32 s3, v12;
	v29 =	vld.idx.msk [tilespmem:v29+s26+$0x0], $0xffff  }
0x214: {  	v46 =	vor.u32 s3, v13;
	v40 =	vld.idx.msk [tilespmem:v40+s26+$0x0], $0xffff  }
0x215: {  	v52 =	vor.u32 s12, v3;
	v41 =	vld.idx.msk [tilespmem:v41+s26+$0x0], $0xffff  }
0x216: {  	v14 =	vor.u32 $0xE, v0;
	v19 =	vor.u32 s12, v7;
	v42 =	vld.idx.msk [tilespmem:v42+s26+$0x0], $0xffff  }
0x217: {  	v15 =	vor.u32 $0xF, v0;
	v30 =	vor.u32 s1, v14;
	v43 =	vld.idx.msk [tilespmem:v43+s26+$0x0], $0xffff  }
0x218: {  	v44 =	vld.idx.msk [tilespmem:v44+s26+$0x0], $0xffff;
	v31 =	vor.u32 s1, v15  }
0x219: {  	v47 =	vor.u32 s3, v14;
	v46 =	vld.idx.msk [tilespmem:v46+s26+$0x0], $0xffff  }
0x21a: {  	v53 =	vor.u32 s12, v4;
	v20 =	vadd.f32 v22, v20;
	v22 =	vadd.f32 v26, v24;
	v24 =	vld.idx.msk [tilespmem:v52+s26+$0x0], $0xffff  }
0x21b: {  	v56 =	vor.u32 s12, v6;
	v19 =	vld.idx.msk [tilespmem:v19+s26+$0x0], $0xffff  }
0x21c: {  	v48 =	vor.u32 s3, v15;
	v30 =	vld.idx.msk [tilespmem:v30+s26+$0x0], $0xffff  }
0x21d: {  	v26 =	vor.u32 s12, v8;
	v31 =	vld.idx.msk [tilespmem:v31+s26+$0x0], $0xffff  }
0x21e: {  	v55 =	vor.u32 s12, v5;
	v16 =	vadd.f32 v17, v16;
	v47 =	vld.idx.msk [tilespmem:v47+s26+$0x0], $0xffff  }
0x21f: {  	v23 =	vadd.f32 v25, v23;
	v25 =	vld.idx.msk [tilespmem:v53+s26+$0x0], $0xffff;
	v17 =	vadd.f32 v22, v20;
	v22 =	vor.u32 s12, v11  }
0x220: {  	v57 =	vadd.f32 v37, v36;
	s1 =	sadd.s32 $0xFFFFFF00, s12;
	v20 =	vld.idx.msk [tilespmem:v56+s26+$0x0], $0xffff;
	v56 =	vor.u32 s12, v13  }
0x221: {  	v63 =	vor.u32 s1, v2;
	v59 =	vadd.f32 v39, v38;
	v21 =	vadd.f32 v21, v28;
	v48 =	vld.idx.msk [tilespmem:v48+s26+$0x0], $0xffff  }
0x222: {  	v28 =	vor.u32 s12, v9;
	v27 =	vadd.f32 v29, v27;
	v26 =	vld.idx.msk [tilespmem:v26+s26+$0x0], $0xffff;
	v29 =	vadd.f32 v31, v30  }
0x223: {  	v58 =	vor.u32 s12, v15;
	v61 =	vadd.f32 v41, v40;
	v62 =	vadd.f32 v43, v42;
	v30 =	vld.idx.msk [tilespmem:v55+s26+$0x0], $0xffff  }
0x224: {  	v21 =	vadd.f32 v23, v21;
	v31 =	vor.u32 s12, v10;
	v22 =	vld.idx.msk [tilespmem:v22+s26+$0x0], $0xffff;
	v23 =	vadd.f32 v29, v27  }
0x225: {  	v16 =	vadd.f32 v17, v16;
	v27 =	vor.u32 s12, v12;
	v29 =	vadd.f32 v33, v32;
	v32 =	vld.idx.msk [tilespmem:v56+s26+$0x0], $0xffff  }
0x226: {  	v33 =	vadd.f32 v59, v57;
	v57 =	vld.idx.msk [tilespmem:v63+s26+$0x0], $0xffff;
	v17 =	vadd.f32 v23, v21;
	v23 =	vor.u32 s12, v14  }
0x227: {  	v46 =	vadd.f32 v46, v44;
	v19 =	vadd.f32 v19, v20;
	v20 =	vor.u32 s1, v8;
	v21 =	vld.idx.msk [tilespmem:v28+s26+$0x0], $0xffff  }
0x228: {  	v60 =	vor.u32 s1, v1;
	v18 =	vadd.f32 v24, v18;
	v28 =	vadd.f32 v35, v34;
	v34 =	vld.idx.msk [tilespmem:v58+s26+$0x0], $0xffff  }
0x229: {  	v47 =	vadd.f32 v48, v47;
	v31 =	vld.idx.msk [tilespmem:v31+s26+$0x0], $0xffff;
	v16 =	vadd.f32 v17, v16;
	v17 =	vor.u32 s1, v0  }
0x22a: {  	v58 =	vadd.f32 v50, v49;
	v28 =	vadd.f32 v28, v29;
	v29 =	vor.u32 s1, v3;
	v27 =	vld.idx.msk [tilespmem:v27+s26+$0x0], $0xffff  }
0x22b: {  	v37 =	vadd.f32 v62, v61;
	v48 =	vor.u32 s1, v4;
	v51 =	vadd.f32 v47, v46;
	v23 =	vld.idx.msk [tilespmem:v23+s26+$0x0], $0xffff  }
0x22c: {  	v59 =	vadd.f32 v18, v58;
	v18 =	vld.idx.msk [tilespmem:v20+s26+$0x0], $0xffff;
	v52 =	vadd.f32 v16, v45;
	v16 =	vor.u32 s1, v5  }
0x22d: {  	v33 =	vadd.f32 v33, v28;
	v28 =	vld.idx.msk [tilespmem:v60+s26+$0x0], $0xffff;
	v21 =	vadd.f32 v21, v26;
	v26 =	vor.u32 s1, v9  }
0x22e: {  	v55 =	vadd.f32 v51, v37;
	v53 =	vld.idx.msk [tilespmem:v17+s26+$0x0], $0xffff  }
0x22f: {  	v25 =	vadd.f32 v30, v25;
	v22 =	vadd.f32 v22, v31;
	v31 =	vor.u32 s1, v10;
	v24 =	vld.idx.msk [tilespmem:v29+s26+$0x0], $0xffff  }
0x230: {  	v17 =	vor.u32 s1, v6;
	v29 =	vld.idx.msk [tilespmem:v48+s26+$0x0], $0xffff;
	v27 =	vadd.f32 v32, v27;
	v23 =	vadd.f32 v34, v23  }
0x231: {  	v56 =	vor.u32 s1, v7;
	v19 =	vadd.f32 v19, v25;
	v25 =	vadd.f32 v55, v33;
	v30 =	vld.idx.msk [tilespmem:v16+s26+$0x0], $0xffff  }
0x232: {  	s10 =	sadd.s32 $0x20, s11;
	v60 =	vor.u32 s1, v11;
	v21 =	vadd.f32 v22, v21;
	v20 =	vld.idx.msk [tilespmem:v26+s26+$0x0], $0xffff;
	v23 =	vadd.f32 v23, v27  }
0x233: {  	v19 =	vadd.f32 v19, v59;
	v22 =	vor.u32 s1, v12;
	v61 =	vadd.f32 v28, v53;
	v28 =	vld [tilespmem:s10+$0x0]  }
0x234: {  	v36 =	vadd.f32 v25, v54;
	v25 =	vld.idx.msk [tilespmem:v31+s26+$0x0], $0xffff;
	v62 =	vadd.f32 v23, v21;
	v23 =	vor.u32 s1, v13  }
0x235: {  	v26 =	vor.u32 s1, v14;
	v16 =	vld.idx.msk [tilespmem:v17+s26+$0x0], $0xffff;
	v27 =	vmax.f32 v52, $0.0e+00;
	v63 =	vadd.f32 v24, v57  }
0x236: {  	s2 =	sadd.s32 $0x2, s2;
	v17 =	vld.idx.msk [tilespmem:v56+s26+$0x0], $0xffff;
	v24 =	vor.u32 s1, v15;
	v21 =	vadd.f32 v30, v29;
	v29 =	vadd.f32 v62, v19  }
0x237: {  	s2 =	sadd.s32 $0x2, s2;
	s11 =	sadd.s32 $0x200, s12;
	[tilespmem:s0+$0x0] =	vst v27;
	v27 =	vld.idx.msk [tilespmem:v60+s26+$0x0], $0xffff;
	v30 =	vmax.f32 v36, $0.0e+00;
	v19 =	vadd.f32 v63, v61  }
.LBB2_8:
0x238: {  	s1 =	sadd.s32 $0xFFFFFF00, s11;
	v31 =	vor.u32 s11, v0;
	v32 =	vld.idx.msk [tilespmem:v22+s26+$0x0], $0xffff;
	v22 =	vadd.f32 v29, v28;
	[tilespmem:s0+$0xFFFFFFF0] =	vst v30  }
0x239: {  	v29 =	vor.u32 s11, v1;
	v28 =	vor.u32 s1, v0;
	v30 =	vld.idx.msk [tilespmem:v23+s26+$0x0], $0xffff  }
0x23a: {  	s0 =	sadd.s32 $0x20, s0;
	v23 =	vor.u32 s11, v2;
	v33 =	vld.idx.msk [tilespmem:v26+s26+$0x0], $0xffff;
	v22 =	vmax.f32 v22, $0.0e+00  }
0x23b: {  	v34 =	vor.u32 s1, v1;
	v26 =	vor.u32 s11, v3;
	v35 =	vld.idx.msk [tilespmem:v24+s26+$0x0], $0xffff;
	[tilespmem:s0+$0x0] =	vst v22  }
0x23c: {  	v36 =	vor.u32 s1, v2;
	v22 =	vor.u32 s11, v4;
	v37 =	vld [tilespmem:s10+$0xFFFFFFF0]  }
0x23d: {  	v38 =	vor.u32 s1, v3;
	v24 =	vor.u32 s11, v5;
	v31 =	vld.idx.msk [tilespmem:v31+s26+$0x0], $0xffff  }
0x23e: {  	v40 =	vor.u32 s11, v6;
	v39 =	vor.u32 s1, v4;
	v29 =	vld.idx.msk [tilespmem:v29+s26+$0x0], $0xffff  }
0x23f: {  	v41 =	vor.u32 s1, v5;
	v42 =	vld.idx.msk [tilespmem:v23+s26+$0x0], $0xffff;
	v23 =	vor.u32 s11, v7  }
0x240: {  	v43 =	vor.u32 s1, v6;
	v44 =	vld.idx.msk [tilespmem:v26+s26+$0x0], $0xffff;
	v26 =	vor.u32 s11, v8  }
0x241: {  	v47 =	vor.u32 s11, v9;
	v45 =	vor.u32 s1, v7;
	v46 =	vld.idx.msk [tilespmem:v22+s26+$0x0], $0xffff  }
0x242: {  	v48 =	vor.u32 s1, v8;
	v49 =	vld.idx.msk [tilespmem:v24+s26+$0x0], $0xffff;
	v24 =	vor.u32 s11, v10  }
0x243: {  	v51 =	vor.u32 s11, v11;
	v50 =	vor.u32 s1, v9;
	v40 =	vld.idx.msk [tilespmem:v40+s26+$0x0], $0xffff  }
0x244: {  	v54 =	vor.u32 s11, v12;
	v52 =	vor.u32 s1, v10;
	v53 =	vld.idx.msk [tilespmem:v23+s26+$0x0], $0xffff  }
0x245: {  	v57 =	vor.u32 s11, v13;
	v55 =	vor.u32 s1, v11;
	v56 =	vld.idx.msk [tilespmem:v26+s26+$0x0], $0xffff  }
0x246: {  	v58 =	vor.u32 s11, v14;
	s2 =	sadd.s32 $0x2, s2;
	v22 =	vor.u32 s1, v12;
	v47 =	vld.idx.msk [tilespmem:v47+s26+$0x0], $0xffff  }
0x247: {  	v60 =	vor.u32 s11, v15;
	p2 =	slt.u32 s2, $0x30;
	v23 =	vor.u32 s1, v13;
	v26 =	vor.u32 s1, v14;
	v59 =	vld.idx.msk [tilespmem:v24+s26+$0x0], $0xffff  }
0x248: {  	v16 =	vadd.f32 v17, v16;
	v17 =	vadd.f32 v20, v18;
	v24 =	vor.u32 s1, v15;
	v51 =	vld.idx.msk [tilespmem:v51+s26+$0x0], $0xffff  }
0x249: {  	v20 =	vadd.f32 v27, v25;
	v25 =	vadd.f32 v30, v32;
	v18 =	vld.idx.msk [tilespmem:v54+s26+$0x0], $0xffff  }
0x24a: {  	v16 =	vadd.f32 v16, v21;
	v30 =	vadd.f32 v35, v33;
	v27 =	vld.idx.msk [tilespmem:v57+s26+$0x0], $0xffff  }
0x24b: {  	v17 =	vadd.f32 v20, v17;
	v21 =	vld.idx.msk [tilespmem:v58+s26+$0x0], $0xffff  }
0x24c: {  	v19 =	vadd.f32 v16, v19;
	v25 =	vadd.f32 v30, v25;
	v20 =	vld.idx.msk [tilespmem:v60+s26+$0x0], $0xffff  }
0x24d: {  	v28 =	vld.idx.msk [tilespmem:v28+s26+$0x0], $0xffff  }
0x24e: {  	v25 =	vadd.f32 v25, v17;
	v30 =	vld.idx.msk [tilespmem:v34+s26+$0x0], $0xffff  }
0x24f: {  	v17 =	vadd.f32 v29, v31;
	v29 =	vadd.f32 v44, v42;
	v32 =	vld.idx.msk [tilespmem:v36+s26+$0x0], $0xffff  }
0x250: {  	v33 =	vadd.f32 v49, v46;
	v34 =	vadd.f32 v53, v40;
	v31 =	vld.idx.msk [tilespmem:v38+s26+$0x0], $0xffff  }
0x251: {  	v36 =	vadd.f32 v47, v56;
	v38 =	vadd.f32 v51, v59;
	v35 =	vld.idx.msk [tilespmem:v39+s26+$0x0], $0xffff  }
0x252: {  	v18 =	vadd.f32 v27, v18;
	v20 =	vadd.f32 v20, v21;
	v39 =	vld.idx.msk [tilespmem:v41+s26+$0x0], $0xffff  }
0x253: {  	v27 =	vadd.f32 v34, v33;
	v21 =	vadd.f32 v29, v17;
	v16 =	vld.idx.msk [tilespmem:v43+s26+$0x0], $0xffff  }
0x254: {  	s10 =	sadd.s32 $0x20, s10;
	v29 =	vadd.f32 v38, v36;
	v20 =	vadd.f32 v20, v18;
	v17 =	vld.idx.msk [tilespmem:v45+s26+$0x0], $0xffff  }
.Ltmp5:
0x255: {  	v19 =	vadd.f32 v25, v19;
	v30 =	vadd.f32 v30, v28;
	v28 =	vld [tilespmem:s10+$0x0];
	(pc) =	sbr.rel @p2 .LBB2_8-.Ltmp5, $4  }
0x256: {  	v27 =	vadd.f32 v27, v21;
	v29 =	vadd.f32 v20, v29;
	v18 =	vld.idx.msk [tilespmem:v48+s26+$0x0], $0xffff  }
0x257: {  	v31 =	vadd.f32 v31, v32;
	v32 =	vadd.f32 v19, v37;
	v20 =	vld.idx.msk [tilespmem:v50+s26+$0x0], $0xffff  }
0x258: {  	v21 =	vadd.f32 v39, v35;
	v29 =	vadd.f32 v29, v27;
	v25 =	vld.idx.msk [tilespmem:v52+s26+$0x0], $0xffff  }
0x259: {  	s11 =	sadd.s32 $0x200, s11;
	v19 =	vadd.f32 v31, v30;
	v30 =	vmax.f32 v32, $0.0e+00;
	v27 =	vld.idx.msk [tilespmem:v55+s26+$0x0], $0xffff  }
0x25a: {  	_ =	sdelay $0x3  }
0x25b: {  	v22 =	vld.idx.msk [tilespmem:v22+s26+$0x0], $0xffff  }
0x25c: {  	v23 =	vld.idx.msk [tilespmem:v23+s26+$0x0], $0xffff  }
0x25d: {  	v26 =	vld.idx.msk [tilespmem:v26+s26+$0x0], $0xffff  }
0x25e: {  	v24 =	vld.idx.msk [tilespmem:v24+s26+$0x0], $0xffff;
	_ =	sdelay $0x2  }
0x25f: {  	v16 =	vadd.f32 v17, v16  }
0x260: {  	v17 =	vadd.f32 v20, v18;
	v59 =	vadd.f32 v27, v25  }
0x261: {  	v60 =	vadd.f32 v23, v22;
	v61 =	vadd.f32 v24, v26  }
0x262: {  	v16 =	vadd.f32 v16, v21  }
0x263: {  	v17 =	vadd.f32 v59, v17;
	v62 =	vadd.f32 v61, v60  }
0x264: {  	v63 =	vld [tilespmem:s10+$0xFFFFFFF0]  }
0x265: {  	v16 =	vadd.f32 v16, v19;
	v17 =	vadd.f32 v62, v17;
	_ =	sdelay $0x1  }
0x266: {  	v16 =	vadd.f32 v17, v16  }
0x267: {  	v17 =	vadd.f32 v29, v28  }
0x268: {  	s1 =	smul.u32 $0x14, s9;
	v16 =	vadd.f32 v16, v63  }
0x269: {  	[tilespmem:s0+$0xFFFFFFF0] =	vst v30;
	s25 =	sadd.s32 $0x20, s0;
	v17 =	vmax.f32 v17, $0.0e+00  }
0x26a: {  	s28 =	rddreg [dreg:$0x3];
	s1 =	sshrl.u32 s1, $0x3;
	[tilespmem:s25+$0x0] =	vst v17;
	v16 =	vmax.f32 v16, $0.0e+00  }
0x26b: {  	s30 =	simm.s32 $0xDE80;
	s0 =	sadd.s32 s28, s1;
	[tilespmem:s25+$0xFFFFFFF0] =	vst v16  }
0x26c: {  	[hbm4b:s0+s5] =	stream.linear.scatter [tilespmem:s30], [sflag:$0x7], $0x320, $0x38;
	[tilespmem:$0x116C0] =	vst v63  }
0x26d: {  	s0 =	simm.s32 @p0 $0x2  }
0x26e: {  	_ =	swait.ge @p0 [sflag:s0], $0x6400  }
0x26f: {  	[sflag:s0] =	ssyncset.done @p0 $0x0  }
0x270: {  	[sflag:s0] =	ssyncadd.s32 @p0 $0xFFFF9C00  }
0x271: {  	_ =	swait.ge @p0 [sflag:s0], $0x320  }
0x272: {  	[sflag:s0] =	ssyncset.done @p0 $0x0  }
0x273: {  	[sflag:s0] =	ssyncadd.s32 @p0 $0xFFFFFCE0;
	s0 =	sshll.u32 @!p0 s9, $0x2  }
0x274: {  	s2 =	simm.s32 @!p0 $0xD480;
	s1 =	simm.s32 @!p0 $0x0;
	s0 =	sadd.s32 @!p0 s0, s13  }
0x275: {  	[tilespmem:s2], [sflag:$0x5] =	stream.linear.gather @!p0 [hbm4b:s0+s1], $0x500, $0x38;
	[tilespmem:$0x116C0] =	vst v63  }
0x276: {  	s0 =	simm.s32 @!p0 $0x3  }
0x277: {  	_ =	swait.ge @!p0 [sflag:s0], $0x320  }
0x278: {  	s3 =	simm.s32 @!p0 $0xC80;
	[sflag:s0] =	ssyncset.done @!p0 $0x0  }
0x279: {  	s2 =	simm.s32 @!p0 $0x640;
	[sflag:s0] =	ssyncadd.s32 @!p0 $0xFFFFFCE0;
	s0 =	simm.s32 @!p0 $0x320  }
0x27a: {  	[tilespmem:s3], [sflag:$0x1] =	stream.indirect.gather @!p0 [hbm4b:s8+s0], $0x20, s2, s0, $0xb8;
	[tilespmem:$0x116C0] =	vst v63  }
0x27b: {  	s3 =	rddreg [dreg:$0x2]  }
0x27c: {  	[tilespmem:s1], [sflag:$0x1] =	stream.indirect.gather @!p0 [hbm4b:s3+s0], $0x1, s2, s0, $0xb8;
	[tilespmem:$0x116C0] =	vst v63  }
0x27d: {  	s0 =	simm.s32 @!p0 $0x2  }
0x27e: {  	_ =	swait.ge @!p0 [sflag:s0], $0x6400  }
0x27f: {  	[sflag:s0] =	ssyncset.done @!p0 $0x0  }
0x280: {  	s9 =	sadd.s32 @!p0 s20, s7;
	[sflag:s0] =	ssyncadd.s32 @!p0 $0xFFFF9C00  }
0x281: {  	s2 =	smul.u32 @!p0 $0x14, s9;
	_ =	swait.ge @!p0 [sflag:s0], $0x320  }
0x282: {  	[sflag:s0] =	ssyncset.done @!p0 $0x0  }
0x283: {  	s2 =	sshrl.u32 @!p0 s2, $0x3;
	s31 =	rddreg [dreg:$0x1]  }
0x284: {  	s2 =	sadd.s32 @!p0 s31, s2  }
0x285: {  	[sflag:s0] =	ssyncadd.s32 @!p0 $0xFFFFFCE0;
	s0 =	sadd.s32 @!p0 $0xC8, s2;
	s2 =	simm.s32 @!p0 $0x960  }
0x286: {  	[tilespmem:s2], [sflag:$0x4] =	stream.linear.gather @!p0 [hbm4b:s0+s1], $0x320, $0x38;
	[tilespmem:$0x116C0] =	vst v63  }
0x287: {  	s0 =	simm.s32 @!p1 $0x8  }
0x288: {  	_ =	swait.ge @!p1 [sflag:s0], $0x320  }
0x289: {  	[sflag:s0] =	ssyncset.done @!p1 $0x0  }
0x28a: {  	[sflag:s0] =	ssyncadd.s32 @!p1 $0xFFFFFCE0  }
0x28b: {  	_ =	swait.ge [sflag:s29], $0x500  }
0x28c: {  	s0 =	sadd.s32 @p0 s20, s7;
	[sflag:s29] =	ssyncset.done $0x0  }
0x28d: {  	s10 =	simm.s32 $0x0;
	s9 =	smov.u32 @p0 s0;
	[sflag:s29] =	ssyncadd.s32 $0xFFFFFB00  }
.LBB2_10:
0x28e: {  	s0 =	sshll.u32 s10, $0x5  }
0x28f: {  	s12 =	smul.u32 $0x500, s10;
	s0 =	sand.u32 $0x3FFFFFE0, s0  }
0x290: {  	v17 =	vld [tilespmem:s0+$0xD980]  }
0x291: {  	v16 =	vld [tilespmem:s0+$0xD990];
	s15 =	sshra.s32 s12, $0x1  }
0x292: {  	v18 =	vld [tilespmem:s15+$0x7080]  }
0x293: {  	v19 =	vld [tilespmem:s15+$0x7090];
	_ =	sdelay $0x4  }
0x294: {  	v18 =	vmul.bf16 v18, v17;
	v19 =	vmul.bf16 v19, v16;
	_ =	sdelay $0x1  }
0x295: {  	v18 =	vadd.bf16 v19, v18;
	_ =	sdelay $0x1  }
0x296: {  	v19 =	vunpack.i.u.bf16.f32 v18;
	v18 =	vunpack.i.l.bf16.f32 v18  }
0x297: {  	v18 =	vadd.f32 v18, v19  }
0x298: {  	s16 =	sshra.s32 s12, $0x2;
	s1 =	sor.u32 $0x40, s12  }
0x299: {  	s17 =	sshra.s32 s1, $0x1;
	[tilespmem:s16+$0xE4C0] =	vst v18  }
0x29a: {  	v18 =	vld [tilespmem:s17+$0x7080]  }
0x29b: {  	v53 =	vld [tilespmem:s17+$0x7090];
	_ =	sdelay $0x4  }
0x29c: {  	v18 =	vmul.bf16 v18, v17;
	v19 =	vmul.bf16 v53, v16;
	_ =	sdelay $0x1  }
0x29d: {  	v18 =	vadd.bf16 v19, v18;
	_ =	sdelay $0x1  }
0x29e: {  	v19 =	vunpack.i.u.bf16.f32 v18;
	v18 =	vunpack.i.l.bf16.f32 v18  }
0x29f: {  	v18 =	vadd.f32 v18, v19  }
0x2a0: {  	s20 =	sor.u32 $0x80, s12;
	s19 =	sshra.s32 s1, $0x2  }
0x2a1: {  	s21 =	sshra.s32 s20, $0x1;
	[tilespmem:s19+$0xE4C0] =	vst v18  }
0x2a2: {  	v18 =	vld [tilespmem:s21+$0x7080]  }
0x2a3: {  	v54 =	vld [tilespmem:s21+$0x7090];
	_ =	sdelay $0x4  }
0x2a4: {  	v18 =	vmul.bf16 v18, v17;
	v19 =	vmul.bf16 v54, v16;
	_ =	sdelay $0x1  }
0x2a5: {  	s2 =	sor.u32 $0x1, s10;
	v18 =	vadd.bf16 v19, v18  }
0x2a6: {  	s11 =	smul.u32 $0x500, s2  }
0x2a7: {  	v19 =	vunpack.i.u.bf16.f32 v18;
	v18 =	vunpack.i.l.bf16.f32 v18  }
0x2a8: {  	s30 =	sshra.s32 s11, $0x1;
	v18 =	vadd.f32 v18, v19  }
0x2a9: {  	s23 =	sor.u32 $0xC0, s12;
	s22 =	sshra.s32 s20, $0x2;
	v22 =	vld [tilespmem:s30+$0x7080]  }
0x2aa: {  	s25 =	sshra.s32 s23, $0x1;
	v23 =	vld [tilespmem:s30+$0x7090];
	[tilespmem:s22+$0xE4C0] =	vst v18  }
0x2ab: {  	s3 =	sshll.u32 s2, $0x5;
	v20 =	vld [tilespmem:s25+$0x7080]  }
0x2ac: {  	s28 =	sand.u32 $0x3FFFFFE0, s3;
	v21 =	vld [tilespmem:s25+$0x7090]  }
0x2ad: {  	v19 =	vld [tilespmem:s28+$0xD990]  }
0x2ae: {  	v18 =	vld [tilespmem:s28+$0xD980];
	_ =	sdelay $0x2  }
0x2af: {  	v20 =	vmul.bf16 v20, v17;
	v21 =	vmul.bf16 v21, v16;
	_ =	sdelay $0x1  }
0x2b0: {  	v56 =	vmul.bf16 v23, v19;
	v55 =	vmul.bf16 v22, v18;
	v20 =	vadd.bf16 v21, v20;
	_ =	sdelay $0x1  }
0x2b1: {  	v21 =	vadd.bf16 v56, v55;
	v57 =	vunpack.i.u.bf16.f32 v20;
	v20 =	vunpack.i.l.bf16.f32 v20  }
0x2b2: {  	v20 =	vadd.f32 v20, v57  }
0x2b3: {  	s3 =	sor.u32 $0x100, s12;
	s2 =	sshra.s32 s23, $0x2;
	v22 =	vunpack.i.u.bf16.f32 v21;
	v21 =	vunpack.i.l.bf16.f32 v21  }
0x2b4: {  	s4 =	sshra.s32 s3, $0x1;
	v58 =	vadd.f32 v21, v22;
	[tilespmem:s2+$0xE4C0] =	vst v20  }
0x2b5: {  	s6 =	sor.u32 $0x40, s11;
	s2 =	sshra.s32 s11, $0x2;
	v59 =	vld [tilespmem:s4+$0x7080]  }
0x2b6: {  	s14 =	sshra.s32 s6, $0x1;
	v60 =	vld [tilespmem:s4+$0x7090];
	[tilespmem:s2+$0xE4C0] =	vst v58  }
0x2b7: {  	v20 =	vld [tilespmem:s14+$0x7080]  }
0x2b8: {  	v61 =	vld [tilespmem:s14+$0x7090];
	_ =	sdelay $0x2  }
0x2b9: {  	v21 =	vmul.bf16 v59, v17;
	v22 =	vmul.bf16 v60, v16;
	_ =	sdelay $0x1  }
0x2ba: {  	v20 =	vmul.bf16 v20, v18;
	v62 =	vmul.bf16 v61, v19;
	v21 =	vadd.bf16 v22, v21;
	_ =	sdelay $0x1  }
0x2bb: {  	v20 =	vadd.bf16 v62, v20;
	v63 =	vunpack.i.u.bf16.f32 v21;
	v21 =	vunpack.i.l.bf16.f32 v21  }
0x2bc: {  	v21 =	vadd.f32 v21, v63  }
0x2bd: {  	s15 =	sshra.s32 s3, $0x2;
	s16 =	sor.u32 $0x140, s12;
	v22 =	vunpack.i.u.bf16.f32 v20;
	v20 =	vunpack.i.l.bf16.f32 v20  }
0x2be: {  	s17 =	sshra.s32 s16, $0x1;
	v20 =	vadd.f32 v20, v22;
	[tilespmem:s15+$0xE4C0] =	vst v21  }
0x2bf: {  	s20 =	sor.u32 $0x80, s11;
	s19 =	sshra.s32 s6, $0x2;
	v21 =	vld [tilespmem:s17+$0x7080]  }
0x2c0: {  	s21 =	sshra.s32 s20, $0x1;
	v24 =	vld [tilespmem:s17+$0x7090];
	[tilespmem:s19+$0xE4C0] =	vst v20  }
0x2c1: {  	v20 =	vld [tilespmem:s21+$0x7080]  }
0x2c2: {  	v25 =	vld [tilespmem:s21+$0x7090];
	_ =	sdelay $0x2  }
0x2c3: {  	v21 =	vmul.bf16 v21, v17;
	v22 =	vmul.bf16 v24, v16;
	_ =	sdelay $0x1  }
0x2c4: {  	v20 =	vmul.bf16 v20, v18;
	v26 =	vmul.bf16 v25, v19;
	v21 =	vadd.bf16 v22, v21;
	_ =	sdelay $0x1  }
0x2c5: {  	v20 =	vadd.bf16 v26, v20;
	v27 =	vunpack.i.u.bf16.f32 v21;
	v21 =	vunpack.i.l.bf16.f32 v21  }
0x2c6: {  	v21 =	vadd.f32 v21, v27  }
0x2c7: {  	s23 =	sor.u32 $0x180, s12;
	s22 =	sshra.s32 s16, $0x2;
	v22 =	vunpack.i.u.bf16.f32 v20;
	v20 =	vunpack.i.l.bf16.f32 v20  }
0x2c8: {  	s25 =	sshra.s32 s23, $0x1;
	v20 =	vadd.f32 v20, v22;
	[tilespmem:s22+$0xE4C0] =	vst v21  }
0x2c9: {  	s30 =	sor.u32 $0xC0, s11;
	s28 =	sshra.s32 s20, $0x2;
	v21 =	vld [tilespmem:s25+$0x7080]  }
0x2ca: {  	s2 =	sshra.s32 s30, $0x1;
	v28 =	vld [tilespmem:s25+$0x7090];
	[tilespmem:s28+$0xE4C0] =	vst v20  }
0x2cb: {  	v20 =	vld [tilespmem:s2+$0x7080]  }
0x2cc: {  	v29 =	vld [tilespmem:s2+$0x7090];
	_ =	sdelay $0x2  }
0x2cd: {  	v21 =	vmul.bf16 v21, v17;
	v22 =	vmul.bf16 v28, v16;
	_ =	sdelay $0x1  }
0x2ce: {  	v20 =	vmul.bf16 v20, v18;
	v30 =	vmul.bf16 v29, v19;
	v21 =	vadd.bf16 v22, v21;
	_ =	sdelay $0x1  }
0x2cf: {  	v20 =	vadd.bf16 v30, v20;
	v31 =	vunpack.i.u.bf16.f32 v21;
	v21 =	vunpack.i.l.bf16.f32 v21  }
0x2d0: {  	v21 =	vadd.f32 v21, v31  }
0x2d1: {  	s6 =	sor.u32 $0x1C0, s12;
	s4 =	sshra.s32 s23, $0x2;
	v22 =	vunpack.i.u.bf16.f32 v20;
	v20 =	vunpack.i.l.bf16.f32 v20  }
0x2d2: {  	s14 =	sshra.s32 s6, $0x1;
	v20 =	vadd.f32 v20, v22;
	[tilespmem:s4+$0xE4C0] =	vst v21  }
0x2d3: {  	s16 =	sadd.s32 $0x100, s11;
	s15 =	sshra.s32 s30, $0x2;
	v32 =	vld [tilespmem:s14+$0x7080]  }
0x2d4: {  	s17 =	sshra.s32 s16, $0x1;
	v33 =	vld [tilespmem:s14+$0x7090];
	[tilespmem:s15+$0xE4C0] =	vst v20  }
0x2d5: {  	s19 =	sor.u32 $0x2, s10;
	v24 =	vld [tilespmem:s17+$0x7080]  }
0x2d6: {  	s4 =	sshll.u32 s19, $0x5;
	v25 =	vld [tilespmem:s17+$0x7090]  }
0x2d7: {  	s20 =	sand.u32 $0x3FFFFFE0, s4;
	s14 =	smul.u32 $0x500, s19  }
0x2d8: {  	v21 =	vld [tilespmem:s20+$0xD980]  }
0x2d9: {  	v20 =	vld [tilespmem:s20+$0xD990];
	s21 =	sshra.s32 s14, $0x1;
	v22 =	vmul.bf16 v32, v17;
	v23 =	vmul.bf16 v33, v16  }
0x2da: {  	v26 =	vld [tilespmem:s21+$0x7080]  }
0x2db: {  	v27 =	vld [tilespmem:s21+$0x7090];
	v34 =	vmul.bf16 v24, v18;
	v35 =	vmul.bf16 v25, v19;
	v22 =	vadd.bf16 v23, v22;
	_ =	sdelay $0x1  }
0x2dc: {  	v23 =	vadd.bf16 v35, v34;
	v36 =	vunpack.i.u.bf16.f32 v22;
	v22 =	vunpack.i.l.bf16.f32 v22  }
0x2dd: {  	v22 =	vadd.f32 v22, v36  }
0x2de: {  	s23 =	sor.u32 $0x200, s12;
	s22 =	sshra.s32 s6, $0x2;
	v39 =	vunpack.i.u.bf16.f32 v23;
	v23 =	vunpack.i.l.bf16.f32 v23  }
0x2df: {  	s25 =	sshra.s32 s23, $0x1;
	v37 =	vmul.bf16 v26, v21;
	v38 =	vmul.bf16 v27, v20;
	v40 =	vadd.f32 v23, v39;
	[tilespmem:s22+$0xE4C0] =	vst v22  }
0x2e0: {  	s30 =	sadd.s32 $0x140, s11;
	s28 =	sshra.s32 s16, $0x2;
	v42 =	vld [tilespmem:s25+$0x7080]  }
0x2e1: {  	s15 =	sshra.s32 s30, $0x1;
	v41 =	vadd.bf16 v38, v37;
	v43 =	vld [tilespmem:s25+$0x7090];
	[tilespmem:s28+$0xE4C0] =	vst v40  }
0x2e2: {  	s20 =	sor.u32 $0x3, s10;
	v45 =	vld [tilespmem:s15+$0x7080]  }
0x2e3: {  	s6 =	sshll.u32 s20, $0x5;
	v44 =	vunpack.i.u.bf16.f32 v41;
	v23 =	vunpack.i.l.bf16.f32 v41;
	v46 =	vld [tilespmem:s15+$0x7090]  }
0x2e4: {  	s21 =	sand.u32 $0x3FFFFFE0, s6;
	v22 =	vadd.f32 v23, v44  }
0x2e5: {  	s16 =	sshra.s32 s14, $0x2;
	s17 =	sor.u32 $0x40, s14;
	v23 =	vld [tilespmem:s21+$0xD990]  }
0x2e6: {  	s19 =	sshra.s32 s17, $0x1;
	s15 =	smul.u32 $0x500, s20;
	[tilespmem:s16+$0xE4C0] =	vst v22;
	v22 =	vld [tilespmem:s21+$0xD980];
	v24 =	vmul.bf16 v42, v17;
	v25 =	vmul.bf16 v43, v16  }
0x2e7: {  	v47 =	vld [tilespmem:s19+$0x7080]  }
0x2e8: {  	v28 =	vld [tilespmem:s19+$0x7090];
	s22 =	sshra.s32 s15, $0x1;
	v48 =	vmul.bf16 v45, v18;
	v49 =	vmul.bf16 v46, v19;
	v24 =	vadd.bf16 v25, v24  }
0x2e9: {  	v29 =	vld [tilespmem:s22+$0x7080]  }
0x2ea: {  	v50 =	vld [tilespmem:s22+$0x7090];
	v25 =	vadd.bf16 v49, v48;
	v30 =	vunpack.i.u.bf16.f32 v24;
	v24 =	vunpack.i.l.bf16.f32 v24  }
0x2eb: {  	v24 =	vadd.f32 v24, v30  }
0x2ec: {  	s23 =	sshra.s32 s23, $0x2;
	s25 =	sor.u32 $0x240, s12;
	v51 =	vunpack.i.u.bf16.f32 v25;
	v25 =	vunpack.i.l.bf16.f32 v25  }
0x2ed: {  	s28 =	sshra.s32 s25, $0x1;
	v53 =	vmul.bf16 v47, v21;
	v54 =	vmul.bf16 v28, v20;
	v52 =	vadd.f32 v25, v51;
	[tilespmem:s23+$0xE4C0] =	vst v24  }
0x2ee: {  	s3 =	sshra.s32 s30, $0x2;
	s30 =	sadd.s32 $0x180, s11;
	v55 =	vld [tilespmem:s28+$0x7080]  }
0x2ef: {  	s6 =	sshra.s32 s30, $0x1;
	v58 =	vmul.bf16 v29, v22;
	v26 =	vmul.bf16 v50, v23;
	v57 =	vadd.bf16 v54, v53;
	v56 =	vld [tilespmem:s28+$0x7090];
	[tilespmem:s3+$0xE4C0] =	vst v52  }
0x2f0: {  	v59 =	vld [tilespmem:s6+$0x7080]  }
0x2f1: {  	v25 =	vadd.bf16 v26, v58;
	v31 =	vunpack.i.u.bf16.f32 v57;
	v24 =	vunpack.i.l.bf16.f32 v57;
	v60 =	vld [tilespmem:s6+$0x7090]  }
0x2f2: {  	v24 =	vadd.f32 v24, v31  }
0x2f3: {  	s16 =	sshra.s32 s17, $0x2;
	s17 =	sor.u32 $0x80, s14;
	v26 =	vunpack.i.u.bf16.f32 v25;
	v25 =	vunpack.i.l.bf16.f32 v25  }
0x2f4: {  	s19 =	sshra.s32 s17, $0x1;
	v61 =	vadd.f32 v25, v26;
	[tilespmem:s16+$0xE4C0] =	vst v24;
	v62 =	vmul.bf16 v55, v17;
	v63 =	vmul.bf16 v56, v16  }
0x2f5: {  	s20 =	sshra.s32 s15, $0x2;
	s21 =	sor.u32 $0x40, s15;
	v33 =	vld [tilespmem:s19+$0x7080]  }
0x2f6: {  	s22 =	sshra.s32 s21, $0x1;
	v34 =	vld [tilespmem:s19+$0x7090];
	[tilespmem:s20+$0xE4C0] =	vst v61;
	v27 =	vmul.bf16 v59, v18;
	v29 =	vmul.bf16 v60, v19;
	v35 =	vadd.bf16 v63, v62  }
0x2f7: {  	v36 =	vld [tilespmem:s22+$0x7080]  }
0x2f8: {  	v38 =	vld [tilespmem:s22+$0x7090];
	v37 =	vadd.bf16 v29, v27;
	v39 =	vunpack.i.u.bf16.f32 v35;
	v24 =	vunpack.i.l.bf16.f32 v35  }
0x2f9: {  	v24 =	vadd.f32 v24, v39  }
0x2fa: {  	s1 =	sor.u32 $0x280, s12;
	s23 =	sshra.s32 s25, $0x2;
	v40 =	vunpack.i.u.bf16.f32 v37;
	v26 =	vunpack.i.l.bf16.f32 v37  }
0x2fb: {  	s25 =	sshra.s32 s1, $0x1;
	v28 =	vmul.bf16 v33, v21;
	v30 =	vmul.bf16 v34, v20;
	v26 =	vadd.f32 v26, v40;
	[tilespmem:s23+$0xE4C0] =	vst v24  }
0x2fc: {  	s28 =	sshra.s32 s30, $0x2;
	s30 =	sadd.s32 $0x1C0, s11;
	v42 =	vld [tilespmem:s25+$0x7080]  }
0x2fd: {  	s16 =	sshra.s32 s30, $0x1;
	v25 =	vmul.bf16 v36, v22;
	v27 =	vmul.bf16 v38, v23;
	v41 =	vadd.bf16 v30, v28;
	v43 =	vld [tilespmem:s25+$0x7090];
	[tilespmem:s28+$0xE4C0] =	vst v26  }
0x2fe: {  	v45 =	vld [tilespmem:s16+$0x7080]  }
0x2ff: {  	v25 =	vadd.bf16 v27, v25;
	v44 =	vunpack.i.u.bf16.f32 v41;
	v24 =	vunpack.i.l.bf16.f32 v41;
	v46 =	vld [tilespmem:s16+$0x7090]  }
0x300: {  	v24 =	vadd.f32 v24, v44  }
0x301: {  	s17 =	sshra.s32 s17, $0x2;
	s19 =	sor.u32 $0xC0, s14;
	v47 =	vunpack.i.u.bf16.f32 v25  }
0x302: {  	s20 =	sshra.s32 s19, $0x1;
	v25 =	vunpack.i.l.bf16.f32 v25;
	[tilespmem:s17+$0xE4C0] =	vst v24;
	v28 =	vmul.bf16 v42, v17;
	v29 =	vmul.bf16 v43, v16  }
0x303: {  	v48 =	vadd.f32 v25, v47;
	v49 =	vld [tilespmem:s20+$0x7080]  }
0x304: {  	s21 =	sshra.s32 s21, $0x2;
	s22 =	sor.u32 $0x80, s15;
	v50 =	vld [tilespmem:s20+$0x7090];
	v27 =	vmul.bf16 v45, v18;
	v26 =	vmul.bf16 v46, v19;
	v28 =	vadd.bf16 v29, v28  }
0x305: {  	s23 =	sshra.s32 s22, $0x1;
	[tilespmem:s21+$0xE4C0] =	vst v48  }
0x306: {  	v24 =	vld [tilespmem:s23+$0x7080];
	v26 =	vadd.bf16 v26, v27;
	v52 =	vunpack.i.u.bf16.f32 v28;
	v53 =	vunpack.i.l.bf16.f32 v28  }
0x307: {  	v51 =	vld [tilespmem:s23+$0x7090];
	v27 =	vadd.f32 v53, v52  }
0x308: {  	s25 =	sshra.s32 s1, $0x2;
	s21 =	sor.u32 $0x2C0, s12;
	v55 =	vunpack.i.u.bf16.f32 v26;
	v26 =	vunpack.i.l.bf16.f32 v26  }
0x309: {  	s30 =	sshra.s32 s30, $0x2;
	s28 =	sshra.s32 s21, $0x1;
	v25 =	vmul.bf16 v49, v21;
	v54 =	vmul.bf16 v50, v20;
	v26 =	vadd.f32 v26, v55;
	[tilespmem:s25+$0xE4C0] =	vst v27  }
0x30a: {  	s17 =	sshra.s32 s22, $0x2;
	s20 =	sor.u32 $0x4, s10;
	s23 =	sor.u32 $0x200, s11;
	v32 =	vld [tilespmem:s28+$0x7080]  }
0x30b: {  	s22 =	sshll.u32 s20, $0x5;
	s20 =	smul.u32 $0x500, s20;
	s1 =	sshra.s32 s23, $0x1;
	v25 =	vadd.bf16 v54, v25;
	v33 =	vld [tilespmem:s28+$0x7090];
	[tilespmem:s30+$0xE4C0] =	vst v26  }
0x30c: {  	v24 =	vmul.bf16 v24, v22;
	v56 =	vmul.bf16 v51, v23;
	v58 =	vld [tilespmem:s1+$0x7080]  }
0x30d: {  	v57 =	vunpack.i.u.bf16.f32 v25;
	v25 =	vunpack.i.l.bf16.f32 v25;
	s28 =	sshra.s32 s20, $0x1;
	v60 =	vld [tilespmem:s1+$0x7090]  }
0x30e: {  	v24 =	vadd.bf16 v56, v24;
	v25 =	vadd.f32 v25, v57;
	v36 =	vld [tilespmem:s28+$0x7080]  }
0x30f: {  	s3 =	sor.u32 $0x100, s14;
	s4 =	sshra.s32 s19, $0x2;
	s25 =	sand.u32 $0x3FFFFFE0, s22;
	v37 =	vld [tilespmem:s28+$0x7090]  }
0x310: {  	s16 =	sshra.s32 s3, $0x1;
	v59 =	vunpack.i.u.bf16.f32 v24;
	v24 =	vunpack.i.l.bf16.f32 v24;
	[tilespmem:s4+$0xE4C0] =	vst v25;
	v25 =	vld [tilespmem:s25+$0xD980]  }
0x311: {  	v24 =	vadd.f32 v24, v59;
	v61 =	vld [tilespmem:s16+$0x7080]  }
0x312: {  	s1 =	sor.u32 $0xC0, s15;
	v62 =	vld [tilespmem:s16+$0x7090]  }
0x313: {  	s30 =	sor.u32 $0x5, s10;
	s19 =	sshra.s32 s1, $0x1;
	[tilespmem:s17+$0xE4C0] =	vst v24;
	v24 =	vld [tilespmem:s25+$0xD990]  }
0x314: {  	s6 =	sshll.u32 s30, $0x5;
	v34 =	vld [tilespmem:s19+$0x7080]  }
0x315: {  	s2 =	smul.u32 $0x500, s30;
	s16 =	sand.u32 $0x3FFFFFE0, s6;
	v35 =	vld [tilespmem:s19+$0x7090]  }
0x316: {  	s30 =	sor.u32 $0x7, s10;
	v26 =	vld [tilespmem:s16+$0xD980]  }
0x317: {  	s0 =	smul.u32 $0x500, s30;
	s17 =	sshra.s32 s2, $0x1;
	v27 =	vld [tilespmem:s16+$0xD990]  }
0x318: {  	s19 =	sor.u32 $0x6, s10;
	v38 =	vld [tilespmem:s17+$0x7080]  }
0x319: {  	v40 =	vld [tilespmem:s17+$0x7090];
	s4 =	sshra.s32 s0, $0x1;
	s22 =	sshll.u32 s19, $0x5  }
0x31a: {  	s16 =	smul.u32 $0x500, s19;
	v44 =	vld [tilespmem:s4+$0x7080];
	s25 =	sand.u32 $0x3FFFFFE0, s22;
	v39 =	vmul.bf16 v61, v21;
	v31 =	vmul.bf16 v62, v20  }
0x31b: {  	v41 =	vmul.bf16 v58, v18;
	v30 =	vmul.bf16 v60, v19;
	v28 =	vld [tilespmem:s25+$0xD980]  }
0x31c: {  	v29 =	vld [tilespmem:s25+$0xD990];
	s28 =	sshra.s32 s16, $0x1;
	v36 =	vmul.bf16 v36, v25;
	v37 =	vmul.bf16 v37, v24;
	v31 =	vadd.bf16 v31, v39  }
0x31d: {  	v63 =	vld [tilespmem:s28+$0x7080];
	v41 =	vadd.bf16 v30, v41;
	v34 =	vmul.bf16 v34, v22;
	v35 =	vmul.bf16 v35, v23  }
0x31e: {  	s17 =	sshll.u32 s30, $0x5;
	v43 =	vld [tilespmem:s28+$0x7090];
	v36 =	vadd.bf16 v37, v36;
	v42 =	vunpack.i.u.bf16.f32 v31;
	v31 =	vunpack.i.l.bf16.f32 v31  }
0x31f: {  	s6 =	sand.u32 $0x3FFFFFE0, s17;
	v52 =	vld [tilespmem:s4+$0x7090];
	v50 =	vmul.bf16 v38, v26;
	v51 =	vmul.bf16 v40, v27;
	v42 =	vadd.f32 v31, v42  }
0x320: {  	s3 =	sshra.s32 s3, $0x2;
	s30 =	sor.u32 $0x140, s14;
	v30 =	vld [tilespmem:s6+$0xD980];
	v34 =	vadd.bf16 v35, v34;
	v49 =	vunpack.i.u.bf16.f32 v36;
	v36 =	vunpack.i.l.bf16.f32 v36  }
0x321: {  	s19 =	sshra.s32 s30, $0x1;
	v48 =	vunpack.i.u.bf16.f32 v41;
	v41 =	vunpack.i.l.bf16.f32 v41;
	v31 =	vld [tilespmem:s6+$0xD990];
	v35 =	vadd.f32 v36, v49;
	[tilespmem:s3+$0xE4C0] =	vst v42  }
0x322: {  	s4 =	sor.u32 $0x40, s20;
	s22 =	sshra.s32 s20, $0x2;
	v37 =	vadd.f32 v41, v48;
	v55 =	vadd.bf16 v51, v50;
	v54 =	vunpack.i.u.bf16.f32 v34;
	v53 =	vld [tilespmem:s19+$0x7080]  }
0x323: {  	s25 =	sshra.s32 s4, $0x1;
	v34 =	vunpack.i.l.bf16.f32 v34;
	v56 =	vmul.bf16 v63, v28;
	v57 =	vmul.bf16 v43, v29;
	[tilespmem:s22+$0xE4C0] =	vst v35;
	v45 =	vld [tilespmem:s19+$0x7090]  }
0x324: {  	s28 =	sshra.s32 s23, $0x2;
	s23 =	sor.u32 $0x240, s11;
	v60 =	vunpack.i.u.bf16.f32 v55;
	v34 =	vadd.f32 v34, v54;
	v35 =	vunpack.i.l.bf16.f32 v55;
	v58 =	vld [tilespmem:s25+$0x7080]  }
0x325: {  	s1 =	sshra.s32 s1, $0x2;
	v32 =	vmul.bf16 v32, v17;
	[tilespmem:s28+$0xE4C0] =	vst v37;
	s28 =	sadd.s32 $0x100, s15;
	v36 =	vadd.bf16 v57, v56;
	s19 =	sshra.s32 s23, $0x1;
	v59 =	vld [tilespmem:s25+$0x7090];
	v61 =	vadd.f32 v35, v60  }
0x326: {  	s17 =	sshra.s32 s2, $0x2;
	v62 =	vmul.bf16 v44, v30;
	s6 =	sor.u32 $0x40, s2;
	s3 =	sshra.s32 s28, $0x1;
	[tilespmem:s1+$0xE4C0] =	vst v34;
	v38 =	vld [tilespmem:s19+$0x7080];
	v40 =	vmul.bf16 v52, v31  }
0x327: {  	v33 =	vmul.bf16 v33, v16;
	s22 =	sshra.s32 s6, $0x1;
	v42 =	vld [tilespmem:s3+$0x7080];
	v63 =	vunpack.i.u.bf16.f32 v36;
	v36 =	vunpack.i.l.bf16.f32 v36;
	[tilespmem:s17+$0xE4C0] =	vst v61  }
0x328: {  	v47 =	vadd.f32 v36, v63;
	v50 =	vld [tilespmem:s22+$0x7080];
	v35 =	vadd.bf16 v40, v62  }
0x329: {  	v32 =	vadd.bf16 v33, v32;
	s25 =	sshra.s32 s16, $0x2;
	s17 =	sor.u32 $0x40, s16;
	v51 =	vld [tilespmem:s22+$0x7090];
	v49 =	vmul.bf16 v58, v25  }
0x32a: {  	v44 =	vld [tilespmem:s3+$0x7090];
	s22 =	sshra.s32 s17, $0x1;
	[tilespmem:s25+$0xE4C0] =	vst v47;
	v37 =	vmul.bf16 v59, v24;
	v52 =	vunpack.i.u.bf16.f32 v35;
	v35 =	vunpack.i.l.bf16.f32 v35  }
0x32b: {  	v41 =	vmul.bf16 v53, v21;
	v48 =	vmul.bf16 v45, v20;
	v53 =	vld [tilespmem:s22+$0x7080];
	v34 =	vadd.f32 v35, v52  }
0x32c: {  	v54 =	vunpack.i.u.bf16.f32 v32;
	v32 =	vunpack.i.l.bf16.f32 v32;
	s3 =	sor.u32 $0x40, s0;
	s25 =	sshra.s32 s0, $0x2;
	v55 =	vld [tilespmem:s22+$0x7090];
	v36 =	vadd.bf16 v37, v49  }
0x32d: {  	v32 =	vadd.f32 v32, v54;
	v56 =	vld [tilespmem:s19+$0x7090];
	s19 =	sshra.s32 s3, $0x1;
	v33 =	vadd.bf16 v48, v41;
	v60 =	vmul.bf16 v50, v26;
	[tilespmem:s25+$0xE4C0] =	vst v34  }
0x32e: {  	v61 =	vmul.bf16 v51, v27;
	v58 =	vunpack.i.u.bf16.f32 v36;
	v36 =	vunpack.i.l.bf16.f32 v36;
	v59 =	vld [tilespmem:s19+$0x7080]  }
0x32f: {  	s22 =	sshra.s32 s21, $0x2;
	s21 =	sor.u32 $0x300, s12;
	v57 =	vunpack.i.u.bf16.f32 v33;
	v33 =	vunpack.i.l.bf16.f32 v33;
	v34 =	vadd.f32 v36, v58;
	v62 =	vld [tilespmem:s19+$0x7090]  }
0x330: {  	[tilespmem:s22+$0xE4C0] =	vst v32;
	v46 =	vmul.bf16 v42, v22;
	v47 =	vmul.bf16 v44, v23;
	s25 =	sshra.s32 s4, $0x2;
	s4 =	sor.u32 $0x80, s20;
	s19 =	sshra.s32 s21, $0x1;
	v63 =	vadd.f32 v33, v57  }
0x331: {  	s22 =	sshra.s32 s4, $0x1;
	v48 =	vadd.bf16 v61, v60;
	v49 =	vmul.bf16 v53, v28;
	v37 =	vmul.bf16 v55, v29;
	v43 =	vld [tilespmem:s19+$0x7080];
	[tilespmem:s25+$0xE4C0] =	vst v34  }
0x332: {  	s1 =	sor.u32 $0x180, s14;
	v38 =	vmul.bf16 v38, v18;
	v35 =	vmul.bf16 v56, v19;
	v33 =	vadd.bf16 v47, v46;
	s25 =	sshra.s32 s30, $0x2;
	v50 =	vld [tilespmem:s22+$0x7080]  }
0x333: {  	s30 =	sshra.s32 s1, $0x1;
	v52 =	vunpack.i.u.bf16.f32 v48;
	v34 =	vunpack.i.l.bf16.f32 v48;
	v36 =	vadd.bf16 v37, v49;
	[tilespmem:s25+$0xE4C0] =	vst v63;
	v51 =	vld [tilespmem:s22+$0x7090]  }
0x334: {  	v34 =	vadd.f32 v34, v52;
	v53 =	vld [tilespmem:s30+$0x7080];
	v54 =	vmul.bf16 v59, v30;
	v40 =	vmul.bf16 v62, v31  }
0x335: {  	v56 =	vunpack.i.u.bf16.f32 v33;
	s25 =	sshra.s32 s6, $0x2;
	s6 =	sor.u32 $0x80, s2;
	v55 =	vld [tilespmem:s30+$0x7090];
	v57 =	vunpack.i.u.bf16.f32 v36;
	v36 =	vunpack.i.l.bf16.f32 v36  }
0x336: {  	v33 =	vunpack.i.l.bf16.f32 v33;
	s30 =	sshra.s32 s6, $0x1;
	[tilespmem:s25+$0xE4C0] =	vst v34;
	v34 =	vld [tilespmem:s19+$0x7090];
	v36 =	vadd.f32 v36, v57;
	v40 =	vadd.bf16 v40, v54  }
0x337: {  	s17 =	sshra.s32 s17, $0x2;
	v35 =	vadd.bf16 v35, v38;
	v33 =	vadd.f32 v33, v56;
	s19 =	sor.u32 $0x80, s16;
	v59 =	vld [tilespmem:s30+$0x7080];
	v58 =	vmul.bf16 v50, v25  }
0x338: {  	v60 =	vld [tilespmem:s30+$0x7090];
	s25 =	sshra.s32 s19, $0x1;
	[tilespmem:s17+$0xE4C0] =	vst v36;
	v32 =	vmul.bf16 v51, v24;
	v61 =	vunpack.i.u.bf16.f32 v40;
	v40 =	vunpack.i.l.bf16.f32 v40  }
0x339: {  	s28 =	sshra.s32 s28, $0x2;
	v62 =	vunpack.i.u.bf16.f32 v35;
	v35 =	vunpack.i.l.bf16.f32 v35;
	s30 =	sadd.s32 $0x140, s15;
	v63 =	vld [tilespmem:s25+$0x7080];
	v36 =	vadd.f32 v40, v61  }
0x33a: {  	s3 =	sshra.s32 s3, $0x2;
	[tilespmem:s28+$0xE4C0] =	vst v33;
	s22 =	sshra.s32 s30, $0x1;
	s17 =	sor.u32 $0x80, s0;
	v48 =	vld [tilespmem:s25+$0x7090];
	v37 =	vmul.bf16 v53, v21;
	v47 =	vmul.bf16 v55, v20;
	v32 =	vadd.bf16 v32, v58  }
0x33b: {  	v35 =	vadd.f32 v35, v62;
	v49 =	vld [tilespmem:s22+$0x7080];
	s25 =	sshra.s32 s17, $0x1;
	[tilespmem:s3+$0xE4C0] =	vst v36  }
0x33c: {  	v50 =	vadd.bf16 v47, v37;
	v51 =	vunpack.i.u.bf16.f32 v32;
	v32 =	vunpack.i.l.bf16.f32 v32;
	v52 =	vld [tilespmem:s25+$0x7080]  }
0x33d: {  	s28 =	sshra.s32 s23, $0x2;
	s23 =	sor.u32 $0x280, s11;
	v53 =	vmul.bf16 v59, v26;
	v54 =	vmul.bf16 v60, v27;
	v32 =	vadd.f32 v32, v51;
	v55 =	vld [tilespmem:s25+$0x7090]  }
0x33e: {  	s4 =	sshra.s32 s4, $0x2;
	[tilespmem:s28+$0xE4C0] =	vst v35;
	v57 =	vld [tilespmem:s22+$0x7090];
	s3 =	sor.u32 $0xC0, s20;
	s25 =	sshra.s32 s23, $0x1;
	v56 =	vunpack.i.u.bf16.f32 v50;
	v36 =	vunpack.i.l.bf16.f32 v50  }
0x33f: {  	s22 =	sshra.s32 s3, $0x1;
	v59 =	vadd.bf16 v54, v53;
	v60 =	vmul.bf16 v63, v28;
	v33 =	vmul.bf16 v48, v29;
	v58 =	vld [tilespmem:s25+$0x7080];
	[tilespmem:s4+$0xE4C0] =	vst v32  }
0x340: {  	v61 =	vmul.bf16 v49, v22;
	v35 =	vadd.f32 v36, v56;
	v62 =	vld [tilespmem:s22+$0x7080]  }
0x341: {  	s1 =	sshra.s32 s1, $0x2;
	s28 =	sor.u32 $0x1C0, s14;
	v48 =	vunpack.i.u.bf16.f32 v59;
	v32 =	vunpack.i.l.bf16.f32 v59;
	v33 =	vadd.bf16 v33, v60;
	v63 =	vld [tilespmem:s22+$0x7090]  }
0x342: {  	v49 =	vld [tilespmem:s25+$0x7090];
	[tilespmem:s1+$0xE4C0] =	vst v35;
	s22 =	sshra.s32 s28, $0x1;
	v32 =	vadd.f32 v32, v48;
	v50 =	vmul.bf16 v52, v30;
	v51 =	vmul.bf16 v55, v31  }
0x343: {  	s6 =	sshra.s32 s6, $0x2;
	v42 =	vmul.bf16 v57, v23;
	s4 =	sor.u32 $0xC0, s2;
	v53 =	vunpack.i.u.bf16.f32 v33;
	v33 =	vunpack.i.l.bf16.f32 v33;
	v54 =	vld [tilespmem:s22+$0x7090]  }
0x344: {  	v43 =	vmul.bf16 v43, v17;
	s25 =	sshra.s32 s4, $0x1;
	v52 =	vld [tilespmem:s22+$0x7080];
	[tilespmem:s6+$0xE4C0] =	vst v32;
	v33 =	vadd.f32 v33, v53;
	v35 =	vadd.bf16 v51, v50  }
0x345: {  	s19 =	sshra.s32 s19, $0x2;
	v34 =	vmul.bf16 v34, v16;
	v36 =	vadd.bf16 v42, v61;
	s6 =	sor.u32 $0xC0, s16;
	v55 =	vld [tilespmem:s25+$0x7080];
	v38 =	vmul.bf16 v62, v25  }
0x346: {  	v56 =	vld [tilespmem:s25+$0x7090];
	[tilespmem:s19+$0xE4C0] =	vst v33;
	s19 =	sshra.s32 s6, $0x1;
	v39 =	vmul.bf16 v63, v24;
	v57 =	vunpack.i.u.bf16.f32 v35;
	v35 =	vunpack.i.l.bf16.f32 v35  }
0x347: {  	v44 =	vmul.bf16 v58, v18;
	v37 =	vmul.bf16 v49, v19;
	v58 =	vld [tilespmem:s19+$0x7080];
	v33 =	vadd.f32 v35, v57  }
0x348: {  	s17 =	sshra.s32 s17, $0x2;
	s1 =	sor.u32 $0xC0, s0;
	v59 =	vunpack.i.u.bf16.f32 v36;
	v36 =	vunpack.i.l.bf16.f32 v36;
	v60 =	vld [tilespmem:s19+$0x7090];
	v38 =	vadd.bf16 v39, v38  }
0x349: {  	v37 =	vadd.bf16 v37, v44;
	v32 =	vmul.bf16 v54, v20;
	v35 =	vadd.f32 v36, v59;
	[tilespmem:s17+$0xE4C0] =	vst v33;
	s17 =	sshra.s32 s1, $0x1  }
0x34a: {  	s22 =	sshra.s32 s30, $0x2;
	s30 =	sadd.s32 $0x180, s15;
	v41 =	vmul.bf16 v52, v21;
	v61 =	vunpack.i.u.bf16.f32 v38;
	v62 =	vunpack.i.l.bf16.f32 v38;
	v63 =	vld [tilespmem:s17+$0x7080]  }
0x34b: {  	s25 =	sshra.s32 s30, $0x1;
	v48 =	vmul.bf16 v55, v26;
	v49 =	vmul.bf16 v56, v27;
	[tilespmem:s22+$0xE4C0] =	vst v35;
	v33 =	vadd.f32 v62, v61;
	v50 =	vld [tilespmem:s17+$0x7090]  }
0x34c: {  	s3 =	sshra.s32 s3, $0x2;
	v51 =	vunpack.i.u.bf16.f32 v37;
	v37 =	vunpack.i.l.bf16.f32 v37;
	v32 =	vadd.bf16 v32, v41;
	s22 =	sor.u32 $0x100, s20;
	v52 =	vld [tilespmem:s25+$0x7080]  }
0x34d: {  	v53 =	vld [tilespmem:s25+$0x7090];
	s19 =	sshra.s32 s22, $0x1;
	v54 =	vadd.bf16 v49, v48;
	v55 =	vmul.bf16 v58, v28;
	v56 =	vmul.bf16 v60, v29;
	[tilespmem:s3+$0xE4C0] =	vst v33  }
0x34e: {  	v34 =	vadd.bf16 v34, v43;
	v37 =	vadd.f32 v37, v51;
	v57 =	vunpack.i.u.bf16.f32 v32;
	v58 =	vld [tilespmem:s19+$0x7080]  }
0x34f: {  	s25 =	sshra.s32 s23, $0x2;
	s23 =	sor.u32 $0x2C0, s11;
	v60 =	vunpack.i.u.bf16.f32 v54;
	v33 =	vunpack.i.l.bf16.f32 v54;
	v35 =	vadd.bf16 v56, v55;
	v59 =	vld [tilespmem:s19+$0x7090]  }
0x350: {  	[tilespmem:s25+$0xE4C0] =	vst v37;
	s19 =	sshra.s32 s23, $0x1;
	v33 =	vadd.f32 v33, v60;
	v61 =	vmul.bf16 v63, v30;
	v62 =	vmul.bf16 v50, v31  }
0x351: {  	s4 =	sshra.s32 s4, $0x2;
	v32 =	vunpack.i.l.bf16.f32 v32;
	s3 =	sadd.s32 $0x100, s2;
	v38 =	vld [tilespmem:s19+$0x7080];
	v63 =	vunpack.i.u.bf16.f32 v35;
	v35 =	vunpack.i.l.bf16.f32 v35  }
0x352: {  	s25 =	sshra.s32 s3, $0x1;
	v45 =	vld [tilespmem:s19+$0x7090];
	v41 =	vmul.bf16 v52, v22;
	[tilespmem:s4+$0xE4C0] =	vst v33;
	v47 =	vadd.f32 v35, v63;
	v48 =	vadd.bf16 v62, v61  }
0x353: {  	s6 =	sshra.s32 s6, $0x2;
	v32 =	vadd.f32 v32, v57;
	s19 =	sor.u32 $0x100, s16;
	v49 =	vmul.bf16 v53, v23;
	v51 =	vld [tilespmem:s25+$0x7080];
	v50 =	vmul.bf16 v58, v25  }
0x354: {  	s4 =	sshra.s32 s19, $0x1;
	v53 =	vld [tilespmem:s25+$0x7090];
	v52 =	vmul.bf16 v59, v24;
	[tilespmem:s6+$0xE4C0] =	vst v47;
	v54 =	vunpack.i.u.bf16.f32 v48;
	v35 =	vunpack.i.l.bf16.f32 v48  }
0x355: {  	s17 =	sshra.s32 s28, $0x2;
	s28 =	sadd.s32 $0x200, s14;
	v36 =	vadd.bf16 v49, v41;
	v55 =	vld [tilespmem:s4+$0x7080];
	v33 =	vadd.f32 v35, v54  }
0x356: {  	s1 =	sshra.s32 s1, $0x2;
	[tilespmem:s17+$0xE4C0] =	vst v32;
	s17 =	sadd.s32 $0x100, s0;
	s25 =	sshra.s32 s28, $0x1;
	v57 =	vld [tilespmem:s4+$0x7090];
	v56 =	vadd.bf16 v52, v50  }
0x357: {  	v58 =	vunpack.i.u.bf16.f32 v34;
	v59 =	vld [tilespmem:s25+$0x7080];
	v60 =	vunpack.i.u.bf16.f32 v36;
	s4 =	sshra.s32 s17, $0x1;
	[tilespmem:s1+$0xE4C0] =	vst v33  }
0x358: {  	v61 =	vunpack.i.l.bf16.f32 v36;
	v62 =	vunpack.i.u.bf16.f32 v56;
	v32 =	vunpack.i.l.bf16.f32 v56;
	v63 =	vld [tilespmem:s4+$0x7080]  }
0x359: {  	v48 =	vmul.bf16 v51, v26;
	v49 =	vmul.bf16 v53, v27;
	v32 =	vadd.f32 v32, v62;
	v50 =	vld [tilespmem:s4+$0x7090]  }
0x35a: {  	s22 =	sshra.s32 s22, $0x2;
	v34 =	vunpack.i.l.bf16.f32 v34;
	v38 =	vmul.bf16 v38, v18;
	v51 =	vld [tilespmem:s25+$0x7090];
	v33 =	vadd.f32 v61, v60;
	s4 =	sor.u32 $0x140, s20  }
0x35b: {  	v52 =	vadd.bf16 v49, v48;
	s6 =	sshra.s32 s4, $0x1;
	v53 =	vmul.bf16 v55, v28;
	v35 =	vmul.bf16 v57, v29;
	[tilespmem:s22+$0xE4C0] =	vst v32  }
0x35c: {  	v34 =	vadd.f32 v34, v58;
	v54 =	vmul.bf16 v45, v19;
	s25 =	sshra.s32 s30, $0x2;
	s1 =	sadd.s32 $0x1C0, s15;
	v55 =	vmul.bf16 v59, v21;
	v56 =	vld [tilespmem:s6+$0x7080]  }
0x35d: {  	s30 =	sshra.s32 s1, $0x1;
	[tilespmem:s25+$0xE4C0] =	vst v33;
	v58 =	vunpack.i.u.bf16.f32 v52;
	v32 =	vunpack.i.l.bf16.f32 v52;
	v57 =	vld [tilespmem:s6+$0x7090];
	v35 =	vadd.bf16 v35, v53  }
0x35e: {  	s25 =	sshra.s32 s21, $0x2;
	s21 =	sor.u32 $0x340, s12;
	v59 =	vld [tilespmem:s30+$0x7080];
	v32 =	vadd.f32 v32, v58;
	v60 =	vmul.bf16 v63, v30;
	v42 =	vmul.bf16 v50, v31  }
0x35f: {  	s3 =	sshra.s32 s3, $0x2;
	[tilespmem:s25+$0xE4C0] =	vst v34;
	s25 =	sshra.s32 s21, $0x1;
	v62 =	vld [tilespmem:s30+$0x7090];
	v61 =	vmul.bf16 v51, v20;
	s6 =	sadd.s32 $0x140, s2;
	v63 =	vunpack.i.u.bf16.f32 v35;
	v35 =	vunpack.i.l.bf16.f32 v35  }
0x360: {  	v45 =	vld [tilespmem:s25+$0x7080];
	s30 =	sshra.s32 s6, $0x1;
	[tilespmem:s3+$0xE4C0] =	vst v32;
	v48 =	vadd.f32 v35, v63;
	v49 =	vadd.bf16 v42, v60  }
0x361: {  	s19 =	sshra.s32 s19, $0x2;
	v37 =	vadd.bf16 v54, v38;
	v34 =	vadd.bf16 v61, v55;
	s3 =	sor.u32 $0x140, s16;
	v51 =	vld [tilespmem:s30+$0x7080];
	v50 =	vmul.bf16 v56, v25  }
0x362: {  	v52 =	vld [tilespmem:s30+$0x7090];
	s22 =	sshra.s32 s3, $0x1;
	v33 =	vmul.bf16 v57, v24;
	[tilespmem:s19+$0xE4C0] =	vst v48;
	v53 =	vunpack.i.u.bf16.f32 v49;
	v35 =	vunpack.i.l.bf16.f32 v49  }
0x363: {  	v54 =	vunpack.i.u.bf16.f32 v34;
	v34 =	vunpack.i.l.bf16.f32 v34;
	v55 =	vld [tilespmem:s22+$0x7080];
	v32 =	vadd.f32 v35, v53  }
0x364: {  	s17 =	sshra.s32 s17, $0x2;
	v56 =	vmul.bf16 v59, v22;
	v57 =	vmul.bf16 v62, v23;
	s19 =	sadd.s32 $0x140, s0;
	v58 =	vld [tilespmem:s22+$0x7090];
	v33 =	vadd.bf16 v33, v50  }
0x365: {  	v43 =	vld [tilespmem:s25+$0x7090];
	v59 =	vunpack.i.u.bf16.f32 v37;
	v37 =	vunpack.i.l.bf16.f32 v37;
	v34 =	vadd.f32 v34, v54;
	[tilespmem:s17+$0xE4C0] =	vst v32;
	s17 =	sshra.s32 s19, $0x1  }
0x366: {  	s25 =	sshra.s32 s28, $0x2;
	s30 =	sadd.s32 $0x240, s14;
	v60 =	vadd.bf16 v57, v56;
	v61 =	vunpack.i.u.bf16.f32 v33;
	v33 =	vunpack.i.l.bf16.f32 v33;
	v62 =	vld [tilespmem:s17+$0x7080]  }
0x367: {  	s28 =	sshra.s32 s30, $0x1;
	[tilespmem:s25+$0xE4C0] =	vst v34;
	v63 =	vmul.bf16 v51, v26;
	v48 =	vmul.bf16 v52, v27;
	v33 =	vadd.f32 v33, v61;
	v49 =	vld [tilespmem:s17+$0x7090]  }
0x368: {  	v37 =	vadd.f32 v37, v59;
	s25 =	sshra.s32 s4, $0x2;
	s4 =	sor.u32 $0x180, s20;
	v50 =	vld [tilespmem:s28+$0x7080];
	v51 =	vunpack.i.u.bf16.f32 v60;
	v32 =	vunpack.i.l.bf16.f32 v60  }
0x369: {  	v52 =	vld [tilespmem:s28+$0x7090];
	s17 =	sshra.s32 s4, $0x1;
	v53 =	vadd.bf16 v48, v63;
	v54 =	vmul.bf16 v55, v28;
	v55 =	vmul.bf16 v58, v29;
	[tilespmem:s25+$0xE4C0] =	vst v33  }
0x36a: {  	v56 =	vmul.bf16 v45, v17;
	s28 =	sshra.s32 s23, $0x2;
	s23 =	sadd.s32 $0x300, s11;
	v32 =	vadd.f32 v32, v51;
	v57 =	vld [tilespmem:s17+$0x7080]  }
0x36b: {  	s1 =	sshra.s32 s1, $0x2;
	[tilespmem:s28+$0xE4C0] =	vst v37;
	s28 =	sadd.s32 $0x200, s15;
	s25 =	sshra.s32 s23, $0x1;
	v59 =	vunpack.i.u.bf16.f32 v53;
	v33 =	vunpack.i.l.bf16.f32 v53;
	v58 =	vld [tilespmem:s17+$0x7090];
	v34 =	vadd.bf16 v55, v54  }
0x36c: {  	s22 =	sshra.s32 s28, $0x1;
	[tilespmem:s1+$0xE4C0] =	vst v32;
	v35 =	vld [tilespmem:s25+$0x7080];
	v60 =	vadd.f32 v33, v59;
	v61 =	vmul.bf16 v62, v30;
	v62 =	vmul.bf16 v49, v31  }
0x36d: {  	s6 =	sshra.s32 s6, $0x2;
	v63 =	vmul.bf16 v43, v16;
	v42 =	vld [tilespmem:s22+$0x7080];
	s17 =	sadd.s32 $0x180, s2;
	v48 =	vunpack.i.u.bf16.f32 v34;
	v34 =	vunpack.i.l.bf16.f32 v34  }
0x36e: {  	v40 =	vmul.bf16 v50, v21;
	v45 =	vld [tilespmem:s22+$0x7090];
	[tilespmem:s6+$0xE4C0] =	vst v60;
	s6 =	sshra.s32 s17, $0x1;
	v49 =	vadd.f32 v34, v48;
	v33 =	vadd.bf16 v62, v61  }
0x36f: {  	s3 =	sshra.s32 s3, $0x2;
	v50 =	vadd.bf16 v63, v56;
	v51 =	vmul.bf16 v52, v20;
	s22 =	sor.u32 $0x180, s16;
	v53 =	vld [tilespmem:s6+$0x7080];
	v52 =	vmul.bf16 v57, v25  }
0x370: {  	v54 =	vld [tilespmem:s6+$0x7090];
	s6 =	sshra.s32 s22, $0x1;
	v37 =	vmul.bf16 v58, v24;
	[tilespmem:s3+$0xE4C0] =	vst v49;
	v55 =	vunpack.i.u.bf16.f32 v33;
	v33 =	vunpack.i.l.bf16.f32 v33  }
0x371: {  	v36 =	vadd.bf16 v51, v40;
	v56 =	vld [tilespmem:s6+$0x7080];
	v32 =	vadd.f32 v33, v55  }
0x372: {  	s19 =	sshra.s32 s19, $0x2;
	v34 =	vunpack.i.l.bf16.f32 v50;
	v58 =	vld [tilespmem:s6+$0x7090];
	s6 =	sadd.s32 $0x180, s0;
	v37 =	vadd.bf16 v37, v52  }
0x373: {  	v59 =	vld [tilespmem:s25+$0x7090];
	v60 =	vunpack.i.u.bf16.f32 v36;
	v61 =	vunpack.i.l.bf16.f32 v36;
	v57 =	vunpack.i.u.bf16.f32 v50;
	s3 =	sshra.s32 s6, $0x1;
	[tilespmem:s19+$0xE4C0] =	vst v32  }
0x374: {  	v33 =	vadd.f32 v34, v57;
	v62 =	vunpack.i.u.bf16.f32 v37;
	v37 =	vunpack.i.l.bf16.f32 v37;
	v63 =	vld [tilespmem:s3+$0x7080]  }
0x375: {  	v48 =	vmul.bf16 v53, v26;
	v49 =	vmul.bf16 v54, v27;
	s19 =	sshra.s32 s21, $0x2;
	s21 =	sor.u32 $0x380, s12;
	v36 =	vadd.f32 v37, v62;
	v50 =	vld [tilespmem:s3+$0x7090]  }
0x376: {  	s25 =	sshra.s32 s4, $0x2;
	v51 =	vmul.bf16 v42, v22;
	v52 =	vmul.bf16 v45, v23;
	v32 =	vadd.f32 v61, v60;
	[tilespmem:s19+$0xE4C0] =	vst v33;
	s19 =	sshra.s32 s21, $0x1;
	s3 =	sor.u32 $0x1C0, s20  }
0x377: {  	v53 =	vadd.bf16 v49, v48;
	v43 =	vld [tilespmem:s19+$0x7080];
	s4 =	sshra.s32 s3, $0x1;
	v54 =	vmul.bf16 v56, v28;
	v38 =	vmul.bf16 v58, v29;
	[tilespmem:s25+$0xE4C0] =	vst v36  }
0x378: {  	s30 =	sshra.s32 s30, $0x2;
	s1 =	sadd.s32 $0x280, s14;
	v35 =	vmul.bf16 v35, v18;
	v34 =	vmul.bf16 v59, v19;
	v33 =	vadd.bf16 v52, v51;
	v55 =	vld [tilespmem:s4+$0x7080]  }
0x379: {  	[tilespmem:s30+$0xE4C0] =	vst v32;
	s30 =	sshra.s32 s1, $0x1;
	v57 =	vunpack.i.u.bf16.f32 v53;
	v36 =	vunpack.i.l.bf16.f32 v53;
	v56 =	vld [tilespmem:s4+$0x7090];
	v37 =	vadd.bf16 v38, v54  }
0x37a: {  	v58 =	vld [tilespmem:s30+$0x7080];
	v36 =	vadd.f32 v36, v57;
	v59 =	vmul.bf16 v63, v30;
	v41 =	vmul.bf16 v50, v31  }
0x37b: {  	s17 =	sshra.s32 s17, $0x2;
	v60 =	vld [tilespmem:s30+$0x7090];
	v61 =	vunpack.i.u.bf16.f32 v33;
	s4 =	sadd.s32 $0x1C0, s2;
	v62 =	vunpack.i.u.bf16.f32 v37;
	v37 =	vunpack.i.l.bf16.f32 v37  }
0x37c: {  	v33 =	vunpack.i.l.bf16.f32 v33;
	s30 =	sshra.s32 s4, $0x1;
	[tilespmem:s17+$0xE4C0] =	vst v36;
	v36 =	vld [tilespmem:s19+$0x7090];
	v37 =	vadd.f32 v37, v62;
	v40 =	vadd.bf16 v41, v59  }
0x37d: {  	s22 =	sshra.s32 s22, $0x2;
	v34 =	vadd.bf16 v34, v35;
	v33 =	vadd.f32 v33, v61;
	s19 =	sor.u32 $0x1C0, s16;
	v48 =	vld [tilespmem:s30+$0x7080];
	v63 =	vmul.bf16 v55, v25  }
0x37e: {  	v49 =	vld [tilespmem:s30+$0x7090];
	s25 =	sshra.s32 s19, $0x1;
	v32 =	vmul.bf16 v56, v24;
	[tilespmem:s22+$0xE4C0] =	vst v37;
	v50 =	vunpack.i.u.bf16.f32 v40;
	v40 =	vunpack.i.l.bf16.f32 v40  }
0x37f: {  	s28 =	sshra.s32 s28, $0x2;
	v51 =	vunpack.i.u.bf16.f32 v34;
	v34 =	vunpack.i.l.bf16.f32 v34;
	s30 =	sadd.s32 $0x240, s15;
	v52 =	vld [tilespmem:s25+$0x7080];
	v37 =	vadd.f32 v40, v50  }
0x380: {  	s6 =	sshra.s32 s6, $0x2;
	[tilespmem:s28+$0xE4C0] =	vst v33;
	s17 =	sadd.s32 $0x1C0, s0;
	v38 =	vmul.bf16 v58, v21;
	v53 =	vmul.bf16 v60, v20;
	s22 =	sshra.s32 s30, $0x1;
	v54 =	vld [tilespmem:s25+$0x7090];
	v32 =	vadd.bf16 v32, v63  }
0x381: {  	v34 =	vadd.f32 v34, v51;
	v55 =	vld [tilespmem:s22+$0x7080];
	s25 =	sshra.s32 s17, $0x1;
	[tilespmem:s6+$0xE4C0] =	vst v37  }
0x382: {  	v56 =	vadd.bf16 v53, v38;
	v57 =	vunpack.i.u.bf16.f32 v32;
	v32 =	vunpack.i.l.bf16.f32 v32;
	v58 =	vld [tilespmem:s25+$0x7080]  }
0x383: {  	s28 =	sshra.s32 s23, $0x2;
	s23 =	sadd.s32 $0x340, s11;
	v59 =	vmul.bf16 v48, v26;
	v60 =	vmul.bf16 v49, v27;
	v32 =	vadd.f32 v32, v57;
	v61 =	vld [tilespmem:s25+$0x7090]  }
0x384: {  	v62 =	vmul.bf16 v43, v17;
	[tilespmem:s28+$0xE4C0] =	vst v34;
	s28 =	sshra.s32 s3, $0x2;
	s3 =	sor.u32 $0x200, s20;
	v63 =	vunpack.i.u.bf16.f32 v56;
	v48 =	vld [tilespmem:s22+$0x7090];
	s6 =	sshra.s32 s23, $0x1;
	v37 =	vunpack.i.l.bf16.f32 v56  }
0x385: {  	v44 =	vld [tilespmem:s6+$0x7080];
	s25 =	sshra.s32 s3, $0x1;
	v49 =	vadd.bf16 v60, v59;
	v50 =	vmul.bf16 v52, v28;
	v33 =	vmul.bf16 v54, v29;
	[tilespmem:s28+$0xE4C0] =	vst v32  }
0x386: {  	v36 =	vmul.bf16 v36, v16;
	v34 =	vadd.f32 v37, v63;
	v35 =	vmul.bf16 v55, v22;
	v51 =	vld [tilespmem:s25+$0x7080]  }
0x387: {  	s1 =	sshra.s32 s1, $0x2;
	s28 =	sadd.s32 $0x2C0, s14;
	v53 =	vunpack.i.u.bf16.f32 v49;
	v32 =	vunpack.i.l.bf16.f32 v49;
	v52 =	vld [tilespmem:s25+$0x7090];
	v33 =	vadd.bf16 v33, v50  }
0x388: {  	v38 =	vld [tilespmem:s6+$0x7090];
	[tilespmem:s1+$0xE4C0] =	vst v34;
	s25 =	sshra.s32 s28, $0x1;
	v32 =	vadd.f32 v32, v53;
	v54 =	vmul.bf16 v58, v30;
	v55 =	vmul.bf16 v61, v31  }
0x389: {  	s22 =	sshra.s32 s4, $0x2;
	s4 =	sor.u32 $0x200, s2;
	v43 =	vmul.bf16 v48, v23;
	v56 =	vld [tilespmem:s25+$0x7080];
	v57 =	vunpack.i.u.bf16.f32 v33;
	v33 =	vunpack.i.l.bf16.f32 v33  }
0x38a: {  	[tilespmem:s22+$0xE4C0] =	vst v32;
	v58 =	vld [tilespmem:s25+$0x7090];
	s25 =	sshra.s32 s4, $0x1;
	v33 =	vadd.f32 v33, v57;
	v34 =	vadd.bf16 v55, v54  }
0x38b: {  	s19 =	sshra.s32 s19, $0x2;
	v36 =	vadd.bf16 v36, v62;
	s6 =	sadd.s32 $0x200, s16;
	v35 =	vadd.bf16 v43, v35;
	v59 =	vld [tilespmem:s25+$0x7080];
	v37 =	vmul.bf16 v51, v25  }
0x38c: {  	s22 =	sshra.s32 s6, $0x1;
	v60 =	vld [tilespmem:s25+$0x7090];
	v39 =	vmul.bf16 v52, v24;
	[tilespmem:s19+$0xE4C0] =	vst v33;
	v61 =	vunpack.i.u.bf16.f32 v34;
	v34 =	vunpack.i.l.bf16.f32 v34  }
0x38d: {  	v62 =	vunpack.i.u.bf16.f32 v36;
	v63 =	vld [tilespmem:s22+$0x7080];
	v33 =	vadd.f32 v34, v61  }
0x38e: {  	s17 =	sshra.s32 s17, $0x2;
	s1 =	sadd.s32 $0x200, s0;
	v47 =	vunpack.i.u.bf16.f32 v35;
	v35 =	vunpack.i.l.bf16.f32 v35;
	v48 =	vld [tilespmem:s22+$0x7090];
	v37 =	vadd.bf16 v39, v37  }
0x38f: {  	v36 =	vunpack.i.l.bf16.f32 v36;
	v41 =	vmul.bf16 v56, v21;
	v34 =	vadd.f32 v35, v47;
	[tilespmem:s17+$0xE4C0] =	vst v33;
	s17 =	sshra.s32 s1, $0x1  }
0x390: {  	s25 =	sshra.s32 s30, $0x2;
	s30 =	sadd.s32 $0x280, s15;
	v32 =	vmul.bf16 v58, v20;
	v49 =	vunpack.i.u.bf16.f32 v37;
	v50 =	vunpack.i.l.bf16.f32 v37;
	v51 =	vld [tilespmem:s17+$0x7080]  }
0x391: {  	s22 =	sshra.s32 s30, $0x1;
	v52 =	vmul.bf16 v59, v26;
	v53 =	vmul.bf16 v60, v27;
	[tilespmem:s25+$0xE4C0] =	vst v34;
	v33 =	vadd.f32 v50, v49;
	v54 =	vld [tilespmem:s17+$0x7090]  }
0x392: {  	v38 =	vmul.bf16 v38, v19;
	v55 =	vmul.bf16 v44, v18;
	v32 =	vadd.bf16 v32, v41;
	s25 =	sshra.s32 s3, $0x2;
	s3 =	sor.u32 $0x240, s20;
	v56 =	vld [tilespmem:s22+$0x7080]  }
0x393: {  	v57 =	vld [tilespmem:s22+$0x7090];
	s22 =	sshra.s32 s3, $0x1;
	v58 =	vadd.bf16 v53, v52;
	v59 =	vmul.bf16 v63, v28;
	v60 =	vmul.bf16 v48, v29;
	[tilespmem:s25+$0xE4C0] =	vst v33  }
0x394: {  	v36 =	vadd.f32 v36, v62;
	v38 =	vadd.bf16 v38, v55;
	v61 =	vunpack.i.u.bf16.f32 v32;
	v62 =	vld [tilespmem:s22+$0x7080]  }
0x395: {  	s25 =	sshra.s32 s21, $0x2;
	s21 =	sor.u32 $0x3C0, s12;
	v48 =	vunpack.i.u.bf16.f32 v58;
	v33 =	vunpack.i.l.bf16.f32 v58;
	v63 =	vld [tilespmem:s22+$0x7090];
	v34 =	vadd.bf16 v60, v59  }
0x396: {  	[tilespmem:s25+$0xE4C0] =	vst v36;
	s22 =	sshra.s32 s21, $0x1;
	v33 =	vadd.f32 v33, v48;
	v49 =	vmul.bf16 v51, v30;
	v50 =	vmul.bf16 v54, v31  }
0x397: {  	v32 =	vunpack.i.l.bf16.f32 v32;
	s25 =	sshra.s32 s4, $0x2;
	s4 =	sor.u32 $0x240, s2;
	v37 =	vld [tilespmem:s22+$0x7080];
	v51 =	vunpack.i.u.bf16.f32 v34;
	v34 =	vunpack.i.l.bf16.f32 v34  }
0x398: {  	v45 =	vld [tilespmem:s22+$0x7090];
	s22 =	sshra.s32 s4, $0x1;
	v41 =	vmul.bf16 v56, v22;
	[tilespmem:s25+$0xE4C0] =	vst v33;
	v52 =	vadd.f32 v34, v51;
	v53 =	vadd.bf16 v50, v49  }
0x399: {  	v32 =	vadd.f32 v32, v61;
	v54 =	vmul.bf16 v57, v23;
	s25 =	sshra.s32 s6, $0x2;
	s6 =	sadd.s32 $0x240, s16;
	v56 =	vld [tilespmem:s22+$0x7080];
	v55 =	vmul.bf16 v62, v25  }
0x39a: {  	v58 =	vld [tilespmem:s22+$0x7090];
	s22 =	sshra.s32 s6, $0x1;
	v57 =	vmul.bf16 v63, v24;
	[tilespmem:s25+$0xE4C0] =	vst v52;
	v59 =	vunpack.i.u.bf16.f32 v53;
	v34 =	vunpack.i.l.bf16.f32 v53  }
0x39b: {  	v35 =	vadd.bf16 v54, v41;
	s25 =	sshra.s32 s28, $0x2;
	s28 =	sadd.s32 $0x300, s14;
	v60 =	vld [tilespmem:s22+$0x7080];
	v33 =	vadd.f32 v34, v59  }
0x39c: {  	s1 =	sshra.s32 s1, $0x2;
	v61 =	vunpack.i.u.bf16.f32 v38;
	[tilespmem:s25+$0xE4C0] =	vst v32;
	s19 =	sshra.s32 s28, $0x1;
	v63 =	vld [tilespmem:s22+$0x7090];
	s22 =	sadd.s32 $0x240, s0;
	v62 =	vadd.bf16 v57, v55  }
0x39d: {  	v38 =	vunpack.i.l.bf16.f32 v38;
	v47 =	vunpack.i.u.bf16.f32 v35;
	v48 =	vunpack.i.l.bf16.f32 v35;
	v46 =	vld [tilespmem:s19+$0x7080];
	s17 =	sshra.s32 s22, $0x1;
	[tilespmem:s1+$0xE4C0] =	vst v33  }
0x39e: {  	v34 =	vadd.f32 v38, v61;
	v49 =	vunpack.i.u.bf16.f32 v62;
	v32 =	vunpack.i.l.bf16.f32 v62;
	v50 =	vld [tilespmem:s17+$0x7080]  }
0x39f: {  	s25 =	sshra.s32 s23, $0x2;
	s23 =	sadd.s32 $0x380, s11;
	v51 =	vmul.bf16 v56, v26;
	v52 =	vmul.bf16 v58, v27;
	v32 =	vadd.f32 v32, v49;
	v53 =	vld [tilespmem:s17+$0x7090]  }
0x3a0: {  	v54 =	vld [tilespmem:s19+$0x7090];
	s19 =	sshra.s32 s3, $0x2;
	[tilespmem:s25+$0xE4C0] =	vst v34;
	s25 =	sshra.s32 s23, $0x1;
	v33 =	vadd.f32 v48, v47;
	s17 =	sor.u32 $0x280, s20  }
0x3a1: {  	v40 =	vld [tilespmem:s25+$0x7080];
	v55 =	vadd.bf16 v52, v51;
	s3 =	sshra.s32 s17, $0x1;
	v56 =	vmul.bf16 v60, v28;
	v36 =	vmul.bf16 v63, v29;
	[tilespmem:s19+$0xE4C0] =	vst v32  }
0x3a2: {  	s30 =	sshra.s32 s30, $0x2;
	s1 =	sadd.s32 $0x2C0, s15;
	v38 =	vmul.bf16 v46, v21;
	v57 =	vld [tilespmem:s3+$0x7080]  }
0x3a3: {  	[tilespmem:s30+$0xE4C0] =	vst v33;
	s30 =	sshra.s32 s1, $0x1;
	v59 =	vunpack.i.u.bf16.f32 v55;
	v32 =	vunpack.i.l.bf16.f32 v55;
	v58 =	vld [tilespmem:s3+$0x7090];
	v35 =	vadd.bf16 v36, v56  }
0x3a4: {  	v60 =	vld [tilespmem:s30+$0x7080];
	v32 =	vadd.f32 v32, v59;
	v61 =	vmul.bf16 v50, v30;
	v42 =	vmul.bf16 v53, v31  }
0x3a5: {  	v34 =	vmul.bf16 v54, v20;
	v62 =	vld [tilespmem:s30+$0x7090];
	s19 =	sshra.s32 s4, $0x2;
	s4 =	sor.u32 $0x280, s2;
	v63 =	vunpack.i.u.bf16.f32 v35;
	v35 =	vunpack.i.l.bf16.f32 v35  }
0x3a6: {  	v37 =	vmul.bf16 v37, v17;
	v48 =	vld [tilespmem:s25+$0x7090];
	s30 =	sshra.s32 s4, $0x1;
	[tilespmem:s19+$0xE4C0] =	vst v32;
	v35 =	vadd.f32 v35, v63;
	v41 =	vadd.bf16 v42, v61  }
0x3a7: {  	s6 =	sshra.s32 s6, $0x2;
	v34 =	vadd.bf16 v34, v38;
	s19 =	sadd.s32 $0x280, s16;
	v40 =	vmul.bf16 v40, v18;
	v50 =	vld [tilespmem:s30+$0x7080];
	v49 =	vmul.bf16 v57, v25  }
0x3a8: {  	v51 =	vld [tilespmem:s30+$0x7090];
	v33 =	vmul.bf16 v58, v24;
	[tilespmem:s6+$0xE4C0] =	vst v35;
	s6 =	sshra.s32 s19, $0x1;
	v52 =	vunpack.i.u.bf16.f32 v41;
	v41 =	vunpack.i.l.bf16.f32 v41  }
0x3a9: {  	v53 =	vunpack.i.u.bf16.f32 v34;
	v34 =	vunpack.i.l.bf16.f32 v34;
	v54 =	vld [tilespmem:s6+$0x7080];
	v35 =	vadd.f32 v41, v52  }
0x3aa: {  	s25 =	sshra.s32 s22, $0x2;
	s3 =	sadd.s32 $0x280, s0;
	v36 =	vmul.bf16 v60, v22;
	v43 =	vmul.bf16 v62, v23;
	v55 =	vld [tilespmem:s6+$0x7090];
	v33 =	vadd.bf16 v33, v49  }
0x3ab: {  	v32 =	vmul.bf16 v48, v19;
	v42 =	vmul.bf16 v45, v16;
	v34 =	vadd.f32 v34, v53;
	s6 =	sshra.s32 s3, $0x1;
	[tilespmem:s25+$0xE4C0] =	vst v35  }
0x3ac: {  	s28 =	sshra.s32 s28, $0x2;
	s30 =	sadd.s32 $0x340, s14;
	v56 =	vadd.bf16 v43, v36;
	v57 =	vunpack.i.u.bf16.f32 v33;
	v33 =	vunpack.i.l.bf16.f32 v33;
	v58 =	vld [tilespmem:s6+$0x7080]  }
0x3ad: {  	[tilespmem:s28+$0xE4C0] =	vst v34;
	v59 =	vmul.bf16 v50, v26;
	v60 =	vmul.bf16 v51, v27;
	s25 =	sshra.s32 s30, $0x1;
	v33 =	vadd.f32 v33, v57;
	v61 =	vld [tilespmem:s6+$0x7090]  }
0x3ae: {  	v32 =	vadd.bf16 v32, v40;
	s28 =	sshra.s32 s17, $0x2;
	s17 =	sor.u32 $0x2C0, s20;
	v63 =	vunpack.i.u.bf16.f32 v56;
	v35 =	vunpack.i.l.bf16.f32 v56;
	v62 =	vld [tilespmem:s25+$0x7080]  }
0x3af: {  	s22 =	sshra.s32 s17, $0x1;
	v48 =	vld [tilespmem:s25+$0x7090];
	v49 =	vadd.bf16 v60, v59;
	v50 =	vmul.bf16 v54, v28;
	v51 =	vmul.bf16 v55, v29;
	[tilespmem:s28+$0xE4C0] =	vst v33  }
0x3b0: {  	v37 =	vadd.bf16 v42, v37;
	v52 =	vunpack.i.u.bf16.f32 v32;
	v35 =	vadd.f32 v35, v63;
	v53 =	vld [tilespmem:s22+$0x7080]  }
0x3b1: {  	s1 =	sshra.s32 s1, $0x2;
	s28 =	sadd.s32 $0x300, s15;
	v55 =	vunpack.i.u.bf16.f32 v49;
	v33 =	vunpack.i.l.bf16.f32 v49;
	v54 =	vld [tilespmem:s22+$0x7090];
	v34 =	vadd.bf16 v51, v50  }
0x3b2: {  	[tilespmem:s1+$0xE4C0] =	vst v35;
	s25 =	sshra.s32 s28, $0x1;
	v33 =	vadd.f32 v33, v55;
	v56 =	vmul.bf16 v58, v30;
	v57 =	vmul.bf16 v61, v31  }
0x3b3: {  	s4 =	sshra.s32 s4, $0x2;
	v32 =	vunpack.i.l.bf16.f32 v32;
	s6 =	sor.u32 $0x2C0, s2;
	v39 =	vld [tilespmem:s25+$0x7080];
	v58 =	vunpack.i.u.bf16.f32 v34;
	v34 =	vunpack.i.l.bf16.f32 v34  }
0x3b4: {  	v44 =	vld [tilespmem:s25+$0x7090];
	v40 =	vmul.bf16 v62, v21;
	[tilespmem:s4+$0xE4C0] =	vst v33;
	s4 =	sshra.s32 s6, $0x1;
	v59 =	vadd.f32 v34, v58;
	v60 =	vadd.bf16 v57, v56  }
0x3b5: {  	v32 =	vadd.f32 v32, v52;
	s22 =	sshra.s32 s19, $0x2;
	s19 =	sadd.s32 $0x2C0, s16;
	v61 =	vmul.bf16 v48, v20;
	v63 =	vld [tilespmem:s4+$0x7080];
	v62 =	vmul.bf16 v53, v25  }
0x3b6: {  	s25 =	sshra.s32 s19, $0x1;
	v49 =	vld [tilespmem:s4+$0x7090];
	v48 =	vmul.bf16 v54, v24;
	[tilespmem:s22+$0xE4C0] =	vst v59;
	v50 =	vunpack.i.u.bf16.f32 v60;
	v34 =	vunpack.i.l.bf16.f32 v60  }
0x3b7: {  	v35 =	vadd.bf16 v61, v40;
	s22 =	sshra.s32 s23, $0x2;
	s23 =	sadd.s32 $0x3C0, s11;
	v51 =	vld [tilespmem:s25+$0x7080];
	v33 =	vadd.f32 v34, v50  }
0x3b8: {  	s4 =	sadd.s32 $0x2C0, s0;
	[tilespmem:s22+$0xE4C0] =	vst v32;
	s22 =	sshra.s32 s23, $0x1;
	v53 =	vld [tilespmem:s25+$0x7090];
	s25 =	sshra.s32 s3, $0x2;
	v52 =	vadd.bf16 v48, v62  }
0x3b9: {  	v54 =	vunpack.i.u.bf16.f32 v37;
	v37 =	vunpack.i.l.bf16.f32 v37;
	v56 =	vunpack.i.u.bf16.f32 v35;
	s3 =	sshra.s32 s4, $0x1;
	v55 =	vld [tilespmem:s22+$0x7080];
	[tilespmem:s25+$0xE4C0] =	vst v33  }
0x3ba: {  	v57 =	vunpack.i.l.bf16.f32 v35;
	v58 =	vunpack.i.u.bf16.f32 v52;
	v32 =	vunpack.i.l.bf16.f32 v52;
	v59 =	vld [tilespmem:s3+$0x7080]  }
0x3bb: {  	v60 =	vmul.bf16 v63, v26;
	v61 =	vmul.bf16 v49, v27;
	v32 =	vadd.f32 v32, v58;
	v62 =	vld [tilespmem:s3+$0x7090]  }
0x3bc: {  	s17 =	sshra.s32 s17, $0x2;
	v39 =	vmul.bf16 v39, v22;
	v63 =	vmul.bf16 v44, v23;
	v33 =	vadd.f32 v57, v56;
	s3 =	sor.u32 $0x300, s20  }
0x3bd: {  	v48 =	vld [tilespmem:s22+$0x7090];
	v49 =	vadd.bf16 v61, v60;
	v50 =	vmul.bf16 v51, v28;
	v34 =	vmul.bf16 v53, v29;
	[tilespmem:s17+$0xE4C0] =	vst v32;
	s17 =	sshra.s32 s3, $0x1  }
0x3be: {  	s1 =	sadd.s32 $0x380, s14;
	v36 =	vadd.f32 v37, v54;
	s25 =	sshra.s32 s30, $0x2;
	v52 =	vadd.bf16 v63, v39;
	v51 =	vmul.bf16 v55, v18;
	v53 =	vld [tilespmem:s17+$0x7080]  }
0x3bf: {  	s30 =	sshra.s32 s1, $0x1;
	[tilespmem:s25+$0xE4C0] =	vst v33;
	v55 =	vunpack.i.u.bf16.f32 v49;
	v32 =	vunpack.i.l.bf16.f32 v49;
	v54 =	vld [tilespmem:s17+$0x7090];
	v34 =	vadd.bf16 v34, v50  }
0x3c0: {  	s25 =	sshra.s32 s21, $0x2;
	s21 =	sor.u32 $0x400, s12;
	v56 =	vld [tilespmem:s30+$0x7080];
	v32 =	vadd.f32 v32, v55;
	v57 =	vmul.bf16 v59, v30;
	v58 =	vmul.bf16 v62, v31  }
0x3c1: {  	[tilespmem:s25+$0xE4C0] =	vst v36;
	v60 =	vunpack.i.u.bf16.f32 v52;
	s17 =	sshra.s32 s21, $0x1;
	v59 =	vld [tilespmem:s30+$0x7090];
	s30 =	sshra.s32 s6, $0x2;
	s6 =	sadd.s32 $0x300, s2;
	v61 =	vunpack.i.u.bf16.f32 v34;
	v34 =	vunpack.i.l.bf16.f32 v34  }
0x3c2: {  	v38 =	vunpack.i.l.bf16.f32 v52;
	v45 =	vld [tilespmem:s17+$0x7080];
	[tilespmem:s30+$0xE4C0] =	vst v32;
	s25 =	sshra.s32 s6, $0x1;
	v62 =	vadd.f32 v34, v61;
	v63 =	vadd.bf16 v58, v57  }
0x3c3: {  	v46 =	vmul.bf16 v48, v19;
	v38 =	vadd.f32 v38, v60;
	s30 =	sshra.s32 s19, $0x2;
	s19 =	sadd.s32 $0x300, s16;
	v47 =	vld [tilespmem:s25+$0x7080];
	v39 =	vmul.bf16 v53, v25  }
0x3c4: {  	v48 =	vld [tilespmem:s25+$0x7090];
	s22 =	sshra.s32 s19, $0x1;
	v33 =	vmul.bf16 v54, v24;
	[tilespmem:s30+$0xE4C0] =	vst v62;
	v49 =	vunpack.i.u.bf16.f32 v63;
	v34 =	vunpack.i.l.bf16.f32 v63  }
0x3c5: {  	s28 =	sshra.s32 s28, $0x2;
	v37 =	vadd.bf16 v46, v51;
	s30 =	sadd.s32 $0x340, s15;
	v50 =	vld [tilespmem:s22+$0x7080];
	v32 =	vadd.f32 v34, v49  }
0x3c6: {  	[tilespmem:s28+$0xE4C0] =	vst v38;
	s28 =	sshra.s32 s4, $0x2;
	s4 =	sadd.s32 $0x300, s0;
	v51 =	vmul.bf16 v56, v21;
	s25 =	sshra.s32 s30, $0x1;
	v53 =	vld [tilespmem:s22+$0x7090];
	v52 =	vmul.bf16 v59, v20;
	v33 =	vadd.bf16 v33, v39  }
0x3c7: {  	v54 =	vunpack.i.u.bf16.f32 v37;
	v37 =	vunpack.i.l.bf16.f32 v37;
	v55 =	vld [tilespmem:s25+$0x7080];
	[tilespmem:s28+$0xE4C0] =	vst v32;
	s28 =	sshra.s32 s4, $0x1  }
0x3c8: {  	v56 =	vadd.bf16 v52, v51;
	v57 =	vunpack.i.u.bf16.f32 v33;
	v33 =	vunpack.i.l.bf16.f32 v33;
	v58 =	vld [tilespmem:s28+$0x7080]  }
0x3c9: {  	v59 =	vmul.bf16 v47, v26;
	v60 =	vmul.bf16 v48, v27;
	v33 =	vadd.f32 v33, v57;
	v61 =	vld [tilespmem:s28+$0x7090]  }
0x3ca: {  	v37 =	vadd.f32 v37, v54;
	v63 =	vld [tilespmem:s25+$0x7090];
	s25 =	sshra.s32 s3, $0x2;
	s3 =	sor.u32 $0x340, s20;
	v62 =	vunpack.i.u.bf16.f32 v56;
	v32 =	vunpack.i.l.bf16.f32 v56  }
0x3cb: {  	v44 =	vld [tilespmem:s17+$0x7090];
	s17 =	sshra.s32 s3, $0x1;
	v47 =	vadd.bf16 v60, v59;
	v48 =	vmul.bf16 v50, v28;
	v36 =	vmul.bf16 v53, v29;
	[tilespmem:s25+$0xE4C0] =	vst v33  }
0x3cc: {  	s28 =	sshra.s32 s23, $0x2;
	s23 =	sadd.s32 $0x400, s11;
	v32 =	vadd.f32 v32, v62;
	v49 =	vmul.bf16 v55, v22;
	v50 =	vld [tilespmem:s17+$0x7080]  }
0x3cd: {  	[tilespmem:s28+$0xE4C0] =	vst v37;
	s25 =	sshra.s32 s23, $0x1;
	v51 =	vld [tilespmem:s17+$0x7090];
	v52 =	vunpack.i.u.bf16.f32 v47;
	v33 =	vunpack.i.l.bf16.f32 v47;
	v34 =	vadd.bf16 v36, v48  }
0x3ce: {  	s1 =	sshra.s32 s1, $0x2;
	s28 =	sadd.s32 $0x3C0, s14;
	v53 =	vld [tilespmem:s25+$0x7080];
	v33 =	vadd.f32 v33, v52;
	v35 =	vmul.bf16 v58, v30;
	v54 =	vmul.bf16 v61, v31  }
0x3cf: {  	s6 =	sshra.s32 s6, $0x2;
	s22 =	sadd.s32 $0x340, s2;
	v56 =	vmul.bf16 v63, v23;
	v55 =	vld [tilespmem:s25+$0x7090];
	[tilespmem:s1+$0xE4C0] =	vst v32;
	s1 =	sshra.s32 s28, $0x1;
	v57 =	vunpack.i.u.bf16.f32 v34;
	v34 =	vunpack.i.l.bf16.f32 v34  }
0x3d0: {  	s25 =	sshra.s32 s22, $0x1;
	v43 =	vld [tilespmem:s1+$0x7080];
	[tilespmem:s6+$0xE4C0] =	vst v33;
	v58 =	vadd.f32 v34, v57;
	v59 =	vadd.bf16 v54, v35  }
0x3d1: {  	s19 =	sshra.s32 s19, $0x2;
	v32 =	vadd.bf16 v56, v49;
	s6 =	sadd.s32 $0x340, s16;
	v61 =	vld [tilespmem:s25+$0x7080];
	v60 =	vmul.bf16 v50, v25  }
0x3d2: {  	v62 =	vld [tilespmem:s25+$0x7090];
	s25 =	sshra.s32 s6, $0x1;
	v37 =	vmul.bf16 v51, v24;
	[tilespmem:s19+$0xE4C0] =	vst v58;
	v63 =	vunpack.i.u.bf16.f32 v59;
	v34 =	vunpack.i.l.bf16.f32 v59  }
0x3d3: {  	v48 =	vmul.bf16 v45, v17;
	v49 =	vmul.bf16 v44, v16;
	v50 =	vld [tilespmem:s25+$0x7080];
	v33 =	vadd.f32 v34, v63  }
0x3d4: {  	s4 =	sshra.s32 s4, $0x2;
	s17 =	sadd.s32 $0x340, s0;
	v51 =	vunpack.i.u.bf16.f32 v32;
	v32 =	vunpack.i.l.bf16.f32 v32;
	v52 =	vld [tilespmem:s25+$0x7090];
	v35 =	vadd.bf16 v37, v60  }
0x3d5: {  	v42 =	vld [tilespmem:s1+$0x7090];
	s1 =	sshra.s32 s17, $0x1;
	v40 =	vadd.bf16 v49, v48;
	v36 =	vmul.bf16 v53, v18;
	v32 =	vadd.f32 v32, v51;
	[tilespmem:s4+$0xE4C0] =	vst v33  }
0x3d6: {  	s30 =	sshra.s32 s30, $0x2;
	v53 =	vmul.bf16 v55, v19;
	s4 =	sadd.s32 $0x380, s15;
	v54 =	vunpack.i.u.bf16.f32 v35;
	v35 =	vunpack.i.l.bf16.f32 v35;
	v55 =	vld [tilespmem:s1+$0x7080]  }
0x3d7: {  	[tilespmem:s30+$0xE4C0] =	vst v32;
	v57 =	vmul.bf16 v61, v26;
	v58 =	vmul.bf16 v62, v27;
	s25 =	sshra.s32 s4, $0x1;
	v56 =	vadd.f32 v35, v54;
	v59 =	vld [tilespmem:s1+$0x7090]  }
0x3d8: {  	s3 =	sshra.s32 s3, $0x2;
	v60 =	vunpack.i.u.bf16.f32 v40;
	v40 =	vunpack.i.l.bf16.f32 v40;
	v33 =	vadd.bf16 v53, v36;
	s1 =	sor.u32 $0x380, s20;
	v61 =	vld [tilespmem:s25+$0x7080]  }
0x3d9: {  	v62 =	vld [tilespmem:s25+$0x7090];
	s30 =	sshra.s32 s1, $0x1;
	v63 =	vadd.bf16 v58, v57;
	v48 =	vmul.bf16 v50, v28;
	v49 =	vmul.bf16 v52, v29;
	[tilespmem:s3+$0xE4C0] =	vst v56  }
0x3da: {  	v51 =	vmul.bf16 v43, v21;
	v50 =	vadd.f32 v40, v60;
	v39 =	vunpack.i.u.bf16.f32 v33;
	v52 =	vld [tilespmem:s30+$0x7080]  }
0x3db: {  	v53 =	vld [tilespmem:s30+$0x7090];
	v34 =	vadd.bf16 v49, v48;
	v54 =	vunpack.i.u.bf16.f32 v63;
	v32 =	vunpack.i.l.bf16.f32 v63  }
0x3dc: {  	s19 =	sshra.s32 s21, $0x2;
	s21 =	sor.u32 $0x440, s12;
	v32 =	vadd.f32 v32, v54;
	v55 =	vmul.bf16 v55, v30;
	v38 =	vmul.bf16 v59, v31  }
0x3dd: {  	s22 =	sshra.s32 s22, $0x2;
	s25 =	sshra.s32 s21, $0x1;
	v56 =	vmul.bf16 v42, v20;
	s3 =	sadd.s32 $0x380, s2;
	[tilespmem:s19+$0xE4C0] =	vst v50;
	v57 =	vunpack.i.u.bf16.f32 v34;
	v34 =	vunpack.i.l.bf16.f32 v34  }
0x3de: {  	s30 =	sshra.s32 s3, $0x1;
	v42 =	vld [tilespmem:s25+$0x7080];
	v36 =	vmul.bf16 v61, v22;
	[tilespmem:s22+$0xE4C0] =	vst v32;
	v58 =	vadd.f32 v34, v57;
	v59 =	vadd.bf16 v38, v55  }
0x3df: {  	s6 =	sshra.s32 s6, $0x2;
	s19 =	sadd.s32 $0x380, s16;
	v60 =	vadd.bf16 v56, v51;
	v61 =	vmul.bf16 v62, v23;
	v63 =	vld [tilespmem:s30+$0x7080];
	v62 =	vmul.bf16 v52, v25  }
0x3e0: {  	s22 =	sshra.s32 s19, $0x1;
	v49 =	vld [tilespmem:s30+$0x7090];
	v48 =	vmul.bf16 v53, v24;
	[tilespmem:s6+$0xE4C0] =	vst v58;
	v50 =	vunpack.i.u.bf16.f32 v59;
	v34 =	vunpack.i.l.bf16.f32 v59  }
0x3e1: {  	v33 =	vunpack.i.l.bf16.f32 v33;
	v36 =	vadd.bf16 v61, v36;
	v51 =	vld [tilespmem:s22+$0x7080];
	v32 =	vadd.f32 v34, v50  }
0x3e2: {  	s17 =	sshra.s32 s17, $0x2;
	v33 =	vadd.f32 v33, v39;
	s6 =	sadd.s32 $0x380, s0;
	v53 =	vld [tilespmem:s22+$0x7090];
	v52 =	vadd.bf16 v48, v62  }
0x3e3: {  	v39 =	vld [tilespmem:s25+$0x7090];
	v54 =	vunpack.i.u.bf16.f32 v60;
	s22 =	sshra.s32 s6, $0x1;
	v55 =	vunpack.i.u.bf16.f32 v36;
	v36 =	vunpack.i.l.bf16.f32 v36;
	[tilespmem:s17+$0xE4C0] =	vst v32  }
0x3e4: {  	s25 =	sshra.s32 s23, $0x2;
	s23 =	sadd.s32 $0x440, s11;
	v56 =	vunpack.i.l.bf16.f32 v60;
	v57 =	vadd.f32 v36, v55;
	v58 =	vunpack.i.u.bf16.f32 v52;
	v59 =	vld [tilespmem:s22+$0x7080]  }
0x3e5: {  	[tilespmem:s25+$0xE4C0] =	vst v33;
	s30 =	sshra.s32 s4, $0x2;
	s4 =	sadd.s32 $0x3C0, s15;
	s17 =	sshra.s32 s23, $0x1;
	v60 =	vunpack.i.l.bf16.f32 v52;
	v61 =	vmul.bf16 v63, v26;
	v62 =	vmul.bf16 v49, v27;
	v63 =	vld [tilespmem:s22+$0x7090]  }
0x3e6: {  	v32 =	vadd.f32 v56, v54;
	v45 =	vld [tilespmem:s17+$0x7080];
	[tilespmem:s30+$0xE4C0] =	vst v57;
	s22 =	sshra.s32 s4, $0x1;
	v33 =	vadd.f32 v60, v58  }
0x3e7: {  	s30 =	sshra.s32 s28, $0x2;
	s28 =	sor.u32 $0x400, s14;
	v35 =	vld [tilespmem:s22+$0x7080];
	v34 =	vadd.bf16 v62, v61;
	v47 =	vmul.bf16 v51, v28;
	v48 =	vmul.bf16 v53, v29  }
0x3e8: {  	s1 =	sshra.s32 s1, $0x2;
	v39 =	vmul.bf16 v39, v16;
	[tilespmem:s30+$0xE4C0] =	vst v32;
	s25 =	sshra.s32 s28, $0x1;
	v50 =	vld [tilespmem:s22+$0x7090];
	s30 =	sor.u32 $0x3C0, s20  }
0x3e9: {  	v40 =	vld [tilespmem:s25+$0x7080];
	[tilespmem:s1+$0xE4C0] =	vst v33;
	s22 =	sshra.s32 s30, $0x1;
	v51 =	vunpack.i.u.bf16.f32 v34;
	v34 =	vunpack.i.l.bf16.f32 v34;
	v36 =	vadd.bf16 v48, v47  }
0x3ea: {  	v49 =	vmul.bf16 v42, v17;
	v52 =	vld [tilespmem:s22+$0x7080];
	v33 =	vadd.f32 v34, v51;
	v53 =	vmul.bf16 v59, v30  }
0x3eb: {  	v55 =	vld [tilespmem:s22+$0x7090];
	v54 =	vmul.bf16 v63, v31;
	v56 =	vunpack.i.u.bf16.f32 v36;
	v36 =	vunpack.i.l.bf16.f32 v36  }
0x3ec: {  	v58 =	vadd.bf16 v39, v49;
	v44 =	vld [tilespmem:s25+$0x7090];
	s22 =	sshra.s32 s3, $0x2;
	s3 =	sadd.s32 $0x3C0, s2;
	v57 =	vadd.f32 v36, v56  }
0x3ed: {  	v51 =	vld [tilespmem:s17+$0x7090];
	[tilespmem:s22+$0xE4C0] =	vst v33;
	s22 =	sshra.s32 s3, $0x1;
	v35 =	vmul.bf16 v35, v22;
	v32 =	vmul.bf16 v50, v23;
	v34 =	vadd.bf16 v54, v53  }
0x3ee: {  	s25 =	sshra.s32 s19, $0x2;
	s19 =	sadd.s32 $0x3C0, s16;
	v62 =	vunpack.i.u.bf16.f32 v58;
	v36 =	vunpack.i.l.bf16.f32 v58;
	v59 =	vld [tilespmem:s22+$0x7080]  }
0x3ef: {  	v60 =	vld [tilespmem:s22+$0x7090];
	s22 =	sshra.s32 s19, $0x1;
	[tilespmem:s25+$0xE4C0] =	vst v57;
	v32 =	vadd.bf16 v32, v35;
	v61 =	vunpack.i.u.bf16.f32 v34;
	v34 =	vunpack.i.l.bf16.f32 v34  }
0x3f0: {  	v48 =	vmul.bf16 v52, v25;
	v49 =	vmul.bf16 v55, v24;
	v63 =	vld [tilespmem:s22+$0x7080];
	v33 =	vadd.f32 v34, v61  }
0x3f1: {  	v41 =	vmul.bf16 v45, v18;
	v36 =	vadd.f32 v36, v62;
	v40 =	vmul.bf16 v40, v21;
	s25 =	sshra.s32 s6, $0x2;
	s6 =	sadd.s32 $0x3C0, s0;
	v50 =	vld [tilespmem:s22+$0x7090]  }
0x3f2: {  	s22 =	sshra.s32 s6, $0x1;
	v52 =	vunpack.i.u.bf16.f32 v32;
	v32 =	vunpack.i.l.bf16.f32 v32;
	v34 =	vadd.bf16 v49, v48;
	[tilespmem:s25+$0xE4C0] =	vst v33  }
0x3f3: {  	v57 =	vmul.bf16 v44, v20;
	v32 =	vadd.f32 v32, v52;
	s25 =	sshra.s32 s21, $0x2;
	s21 =	sor.u32 $0x480, s12;
	v54 =	vmul.bf16 v59, v26;
	v53 =	vld [tilespmem:s22+$0x7080]  }
0x3f4: {  	s4 =	sshra.s32 s4, $0x2;
	s1 =	sadd.s32 $0x400, s15;
	v55 =	vmul.bf16 v60, v27;
	v58 =	vunpack.i.u.bf16.f32 v34;
	v34 =	vunpack.i.l.bf16.f32 v34;
	v56 =	vld [tilespmem:s22+$0x7090];
	[tilespmem:s25+$0xE4C0] =	vst v36;
	s22 =	sshra.s32 s21, $0x1  }
0x3f5: {  	v61 =	vmul.bf16 v51, v19;
	[tilespmem:s4+$0xE4C0] =	vst v32;
	s25 =	sshra.s32 s1, $0x1;
	v36 =	vadd.bf16 v57, v40;
	v34 =	vadd.f32 v34, v58;
	v45 =	vld [tilespmem:s22+$0x7080]  }
0x3f6: {  	v59 =	vadd.bf16 v55, v54;
	v60 =	vmul.bf16 v63, v28;
	v37 =	vmul.bf16 v50, v29;
	v62 =	vld [tilespmem:s25+$0x7080]  }
0x3f7: {  	s30 =	sshra.s32 s30, $0x2;
	s4 =	sadd.s32 $0x400, s20;
	v63 =	vld [tilespmem:s25+$0x7090];
	v55 =	vadd.bf16 v61, v41;
	v51 =	vunpack.i.u.bf16.f32 v36;
	v36 =	vunpack.i.l.bf16.f32 v36  }
0x3f8: {  	v48 =	vld [tilespmem:s22+$0x7090];
	s25 =	sshra.s32 s4, $0x1;
	[tilespmem:s30+$0xE4C0] =	vst v34;
	v47 =	vunpack.i.u.bf16.f32 v59;
	v32 =	vunpack.i.l.bf16.f32 v59;
	v33 =	vadd.bf16 v37, v60  }
0x3f9: {  	v52 =	vld [tilespmem:s25+$0x7080];
	v32 =	vadd.f32 v32, v47;
	v49 =	vmul.bf16 v53, v30;
	v50 =	vmul.bf16 v56, v31  }
0x3fa: {  	s30 =	sshra.s32 s3, $0x2;
	s3 =	sor.u32 $0x400, s2;
	v54 =	vld [tilespmem:s25+$0x7090];
	v36 =	vadd.f32 v36, v51;
	v53 =	vunpack.i.u.bf16.f32 v33;
	v33 =	vunpack.i.l.bf16.f32 v33  }
0x3fb: {  	s25 =	sshra.s32 s3, $0x1;
	[tilespmem:s30+$0xE4C0] =	vst v32;
	v33 =	vadd.f32 v33, v53;
	v34 =	vadd.bf16 v50, v49  }
0x3fc: {  	v35 =	vunpack.i.l.bf16.f32 v55;
	v56 =	vmul.bf16 v62, v22;
	s30 =	sshra.s32 s19, $0x2;
	s19 =	sadd.s32 $0x400, s16;
	v58 =	vmul.bf16 v63, v23;
	v57 =	vld [tilespmem:s25+$0x7080]  }
0x3fd: {  	v61 =	vmul.bf16 v45, v17;
	v59 =	vld [tilespmem:s25+$0x7090];
	s25 =	sshra.s32 s19, $0x1;
	[tilespmem:s30+$0xE4C0] =	vst v33;
	v60 =	vunpack.i.u.bf16.f32 v34;
	v34 =	vunpack.i.l.bf16.f32 v34  }
0x3fe: {  	v63 =	vmul.bf16 v48, v16;
	s30 =	sshra.s32 s28, $0x2;
	s28 =	sor.u32 $0x440, s14;
	v49 =	vadd.bf16 v58, v56;
	v62 =	vld [tilespmem:s25+$0x7080];
	v33 =	vadd.f32 v34, v60  }
0x3ff: {  	s17 =	sor.u32 $0x400, s0;
	s6 =	sshra.s32 s6, $0x2;
	v48 =	vunpack.i.u.bf16.f32 v55;
	v43 =	vmul.bf16 v52, v25;
	v32 =	vmul.bf16 v54, v24;
	[tilespmem:s30+$0xE4C0] =	vst v36;
	s22 =	sshra.s32 s28, $0x1;
	v50 =	vld [tilespmem:s25+$0x7090]  }
0x400: {  	v52 =	vadd.f32 v35, v48;
	s25 =	sshra.s32 s17, $0x1;
	v51 =	vld [tilespmem:s22+$0x7080];
	v53 =	vunpack.i.u.bf16.f32 v49;
	[tilespmem:s6+$0xE4C0] =	vst v33  }
0x401: {  	v36 =	vunpack.i.l.bf16.f32 v49;
	v32 =	vadd.bf16 v32, v43;
	v34 =	vadd.bf16 v63, v61;
	v54 =	vld [tilespmem:s25+$0x7080]  }
0x402: {  	s30 =	sshra.s32 s23, $0x2;
	s23 =	sadd.s32 $0x480, s11;
	v35 =	vadd.f32 v36, v53;
	v39 =	vmul.bf16 v57, v26;
	v41 =	vmul.bf16 v59, v27;
	v55 =	vld [tilespmem:s25+$0x7090]  }
0x403: {  	v56 =	vld [tilespmem:s22+$0x7090];
	[tilespmem:s30+$0xE4C0] =	vst v52;
	s6 =	sshra.s32 s23, $0x1;
	v57 =	vunpack.i.u.bf16.f32 v32;
	s25 =	sshra.s32 s1, $0x2;
	s1 =	sadd.s32 $0x440, s15  }
0x404: {  	v32 =	vunpack.i.l.bf16.f32 v32;
	v52 =	vunpack.i.u.bf16.f32 v34;
	v43 =	vld [tilespmem:s6+$0x7090];
	v58 =	vadd.bf16 v41, v39;
	[tilespmem:s25+$0xE4C0] =	vst v35;
	s30 =	sshra.s32 s1, $0x1  }
0x405: {  	v32 =	vadd.f32 v32, v57;
	v59 =	vmul.bf16 v62, v28;
	v38 =	vmul.bf16 v50, v29;
	v60 =	vld [tilespmem:s30+$0x7080]  }
0x406: {  	v34 =	vunpack.i.l.bf16.f32 v34;
	s25 =	sshra.s32 s4, $0x2;
	s4 =	sadd.s32 $0x440, s20;
	v62 =	vld [tilespmem:s30+$0x7090];
	v61 =	vunpack.i.u.bf16.f32 v58;
	v36 =	vunpack.i.l.bf16.f32 v58  }
0x407: {  	v39 =	vld [tilespmem:s6+$0x7080];
	[tilespmem:s25+$0xE4C0] =	vst v32;
	s30 =	sshra.s32 s4, $0x1;
	v35 =	vadd.bf16 v38, v59;
	v37 =	vmul.bf16 v54, v30;
	v63 =	vmul.bf16 v55, v31  }
0x408: {  	v40 =	vmul.bf16 v51, v21;
	v48 =	vmul.bf16 v56, v20;
	v50 =	vld [tilespmem:s30+$0x7080];
	v49 =	vadd.f32 v36, v61  }
0x409: {  	s3 =	sshra.s32 s3, $0x2;
	s6 =	sor.u32 $0x440, s2;
	v53 =	vld [tilespmem:s30+$0x7090];
	v51 =	vunpack.i.u.bf16.f32 v35;
	v35 =	vunpack.i.l.bf16.f32 v35;
	v37 =	vadd.bf16 v63, v37  }
0x40a: {  	s22 =	sshra.s32 s6, $0x1;
	v55 =	vadd.bf16 v48, v40;
	[tilespmem:s3+$0xE4C0] =	vst v49;
	v54 =	vadd.f32 v35, v51;
	v41 =	vmul.bf16 v60, v22  }
0x40b: {  	s19 =	sshra.s32 s19, $0x2;
	s30 =	sadd.s32 $0x440, s16;
	v56 =	vld [tilespmem:s22+$0x7080];
	v42 =	vmul.bf16 v62, v23;
	v57 =	vunpack.i.u.bf16.f32 v37;
	v37 =	vunpack.i.l.bf16.f32 v37  }
0x40c: {  	s25 =	sshra.s32 s30, $0x1;
	v48 =	vadd.f32 v34, v52;
	v58 =	vld [tilespmem:s22+$0x7090];
	[tilespmem:s19+$0xE4C0] =	vst v54;
	v59 =	vadd.f32 v37, v57  }
0x40d: {  	s17 =	sshra.s32 s17, $0x2;
	s3 =	sor.u32 $0x440, s0;
	v60 =	vunpack.i.u.bf16.f32 v55;
	v35 =	vunpack.i.l.bf16.f32 v55;
	v61 =	vld [tilespmem:s25+$0x7080];
	v62 =	vadd.bf16 v42, v41  }
0x40e: {  	s22 =	sshra.s32 s3, $0x1;
	v35 =	vadd.f32 v35, v60;
	v33 =	vmul.bf16 v50, v25;
	v49 =	vmul.bf16 v53, v24;
	v63 =	vld [tilespmem:s25+$0x7090];
	[tilespmem:s17+$0xE4C0] =	vst v59  }
0x40f: {  	v39 =	vmul.bf16 v39, v18;
	s25 =	sshra.s32 s28, $0x2;
	s28 =	sor.u32 $0x480, s14;
	v53 =	vunpack.i.u.bf16.f32 v62;
	v37 =	vunpack.i.l.bf16.f32 v62;
	v50 =	vld [tilespmem:s22+$0x7080]  }
0x410: {  	v51 =	vmul.bf16 v43, v19;
	[tilespmem:s25+$0xE4C0] =	vst v35;
	v33 =	vadd.bf16 v49, v33;
	v37 =	vadd.f32 v37, v53;
	v52 =	vld [tilespmem:s22+$0x7090];
	s22 =	sshra.s32 s28, $0x1  }
0x411: {  	s25 =	sshra.s32 s21, $0x2;
	s21 =	sshra.s32 s1, $0x2;
	s1 =	sadd.s32 $0x480, s15;
	v55 =	vmul.bf16 v56, v26;
	v56 =	vmul.bf16 v58, v27;
	v54 =	vld [tilespmem:s22+$0x7080]  }
0x412: {  	v58 =	vadd.bf16 v51, v39;
	v59 =	vunpack.i.u.bf16.f32 v33;
	v33 =	vunpack.i.l.bf16.f32 v33;
	v57 =	vld [tilespmem:s22+$0x7090];
	[tilespmem:s21+$0xE4C0] =	vst v37;
	s22 =	sshra.s32 s1, $0x1  }
0x413: {  	s12 =	sor.u32 $0x4C0, s12;
	v34 =	vadd.bf16 v56, v55;
	v60 =	vmul.bf16 v61, v28;
	v61 =	vmul.bf16 v63, v29;
	v62 =	vld [tilespmem:s22+$0x7080]  }
0x414: {  	[tilespmem:s25+$0xE4C0] =	vst v48;
	s17 =	sshra.s32 s12, $0x1;
	v33 =	vadd.f32 v33, v59;
	v32 =	vunpack.i.l.bf16.f32 v58;
	v48 =	vld [tilespmem:s22+$0x7090]  }
0x415: {  	s25 =	sshra.s32 s4, $0x2;
	s4 =	sadd.s32 $0x480, s20;
	v36 =	vld [tilespmem:s17+$0x7080];
	v63 =	vunpack.i.u.bf16.f32 v34;
	v34 =	vunpack.i.l.bf16.f32 v34;
	v37 =	vadd.bf16 v61, v60  }
0x416: {  	s19 =	sshra.s32 s4, $0x1;
	v42 =	vld [tilespmem:s17+$0x7090];
	[tilespmem:s25+$0xE4C0] =	vst v33;
	v51 =	vadd.f32 v34, v63;
	v38 =	vmul.bf16 v50, v30;
	v49 =	vmul.bf16 v52, v31  }
0x417: {  	s21 =	sshra.s32 s6, $0x2;
	s6 =	sor.u32 $0x480, s2;
	v55 =	vld [tilespmem:s19+$0x7090];
	v53 =	vunpack.i.u.bf16.f32 v37;
	v37 =	vunpack.i.l.bf16.f32 v37;
	v50 =	vmul.bf16 v54, v21  }
0x418: {  	s22 =	sshra.s32 s6, $0x1;
	v52 =	vld [tilespmem:s19+$0x7080];
	v44 =	vmul.bf16 v57, v20;
	[tilespmem:s21+$0xE4C0] =	vst v51;
	v56 =	vadd.f32 v37, v53;
	v38 =	vadd.bf16 v49, v38  }
0x419: {  	s25 =	sshra.s32 s30, $0x2;
	s30 =	sadd.s32 $0x480, s16;
	v54 =	vunpack.i.u.bf16.f32 v58;
	v58 =	vld [tilespmem:s22+$0x7080];
	v40 =	vmul.bf16 v62, v22;
	v41 =	vmul.bf16 v48, v23  }
0x41a: {  	s19 =	sshra.s32 s30, $0x1;
	v60 =	vld [tilespmem:s22+$0x7090];
	v32 =	vadd.f32 v32, v54;
	[tilespmem:s25+$0xE4C0] =	vst v56;
	v59 =	vunpack.i.u.bf16.f32 v38;
	v38 =	vunpack.i.l.bf16.f32 v38  }
0x41b: {  	s11 =	sadd.s32 $0x4C0, s11;
	s23 =	sshra.s32 s23, $0x2;
	v57 =	vadd.bf16 v44, v50;
	v62 =	vld [tilespmem:s19+$0x7080];
	v61 =	vadd.f32 v38, v59  }
0x41c: {  	s3 =	sshra.s32 s3, $0x2;
	v17 =	vmul.bf16 v36, v17;
	s21 =	sor.u32 $0x480, s0;
	s25 =	sshra.s32 s11, $0x1;
	v63 =	vld [tilespmem:s19+$0x7090];
	v40 =	vadd.bf16 v41, v40;
	[tilespmem:s23+$0xE4C0] =	vst v32  }
0x41d: {  	s22 =	sshra.s32 s21, $0x1;
	v47 =	vunpack.i.u.bf16.f32 v57;
	v35 =	vunpack.i.l.bf16.f32 v57;
	v34 =	vmul.bf16 v52, v25;
	v53 =	vld [tilespmem:s25+$0x7080];
	[tilespmem:s3+$0xE4C0] =	vst v61  }
0x41e: {  	v52 =	vmul.bf16 v55, v24;
	v48 =	vadd.f32 v35, v47;
	v51 =	vunpack.i.u.bf16.f32 v40;
	v49 =	vld [tilespmem:s22+$0x7080]  }
0x41f: {  	v40 =	vunpack.i.l.bf16.f32 v40;
	v37 =	vmul.bf16 v58, v26;
	v44 =	vmul.bf16 v60, v27;
	v50 =	vld [tilespmem:s22+$0x7090]  }
0x420: {  	s14 =	sor.u32 $0x4C0, s14;
	s17 =	sshra.s32 s28, $0x2;
	v16 =	vmul.bf16 v42, v16;
	v54 =	vld [tilespmem:s25+$0x7090];
	v36 =	vadd.f32 v40, v51;
	v34 =	vadd.bf16 v52, v34  }
0x421: {  	s19 =	sshra.s32 s14, $0x1;
	[tilespmem:s17+$0xE4C0] =	vst v48;
	v55 =	vadd.bf16 v44, v37;
	v56 =	vmul.bf16 v62, v28;
	v57 =	vmul.bf16 v63, v29  }
0x422: {  	v16 =	vadd.bf16 v16, v17;
	s22 =	sshra.s32 s1, $0x2;
	s1 =	sadd.s32 $0x4C0, s15;
	v17 =	vld [tilespmem:s19+$0x7080];
	v58 =	vunpack.i.u.bf16.f32 v34;
	v34 =	vunpack.i.l.bf16.f32 v34  }
0x423: {  	[tilespmem:s22+$0xE4C0] =	vst v36;
	v59 =	vld [tilespmem:s19+$0x7090];
	s15 =	sshra.s32 s1, $0x1;
	v34 =	vadd.f32 v34, v58;
	v60 =	vunpack.i.u.bf16.f32 v55;
	v37 =	vadd.bf16 v57, v56  }
0x424: {  	s4 =	sshra.s32 s4, $0x2;
	s3 =	sadd.s32 $0x4C0, s20;
	v61 =	vld [tilespmem:s15+$0x7080];
	v33 =	vunpack.i.l.bf16.f32 v55;
	v35 =	vmul.bf16 v49, v30;
	v32 =	vmul.bf16 v50, v31  }
0x425: {  	s23 =	sshra.s32 s3, $0x1;
	v18 =	vmul.bf16 v53, v18;
	v19 =	vmul.bf16 v54, v19;
	v62 =	vld [tilespmem:s15+$0x7090];
	[tilespmem:s4+$0xE4C0] =	vst v34;
	v33 =	vadd.f32 v33, v60  }
0x426: {  	s2 =	sor.u32 $0x4C0, s2;
	s6 =	sshra.s32 s6, $0x2;
	v63 =	vld [tilespmem:s23+$0x7080];
	v41 =	vunpack.i.u.bf16.f32 v37;
	v37 =	vunpack.i.l.bf16.f32 v37;
	v32 =	vadd.bf16 v32, v35  }
0x427: {  	v45 =	vunpack.i.u.bf16.f32 v16;
	v16 =	vunpack.i.l.bf16.f32 v16;
	s25 =	sshra.s32 s2, $0x1;
	v42 =	vld [tilespmem:s23+$0x7090];
	[tilespmem:s6+$0xE4C0] =	vst v33;
	v43 =	vadd.f32 v37, v41  }
0x428: {  	s28 =	sshra.s32 s30, $0x2;
	s30 =	sadd.s32 $0x4C0, s16;
	v18 =	vadd.bf16 v19, v18;
	v33 =	vld [tilespmem:s25+$0x7080];
	v44 =	vunpack.i.u.bf16.f32 v32;
	v32 =	vunpack.i.l.bf16.f32 v32  }
0x429: {  	s16 =	sshra.s32 s30, $0x1;
	v17 =	vmul.bf16 v17, v21;
	v20 =	vmul.bf16 v59, v20;
	v46 =	vld [tilespmem:s25+$0x7090];
	[tilespmem:s28+$0xE4C0] =	vst v43;
	v32 =	vadd.f32 v32, v44  }
0x42a: {  	s0 =	sor.u32 $0x4C0, s0;
	v16 =	vadd.f32 v16, v45;
	s17 =	sshra.s32 s21, $0x2;
	v47 =	vmul.bf16 v61, v22;
	v48 =	vmul.bf16 v62, v23;
	v49 =	vld [tilespmem:s16+$0x7080]  }
0x42b: {  	s19 =	sshra.s32 s0, $0x1;
	v50 =	vunpack.i.u.bf16.f32 v18;
	v18 =	vunpack.i.l.bf16.f32 v18;
	v17 =	vadd.bf16 v20, v17;
	v51 =	vld [tilespmem:s16+$0x7090];
	[tilespmem:s17+$0xE4C0] =	vst v32  }
0x42c: {  	v18 =	vadd.f32 v18, v50;
	v21 =	vadd.bf16 v48, v47;
	v52 =	vld [tilespmem:s19+$0x7080]  }
0x42d: {  	v25 =	vmul.bf16 v63, v25;
	v54 =	vunpack.i.u.bf16.f32 v17;
	v19 =	vmul.bf16 v42, v24;
	v53 =	vld [tilespmem:s19+$0x7090]  }
0x42e: {  	v17 =	vunpack.i.l.bf16.f32 v17;
	v57 =	vunpack.i.u.bf16.f32 v21;
	v21 =	vunpack.i.l.bf16.f32 v21  }
0x42f: {  	v55 =	vmul.bf16 v33, v26;
	v56 =	vmul.bf16 v46, v27;
	v19 =	vadd.bf16 v19, v25  }
0x430: {  	v17 =	vadd.f32 v17, v54;
	v21 =	vadd.f32 v21, v57;
	v23 =	vmul.bf16 v49, v28  }
0x431: {  	s20 =	sshra.s32 s12, $0x2;
	v24 =	vadd.bf16 v56, v55;
	v20 =	vmul.bf16 v51, v29;
	v25 =	vunpack.i.u.bf16.f32 v19  }
0x432: {  	[tilespmem:s20+$0xE4C0] =	vst v16;
	s21 =	sshra.s32 s11, $0x2;
	v19 =	vunpack.i.l.bf16.f32 v19;
	v22 =	vmul.bf16 v52, v30;
	v16 =	vmul.bf16 v53, v31  }
0x433: {  	s22 =	sshra.s32 s14, $0x2;
	[tilespmem:s21+$0xE4C0] =	vst v18;
	v58 =	vadd.f32 v19, v25;
	v59 =	vadd.bf16 v20, v23  }
0x434: {  	p1 =	slt.u32 s10, $0x20;
	s1 =	sshra.s32 s1, $0x2;
	[tilespmem:s22+$0xE4C0] =	vst v17;
	v17 =	vunpack.i.u.bf16.f32 v24;
	v60 =	vunpack.i.l.bf16.f32 v24;
	v16 =	vadd.bf16 v16, v22  }
.Ltmp6:
0x435: {  	s23 =	sshra.s32 s3, $0x2;
	[tilespmem:s1+$0xE4C0] =	vst v21;
	v17 =	vadd.f32 v60, v17;
	v61 =	vunpack.i.u.bf16.f32 v59;
	v19 =	vunpack.i.l.bf16.f32 v59;
	(pc) =	sbr.rel @p1 .LBB2_10-.Ltmp6, $4  }
0x436: {  	s25 =	sshra.s32 s2, $0x2;
	[tilespmem:s23+$0xE4C0] =	vst v58;
	v62 =	vadd.f32 v19, v61;
	v63 =	vunpack.i.u.bf16.f32 v16;
	v16 =	vunpack.i.l.bf16.f32 v16  }
0x437: {  	s11 =	simm.s32 $0x330;
	s28 =	sshra.s32 s30, $0x2;
	[tilespmem:s25+$0xE4C0] =	vst v17;
	v16 =	vadd.f32 v16, v63  }
0x438: {  	s0 =	sshra.s32 s0, $0x2;
	s2 =	simm.s32 $0xFFFFFFFE;
	s30 =	sadd.s32 $0x8, s10;
	[tilespmem:s28+$0xE4C0] =	vst v62  }
0x439: {  	s10 =	smov.u32 s30;
	s1 =	simm.s32 $0x100;
	[tilespmem:s0+$0xE4C0] =	vst v16;
	s0 =	simm.s32 $0xE1B0  }
0x43a: {  	v16 =	vor.u32 s1, v0  }
0x43b: {  	v33 =	vor.u32 s1, v1  }
0x43c: {  	v34 =	vor.u32 s1, v2  }
0x43d: {  	v35 =	vor.u32 s1, v3;
	v46 =	vld [tilespmem:s11+$0xFFFFFFF0]  }
0x43e: {  	v36 =	vor.u32 s1, v4;
	v54 =	vld [tilespmem:s11+$0x0]  }
0x43f: {  	v37 =	vor.u32 s1, v5;
	v16 =	vld.idx.msk [tilespmem:v16+s26+$0x0], $0xffff  }
0x440: {  	v38 =	vor.u32 s1, v6;
	v33 =	vld.idx.msk [tilespmem:v33+s26+$0x0], $0xffff  }
0x441: {  	v39 =	vor.u32 s1, v7;
	v34 =	vld.idx.msk [tilespmem:v34+s26+$0x0], $0xffff  }
0x442: {  	v40 =	vor.u32 s1, v8;
	v35 =	vld.idx.msk [tilespmem:v35+s26+$0x0], $0xffff  }
0x443: {  	v41 =	vor.u32 s1, v9;
	v36 =	vld.idx.msk [tilespmem:v36+s26+$0x0], $0xffff  }
0x444: {  	v42 =	vor.u32 s1, v10;
	v37 =	vld.idx.msk [tilespmem:v37+s26+$0x0], $0xffff  }
0x445: {  	v44 =	vor.u32 s1, v12;
	v38 =	vld.idx.msk [tilespmem:v38+s26+$0x0], $0xffff  }
0x446: {  	v45 =	vor.u32 s1, v13;
	v39 =	vld.idx.msk [tilespmem:v39+s26+$0x0], $0xffff  }
0x447: {  	v47 =	vor.u32 s1, v14;
	v40 =	vld.idx.msk [tilespmem:v40+s26+$0x0], $0xffff  }
0x448: {  	s3 =	sadd.s32 $0xFFFFFF00, s1;
	v48 =	vor.u32 s1, v15;
	v41 =	vld.idx.msk [tilespmem:v41+s26+$0x0], $0xffff  }
0x449: {  	v17 =	vor.u32 s3, v0;
	v42 =	vld.idx.msk [tilespmem:v42+s26+$0x0], $0xffff  }
0x44a: {  	v18 =	vor.u32 s3, v1;
	v44 =	vld.idx.msk [tilespmem:v44+s26+$0x0], $0xffff  }
0x44b: {  	v19 =	vor.u32 s3, v2;
	v45 =	vld.idx.msk [tilespmem:v45+s26+$0x0], $0xffff  }
0x44c: {  	v20 =	vor.u32 s3, v3;
	v47 =	vld.idx.msk [tilespmem:v47+s26+$0x0], $0xffff  }
0x44d: {  	v21 =	vor.u32 s3, v4;
	v48 =	vld.idx.msk [tilespmem:v48+s26+$0x0], $0xffff  }
0x44e: {  	v22 =	vor.u32 s3, v5;
	v17 =	vld.idx.msk [tilespmem:v17+s26+$0x0], $0xffff  }
0x44f: {  	v23 =	vor.u32 s3, v6;
	v18 =	vld.idx.msk [tilespmem:v18+s26+$0x0], $0xffff  }
0x450: {  	v24 =	vor.u32 s3, v7;
	v19 =	vld.idx.msk [tilespmem:v19+s26+$0x0], $0xffff  }
0x451: {  	v25 =	vor.u32 s3, v8;
	v20 =	vld.idx.msk [tilespmem:v20+s26+$0x0], $0xffff  }
0x452: {  	v26 =	vor.u32 s3, v9;
	v21 =	vld.idx.msk [tilespmem:v21+s26+$0x0], $0xffff  }
0x453: {  	v27 =	vor.u32 s3, v10;
	v22 =	vld.idx.msk [tilespmem:v22+s26+$0x0], $0xffff  }
0x454: {  	v28 =	vor.u32 s3, v11;
	v23 =	vld.idx.msk [tilespmem:v23+s26+$0x0], $0xffff  }
0x455: {  	v29 =	vor.u32 s3, v12;
	v24 =	vld.idx.msk [tilespmem:v24+s26+$0x0], $0xffff  }
0x456: {  	v30 =	vor.u32 s3, v13;
	v25 =	vld.idx.msk [tilespmem:v25+s26+$0x0], $0xffff  }
0x457: {  	v31 =	vor.u32 s3, v14;
	v26 =	vld.idx.msk [tilespmem:v26+s26+$0x0], $0xffff  }
0x458: {  	v32 =	vor.u32 s3, v15;
	v27 =	vld.idx.msk [tilespmem:v27+s26+$0x0], $0xffff  }
0x459: {  	v43 =	vor.u32 s1, v11;
	s12 =	sadd.s32 $0x200, s1;
	v28 =	vld.idx.msk [tilespmem:v28+s26+$0x0], $0xffff  }
0x45a: {  	s1 =	sadd.s32 $0xFFFFFF00, s12;
	v49 =	vor.u32 s12, v0;
	v29 =	vld.idx.msk [tilespmem:v29+s26+$0x0], $0xffff  }
0x45b: {  	v56 =	vor.u32 s1, v11;
	v30 =	vld.idx.msk [tilespmem:v30+s26+$0x0], $0xffff  }
0x45c: {  	v50 =	vor.u32 s1, v0;
	v31 =	vld.idx.msk [tilespmem:v31+s26+$0x0], $0xffff  }
0x45d: {  	v51 =	vor.u32 s1, v1;
	v32 =	vld.idx.msk [tilespmem:v32+s26+$0x0], $0xffff;
	v16 =	vadd.f32 v33, v16  }
0x45e: {  	v52 =	vor.u32 s1, v2;
	v43 =	vld.idx.msk [tilespmem:v43+s26+$0x0], $0xffff;
	v63 =	vadd.f32 v45, v44;
	v45 =	vadd.f32 v48, v47  }
0x45f: {  	v53 =	vor.u32 s1, v3;
	v49 =	vld.idx.msk [tilespmem:v49+s26+$0x0], $0xffff;
	v17 =	vadd.f32 v18, v17;
	v18 =	vadd.f32 v20, v19  }
0x460: {  	v55 =	vor.u32 s1, v4;
	v33 =	vld.idx.msk [tilespmem:v56+s26+$0x0], $0xffff;
	v21 =	vadd.f32 v22, v21;
	v22 =	vadd.f32 v24, v23  }
0x461: {  	v59 =	vor.u32 s1, v12;
	v19 =	vld.idx.msk [tilespmem:v50+s26+$0x0], $0xffff;
	v25 =	vadd.f32 v26, v25;
	v26 =	vadd.f32 v28, v27  }
0x462: {  	v47 =	vor.u32 s1, v14;
	v23 =	vld.idx.msk [tilespmem:v51+s26+$0x0], $0xffff;
	v29 =	vadd.f32 v30, v29;
	v30 =	vadd.f32 v32, v31  }
0x463: {  	v20 =	vor.u32 s1, v5;
	v27 =	vld.idx.msk [tilespmem:v52+s26+$0x0], $0xffff;
	v17 =	vadd.f32 v18, v17;
	v18 =	vadd.f32 v22, v21  }
0x464: {  	v24 =	vor.u32 s1, v6;
	v31 =	vld.idx.msk [tilespmem:v53+s26+$0x0], $0xffff;
	v25 =	vadd.f32 v26, v25;
	v26 =	vadd.f32 v30, v29  }
0x465: {  	v28 =	vor.u32 s1, v7;
	v21 =	vld.idx.msk [tilespmem:v55+s26+$0x0], $0xffff  }
0x466: {  	v53 =	vor.u32 s1, v8;
	v17 =	vadd.f32 v18, v17;
	v18 =	vadd.f32 v26, v25;
	v26 =	vld.idx.msk [tilespmem:v59+s26+$0x0], $0xffff  }
0x467: {  	v62 =	vor.u32 s1, v13;
	v56 =	vld.idx.msk [tilespmem:v47+s26+$0x0], $0xffff  }
0x468: {  	v57 =	vadd.f32 v37, v36;
	v50 =	vor.u32 s12, v1;
	v20 =	vld.idx.msk [tilespmem:v20+s26+$0x0], $0xffff  }
0x469: {  	v60 =	vadd.f32 v41, v40;
	v61 =	vadd.f32 v43, v42;
	v22 =	vor.u32 s1, v9;
	v24 =	vld.idx.msk [tilespmem:v24+s26+$0x0], $0xffff  }
0x46a: {  	v58 =	vadd.f32 v39, v38;
	v29 =	vor.u32 s1, v10;
	v30 =	vadd.f32 v35, v34;
	v28 =	vld.idx.msk [tilespmem:v28+s26+$0x0], $0xffff  }
0x46b: {  	v48 =	vor.u32 s1, v15;
	v37 =	vadd.f32 v61, v60;
	v51 =	vadd.f32 v45, v63;
	v32 =	vld.idx.msk [tilespmem:v53+s26+$0x0], $0xffff  }
0x46c: {  	v52 =	vor.u32 s12, v3;
	v16 =	vadd.f32 v30, v16;
	v30 =	vadd.f32 v58, v57;
	v53 =	vld.idx.msk [tilespmem:v62+s26+$0x0], $0xffff  }
0x46d: {  	v55 =	vor.u32 s12, v4;
	v35 =	vld.idx.msk [tilespmem:v50+s26+$0x0], $0xffff;
	v19 =	vadd.f32 v23, v19  }
0x46e: {  	v25 =	vor.u32 s12, v2;
	v16 =	vadd.f32 v30, v16;
	v30 =	vadd.f32 v51, v37;
	v22 =	vld.idx.msk [tilespmem:v22+s26+$0x0], $0xffff  }
0x46f: {  	v57 =	vor.u32 s12, v6;
	v23 =	vadd.f32 v31, v27;
	v17 =	vadd.f32 v18, v17;
	v29 =	vld.idx.msk [tilespmem:v29+s26+$0x0], $0xffff  }
0x470: {  	v18 =	vor.u32 s12, v5;
	v16 =	vadd.f32 v30, v16;
	v30 =	vld.idx.msk [tilespmem:v48+s26+$0x0], $0xffff  }
0x471: {  	v58 =	vor.u32 s12, v7;
	v27 =	vld.idx.msk [tilespmem:v52+s26+$0x0], $0xffff;
	v19 =	vadd.f32 v23, v19;
	v17 =	vadd.f32 v17, v46  }
0x472: {  	v31 =	vld.idx.msk [tilespmem:v55+s26+$0x0], $0xffff;
	v59 =	vadd.f32 v16, v54;
	v16 =	vor.u32 s12, v8;
	v21 =	vadd.f32 v20, v21  }
0x473: {  	v25 =	vld.idx.msk [tilespmem:v25+s26+$0x0], $0xffff;
	v24 =	vadd.f32 v28, v24;
	v62 =	vadd.f32 v35, v49  }
0x474: {  	v60 =	vor.u32 s12, v9;
	v20 =	vld.idx.msk [tilespmem:v57+s26+$0x0], $0xffff;
	v22 =	vadd.f32 v22, v32;
	v28 =	vadd.f32 v33, v29  }
0x475: {  	v61 =	vor.u32 s12, v10;
	v29 =	vld.idx.msk [tilespmem:v18+s26+$0x0], $0xffff;
	v18 =	vadd.f32 v53, v26;
	v26 =	vadd.f32 v30, v56  }
0x476: {  	v23 =	vadd.f32 v24, v21;
	v21 =	vld.idx.msk [tilespmem:v58+s26+$0x0], $0xffff;
	v24 =	vmax.f32 v17, $0.0e+00;
	v30 =	vor.u32 s12, v11  }
0x477: {  	s10 =	sadd.s32 $0x20, s11;
	v33 =	vadd.f32 v28, v22;
	v18 =	vadd.f32 v26, v18;
	v22 =	vld.idx.msk [tilespmem:v16+s26+$0x0], $0xffff;
	v16 =	vor.u32 s12, v12  }
0x478: {  	v17 =	vor.u32 s12, v13;
	v28 =	vld [tilespmem:s10+$0xFFFFFFF0];
	v27 =	vadd.f32 v27, v25;
	v63 =	vadd.f32 v23, v19  }
0x479: {  	v25 =	vld.idx.msk [tilespmem:v60+s26+$0x0], $0xffff;
	v23 =	vmax.f32 v59, $0.0e+00;
	v33 =	vadd.f32 v18, v33;
	v18 =	vor.u32 s12, v14  }
0x47a: {  	s30 =	sadd.s32 $0x2, s2;
	v19 =	vor.u32 s12, v15;
	v26 =	vld.idx.msk [tilespmem:v61+s26+$0x0], $0xffff;
	[tilespmem:s0+$0x0] =	vst v23;
	v23 =	vadd.f32 v27, v62  }
0x47b: {  	s2 =	sadd.s32 $0x2, s30;
	s11 =	sadd.s32 $0x200, s12;
	[tilespmem:s0+$0xFFFFFFF0] =	vst v24;
	v24 =	vadd.f32 v29, v31;
	v27 =	vld.idx.msk [tilespmem:v30+s26+$0x0], $0xffff;
	v29 =	vadd.f32 v33, v63  }
.LBB2_12:
0x47c: {  	s1 =	sadd.s32 $0xFFFFFF00, s11;
	v30 =	vor.u32 s11, v0;
	v31 =	vor.u32 s11, v1;
	v32 =	vor.u32 s11, v2;
	v33 =	vld.idx.msk [tilespmem:v16+s26+$0x0], $0xffff  }
0x47d: {  	v34 =	vor.u32 s11, v3;
	v16 =	vor.u32 s1, v0;
	v28 =	vadd.f32 v29, v28;
	v29 =	vld.idx.msk [tilespmem:v17+s26+$0x0], $0xffff  }
0x47e: {  	v35 =	vor.u32 s11, v4;
	v36 =	vor.u32 s11, v5;
	v17 =	vor.u32 s1, v1;
	v37 =	vld.idx.msk [tilespmem:v18+s26+$0x0], $0xffff  }
0x47f: {  	v39 =	vor.u32 s11, v6;
	s0 =	sadd.s32 $0x20, s0;
	v38 =	vor.u32 s1, v2;
	v18 =	vmax.f32 v28, $0.0e+00;
	v28 =	vld.idx.msk [tilespmem:v19+s26+$0x0], $0xffff  }
0x480: {  	v41 =	vor.u32 s11, v7;
	v42 =	vor.u32 s11, v8;
	v40 =	vor.u32 s1, v3;
	[tilespmem:s0+$0xFFFFFFF0] =	vst v18;
	v43 =	vld [tilespmem:s10+$0x0]  }
0x481: {  	v45 =	vor.u32 s11, v9;
	v46 =	vor.u32 s11, v10;
	v44 =	vor.u32 s1, v4;
	v30 =	vld.idx.msk [tilespmem:v30+s26+$0x0], $0xffff  }
0x482: {  	v49 =	vor.u32 s11, v11;
	v48 =	vor.u32 s1, v5;
	v47 =	vld.idx.msk [tilespmem:v16+s26+$0x0], $0xffff;
	v16 =	vor.u32 s11, v12  }
0x483: {  	v51 =	vor.u32 s1, v6;
	v18 =	vor.u32 s11, v14;
	v50 =	vld.idx.msk [tilespmem:v17+s26+$0x0], $0xffff;
	v17 =	vor.u32 s11, v13  }
0x484: {  	v20 =	vadd.f32 v21, v20;
	v52 =	vor.u32 s1, v7;
	v19 =	vor.u32 s11, v15;
	v38 =	vld.idx.msk [tilespmem:v38+s26+$0x0], $0xffff  }
0x485: {  	v22 =	vadd.f32 v25, v22;
	v25 =	vadd.f32 v27, v26;
	v21 =	vld.idx.msk [tilespmem:v40+s26+$0x0], $0xffff;
	v40 =	vor.u32 s1, v8  }
0x486: {  	v27 =	vor.u32 s1, v9;
	v29 =	vadd.f32 v29, v33;
	v28 =	vadd.f32 v28, v37;
	v26 =	vld.idx.msk [tilespmem:v44+s26+$0x0], $0xffff  }
0x487: {  	v20 =	vadd.f32 v20, v24;
	v22 =	vadd.f32 v25, v22;
	v37 =	vor.u32 s1, v10;
	v33 =	vld.idx.msk [tilespmem:v48+s26+$0x0], $0xffff  }
0x488: {  	v25 =	vor.u32 s1, v11;
	v28 =	vadd.f32 v28, v29;
	v24 =	vld.idx.msk [tilespmem:v51+s26+$0x0], $0xffff  }
0x489: {  	v20 =	vadd.f32 v20, v23;
	v44 =	vor.u32 s1, v12;
	v29 =	vld.idx.msk [tilespmem:v52+s26+$0x0], $0xffff  }
0x48a: {  	v22 =	vadd.f32 v28, v22;
	v23 =	vld.idx.msk [tilespmem:v40+s26+$0x0], $0xffff;
	v40 =	vor.u32 s1, v13  }
0x48b: {  	s2 =	sadd.s32 $0x2, s2;
	v28 =	vor.u32 s1, v14;
	v27 =	vld.idx.msk [tilespmem:v27+s26+$0x0], $0xffff  }
0x48c: {  	p1 =	slt.u32 s2, $0x30;
	v48 =	vor.u32 s1, v15;
	v20 =	vadd.f32 v22, v20;
	v37 =	vld.idx.msk [tilespmem:v37+s26+$0x0], $0xffff  }
0x48d: {  	v22 =	vld.idx.msk [tilespmem:v25+s26+$0x0], $0xffff  }
0x48e: {  	v20 =	vadd.f32 v20, v43;
	v25 =	vld.idx.msk [tilespmem:v44+s26+$0x0], $0xffff  }
0x48f: {  	v40 =	vld.idx.msk [tilespmem:v40+s26+$0x0], $0xffff  }
0x490: {  	v20 =	vmax.f32 v20, $0.0e+00;
	v28 =	vld.idx.msk [tilespmem:v28+s26+$0x0], $0xffff  }
0x491: {  	v43 =	vld.idx.msk [tilespmem:v48+s26+$0x0], $0xffff;
	[tilespmem:s0+$0x0] =	vst v20  }
0x492: {  	v31 =	vld.idx.msk [tilespmem:v31+s26+$0x0], $0xffff  }
0x493: {  	v32 =	vld.idx.msk [tilespmem:v32+s26+$0x0], $0xffff  }
0x494: {  	v21 =	vadd.f32 v21, v38;
	v44 =	vadd.f32 v50, v47;
	v34 =	vld.idx.msk [tilespmem:v34+s26+$0x0], $0xffff  }
0x495: {  	v26 =	vadd.f32 v33, v26;
	v24 =	vadd.f32 v29, v24;
	v29 =	vld.idx.msk [tilespmem:v35+s26+$0x0], $0xffff  }
0x496: {  	v23 =	vadd.f32 v27, v23;
	v22 =	vadd.f32 v22, v37;
	v27 =	vld.idx.msk [tilespmem:v36+s26+$0x0], $0xffff  }
0x497: {  	v25 =	vadd.f32 v40, v25;
	v28 =	vadd.f32 v43, v28;
	v20 =	vld.idx.msk [tilespmem:v39+s26+$0x0], $0xffff  }
0x498: {  	v33 =	vadd.f32 v21, v44;
	v24 =	vadd.f32 v24, v26;
	v21 =	vld.idx.msk [tilespmem:v41+s26+$0x0], $0xffff  }
.Ltmp7:
0x499: {  	s10 =	sadd.s32 $0x20, s10;
	v23 =	vadd.f32 v22, v23;
	v25 =	vadd.f32 v28, v25;
	v22 =	vld.idx.msk [tilespmem:v42+s26+$0x0], $0xffff;
	(pc) =	sbr.rel @p1 .LBB2_12-.Ltmp7, $4  }
0x49a: {  	v30 =	vadd.f32 v31, v30;
	v31 =	vadd.f32 v34, v32;
	v28 =	vld [tilespmem:s10+$0xFFFFFFF0]  }
0x49b: {  	v32 =	vadd.f32 v24, v33;
	v33 =	vadd.f32 v25, v23;
	v25 =	vld.idx.msk [tilespmem:v45+s26+$0x0], $0xffff  }
0x49c: {  	v24 =	vadd.f32 v27, v29;
	v23 =	vadd.f32 v31, v30;
	v26 =	vld.idx.msk [tilespmem:v46+s26+$0x0], $0xffff  }
0x49d: {  	s11 =	sadd.s32 $0x200, s11;
	v29 =	vadd.f32 v33, v32;
	v27 =	vld.idx.msk [tilespmem:v49+s26+$0x0], $0xffff  }
0x49e: {  	_ =	sdelay $0x3  }
0x49f: {  	v1 =	vld.idx.msk [tilespmem:v16+s26+$0x0], $0xffff  }
0x4a0: {  	v2 =	vld.idx.msk [tilespmem:v17+s26+$0x0], $0xffff  }
0x4a1: {  	v3 =	vld.idx.msk [tilespmem:v18+s26+$0x0], $0xffff  }
0x4a2: {  	v4 =	vld.idx.msk [tilespmem:v19+s26+$0x0], $0xffff;
	_ =	sdelay $0x2  }
0x4a3: {  	v5 =	vadd.f32 v21, v20  }
0x4a4: {  	v6 =	vadd.f32 v25, v22;
	v7 =	vadd.f32 v27, v26  }
0x4a5: {  	v1 =	vadd.f32 v2, v1;
	v2 =	vadd.f32 v4, v3  }
0x4a6: {  	v3 =	vadd.f32 v5, v24  }
0x4a7: {  	v63 =	vadd.f32 v7, v6;
	v1 =	vadd.f32 v2, v1  }
0x4a8: {  	v2 =	vld [tilespmem:s10+$0x0]  }
0x4a9: {  	v3 =	vadd.f32 v3, v23;
	v1 =	vadd.f32 v1, v63;
	_ =	sdelay $0x1  }
0x4aa: {  	v1 =	vadd.f32 v1, v3  }
0x4ab: {  	s1 =	smul.u32 $0x14, s9;
	v3 =	vadd.f32 v29, v28  }
.Ltmp8:
0x4ac: {  	v1 =	vadd.f32 v1, v2;
	(pc) =	sbr.rel @p0 .LBB2_15-.Ltmp8, $4  }
0x4ad: {  	s0 =	sadd.s32 $0x20, s0;
	v2 =	vmax.f32 v3, $0.0e+00  }
0x4ae: {  	s28 =	rddreg [dreg:$0x3];
	s1 =	sshrl.u32 s1, $0x3;
	[tilespmem:s0+$0xFFFFFFF0] =	vst v2;
	v1 =	vmax.f32 v1, $0.0e+00  }
0x4af: {  	s30 =	simm.s32 $0xE1A0;
	[tilespmem:s0+$0x0] =	vst v1;
	s0 =	sadd.s32 s28, s1  }
0x4b0: {  	[hbm4b:s0+s5] =	stream.linear.scatter [tilespmem:s30], [sflag:$0x8], $0x320, $0x38;
	[tilespmem:$0x116C0] =	vst v63  }
.Ltmp9:
0x4b1: {  	(pc) =	sbr.rel .LBB2_2-.Ltmp9, $4  }
0x4b2: {  	_ = 	snop  }
0x4b3: {  	s0 =	sshll.u32 s9, $0x2  }
0x4b4: {  	s1 =	simm.s32 $0xD980;
	s18 =	sadd.s32 $0x1, s18;
	s0 =	sadd.s32 s0, s13  }
0x4b5: {  	[tilespmem:s1], [sflag:$0x6] =	stream.linear.gather [hbm4b:s0+s5], $0x500, $0x38;
	[tilespmem:$0x116C0] =	vst v63  }
.LBB2_16:
0x4b6: {  	_ =	sfence.sel $0x180000  }
0x4b7: {  	[bflag:$0x0] =	sbarrier.arrive $0xFFFF  }
0x4b8: {  	_ =	strace $0x90000047  }
0x4b9: {  	s0 =	stileid.u32;
	[bflag:$0x2] =	sbarrier.arrive $0xFFFF  }
0x4ba: {  	p0 =	sne.s32 s0, $0x0;
	s0 =	rddreg [dreg:$0x4]  }
0x4bb: {  	s0 =	sadd.s32 @!p0 $0x100000, s0  }
0x4bc: {  	[sflag:s0] =	ssyncadd.tile.s32 @!p0 $0x1;
	_ =	shalt  }
.Lfunc_end2:
_tile_overlayer_lowered:
.L_overlay_start_2:
0x4bd: {  	(tag) =	ssettag $0x2  }
0x4be: {  	s0 =	rddreg [dreg:$0x0];
	s2 =	stileid.u32  }
0x4bf: {  	s1 =	rddreg [dreg:$0x1];
	p0 =	sne.s32 s2, $0x0  }
0x4c0: {  	s3 =	rddreg [dreg:$0x2];
	[bflag:$0x3] =	sbarrier.arrive $0xFFFF;
	s2 =	simm.s32 @!p0 $0x1C09  }
0x4c1: {  	[timem:s3], [sflag:s2] =	dma.local @!p0 [hbm:s0], s1  }
0x4c2: {  	s0 =	simm.s32 @!p0 $0x9  }
0x4c3: {  	_ =	swait.ge @!p0 [sflag:s0], s1  }
0x4c4: {  	s1 =	ssub.s32 @!p0 $0x0, s1;
	[sflag:s0] =	ssyncset.done @!p0 $0x0  }
0x4c5: {  	[sflag:s0] =	ssyncadd.s32 @!p0 s1  }
0x4c6: {  	[bflag:$0x3] =	sbarrier.arrive $0xFFFF  }
0x4c7: {  	_ =	shalt  }

</sc_bundles>
